<compile_context>
chip_gen: v7x
topology: tpu7x:2x2x1
jax: 0.10.2.dev20260603
libtpu: 0.0.44.dev20260713+nightly
codegen_flags: <defaults>
</compile_context>

<pallas_src>
import jax
import jax.numpy as jnp
from jax import lax
from jax.experimental import pallas as pl
from jax.experimental.pallas import tpu as pltpu
from jax.experimental.pallas import tpu_sc as plsc

N = 10000
E = 320000
D = 128
ED = 16
NPAD = 10240
NCORES = 2
NSUB = 16
NW = NCORES * NSUB
EPW = E // NW
CHUNK = 80
NCHUNK = EPW // CHUNK
ROWS_PER_TILE = NPAD // NSUB

_f32 = jnp.float32



BN = 1000
NBN = N // BN


def _prelude_body(x_ref, wfc_ref, wrel_ref, wattn_ref, z_ref, st_ref):
    z = lax.dot_general(x_ref[...], wfc_ref[...], (((1,), (1,)), ((), ())),
                        precision=lax.Precision.HIGHEST,
                        preferred_element_type=_f32)
    z_ref[...] = z
    wa = wattn_ref[...]
    w1 = wa[:, :D]
    w2 = wa[:, D:]
    u = lax.dot_general(w2, wrel_ref[...], (((1,), (0,)), ((), ())),
                        precision=lax.Precision.HIGHEST,
                        preferred_element_type=_f32)
    uz = u[:, ED:]
    s = jnp.sum(z * w1, axis=1, keepdims=True)
    t = jnp.sum(z * uz, axis=1, keepdims=True)
    st_ref[...] = jnp.concatenate([s, t, jnp.zeros((BN, 6), _f32)], axis=1)


_prelude = pl.pallas_call(
    _prelude_body,
    grid=(NBN,),
    in_specs=[
        pl.BlockSpec((BN, D), lambda i: (i, 0)),
        pl.BlockSpec((D, D), lambda i: (0, 0)),
        pl.BlockSpec((D, D + ED), lambda i: (0, 0)),
        pl.BlockSpec((1, 2 * D), lambda i: (0, 0)),
    ],
    out_specs=[pl.BlockSpec((BN, D), lambda i: (i, 0)),
               pl.BlockSpec((BN, 8), lambda i: (i, 0))],
    out_shape=[jax.ShapeDtypeStruct((N, D), _f32),
               jax.ShapeDtypeStruct((N, 8), _f32)],
)



EBLK = 8000
NEB = E // EBLK


def _q_body(ea_ref, wrel_ref, wattn_ref, brel_ref, src_ref, dst_ref,
            q_ref, pk_ref):
    wa = wattn_ref[...]
    w2 = wa[:, D:]
    u_col = lax.dot_general(wrel_ref[...], w2, (((0,), (1,)), ((), ())),
                            precision=lax.Precision.HIGHEST,
                            preferred_element_type=_f32)
    ue_pad = jnp.concatenate(
        [u_col[:ED], jnp.zeros((ED, 7), _f32)], axis=1)
    c0 = lax.dot_general(brel_ref[...], w2, (((1,), (1,)), ((), ())),
                         precision=lax.Precision.HIGHEST,
                         preferred_element_type=_f32)
    qcol = lax.dot_general(ea_ref[0], ue_pad, (((1,), (0,)), ((), ())),
                           preferred_element_type=_f32)
    q_ref[...] = (qcol[:, :1] + c0[0, 0]).reshape(1, EBLK, 1)
    pk_ref[...] = (src_ref[...] + dst_ref[...] * 16384).reshape(1, 1, EBLK)


_edgeq = pl.pallas_call(
    _q_body,
    grid=(NEB,),
    in_specs=[
        pl.BlockSpec((1, EBLK, ED), lambda i: (i, 0, 0)),
        pl.BlockSpec((D, D + ED), lambda i: (0, 0)),
        pl.BlockSpec((1, 2 * D), lambda i: (0, 0)),
        pl.BlockSpec((1, D), lambda i: (0, 0)),
        pl.BlockSpec((1, 1, 1, EBLK), lambda i: (0, i, 0, 0)),
        pl.BlockSpec((1, 1, 1, EBLK), lambda i: (1, i, 0, 0)),
    ],
    out_specs=[pl.BlockSpec((1, EBLK, 1), lambda i: (i, 0, 0)),
               pl.BlockSpec((1, 1, EBLK), lambda i: (i, 0, 0))],
    out_shape=[jax.ShapeDtypeStruct((NEB, EBLK, 1), _f32),
               jax.ShapeDtypeStruct((NEB, 1, EBLK), jnp.int32)],
)



def _sc_body(pk_hbm, s_hbm, t_hbm, q_hbm, z_hbm, z2d_hbm, z1d_hbm,
             hp_hbm, dp_hbm,
             h_sh, d_sh,
             sem_lin, semg0, semg1, semsc0, semsc1):
    def _scoped(ipa, qa,
                isb0, idb0, sv0, tv0, gv0, rows0,
                isb1, idb1, sv1, tv1, gv1, rows1):
        _sc_inner(pk_hbm, s_hbm, t_hbm, q_hbm, z_hbm, z2d_hbm,
                  z1d_hbm, hp_hbm, dp_hbm, h_sh, d_sh, ipa, qa,
                  isb0, idb0, sv0, tv0, gv0, rows0,
                  isb1, idb1, sv1, tv1, gv1, rows1,
                  sem_lin, semg0, semg1, semsc0, semsc1)

    pl.run_scoped(
        _scoped,
        pltpu.VMEM((EPW,), jnp.int32),
        pltpu.VMEM((EPW,), _f32),
        pltpu.VMEM((CHUNK,), jnp.int32),
        pltpu.VMEM((CHUNK,), jnp.int32),
        pltpu.VMEM((CHUNK,), _f32),
        pltpu.VMEM((CHUNK,), _f32),
        pltpu.VMEM((CHUNK,), _f32),
        pltpu.VMEM((CHUNK, D), _f32),
        pltpu.VMEM((CHUNK,), jnp.int32),
        pltpu.VMEM((CHUNK,), jnp.int32),
        pltpu.VMEM((CHUNK,), _f32),
        pltpu.VMEM((CHUNK,), _f32),
        pltpu.VMEM((CHUNK,), _f32),
        pltpu.VMEM((CHUNK, D), _f32),
    )


def _sc_inner(pk_hbm, s_hbm, t_hbm, q_hbm, z_hbm, z2d_hbm, z1d_hbm,
              hp_hbm, dp_hbm, h_sh, d_sh, ipa, qa,
              isb0, idb0, sv0, tv0, gv0, rows0,
              isb1, idb1, sv1, tv1, gv1, rows1,
              sem_lin, semg0, semg1, semsc0, semsc1):
    c = lax.axis_index("c")
    sid = lax.axis_index("s")
    w = c * NSUB + sid

    e0 = w * EPW
    dl0 = pltpu.async_copy(pk_hbm.at[pl.ds(e0, EPW)], ipa, sem_lin)
    dl2 = pltpu.async_copy(q_hbm.at[pl.ds(e0, EPW)], qa, sem_lin)

    r0 = sid * ROWS_PER_TILE
    pltpu.sync_copy(z2d_hbm, h_sh.at[pl.ds(r0, ROWS_PER_TILE)])
    pltpu.sync_copy(z1d_hbm, d_sh.at[pl.ds(r0, ROWS_PER_TILE)])
    dl0.wait()
    dl2.wait()
    plsc.subcore_barrier()

    bufs = ((isb0, idb0, sv0, tv0, gv0, rows0, semg0, semsc0),
            (isb1, idb1, sv1, tv1, gv1, rows1, semg1, semsc1))

    def _stage_idx(i, b):
        isb, idb = bufs[b][0], bufs[b][1]
        for j in range(CHUNK // 16):
            sl = pl.ds(j * 16, 16)
            u = ipa[pl.ds(i * CHUNK + j * 16, 16)]
            isb[sl] = jnp.bitwise_and(u, 16383)
            idb[sl] = lax.shift_right_logical(u, 14)

    def _issue_gathers(i, b):
        isb, idb, sv, tv, gv, rows, semg, semsc = bufs[b]
        pltpu.async_copy(s_hbm.at[isb], sv, semg)
        pltpu.async_copy(t_hbm.at[idb], tv, semg)
        pltpu.async_copy(z_hbm.at[isb], rows, semg)

    def _wait_gathers(i, b):
        isb, idb, sv, tv, gv, rows, semg, semsc = bufs[b]
        pltpu.make_async_copy(s_hbm.at[isb], sv, semg).wait()
        pltpu.make_async_copy(t_hbm.at[idb], tv, semg).wait()
        pltpu.make_async_copy(z_hbm.at[isb], rows, semg).wait()

    def _issue_scatters(i, b):
        isb, idb, sv, tv, gv, rows, semg, semsc = bufs[b]
        pltpu.async_copy(gv, d_sh.at[idb], semsc, add=True)
        pltpu.async_copy(rows, h_sh.at[idb], semsc, add=True)

    def _wait_scatters(i, b):
        isb, idb, sv, tv, gv, rows, semg, semsc = bufs[b]
        pltpu.make_async_copy(gv, d_sh.at[idb], semsc).wait()
        pltpu.make_async_copy(rows, h_sh.at[idb], semsc).wait()

    def _compute(i, b):
        isb, idb, sv, tv, gv, rows, semg, semsc = bufs[b]
        for j in range(CHUNK // 16):
            sl = pl.ds(j * 16, 16)
            a = sv[sl] + tv[sl] + qa[pl.ds(i * CHUNK + j * 16, 16)]
            gv[sl] = jnp.exp(jnp.maximum(a, 0.01 * a))

        def _scale(k, cc):
            g16 = gv[pl.ds(k * 16, 16)]
            for j in range(16):
                ge = g16[j]
                e = k * 16 + j
                for jj in range(8):
                    sl = pl.ds(jj * 16, 16)
                    rows[e, sl] = rows[e, sl] * ge
            return cc

        lax.fori_loop(0, CHUNK // 16, _scale, 0)

    _stage_idx(0, 0)
    _issue_gathers(0, 0)

    def _pair(k, carry):
        for b in range(2):
            i = 2 * k + b
            nxt = 1 - b

            @pl.when(i < NCHUNK)
            def _():
                @pl.when(i + 1 < NCHUNK)
                def _():
                    @pl.when(i >= 1)
                    def _():
                        _wait_scatters(i - 1, nxt)

                    _stage_idx(i + 1, nxt)
                    _issue_gathers(i + 1, nxt)

                _wait_gathers(i, b)
                _compute(i, b)
                _issue_scatters(i, b)

        return carry

    lax.fori_loop(0, (NCHUNK + 1) // 2, _pair, 0)
    _wait_scatters(NCHUNK - 2, NCHUNK % 2)
    _wait_scatters(NCHUNK - 1, (NCHUNK - 1) % 2)
    plsc.subcore_barrier()

    pltpu.sync_copy(h_sh.at[pl.ds(r0, ROWS_PER_TILE)],
                    hp_hbm.at[c, pl.ds(r0, ROWS_PER_TILE)])
    pltpu.sync_copy(d_sh.at[pl.ds(r0, ROWS_PER_TILE)],
                    dp_hbm.at[c, pl.ds(r0, ROWS_PER_TILE)])


_scmain = pl.kernel(
    _sc_body,
    out_type=[jax.ShapeDtypeStruct((NCORES, NPAD, D), _f32),
              jax.ShapeDtypeStruct((NCORES, NPAD), _f32)],
    mesh=plsc.VectorSubcoreMesh(core_axis_name="c", subcore_axis_name="s",
                                num_cores=NCORES, num_subcores=NSUB),
    scratch_types=[
        pltpu.VMEM_SHARED((NPAD, D), _f32),
        pltpu.VMEM_SHARED((NPAD,), _f32),
        pltpu.SemaphoreType.DMA,
        pltpu.SemaphoreType.DMA,
        pltpu.SemaphoreType.DMA,
        pltpu.SemaphoreType.DMA,
        pltpu.SemaphoreType.DMA,
    ],
)



NB = 10
BL = NPAD // NB


def _comb_body(hp_ref, dp_ref, h_ref):
    i = pl.program_id(0)
    den = dp_ref[0, pl.ds(i * BL, BL)] + dp_ref[1, pl.ds(i * BL, BL)]
    den = jnp.where(den == 0.0, 1.0, den)
    h_ref[...] = (hp_ref[0] + hp_ref[1]) / den[:, None]


_combine = pl.pallas_call(
    _comb_body,
    grid=(NB,),
    in_specs=[
        pl.BlockSpec((NCORES, BL, D), lambda i: (0, i, 0)),
        pl.BlockSpec((NCORES, NPAD), lambda i: (0, 0)),
    ],
    out_specs=pl.BlockSpec((BL, D), lambda i: (i, 0)),
    out_shape=jax.ShapeDtypeStruct((NPAD, D), _f32),
)


def kernel(x, edge_index, edge_attr, W_fc, W_rel, b_rel, W_attn):
    ei3 = edge_index.astype(jnp.int32).reshape(2, NEB, 1, EBLK)
    z, st = _prelude(x, W_fc, W_rel, W_attn)
    q3, pk3 = _edgeq(edge_attr.reshape(NEB, EBLK, ED), W_rel, W_attn,
                     b_rel.reshape(1, D), ei3, ei3)
    s = st[:, 0]
    t = st[:, 1]
    hp, dp = _scmain(pk3.reshape(E), s, t, q3.reshape(E), z,
                     jnp.zeros((ROWS_PER_TILE, D), _f32),
                     jnp.zeros((ROWS_PER_TILE,), _f32))
    h = _combine(hp, dp)
    return h[:N]

# --- scband reference (transcript-rebuilt; emitter-appended) ---
"""Pipeline reference for scband-rgatlayer-8461085573364 (READ-ONLY COPY).

The authoritative reference and input builder live on the scoring server;
editing this copy changes nothing except your own understanding.
"""

import jax, jax.numpy as jnp
import numpy as np

N_NODES = 10000
N_EDGES = 320000
NODE_DIM = 128
EDGE_DIM = 16
OUT_DIM = 128


def _xavier(key, shape):
    fan_out, fan_in = shape
    gain = float(np.sqrt(2.0))  # relu gain
    std = gain * np.sqrt(2.0 / (fan_in + fan_out))
    return jax.random.normal(key, shape, dtype=jnp.float32) * std


def setup_inputs(seed: int = 0) -> dict:
    key = jax.random.key(seed)
    ks = jax.random.split(key, 8)
    x = jax.random.normal(ks[0], (N_NODES, NODE_DIM), dtype=jnp.float32)
    edge_index = jax.random.randint(ks[1], (2, N_EDGES), 0, N_NODES)
    edge_attr = jax.random.normal(ks[2], (N_EDGES, EDGE_DIM), dtype=jnp.float32)
    # learned parameters (torch nn.Linear stores weight as [out_features, in_features])
    W_fc = _xavier(ks[3], (OUT_DIM, NODE_DIM))                      # fc, no bias
    W_rel = _xavier(ks[4], (NODE_DIM, NODE_DIM + EDGE_DIM))         # relation_fc weight
    b_rel = jnp.zeros((NODE_DIM,), dtype=jnp.float32)               # relation_fc bias
    W_attn = _xavier(ks[5], (1, 2 * OUT_DIM))                       # attn_fc, no bias
    return {"x": x, "edge_index": edge_index, "edge_attr": edge_attr,
            "W_fc": W_fc, "W_rel": W_rel, "b_rel": b_rel, "W_attn": W_attn}


def reference(x, edge_index, edge_attr, W_fc, W_rel, b_rel, W_attn):
    src = edge_index[0]
    dst = edge_index[1]
    # g.ndata['z'] = self.fc(input)
    z = x @ W_fc.T                                                  # [N, OUT_DIM]
    z_src = jnp.take(z, src, axis=0)                                # gather [E, OUT_DIM]
    z_dst = jnp.take(z, dst, axis=0)                                # gather [E, OUT_DIM]
    # edge_attention: end = relation_fc(cat([edge.h, dst.z]))
    end = jnp.concatenate([edge_attr, z_dst], axis=1) @ W_rel.T + b_rel  # [E, NODE_DIM]
    # a = attn_fc(cat([src.z, end])); e = leaky_relu(a)
    a = jnp.concatenate([z_src, end], axis=1) @ W_attn.T            # [E, 1]
    e = jax.nn.leaky_relu(a, negative_slope=0.01)[:, 0]             # [E]
    # reduce: softmax over incoming edges per destination node
    e_max = jax.ops.segment_max(e, dst, num_segments=N_NODES)       # [N]
    e_exp = jnp.exp(e - jnp.take(e_max, dst))                       # [E]
    denom = jax.ops.segment_sum(e_exp, dst, num_segments=N_NODES)   # [N]
    alpha = e_exp / jnp.take(denom, dst)                            # [E]
    # h[dst] = sum(alpha * z_src)
    h = jax.ops.segment_sum(alpha[:, None] * z_src, dst, num_segments=N_NODES)
    return h

if __name__ == "__main__":
    import jax
    _d = setup_inputs()
    print(jax.jit(kernel)(*tuple(_d.values())))

</pallas_src>

<mosaic_0001>
#map = affine_map<(d0, d1) -> (0)>
#map1 = affine_map<(d0, d1) -> (0, 0)>
#map2 = affine_map<(d0, d1) -> (0, 0, 0)>
module attributes {stable_mosaic.version = 14 : i64} {
  func.func @_sc_body(%arg0: i32, %arg1: i32, %arg2: memref<320000xi32, #tpu.memory_space<hbm>>, %arg3: memref<10000xf32, #tpu.memory_space<hbm>>, %arg4: memref<10000xf32, #tpu.memory_space<hbm>>, %arg5: memref<320000xf32, #tpu.memory_space<hbm>>, %arg6: memref<10000x128xf32, #tpu.memory_space<hbm>>, %arg7: memref<640x128xf32, #tpu.memory_space<hbm>>, %arg8: memref<640xf32, #tpu.memory_space<hbm>>, %arg9: memref<2x10240x128xf32, #tpu.memory_space<hbm>>, %arg10: memref<2x10240xf32, #tpu.memory_space<hbm>>, %arg11: memref<10240x128xf32, #tpu.memory_space<vmem_shared>>, %arg12: memref<10240xf32, #tpu.memory_space<vmem_shared>>, %arg13: memref<!tpu.dma_semaphore, #tpu.memory_space<semaphore_mem>>, %arg14: memref<!tpu.dma_semaphore, #tpu.memory_space<semaphore_mem>>, %arg15: memref<!tpu.dma_semaphore, #tpu.memory_space<semaphore_mem>>, %arg16: memref<!tpu.dma_semaphore, #tpu.memory_space<semaphore_mem>>, %arg17: memref<!tpu.dma_semaphore, #tpu.memory_space<semaphore_mem>>) attributes {dimension_semantics = [#tpu.dimension_semantics<core_parallel>, #tpu.dimension_semantics<subcore_parallel>], iteration_bounds = array<i64: 2, 16>, scalar_prefetch = 0 : i64, scratch_operands = 7 : i64, tpu.core_type = #tpu.core_type<sc_vector_subcore>, window_params = [{transform_indices = #map}, {transform_indices = #map}, {transform_indices = #map}, {transform_indices = #map}, {transform_indices = #map1}, {transform_indices = #map1}, {transform_indices = #map}, {transform_indices = #map2}, {transform_indices = #map1}]} {
    "tpu.region"() ({
      %run_scoped3A = memref.alloca() : memref<10000xi32, #tpu.memory_space<vmem>>
      %run_scoped3A_0 = memref.alloca() : memref<10000xf32, #tpu.memory_space<vmem>>
      %run_scoped3A_1 = memref.alloca() : memref<80xi32, #tpu.memory_space<vmem>>
      %run_scoped3A_2 = memref.alloca() : memref<80xi32, #tpu.memory_space<vmem>>
      %run_scoped3A_3 = memref.alloca() : memref<80xf32, #tpu.memory_space<vmem>>
      %run_scoped3A_4 = memref.alloca() : memref<80xf32, #tpu.memory_space<vmem>>
      %run_scoped3A_5 = memref.alloca() : memref<80xf32, #tpu.memory_space<vmem>>
      %run_scoped3A_6 = memref.alloca() : memref<80x128xf32, #tpu.memory_space<vmem>>
      %run_scoped3A_7 = memref.alloca() : memref<80xi32, #tpu.memory_space<vmem>>
      %run_scoped3A_8 = memref.alloca() : memref<80xi32, #tpu.memory_space<vmem>>
      %run_scoped3A_9 = memref.alloca() : memref<80xf32, #tpu.memory_space<vmem>>
      %run_scoped3A_10 = memref.alloca() : memref<80xf32, #tpu.memory_space<vmem>>
      %run_scoped3A_11 = memref.alloca() : memref<80xf32, #tpu.memory_space<vmem>>
      %run_scoped3A_12 = memref.alloca() : memref<80x128xf32, #tpu.memory_space<vmem>>
      %mul3A = arith.constant 16 : i32
      %mul3A_13 = arith.muli %arg0, %mul3A : i32
      %add3A = arith.addi %mul3A_13, %arg1 : i32
      %mul3A_14 = arith.constant 10000 : i32
      %mul3A_15 = arith.muli %add3A, %mul3A_14 : i32
      %dma_start3A = tpu.memref_slice %arg2[%mul3A_15] : memref<320000xi32, #tpu.memory_space<hbm>> -> memref<10000xi32, #tpu.memory_space<hbm>>
      %dma_start3A_16 = tpu.memref_slice %arg2[%mul3A_15] : memref<320000xi32, #tpu.memory_space<hbm>> -> memref<10000xi32, #tpu.memory_space<hbm>>
      tpu.enqueue_dma source(%dma_start3A_16 : memref<10000xi32, #tpu.memory_space<hbm>>) target(%run_scoped3A : memref<10000xi32, #tpu.memory_space<vmem>>) target_semaphore(%arg13 : memref<!tpu.dma_semaphore, #tpu.memory_space<semaphore_mem>>)
      %dma_start3A_17 = tpu.memref_slice %arg5[%mul3A_15] : memref<320000xf32, #tpu.memory_space<hbm>> -> memref<10000xf32, #tpu.memory_space<hbm>>
      %dma_start3A_18 = tpu.memref_slice %arg5[%mul3A_15] : memref<320000xf32, #tpu.memory_space<hbm>> -> memref<10000xf32, #tpu.memory_space<hbm>>
      tpu.enqueue_dma source(%dma_start3A_18 : memref<10000xf32, #tpu.memory_space<hbm>>) target(%run_scoped3A_0 : memref<10000xf32, #tpu.memory_space<vmem>>) target_semaphore(%arg13 : memref<!tpu.dma_semaphore, #tpu.memory_space<semaphore_mem>>)
      %mul3A_19 = arith.constant 640 : i32
      %mul3A_20 = arith.muli %arg1, %mul3A_19 : i32
      "tpu.region"() ({
        %run_scoped3A_128 = tpu.sem_alloc : memref<!tpu.dma_semaphore, #tpu.memory_space<semaphore_mem>>
        %dma_start3A_129 = arith.constant 0 : i32
        %dma_start3A_130 = tpu.memref_slice %arg11[%mul3A_20, %dma_start3A_129] : memref<10240x128xf32, #tpu.memory_space<vmem_shared>> -> memref<640x128xf32, #tpu.memory_space<vmem_shared>>
        tpu.enqueue_dma source(%arg7 : memref<640x128xf32, #tpu.memory_space<hbm>>) target(%dma_start3A_130 : memref<640x128xf32, #tpu.memory_space<vmem_shared>>) target_semaphore(%run_scoped3A_128 : memref<!tpu.dma_semaphore, #tpu.memory_space<semaphore_mem>>)
        %dma_wait3A_131 = arith.constant 0 : i32
        %dma_wait3A_132 = tpu.memref_slice %arg11[%mul3A_20, %dma_wait3A_131] : memref<10240x128xf32, #tpu.memory_space<vmem_shared>> -> memref<640x128xf32, #tpu.memory_space<vmem_shared>>
        tpu.wait_dma2 semaphore(%run_scoped3A_128 : memref<!tpu.dma_semaphore, #tpu.memory_space<semaphore_mem>>) src(%arg7 : memref<640x128xf32, #tpu.memory_space<hbm>>) dst(%dma_wait3A_132 : memref<640x128xf32, #tpu.memory_space<vmem_shared>>)
        tpu.yield
      }) : () -> ()
      "tpu.region"() ({
        %run_scoped3A_128 = tpu.sem_alloc : memref<!tpu.dma_semaphore, #tpu.memory_space<semaphore_mem>>
        %dma_start3A_129 = tpu.memref_slice %arg12[%mul3A_20] : memref<10240xf32, #tpu.memory_space<vmem_shared>> -> memref<640xf32, #tpu.memory_space<vmem_shared>>
        tpu.enqueue_dma source(%arg8 : memref<640xf32, #tpu.memory_space<hbm>>) target(%dma_start3A_129 : memref<640xf32, #tpu.memory_space<vmem_shared>>) target_semaphore(%run_scoped3A_128 : memref<!tpu.dma_semaphore, #tpu.memory_space<semaphore_mem>>)
        %dma_wait3A_130 = tpu.memref_slice %arg12[%mul3A_20] : memref<10240xf32, #tpu.memory_space<vmem_shared>> -> memref<640xf32, #tpu.memory_space<vmem_shared>>
        tpu.wait_dma2 semaphore(%run_scoped3A_128 : memref<!tpu.dma_semaphore, #tpu.memory_space<semaphore_mem>>) src(%arg8 : memref<640xf32, #tpu.memory_space<hbm>>) dst(%dma_wait3A_130 : memref<640xf32, #tpu.memory_space<vmem_shared>>)
        tpu.yield
      }) : () -> ()
      %dma_wait3A = tpu.memref_slice %arg2[%mul3A_15] : memref<320000xi32, #tpu.memory_space<hbm>> -> memref<10000xi32, #tpu.memory_space<hbm>>
      %dma_wait3A_21 = tpu.memref_slice %arg2[%mul3A_15] : memref<320000xi32, #tpu.memory_space<hbm>> -> memref<10000xi32, #tpu.memory_space<hbm>>
      tpu.wait_dma2 semaphore(%arg13 : memref<!tpu.dma_semaphore, #tpu.memory_space<semaphore_mem>>) src(%dma_wait3A_21 : memref<10000xi32, #tpu.memory_space<hbm>>) dst(%run_scoped3A : memref<10000xi32, #tpu.memory_space<vmem>>)
      %dma_wait3A_22 = tpu.memref_slice %arg5[%mul3A_15] : memref<320000xf32, #tpu.memory_space<hbm>> -> memref<10000xf32, #tpu.memory_space<hbm>>
      %dma_wait3A_23 = tpu.memref_slice %arg5[%mul3A_15] : memref<320000xf32, #tpu.memory_space<hbm>> -> memref<10000xf32, #tpu.memory_space<hbm>>
      tpu.wait_dma2 semaphore(%arg13 : memref<!tpu.dma_semaphore, #tpu.memory_space<semaphore_mem>>) src(%dma_wait3A_23 : memref<10000xf32, #tpu.memory_space<hbm>>) dst(%run_scoped3A_0 : memref<10000xf32, #tpu.memory_space<vmem>>)
      %barrier3A = arith.constant 0 : index
      tpu.barrier barrier_id(%barrier3A)
      %get3A = arith.constant 0 : index
      %get3A_24 = tpu.vector_load %run_scoped3A[%get3A] {strides = array<i32>} : memref<10000xi32, #tpu.memory_space<vmem>>, vector<16xi32>,
      %get3A_25 = vector.shape_cast %get3A_24 : vector<16xi32> to vector<16xi32>
      %and3A = arith.constant 16383 : i32
      %and3A_26 = vector.broadcast %and3A : i32 to vector<16xi32>
      %and3A_27 = arith.andi %get3A_25, %and3A_26 : vector<16xi32>
      %swap3A = arith.constant 0 : index
      %swap3A_28 = tpu.vector_load %run_scoped3A_1[%swap3A] {strides = array<i32>} : memref<80xi32, #tpu.memory_space<vmem>>, vector<16xi32>,
      %swap3A_29 = vector.shape_cast %swap3A_28 : vector<16xi32> to vector<16xi32>
      %swap3A_30 = vector.shape_cast %and3A_27 : vector<16xi32> to vector<16xi32>
      tpu.vector_store %run_scoped3A_1[%swap3A], %swap3A_30 {strides = array<i32>} : memref<80xi32, #tpu.memory_space<vmem>>, vector<16xi32>,
      %shift_right_logical3A = arith.constant 14 : i32
      %shift_right_logical3A_31 = vector.broadcast %shift_right_logical3A : i32 to vector<16xi32>
      %shift_right_logical3A_32 = arith.shrui %get3A_25, %shift_right_logical3A_31 : vector<16xi32>
      %swap3A_33 = arith.constant 0 : index
      %swap3A_34 = tpu.vector_load %run_scoped3A_2[%swap3A_33] {strides = array<i32>} : memref<80xi32, #tpu.memory_space<vmem>>, vector<16xi32>,
      %swap3A_35 = vector.shape_cast %swap3A_34 : vector<16xi32> to vector<16xi32>
      %swap3A_36 = vector.shape_cast %shift_right_logical3A_32 : vector<16xi32> to vector<16xi32>
      tpu.vector_store %run_scoped3A_2[%swap3A_33], %swap3A_36 {strides = array<i32>} : memref<80xi32, #tpu.memory_space<vmem>>, vector<16xi32>,
      %get3A_37 = arith.constant 16 : index
      %get3A_38 = tpu.vector_load %run_scoped3A[%get3A_37] {strides = array<i32>} : memref<10000xi32, #tpu.memory_space<vmem>>, vector<16xi32>,
      %get3A_39 = vector.shape_cast %get3A_38 : vector<16xi32> to vector<16xi32>
      %and3A_40 = arith.constant 16383 : i32
      %and3A_41 = vector.broadcast %and3A_40 : i32 to vector<16xi32>
      %and3A_42 = arith.andi %get3A_39, %and3A_41 : vector<16xi32>
      %swap3A_43 = arith.constant 16 : index
      %swap3A_44 = tpu.vector_load %run_scoped3A_1[%swap3A_43] {strides = array<i32>} : memref<80xi32, #tpu.memory_space<vmem>>, vector<16xi32>,
      %swap3A_45 = vector.shape_cast %swap3A_44 : vector<16xi32> to vector<16xi32>
      %swap3A_46 = vector.shape_cast %and3A_42 : vector<16xi32> to vector<16xi32>
      tpu.vector_store %run_scoped3A_1[%swap3A_43], %swap3A_46 {strides = array<i32>} : memref<80xi32, #tpu.memory_space<vmem>>, vector<16xi32>,
      %shift_right_logical3A_47 = arith.constant 14 : i32
      %shift_right_logical3A_48 = vector.broadcast %shift_right_logical3A_47 : i32 to vector<16xi32>
      %shift_right_logical3A_49 = arith.shrui %get3A_39, %shift_right_logical3A_48 : vector<16xi32>
      %swap3A_50 = arith.constant 16 : index
      %swap3A_51 = tpu.vector_load %run_scoped3A_2[%swap3A_50] {strides = array<i32>} : memref<80xi32, #tpu.memory_space<vmem>>, vector<16xi32>,
      %swap3A_52 = vector.shape_cast %swap3A_51 : vector<16xi32> to vector<16xi32>
      %swap3A_53 = vector.shape_cast %shift_right_logical3A_49 : vector<16xi32> to vector<16xi32>
      tpu.vector_store %run_scoped3A_2[%swap3A_50], %swap3A_53 {strides = array<i32>} : memref<80xi32, #tpu.memory_space<vmem>>, vector<16xi32>,
      %get3A_54 = arith.constant 32 : index
      %get3A_55 = tpu.vector_load %run_scoped3A[%get3A_54] {strides = array<i32>} : memref<10000xi32, #tpu.memory_space<vmem>>, vector<16xi32>,
      %get3A_56 = vector.shape_cast %get3A_55 : vector<16xi32> to vector<16xi32>
      %and3A_57 = arith.constant 16383 : i32
      %and3A_58 = vector.broadcast %and3A_57 : i32 to vector<16xi32>
      %and3A_59 = arith.andi %get3A_56, %and3A_58 : vector<16xi32>
      %swap3A_60 = arith.constant 32 : index
      %swap3A_61 = tpu.vector_load %run_scoped3A_1[%swap3A_60] {strides = array<i32>} : memref<80xi32, #tpu.memory_space<vmem>>, vector<16xi32>,
      %swap3A_62 = vector.shape_cast %swap3A_61 : vector<16xi32> to vector<16xi32>
      %swap3A_63 = vector.shape_cast %and3A_59 : vector<16xi32> to vector<16xi32>
      tpu.vector_store %run_scoped3A_1[%swap3A_60], %swap3A_63 {strides = array<i32>} : memref<80xi32, #tpu.memory_space<vmem>>, vector<16xi32>,
      %shift_right_logical3A_64 = arith.constant 14 : i32
      %shift_right_logical3A_65 = vector.broadcast %shift_right_logical3A_64 : i32 to vector<16xi32>
      %shift_right_logical3A_66 = arith.shrui %get3A_56, %shift_right_logical3A_65 : vector<16xi32>
      %swap3A_67 = arith.constant 32 : index
      %swap3A_68 = tpu.vector_load %run_scoped3A_2[%swap3A_67] {strides = array<i32>} : memref<80xi32, #tpu.memory_space<vmem>>, vector<16xi32>,
      %swap3A_69 = vector.shape_cast %swap3A_68 : vector<16xi32> to vector<16xi32>
      %swap3A_70 = vector.shape_cast %shift_right_logical3A_66 : vector<16xi32> to vector<16xi32>
      tpu.vector_store %run_scoped3A_2[%swap3A_67], %swap3A_70 {strides = array<i32>} : memref<80xi32, #tpu.memory_space<vmem>>, vector<16xi32>,
      %get3A_71 = arith.constant 48 : index
      %get3A_72 = tpu.vector_load %run_scoped3A[%get3A_71] {strides = array<i32>} : memref<10000xi32, #tpu.memory_space<vmem>>, vector<16xi32>,
      %get3A_73 = vector.shape_cast %get3A_72 : vector<16xi32> to vector<16xi32>
      %and3A_74 = arith.constant 16383 : i32
      %and3A_75 = vector.broadcast %and3A_74 : i32 to vector<16xi32>
      %and3A_76 = arith.andi %get3A_73, %and3A_75 : vector<16xi32>
      %swap3A_77 = arith.constant 48 : index
      %swap3A_78 = tpu.vector_load %run_scoped3A_1[%swap3A_77] {strides = array<i32>} : memref<80xi32, #tpu.memory_space<vmem>>, vector<16xi32>,
      %swap3A_79 = vector.shape_cast %swap3A_78 : vector<16xi32> to vector<16xi32>
      %swap3A_80 = vector.shape_cast %and3A_76 : vector<16xi32> to vector<16xi32>
      tpu.vector_store %run_scoped3A_1[%swap3A_77], %swap3A_80 {strides = array<i32>} : memref<80xi32, #tpu.memory_space<vmem>>, vector<16xi32>,
      %shift_right_logical3A_81 = arith.constant 14 : i32
      %shift_right_logical3A_82 = vector.broadcast %shift_right_logical3A_81 : i32 to vector<16xi32>
      %shift_right_logical3A_83 = arith.shrui %get3A_73, %shift_right_logical3A_82 : vector<16xi32>
      %swap3A_84 = arith.constant 48 : index
      %swap3A_85 = tpu.vector_load %run_scoped3A_2[%swap3A_84] {strides = array<i32>} : memref<80xi32, #tpu.memory_space<vmem>>, vector<16xi32>,
      %swap3A_86 = vector.shape_cast %swap3A_85 : vector<16xi32> to vector<16xi32>
      %swap3A_87 = vector.shape_cast %shift_right_logical3A_83 : vector<16xi32> to vector<16xi32>
      tpu.vector_store %run_scoped3A_2[%swap3A_84], %swap3A_87 {strides = array<i32>} : memref<80xi32, #tpu.memory_space<vmem>>, vector<16xi32>,
      %get3A_88 = arith.constant 64 : index
      %get3A_89 = tpu.vector_load %run_scoped3A[%get3A_88] {strides = array<i32>} : memref<10000xi32, #tpu.memory_space<vmem>>, vector<16xi32>,
      %get3A_90 = vector.shape_cast %get3A_89 : vector<16xi32> to vector<16xi32>
      %and3A_91 = arith.constant 16383 : i32
      %and3A_92 = vector.broadcast %and3A_91 : i32 to vector<16xi32>
      %and3A_93 = arith.andi %get3A_90, %and3A_92 : vector<16xi32>
      %swap3A_94 = arith.constant 64 : index
      %swap3A_95 = tpu.vector_load %run_scoped3A_1[%swap3A_94] {strides = array<i32>} : memref<80xi32, #tpu.memory_space<vmem>>, vector<16xi32>,
      %swap3A_96 = vector.shape_cast %swap3A_95 : vector<16xi32> to vector<16xi32>
      %swap3A_97 = vector.shape_cast %and3A_93 : vector<16xi32> to vector<16xi32>
      tpu.vector_store %run_scoped3A_1[%swap3A_94], %swap3A_97 {strides = array<i32>} : memref<80xi32, #tpu.memory_space<vmem>>, vector<16xi32>,
      %shift_right_logical3A_98 = arith.constant 14 : i32
      %shift_right_logical3A_99 = vector.broadcast %shift_right_logical3A_98 : i32 to vector<16xi32>
      %shift_right_logical3A_100 = arith.shrui %get3A_90, %shift_right_logical3A_99 : vector<16xi32>
      %swap3A_101 = arith.constant 64 : index
      %swap3A_102 = tpu.vector_load %run_scoped3A_2[%swap3A_101] {strides = array<i32>} : memref<80xi32, #tpu.memory_space<vmem>>, vector<16xi32>,
      %swap3A_103 = vector.shape_cast %swap3A_102 : vector<16xi32> to vector<16xi32>
      %swap3A_104 = vector.shape_cast %shift_right_logical3A_100 : vector<16xi32> to vector<16xi32>
      tpu.vector_store %run_scoped3A_2[%swap3A_101], %swap3A_104 {strides = array<i32>} : memref<80xi32, #tpu.memory_space<vmem>>, vector<16xi32>,
      %dma_start3A_105 = arith.constant 0 : i32
      %dma_start3A_106 = tpu.memref_slice %arg3[%dma_start3A_105] : memref<10000xf32, #tpu.memory_space<hbm>> -> memref<10000xf32, #tpu.memory_space<hbm>>
      tpu.enqueue_indirect_dma source(%dma_start3A_106 : memref<10000xf32, #tpu.memory_space<hbm>>) target(%run_scoped3A_3 : memref<80xf32, #tpu.memory_space<vmem>>) offsets(%run_scoped3A_1 : memref<80xi32, #tpu.memory_space<vmem>>) semaphore(%arg14 : memref<!tpu.dma_semaphore, #tpu.memory_space<semaphore_mem>>)
      %dma_start3A_107 = arith.constant 0 : i32
      %dma_start3A_108 = tpu.memref_slice %arg4[%dma_start3A_107] : memref<10000xf32, #tpu.memory_space<hbm>> -> memref<10000xf32, #tpu.memory_space<hbm>>
      tpu.enqueue_indirect_dma source(%dma_start3A_108 : memref<10000xf32, #tpu.memory_space<hbm>>) target(%run_scoped3A_4 : memref<80xf32, #tpu.memory_space<vmem>>) offsets(%run_scoped3A_2 : memref<80xi32, #tpu.memory_space<vmem>>) semaphore(%arg14 : memref<!tpu.dma_semaphore, #tpu.memory_space<semaphore_mem>>)
      %dma_start3A_109 = arith.constant 0 : i32
      %dma_start3A_110 = arith.constant 0 : i32
      %dma_start3A_111 = tpu.memref_slice %arg6[%dma_start3A_109, %dma_start3A_110] : memref<10000x128xf32, #tpu.memory_space<hbm>> -> memref<10000x128xf32, #tpu.memory_space<hbm>>
      tpu.enqueue_indirect_dma source(%dma_start3A_111 : memref<10000x128xf32, #tpu.memory_space<hbm>>) target(%run_scoped3A_6 : memref<80x128xf32, #tpu.memory_space<vmem>>) offsets(%run_scoped3A_1 : memref<80xi32, #tpu.memory_space<vmem>>) semaphore(%arg14 : memref<!tpu.dma_semaphore, #tpu.memory_space<semaphore_mem>>)
      %scan3A = arith.constant 0 : i32
      %scan3A_112 = arith.constant 0 : i32
      %scan3A_113 = arith.constant 63 : i32
      %scan3A_114 = arith.addi %scan3A_112, %scan3A_113 : i32
      %scan3A_115 = arith.constant 1 : i32
      scf.for %scan3A_128 = %scan3A_112 to %scan3A_114 step %scan3A_115  : i32 {
        %mul3A_129 = arith.constant 2 : i32
        %mul3A_130 = arith.muli %mul3A_129, %scan3A_128 : i32
        %add3A_131 = arith.constant 0 : i32
        %add3A_132 = arith.addi %mul3A_130, %add3A_131 : i32
        %lt3A = arith.constant 125 : i32
        %lt3A_133 = arith.cmpi slt, %add3A_132, %lt3A : i32
        %convert_element_type3A = arith.extui %lt3A_133 : i1 to i32
        %cond3A = arith.constant 0 : i32
        %cond3A_134 = arith.cmpi ne, %convert_element_type3A, %cond3A : i32
        scf.if %cond3A_134 {
          %add3A_144 = arith.constant 1 : i32
          %add3A_145 = arith.addi %add3A_132, %add3A_144 : i32
          %lt3A_146 = arith.constant 125 : i32
          %lt3A_147 = arith.cmpi slt, %add3A_145, %lt3A_146 : i32
          %convert_element_type3A_148 = arith.extui %lt3A_147 : i1 to i32
          %cond3A_149 = arith.constant 0 : i32
          %cond3A_150 = arith.cmpi ne, %convert_element_type3A_148, %cond3A_149 : i32
          scf.if %cond3A_150 {
            %ge3A = arith.constant 1 : i32
            %ge3A_287 = arith.cmpi sge, %add3A_132, %ge3A : i32
            %convert_element_type3A_288 = arith.extui %ge3A_287 : i1 to i32
            %cond3A_289 = arith.constant 0 : i32
            %cond3A_290 = arith.cmpi ne, %convert_element_type3A_288, %cond3A_289 : i32
            scf.if %cond3A_290 {
              %sub3A = arith.constant 1 : i32
              %sub3A_407 = arith.subi %add3A_132, %sub3A : i32
              %dma_wait3A_408 = arith.constant 0 : i32
              %dma_wait3A_409 = tpu.memref_slice %arg12[%dma_wait3A_408] : memref<10240xf32, #tpu.memory_space<vmem_shared>> -> memref<10240xf32, #tpu.memory_space<vmem_shared>>
              tpu.wait_indirect_dma semaphore(%arg17 : memref<!tpu.dma_semaphore, #tpu.memory_space<semaphore_mem>>) src(%run_scoped3A_11 : memref<80xf32, #tpu.memory_space<vmem>>) dst(%dma_wait3A_409 : memref<10240xf32, #tpu.memory_space<vmem_shared>>)
              %dma_wait3A_410 = arith.constant 0 : i32
              %dma_wait3A_411 = arith.constant 0 : i32
              %dma_wait3A_412 = tpu.memref_slice %arg11[%dma_wait3A_410, %dma_wait3A_411] : memref<10240x128xf32, #tpu.memory_space<vmem_shared>> -> memref<10240x128xf32, #tpu.memory_space<vmem_shared>>
              tpu.wait_indirect_dma semaphore(%arg17 : memref<!tpu.dma_semaphore, #tpu.memory_space<semaphore_mem>>) src(%run_scoped3A_12 : memref<80x128xf32, #tpu.memory_space<vmem>>) dst(%dma_wait3A_412 : memref<10240x128xf32, #tpu.memory_space<vmem_shared>>)
            } else {
            }
            %add3A_291 = arith.constant 1 : i32
            %add3A_292 = arith.addi %add3A_132, %add3A_291 : i32
            %mul3A_293 = arith.constant 80 : i32
            %mul3A_294 = arith.muli %add3A_292, %mul3A_293 : i32
            %add3A_295 = arith.constant 0 : i32
            %add3A_296 = arith.addi %mul3A_294, %add3A_295 : i32
            %get3A_297 = arith.index_cast %add3A_296 : i32 to index
            %get3A_298 = tpu.vector_load %run_scoped3A[%get3A_297] {strides = array<i32>} : memref<10000xi32, #tpu.memory_space<vmem>>, vector<16xi32>,
            %get3A_299 = vector.shape_cast %get3A_298 : vector<16xi32> to vector<16xi32>
            %and3A_300 = arith.constant 16383 : i32
            %and3A_301 = vector.broadcast %and3A_300 : i32 to vector<16xi32>
            %and3A_302 = arith.andi %get3A_299, %and3A_301 : vector<16xi32>
            %swap3A_303 = arith.constant 0 : index
            %swap3A_304 = tpu.vector_load %run_scoped3A_7[%swap3A_303] {strides = array<i32>} : memref<80xi32, #tpu.memory_space<vmem>>, vector<16xi32>,
            %swap3A_305 = vector.shape_cast %swap3A_304 : vector<16xi32> to vector<16xi32>
            %swap3A_306 = vector.shape_cast %and3A_302 : vector<16xi32> to vector<16xi32>
            tpu.vector_store %run_scoped3A_7[%swap3A_303], %swap3A_306 {strides = array<i32>} : memref<80xi32, #tpu.memory_space<vmem>>, vector<16xi32>,
            %shift_right_logical3A_307 = arith.constant 14 : i32
            %shift_right_logical3A_308 = vector.broadcast %shift_right_logical3A_307 : i32 to vector<16xi32>
            %shift_right_logical3A_309 = arith.shrui %get3A_299, %shift_right_logical3A_308 : vector<16xi32>
            %swap3A_310 = arith.constant 0 : index
            %swap3A_311 = tpu.vector_load %run_scoped3A_8[%swap3A_310] {strides = array<i32>} : memref<80xi32, #tpu.memory_space<vmem>>, vector<16xi32>,
            %swap3A_312 = vector.shape_cast %swap3A_311 : vector<16xi32> to vector<16xi32>
            %swap3A_313 = vector.shape_cast %shift_right_logical3A_309 : vector<16xi32> to vector<16xi32>
            tpu.vector_store %run_scoped3A_8[%swap3A_310], %swap3A_313 {strides = array<i32>} : memref<80xi32, #tpu.memory_space<vmem>>, vector<16xi32>,
            %mul3A_314 = arith.constant 80 : i32
            %mul3A_315 = arith.muli %add3A_292, %mul3A_314 : i32
            %add3A_316 = arith.constant 16 : i32
            %add3A_317 = arith.addi %mul3A_315, %add3A_316 : i32
            %get3A_318 = arith.index_cast %add3A_317 : i32 to index
            %get3A_319 = tpu.vector_load %run_scoped3A[%get3A_318] {strides = array<i32>} : memref<10000xi32, #tpu.memory_space<vmem>>, vector<16xi32>,
            %get3A_320 = vector.shape_cast %get3A_319 : vector<16xi32> to vector<16xi32>
            %and3A_321 = arith.constant 16383 : i32
            %and3A_322 = vector.broadcast %and3A_321 : i32 to vector<16xi32>
            %and3A_323 = arith.andi %get3A_320, %and3A_322 : vector<16xi32>
            %swap3A_324 = arith.constant 16 : index
            %swap3A_325 = tpu.vector_load %run_scoped3A_7[%swap3A_324] {strides = array<i32>} : memref<80xi32, #tpu.memory_space<vmem>>, vector<16xi32>,
            %swap3A_326 = vector.shape_cast %swap3A_325 : vector<16xi32> to vector<16xi32>
            %swap3A_327 = vector.shape_cast %and3A_323 : vector<16xi32> to vector<16xi32>
            tpu.vector_store %run_scoped3A_7[%swap3A_324], %swap3A_327 {strides = array<i32>} : memref<80xi32, #tpu.memory_space<vmem>>, vector<16xi32>,
            %shift_right_logical3A_328 = arith.constant 14 : i32
            %shift_right_logical3A_329 = vector.broadcast %shift_right_logical3A_328 : i32 to vector<16xi32>
            %shift_right_logical3A_330 = arith.shrui %get3A_320, %shift_right_logical3A_329 : vector<16xi32>
            %swap3A_331 = arith.constant 16 : index
            %swap3A_332 = tpu.vector_load %run_scoped3A_8[%swap3A_331] {strides = array<i32>} : memref<80xi32, #tpu.memory_space<vmem>>, vector<16xi32>,
            %swap3A_333 = vector.shape_cast %swap3A_332 : vector<16xi32> to vector<16xi32>
            %swap3A_334 = vector.shape_cast %shift_right_logical3A_330 : vector<16xi32> to vector<16xi32>
            tpu.vector_store %run_scoped3A_8[%swap3A_331], %swap3A_334 {strides = array<i32>} : memref<80xi32, #tpu.memory_space<vmem>>, vector<16xi32>,
            %mul3A_335 = arith.constant 80 : i32
            %mul3A_336 = arith.muli %add3A_292, %mul3A_335 : i32
            %add3A_337 = arith.constant 32 : i32
            %add3A_338 = arith.addi %mul3A_336, %add3A_337 : i32
            %get3A_339 = arith.index_cast %add3A_338 : i32 to index
            %get3A_340 = tpu.vector_load %run_scoped3A[%get3A_339] {strides = array<i32>} : memref<10000xi32, #tpu.memory_space<vmem>>, vector<16xi32>,
            %get3A_341 = vector.shape_cast %get3A_340 : vector<16xi32> to vector<16xi32>
            %and3A_342 = arith.constant 16383 : i32
            %and3A_343 = vector.broadcast %and3A_342 : i32 to vector<16xi32>
            %and3A_344 = arith.andi %get3A_341, %and3A_343 : vector<16xi32>
            %swap3A_345 = arith.constant 32 : index
            %swap3A_346 = tpu.vector_load %run_scoped3A_7[%swap3A_345] {strides = array<i32>} : memref<80xi32, #tpu.memory_space<vmem>>, vector<16xi32>,
            %swap3A_347 = vector.shape_cast %swap3A_346 : vector<16xi32> to vector<16xi32>
            %swap3A_348 = vector.shape_cast %and3A_344 : vector<16xi32> to vector<16xi32>
            tpu.vector_store %run_scoped3A_7[%swap3A_345], %swap3A_348 {strides = array<i32>} : memref<80xi32, #tpu.memory_space<vmem>>, vector<16xi32>,
            %shift_right_logical3A_349 = arith.constant 14 : i32
            %shift_right_logical3A_350 = vector.broadcast %shift_right_logical3A_349 : i32 to vector<16xi32>
            %shift_right_logical3A_351 = arith.shrui %get3A_341, %shift_right_logical3A_350 : vector<16xi32>
            %swap3A_352 = arith.constant 32 : index
            %swap3A_353 = tpu.vector_load %run_scoped3A_8[%swap3A_352] {strides = array<i32>} : memref<80xi32, #tpu.memory_space<vmem>>, vector<16xi32>,
            %swap3A_354 = vector.shape_cast %swap3A_353 : vector<16xi32> to vector<16xi32>
            %swap3A_355 = vector.shape_cast %shift_right_logical3A_351 : vector<16xi32> to vector<16xi32>
            tpu.vector_store %run_scoped3A_8[%swap3A_352], %swap3A_355 {strides = array<i32>} : memref<80xi32, #tpu.memory_space<vmem>>, vector<16xi32>,
            %mul3A_356 = arith.constant 80 : i32
            %mul3A_357 = arith.muli %add3A_292, %mul3A_356 : i32
            %add3A_358 = arith.constant 48 : i32
            %add3A_359 = arith.addi %mul3A_357, %add3A_358 : i32
            %get3A_360 = arith.index_cast %add3A_359 : i32 to index
            %get3A_361 = tpu.vector_load %run_scoped3A[%get3A_360] {strides = array<i32>} : memref<10000xi32, #tpu.memory_space<vmem>>, vector<16xi32>,
            %get3A_362 = vector.shape_cast %get3A_361 : vector<16xi32> to vector<16xi32>
            %and3A_363 = arith.constant 16383 : i32
            %and3A_364 = vector.broadcast %and3A_363 : i32 to vector<16xi32>
            %and3A_365 = arith.andi %get3A_362, %and3A_364 : vector<16xi32>
            %swap3A_366 = arith.constant 48 : index
            %swap3A_367 = tpu.vector_load %run_scoped3A_7[%swap3A_366] {strides = array<i32>} : memref<80xi32, #tpu.memory_space<vmem>>, vector<16xi32>,
            %swap3A_368 = vector.shape_cast %swap3A_367 : vector<16xi32> to vector<16xi32>
            %swap3A_369 = vector.shape_cast %and3A_365 : vector<16xi32> to vector<16xi32>
            tpu.vector_store %run_scoped3A_7[%swap3A_366], %swap3A_369 {strides = array<i32>} : memref<80xi32, #tpu.memory_space<vmem>>, vector<16xi32>,
            %shift_right_logical3A_370 = arith.constant 14 : i32
            %shift_right_logical3A_371 = vector.broadcast %shift_right_logical3A_370 : i32 to vector<16xi32>
            %shift_right_logical3A_372 = arith.shrui %get3A_362, %shift_right_logical3A_371 : vector<16xi32>
            %swap3A_373 = arith.constant 48 : index
            %swap3A_374 = tpu.vector_load %run_scoped3A_8[%swap3A_373] {strides = array<i32>} : memref<80xi32, #tpu.memory_space<vmem>>, vector<16xi32>,
            %swap3A_375 = vector.shape_cast %swap3A_374 : vector<16xi32> to vector<16xi32>
            %swap3A_376 = vector.shape_cast %shift_right_logical3A_372 : vector<16xi32> to vector<16xi32>
            tpu.vector_store %run_scoped3A_8[%swap3A_373], %swap3A_376 {strides = array<i32>} : memref<80xi32, #tpu.memory_space<vmem>>, vector<16xi32>,
            %mul3A_377 = arith.constant 80 : i32
            %mul3A_378 = arith.muli %add3A_292, %mul3A_377 : i32
            %add3A_379 = arith.constant 64 : i32
            %add3A_380 = arith.addi %mul3A_378, %add3A_379 : i32
            %get3A_381 = arith.index_cast %add3A_380 : i32 to index
            %get3A_382 = tpu.vector_load %run_scoped3A[%get3A_381] {strides = array<i32>} : memref<10000xi32, #tpu.memory_space<vmem>>, vector<16xi32>,
            %get3A_383 = vector.shape_cast %get3A_382 : vector<16xi32> to vector<16xi32>
            %and3A_384 = arith.constant 16383 : i32
            %and3A_385 = vector.broadcast %and3A_384 : i32 to vector<16xi32>
            %and3A_386 = arith.andi %get3A_383, %and3A_385 : vector<16xi32>
            %swap3A_387 = arith.constant 64 : index
            %swap3A_388 = tpu.vector_load %run_scoped3A_7[%swap3A_387] {strides = array<i32>} : memref<80xi32, #tpu.memory_space<vmem>>, vector<16xi32>,
            %swap3A_389 = vector.shape_cast %swap3A_388 : vector<16xi32> to vector<16xi32>
            %swap3A_390 = vector.shape_cast %and3A_386 : vector<16xi32> to vector<16xi32>
            tpu.vector_store %run_scoped3A_7[%swap3A_387], %swap3A_390 {strides = array<i32>} : memref<80xi32, #tpu.memory_space<vmem>>, vector<16xi32>,
            %shift_right_logical3A_391 = arith.constant 14 : i32
            %shift_right_logical3A_392 = vector.broadcast %shift_right_logical3A_391 : i32 to vector<16xi32>
            %shift_right_logical3A_393 = arith.shrui %get3A_383, %shift_right_logical3A_392 : vector<16xi32>
            %swap3A_394 = arith.constant 64 : index
            %swap3A_395 = tpu.vector_load %run_scoped3A_8[%swap3A_394] {strides = array<i32>} : memref<80xi32, #tpu.memory_space<vmem>>, vector<16xi32>,
            %swap3A_396 = vector.shape_cast %swap3A_395 : vector<16xi32> to vector<16xi32>
            %swap3A_397 = vector.shape_cast %shift_right_logical3A_393 : vector<16xi32> to vector<16xi32>
            tpu.vector_store %run_scoped3A_8[%swap3A_394], %swap3A_397 {strides = array<i32>} : memref<80xi32, #tpu.memory_space<vmem>>, vector<16xi32>,
            %add3A_398 = arith.constant 1 : i32
            %add3A_399 = arith.addi %add3A_132, %add3A_398 : i32
            %dma_start3A_400 = arith.constant 0 : i32
            %dma_start3A_401 = tpu.memref_slice %arg3[%dma_start3A_400] : memref<10000xf32, #tpu.memory_space<hbm>> -> memref<10000xf32, #tpu.memory_space<hbm>>
            tpu.enqueue_indirect_dma source(%dma_start3A_401 : memref<10000xf32, #tpu.memory_space<hbm>>) target(%run_scoped3A_9 : memref<80xf32, #tpu.memory_space<vmem>>) offsets(%run_scoped3A_7 : memref<80xi32, #tpu.memory_space<vmem>>) semaphore(%arg15 : memref<!tpu.dma_semaphore, #tpu.memory_space<semaphore_mem>>)
            %dma_start3A_402 = arith.constant 0 : i32
            %dma_start3A_403 = tpu.memref_slice %arg4[%dma_start3A_402] : memref<10000xf32, #tpu.memory_space<hbm>> -> memref<10000xf32, #tpu.memory_space<hbm>>
            tpu.enqueue_indirect_dma source(%dma_start3A_403 : memref<10000xf32, #tpu.memory_space<hbm>>) target(%run_scoped3A_10 : memref<80xf32, #tpu.memory_space<vmem>>) offsets(%run_scoped3A_8 : memref<80xi32, #tpu.memory_space<vmem>>) semaphore(%arg15 : memref<!tpu.dma_semaphore, #tpu.memory_space<semaphore_mem>>)
            %dma_start3A_404 = arith.constant 0 : i32
            %dma_start3A_405 = arith.constant 0 : i32
            %dma_start3A_406 = tpu.memref_slice %arg6[%dma_start3A_404, %dma_start3A_405] : memref<10000x128xf32, #tpu.memory_space<hbm>> -> memref<10000x128xf32, #tpu.memory_space<hbm>>
            tpu.enqueue_indirect_dma source(%dma_start3A_406 : memref<10000x128xf32, #tpu.memory_space<hbm>>) target(%run_scoped3A_12 : memref<80x128xf32, #tpu.memory_space<vmem>>) offsets(%run_scoped3A_7 : memref<80xi32, #tpu.memory_space<vmem>>) semaphore(%arg15 : memref<!tpu.dma_semaphore, #tpu.memory_space<semaphore_mem>>)
          } else {
          }
          %dma_wait3A_151 = arith.constant 0 : i32
          %dma_wait3A_152 = tpu.memref_slice %arg3[%dma_wait3A_151] : memref<10000xf32, #tpu.memory_space<hbm>> -> memref<10000xf32, #tpu.memory_space<hbm>>
          tpu.wait_indirect_dma semaphore(%arg14 : memref<!tpu.dma_semaphore, #tpu.memory_space<semaphore_mem>>) src(%dma_wait3A_152 : memref<10000xf32, #tpu.memory_space<hbm>>) dst(%run_scoped3A_3 : memref<80xf32, #tpu.memory_space<vmem>>)
          %dma_wait3A_153 = arith.constant 0 : i32
          %dma_wait3A_154 = tpu.memref_slice %arg4[%dma_wait3A_153] : memref<10000xf32, #tpu.memory_space<hbm>> -> memref<10000xf32, #tpu.memory_space<hbm>>
          tpu.wait_indirect_dma semaphore(%arg14 : memref<!tpu.dma_semaphore, #tpu.memory_space<semaphore_mem>>) src(%dma_wait3A_154 : memref<10000xf32, #tpu.memory_space<hbm>>) dst(%run_scoped3A_4 : memref<80xf32, #tpu.memory_space<vmem>>)
          %dma_wait3A_155 = arith.constant 0 : i32
          %dma_wait3A_156 = arith.constant 0 : i32
          %dma_wait3A_157 = tpu.memref_slice %arg6[%dma_wait3A_155, %dma_wait3A_156] : memref<10000x128xf32, #tpu.memory_space<hbm>> -> memref<10000x128xf32, #tpu.memory_space<hbm>>
          tpu.wait_indirect_dma semaphore(%arg14 : memref<!tpu.dma_semaphore, #tpu.memory_space<semaphore_mem>>) src(%dma_wait3A_157 : memref<10000x128xf32, #tpu.memory_space<hbm>>) dst(%run_scoped3A_6 : memref<80x128xf32, #tpu.memory_space<vmem>>)
          %get3A_158 = arith.constant 0 : index
          %get3A_159 = tpu.vector_load %run_scoped3A_3[%get3A_158] {strides = array<i32>} : memref<80xf32, #tpu.memory_space<vmem>>, vector<16xf32>,
          %get3A_160 = vector.shape_cast %get3A_159 : vector<16xf32> to vector<16xf32>
          %get3A_161 = arith.constant 0 : index
          %get3A_162 = tpu.vector_load %run_scoped3A_4[%get3A_161] {strides = array<i32>} : memref<80xf32, #tpu.memory_space<vmem>>, vector<16xf32>,
          %get3A_163 = vector.shape_cast %get3A_162 : vector<16xf32> to vector<16xf32>
          %add3A_164 = arith.addf %get3A_160, %get3A_163 : vector<16xf32>
          %mul3A_165 = arith.constant 80 : i32
          %mul3A_166 = arith.muli %add3A_132, %mul3A_165 : i32
          %add3A_167 = arith.constant 0 : i32
          %add3A_168 = arith.addi %mul3A_166, %add3A_167 : i32
          %get3A_169 = arith.index_cast %add3A_168 : i32 to index
          %get3A_170 = tpu.vector_load %run_scoped3A_0[%get3A_169] {strides = array<i32>} : memref<10000xf32, #tpu.memory_space<vmem>>, vector<16xf32>,
          %get3A_171 = vector.shape_cast %get3A_170 : vector<16xf32> to vector<16xf32>
          %add3A_172 = arith.addf %add3A_164, %get3A_171 : vector<16xf32>
          %mul3A_173 = arith.constant 0.00999999977 : f32
          %mul3A_174 = vector.broadcast %mul3A_173 : f32 to vector<16xf32>
          %mul3A_175 = arith.mulf %mul3A_174, %add3A_172 : vector<16xf32>
          %max3A = arith.maximumf %add3A_172, %mul3A_175 : vector<16xf32>
          %exp3A = math.exp %max3A : vector<16xf32>
          %swap3A_176 = arith.constant 0 : index
          %swap3A_177 = tpu.vector_load %run_scoped3A_5[%swap3A_176] {strides = array<i32>} : memref<80xf32, #tpu.memory_space<vmem>>, vector<16xf32>,
          %swap3A_178 = vector.shape_cast %swap3A_177 : vector<16xf32> to vector<16xf32>
          %swap3A_179 = vector.shape_cast %exp3A : vector<16xf32> to vector<16xf32>
          tpu.vector_store %run_scoped3A_5[%swap3A_176], %swap3A_179 {strides = array<i32>} : memref<80xf32, #tpu.memory_space<vmem>>, vector<16xf32>,
          %get3A_180 = arith.constant 16 : index
          %get3A_181 = tpu.vector_load %run_scoped3A_3[%get3A_180] {strides = array<i32>} : memref<80xf32, #tpu.memory_space<vmem>>, vector<16xf32>,
          %get3A_182 = vector.shape_cast %get3A_181 : vector<16xf32> to vector<16xf32>
          %get3A_183 = arith.constant 16 : index
          %get3A_184 = tpu.vector_load %run_scoped3A_4[%get3A_183] {strides = array<i32>} : memref<80xf32, #tpu.memory_space<vmem>>, vector<16xf32>,
          %get3A_185 = vector.shape_cast %get3A_184 : vector<16xf32> to vector<16xf32>
          %add3A_186 = arith.addf %get3A_182, %get3A_185 : vector<16xf32>
          %mul3A_187 = arith.constant 80 : i32
          %mul3A_188 = arith.muli %add3A_132, %mul3A_187 : i32
          %add3A_189 = arith.constant 16 : i32
          %add3A_190 = arith.addi %mul3A_188, %add3A_189 : i32
          %get3A_191 = arith.index_cast %add3A_190 : i32 to index
          %get3A_192 = tpu.vector_load %run_scoped3A_0[%get3A_191] {strides = array<i32>} : memref<10000xf32, #tpu.memory_space<vmem>>, vector<16xf32>,
          %get3A_193 = vector.shape_cast %get3A_192 : vector<16xf32> to vector<16xf32>
          %add3A_194 = arith.addf %add3A_186, %get3A_193 : vector<16xf32>
          %mul3A_195 = arith.constant 0.00999999977 : f32
          %mul3A_196 = vector.broadcast %mul3A_195 : f32 to vector<16xf32>
          %mul3A_197 = arith.mulf %mul3A_196, %add3A_194 : vector<16xf32>
          %max3A_198 = arith.maximumf %add3A_194, %mul3A_197 : vector<16xf32>
          %exp3A_199 = math.exp %max3A_198 : vector<16xf32>
          %swap3A_200 = arith.constant 16 : index
          %swap3A_201 = tpu.vector_load %run_scoped3A_5[%swap3A_200] {strides = array<i32>} : memref<80xf32, #tpu.memory_space<vmem>>, vector<16xf32>,
          %swap3A_202 = vector.shape_cast %swap3A_201 : vector<16xf32> to vector<16xf32>
          %swap3A_203 = vector.shape_cast %exp3A_199 : vector<16xf32> to vector<16xf32>
          tpu.vector_store %run_scoped3A_5[%swap3A_200], %swap3A_203 {strides = array<i32>} : memref<80xf32, #tpu.memory_space<vmem>>, vector<16xf32>,
          %get3A_204 = arith.constant 32 : index
          %get3A_205 = tpu.vector_load %run_scoped3A_3[%get3A_204] {strides = array<i32>} : memref<80xf32, #tpu.memory_space<vmem>>, vector<16xf32>,
          %get3A_206 = vector.shape_cast %get3A_205 : vector<16xf32> to vector<16xf32>
          %get3A_207 = arith.constant 32 : index
          %get3A_208 = tpu.vector_load %run_scoped3A_4[%get3A_207] {strides = array<i32>} : memref<80xf32, #tpu.memory_space<vmem>>, vector<16xf32>,
          %get3A_209 = vector.shape_cast %get3A_208 : vector<16xf32> to vector<16xf32>
          %add3A_210 = arith.addf %get3A_206, %get3A_209 : vector<16xf32>
          %mul3A_211 = arith.constant 80 : i32
          %mul3A_212 = arith.muli %add3A_132, %mul3A_211 : i32
          %add3A_213 = arith.constant 32 : i32
          %add3A_214 = arith.addi %mul3A_212, %add3A_213 : i32
          %get3A_215 = arith.index_cast %add3A_214 : i32 to index
          %get3A_216 = tpu.vector_load %run_scoped3A_0[%get3A_215] {strides = array<i32>} : memref<10000xf32, #tpu.memory_space<vmem>>, vector<16xf32>,
          %get3A_217 = vector.shape_cast %get3A_216 : vector<16xf32> to vector<16xf32>
          %add3A_218 = arith.addf %add3A_210, %get3A_217 : vector<16xf32>
          %mul3A_219 = arith.constant 0.00999999977 : f32
          %mul3A_220 = vector.broadcast %mul3A_219 : f32 to vector<16xf32>
          %mul3A_221 = arith.mulf %mul3A_220, %add3A_218 : vector<16xf32>
          %max3A_222 = arith.maximumf %add3A_218, %mul3A_221 : vector<16xf32>
          %exp3A_223 = math.exp %max3A_222 : vector<16xf32>
          %swap3A_224 = arith.constant 32 : index
          %swap3A_225 = tpu.vector_load %run_scoped3A_5[%swap3A_224] {strides = array<i32>} : memref<80xf32, #tpu.memory_space<vmem>>, vector<16xf32>,
          %swap3A_226 = vector.shape_cast %swap3A_225 : vector<16xf32> to vector<16xf32>
          %swap3A_227 = vector.shape_cast %exp3A_223 : vector<16xf32> to vector<16xf32>
          tpu.vector_store %run_scoped3A_5[%swap3A_224], %swap3A_227 {strides = array<i32>} : memref<80xf32, #tpu.memory_space<vmem>>, vector<16xf32>,
          %get3A_228 = arith.constant 48 : index
          %get3A_229 = tpu.vector_load %run_scoped3A_3[%get3A_228] {strides = array<i32>} : memref<80xf32, #tpu.memory_space<vmem>>, vector<16xf32>,
          %get3A_230 = vector.shape_cast %get3A_229 : vector<16xf32> to vector<16xf32>
          %get3A_231 = arith.constant 48 : index
          %get3A_232 = tpu.vector_load %run_scoped3A_4[%get3A_231] {strides = array<i32>} : memref<80xf32, #tpu.memory_space<vmem>>, vector<16xf32>,
          %get3A_233 = vector.shape_cast %get3A_232 : vector<16xf32> to vector<16xf32>
          %add3A_234 = arith.addf %get3A_230, %get3A_233 : vector<16xf32>
          %mul3A_235 = arith.constant 80 : i32
          %mul3A_236 = arith.muli %add3A_132, %mul3A_235 : i32
          %add3A_237 = arith.constant 48 : i32
          %add3A_238 = arith.addi %mul3A_236, %add3A_237 : i32
          %get3A_239 = arith.index_cast %add3A_238 : i32 to index
          %get3A_240 = tpu.vector_load %run_scoped3A_0[%get3A_239] {strides = array<i32>} : memref<10000xf32, #tpu.memory_space<vmem>>, vector<16xf32>,
          %get3A_241 = vector.shape_cast %get3A_240 : vector<16xf32> to vector<16xf32>
          %add3A_242 = arith.addf %add3A_234, %get3A_241 : vector<16xf32>
          %mul3A_243 = arith.constant 0.00999999977 : f32
          %mul3A_244 = vector.broadcast %mul3A_243 : f32 to vector<16xf32>
          %mul3A_245 = arith.mulf %mul3A_244, %add3A_242 : vector<16xf32>
          %max3A_246 = arith.maximumf %add3A_242, %mul3A_245 : vector<16xf32>
          %exp3A_247 = math.exp %max3A_246 : vector<16xf32>
          %swap3A_248 = arith.constant 48 : index
          %swap3A_249 = tpu.vector_load %run_scoped3A_5[%swap3A_248] {strides = array<i32>} : memref<80xf32, #tpu.memory_space<vmem>>, vector<16xf32>,
          %swap3A_250 = vector.shape_cast %swap3A_249 : vector<16xf32> to vector<16xf32>
          %swap3A_251 = vector.shape_cast %exp3A_247 : vector<16xf32> to vector<16xf32>
          tpu.vector_store %run_scoped3A_5[%swap3A_248], %swap3A_251 {strides = array<i32>} : memref<80xf32, #tpu.memory_space<vmem>>, vector<16xf32>,
          %get3A_252 = arith.constant 64 : index
          %get3A_253 = tpu.vector_load %run_scoped3A_3[%get3A_252] {strides = array<i32>} : memref<80xf32, #tpu.memory_space<vmem>>, vector<16xf32>,
          %get3A_254 = vector.shape_cast %get3A_253 : vector<16xf32> to vector<16xf32>
          %get3A_255 = arith.constant 64 : index
          %get3A_256 = tpu.vector_load %run_scoped3A_4[%get3A_255] {strides = array<i32>} : memref<80xf32, #tpu.memory_space<vmem>>, vector<16xf32>,
          %get3A_257 = vector.shape_cast %get3A_256 : vector<16xf32> to vector<16xf32>
          %add3A_258 = arith.addf %get3A_254, %get3A_257 : vector<16xf32>
          %mul3A_259 = arith.constant 80 : i32
          %mul3A_260 = arith.muli %add3A_132, %mul3A_259 : i32
          %add3A_261 = arith.constant 64 : i32
          %add3A_262 = arith.addi %mul3A_260, %add3A_261 : i32
          %get3A_263 = arith.index_cast %add3A_262 : i32 to index
          %get3A_264 = tpu.vector_load %run_scoped3A_0[%get3A_263] {strides = array<i32>} : memref<10000xf32, #tpu.memory_space<vmem>>, vector<16xf32>,
          %get3A_265 = vector.shape_cast %get3A_264 : vector<16xf32> to vector<16xf32>
          %add3A_266 = arith.addf %add3A_258, %get3A_265 : vector<16xf32>
          %mul3A_267 = arith.constant 0.00999999977 : f32
          %mul3A_268 = vector.broadcast %mul3A_267 : f32 to vector<16xf32>
          %mul3A_269 = arith.mulf %mul3A_268, %add3A_266 : vector<16xf32>
          %max3A_270 = arith.maximumf %add3A_266, %mul3A_269 : vector<16xf32>
          %exp3A_271 = math.exp %max3A_270 : vector<16xf32>
          %swap3A_272 = arith.constant 64 : index
          %swap3A_273 = tpu.vector_load %run_scoped3A_5[%swap3A_272] {strides = array<i32>} : memref<80xf32, #tpu.memory_space<vmem>>, vector<16xf32>,
          %swap3A_274 = vector.shape_cast %swap3A_273 : vector<16xf32> to vector<16xf32>
          %swap3A_275 = vector.shape_cast %exp3A_271 : vector<16xf32> to vector<16xf32>
          tpu.vector_store %run_scoped3A_5[%swap3A_272], %swap3A_275 {strides = array<i32>} : memref<80xf32, #tpu.memory_space<vmem>>, vector<16xf32>,
          %scan3A_276 = arith.constant 0 : i32
          %scan3A_277 = arith.constant 0 : i32
          %scan3A_278 = arith.constant 5 : i32
          %scan3A_279 = arith.addi %scan3A_277, %scan3A_278 : i32
          %scan3A_280 = arith.constant 1 : i32
          scf.for %scan3A_287 = %scan3A_277 to %scan3A_279 step %scan3A_280  : i32 {
            %mul3A_288 = arith.constant 16 : i32
            %mul3A_289 = arith.muli %scan3A_287, %mul3A_288 : i32
            %get3A_290 = arith.index_cast %mul3A_289 : i32 to index
            %get3A_291 = tpu.vector_load %run_scoped3A_5[%get3A_290] {strides = array<i32>} : memref<80xf32, #tpu.memory_space<vmem>>, vector<16xf32>,
            %get3A_292 = vector.shape_cast %get3A_291 : vector<16xf32> to vector<16xf32>
            %slice3A = vector.extract_strided_slice %get3A_292 {offsets = [0], sizes = [1], strides = [1]} : vector<16xf32> to vector<1xf32>
            %squeeze3A = vector.extract %slice3A[0] : f32 from vector<1xf32>
            %mul3A_293 = arith.constant 16 : i32
            %mul3A_294 = arith.muli %scan3A_287, %mul3A_293 : i32
            %add3A_295 = arith.constant 0 : i32
            %add3A_296 = arith.addi %mul3A_294, %add3A_295 : i32
            %get3A_297 = arith.index_cast %add3A_296 : i32 to index
            %get3A_298 = arith.constant 0 : index
            %get3A_299 = tpu.vector_load %run_scoped3A_6[%get3A_297, %get3A_298] {strides = array<i32>} : memref<80x128xf32, #tpu.memory_space<vmem>>, vector<1x16xf32>,
            %get3A_300 = vector.shape_cast %get3A_299 : vector<1x16xf32> to vector<16xf32>
            %mul3A_301 = vector.broadcast %squeeze3A : f32 to vector<16xf32>
            %mul3A_302 = arith.mulf %get3A_300, %mul3A_301 : vector<16xf32>
            %swap3A_303 = arith.index_cast %add3A_296 : i32 to index
            %swap3A_304 = arith.constant 0 : index
            %swap3A_305 = tpu.vector_load %run_scoped3A_6[%swap3A_303, %swap3A_304] {strides = array<i32>} : memref<80x128xf32, #tpu.memory_space<vmem>>, vector<1x16xf32>,
            %swap3A_306 = vector.shape_cast %swap3A_305 : vector<1x16xf32> to vector<16xf32>
            %swap3A_307 = vector.shape_cast %mul3A_302 : vector<16xf32> to vector<1x16xf32>
            tpu.vector_store %run_scoped3A_6[%swap3A_303, %swap3A_304], %swap3A_307 {strides = array<i32>} : memref<80x128xf32, #tpu.memory_space<vmem>>, vector<1x16xf32>,
            %get3A_308 = arith.index_cast %add3A_296 : i32 to index
            %get3A_309 = arith.constant 16 : index
            %get3A_310 = tpu.vector_load %run_scoped3A_6[%get3A_308, %get3A_309] {strides = array<i32>} : memref<80x128xf32, #tpu.memory_space<vmem>>, vector<1x16xf32>,
            %get3A_311 = vector.shape_cast %get3A_310 : vector<1x16xf32> to vector<16xf32>
            %mul3A_312 = vector.broadcast %squeeze3A : f32 to vector<16xf32>
            %mul3A_313 = arith.mulf %get3A_311, %mul3A_312 : vector<16xf32>
            %swap3A_314 = arith.index_cast %add3A_296 : i32 to index
            %swap3A_315 = arith.constant 16 : index
            %swap3A_316 = tpu.vector_load %run_scoped3A_6[%swap3A_314, %swap3A_315] {strides = array<i32>} : memref<80x128xf32, #tpu.memory_space<vmem>>, vector<1x16xf32>,
            %swap3A_317 = vector.shape_cast %swap3A_316 : vector<1x16xf32> to vector<16xf32>
            %swap3A_318 = vector.shape_cast %mul3A_313 : vector<16xf32> to vector<1x16xf32>
            tpu.vector_store %run_scoped3A_6[%swap3A_314, %swap3A_315], %swap3A_318 {strides = array<i32>} : memref<80x128xf32, #tpu.memory_space<vmem>>, vector<1x16xf32>,
            %get3A_319 = arith.index_cast %add3A_296 : i32 to index
            %get3A_320 = arith.constant 32 : index
            %get3A_321 = tpu.vector_load %run_scoped3A_6[%get3A_319, %get3A_320] {strides = array<i32>} : memref<80x128xf32, #tpu.memory_space<vmem>>, vector<1x16xf32>,
            %get3A_322 = vector.shape_cast %get3A_321 : vector<1x16xf32> to vector<16xf32>
            %mul3A_323 = vector.broadcast %squeeze3A : f32 to vector<16xf32>
            %mul3A_324 = arith.mulf %get3A_322, %mul3A_323 : vector<16xf32>
            %swap3A_325 = arith.index_cast %add3A_296 : i32 to index
            %swap3A_326 = arith.constant 32 : index
            %swap3A_327 = tpu.vector_load %run_scoped3A_6[%swap3A_325, %swap3A_326] {strides = array<i32>} : memref<80x128xf32, #tpu.memory_space<vmem>>, vector<1x16xf32>,
            %swap3A_328 = vector.shape_cast %swap3A_327 : vector<1x16xf32> to vector<16xf32>
            %swap3A_329 = vector.shape_cast %mul3A_324 : vector<16xf32> to vector<1x16xf32>
            tpu.vector_store %run_scoped3A_6[%swap3A_325, %swap3A_326], %swap3A_329 {strides = array<i32>} : memref<80x128xf32, #tpu.memory_space<vmem>>, vector<1x16xf32>,
            %get3A_330 = arith.index_cast %add3A_296 : i32 to index
            %get3A_331 = arith.constant 48 : index
            %get3A_332 = tpu.vector_load %run_scoped3A_6[%get3A_330, %get3A_331] {strides = array<i32>} : memref<80x128xf32, #tpu.memory_space<vmem>>, vector<1x16xf32>,
            %get3A_333 = vector.shape_cast %get3A_332 : vector<1x16xf32> to vector<16xf32>
            %mul3A_334 = vector.broadcast %squeeze3A : f32 to vector<16xf32>
            %mul3A_335 = arith.mulf %get3A_333, %mul3A_334 : vector<16xf32>
            %swap3A_336 = arith.index_cast %add3A_296 : i32 to index
            %swap3A_337 = arith.constant 48 : index
            %swap3A_338 = tpu.vector_load %run_scoped3A_6[%swap3A_336, %swap3A_337] {strides = array<i32>} : memref<80x128xf32, #tpu.memory_space<vmem>>, vector<1x16xf32>,
            %swap3A_339 = vector.shape_cast %swap3A_338 : vector<1x16xf32> to vector<16xf32>
            %swap3A_340 = vector.shape_cast %mul3A_335 : vector<16xf32> to vector<1x16xf32>
            tpu.vector_store %run_scoped3A_6[%swap3A_336, %swap3A_337], %swap3A_340 {strides = array<i32>} : memref<80x128xf32, #tpu.memory_space<vmem>>, vector<1x16xf32>,
            %get3A_341 = arith.index_cast %add3A_296 : i32 to index
            %get3A_342 = arith.constant 64 : index
            %get3A_343 = tpu.vector_load %run_scoped3A_6[%get3A_341, %get3A_342] {strides = array<i32>} : memref<80x128xf32, #tpu.memory_space<vmem>>, vector<1x16xf32>,
            %get3A_344 = vector.shape_cast %get3A_343 : vector<1x16xf32> to vector<16xf32>
            %mul3A_345 = vector.broadcast %squeeze3A : f32 to vector<16xf32>
            %mul3A_346 = arith.mulf %get3A_344, %mul3A_345 : vector<16xf32>
            %swap3A_347 = arith.index_cast %add3A_296 : i32 to index
            %swap3A_348 = arith.constant 64 : index
            %swap3A_349 = tpu.vector_load %run_scoped3A_6[%swap3A_347, %swap3A_348] {strides = array<i32>} : memref<80x128xf32, #tpu.memory_space<vmem>>, vector<1x16xf32>,
            %swap3A_350 = vector.shape_cast %swap3A_349 : vector<1x16xf32> to vector<16xf32>
            %swap3A_351 = vector.shape_cast %mul3A_346 : vector<16xf32> to vector<1x16xf32>
            tpu.vector_store %run_scoped3A_6[%swap3A_347, %swap3A_348], %swap3A_351 {strides = array<i32>} : memref<80x128xf32, #tpu.memory_space<vmem>>, vector<1x16xf32>,
            %get3A_352 = arith.index_cast %add3A_296 : i32 to index
            %get3A_353 = arith.constant 80 : index
            %get3A_354 = tpu.vector_load %run_scoped3A_6[%get3A_352, %get3A_353] {strides = array<i32>} : memref<80x128xf32, #tpu.memory_space<vmem>>, vector<1x16xf32>,
            %get3A_355 = vector.shape_cast %get3A_354 : vector<1x16xf32> to vector<16xf32>
            %mul3A_356 = vector.broadcast %squeeze3A : f32 to vector<16xf32>
            %mul3A_357 = arith.mulf %get3A_355, %mul3A_356 : vector<16xf32>
            %swap3A_358 = arith.index_cast %add3A_296 : i32 to index
            %swap3A_359 = arith.constant 80 : index
            %swap3A_360 = tpu.vector_load %run_scoped3A_6[%swap3A_358, %swap3A_359] {strides = array<i32>} : memref<80x128xf32, #tpu.memory_space<vmem>>, vector<1x16xf32>,
            %swap3A_361 = vector.shape_cast %swap3A_360 : vector<1x16xf32> to vector<16xf32>
            %swap3A_362 = vector.shape_cast %mul3A_357 : vector<16xf32> to vector<1x16xf32>
            tpu.vector_store %run_scoped3A_6[%swap3A_358, %swap3A_359], %swap3A_362 {strides = array<i32>} : memref<80x128xf32, #tpu.memory_space<vmem>>, vector<1x16xf32>,
            %get3A_363 = arith.index_cast %add3A_296 : i32 to index
            %get3A_364 = arith.constant 96 : index
            %get3A_365 = tpu.vector_load %run_scoped3A_6[%get3A_363, %get3A_364] {strides = array<i32>} : memref<80x128xf32, #tpu.memory_space<vmem>>, vector<1x16xf32>,
            %get3A_366 = vector.shape_cast %get3A_365 : vector<1x16xf32> to vector<16xf32>
            %mul3A_367 = vector.broadcast %squeeze3A : f32 to vector<16xf32>
            %mul3A_368 = arith.mulf %get3A_366, %mul3A_367 : vector<16xf32>
            %swap3A_369 = arith.index_cast %add3A_296 : i32 to index
            %swap3A_370 = arith.constant 96 : index
            %swap3A_371 = tpu.vector_load %run_scoped3A_6[%swap3A_369, %swap3A_370] {strides = array<i32>} : memref<80x128xf32, #tpu.memory_space<vmem>>, vector<1x16xf32>,
            %swap3A_372 = vector.shape_cast %swap3A_371 : vector<1x16xf32> to vector<16xf32>
            %swap3A_373 = vector.shape_cast %mul3A_368 : vector<16xf32> to vector<1x16xf32>
            tpu.vector_store %run_scoped3A_6[%swap3A_369, %swap3A_370], %swap3A_373 {strides = array<i32>} : memref<80x128xf32, #tpu.memory_space<vmem>>, vector<1x16xf32>,
            %get3A_374 = arith.index_cast %add3A_296 : i32 to index
            %get3A_375 = arith.constant 112 : index
            %get3A_376 = tpu.vector_load %run_scoped3A_6[%get3A_374, %get3A_375] {strides = array<i32>} : memref<80x128xf32, #tpu.memory_space<vmem>>, vector<1x16xf32>,
            %get3A_377 = vector.shape_cast %get3A_376 : vector<1x16xf32> to vector<16xf32>
            %mul3A_378 = vector.broadcast %squeeze3A : f32 to vector<16xf32>
            %mul3A_379 = arith.mulf %get3A_377, %mul3A_378 : vector<16xf32>
            %swap3A_380 = arith.index_cast %add3A_296 : i32 to index
            %swap3A_381 = arith.constant 112 : index
            %swap3A_382 = tpu.vector_load %run_scoped3A_6[%swap3A_380, %swap3A_381] {strides = array<i32>} : memref<80x128xf32, #tpu.memory_space<vmem>>, vector<1x16xf32>,
            %swap3A_383 = vector.shape_cast %swap3A_382 : vector<1x16xf32> to vector<16xf32>
            %swap3A_384 = vector.shape_cast %mul3A_379 : vector<16xf32> to vector<1x16xf32>
            tpu.vector_store %run_scoped3A_6[%swap3A_380, %swap3A_381], %swap3A_384 {strides = array<i32>} : memref<80x128xf32, #tpu.memory_space<vmem>>, vector<1x16xf32>,
            %slice3A_385 = vector.extract_strided_slice %get3A_292 {offsets = [1], sizes = [1], strides = [1]} : vector<16xf32> to vector<1xf32>
            %squeeze3A_386 = vector.extract %slice3A_385[0] : f32 from vector<1xf32>
            %mul3A_387 = arith.constant 16 : i32
            %mul3A_388 = arith.muli %scan3A_287, %mul3A_387 : i32
            %add3A_389 = arith.constant 1 : i32
            %add3A_390 = arith.addi %mul3A_388, %add3A_389 : i32
            %get3A_391 = arith.index_cast %add3A_390 : i32 to index
            %get3A_392 = arith.constant 0 : index
            %get3A_393 = tpu.vector_load %run_scoped3A_6[%get3A_391, %get3A_392] {strides = array<i32>} : memref<80x128xf32, #tpu.memory_space<vmem>>, vector<1x16xf32>,
            %get3A_394 = vector.shape_cast %get3A_393 : vector<1x16xf32> to vector<16xf32>
            %mul3A_395 = vector.broadcast %squeeze3A_386 : f32 to vector<16xf32>
            %mul3A_396 = arith.mulf %get3A_394, %mul3A_395 : vector<16xf32>
            %swap3A_397 = arith.index_cast %add3A_390 : i32 to index
            %swap3A_398 = arith.constant 0 : index
            %swap3A_399 = tpu.vector_load %run_scoped3A_6[%swap3A_397, %swap3A_398] {strides = array<i32>} : memref<80x128xf32, #tpu.memory_space<vmem>>, vector<1x16xf32>,
            %swap3A_400 = vector.shape_cast %swap3A_399 : vector<1x16xf32> to vector<16xf32>
            %swap3A_401 = vector.shape_cast %mul3A_396 : vector<16xf32> to vector<1x16xf32>
            tpu.vector_store %run_scoped3A_6[%swap3A_397, %swap3A_398], %swap3A_401 {strides = array<i32>} : memref<80x128xf32, #tpu.memory_space<vmem>>, vector<1x16xf32>,
            %get3A_402 = arith.index_cast %add3A_390 : i32 to index
            %get3A_403 = arith.constant 16 : index
            %get3A_404 = tpu.vector_load %run_scoped3A_6[%get3A_402, %get3A_403] {strides = array<i32>} : memref<80x128xf32, #tpu.memory_space<vmem>>, vector<1x16xf32>,
            %get3A_405 = vector.shape_cast %get3A_404 : vector<1x16xf32> to vector<16xf32>
            %mul3A_406 = vector.broadcast %squeeze3A_386 : f32 to vector<16xf32>
            %mul3A_407 = arith.mulf %get3A_405, %mul3A_406 : vector<16xf32>
            %swap3A_408 = arith.index_cast %add3A_390 : i32 to index
            %swap3A_409 = arith.constant 16 : index
            %swap3A_410 = tpu.vector_load %run_scoped3A_6[%swap3A_408, %swap3A_409] {strides = array<i32>} : memref<80x128xf32, #tpu.memory_space<vmem>>, vector<1x16xf32>,
            %swap3A_411 = vector.shape_cast %swap3A_410 : vector<1x16xf32> to vector<16xf32>
            %swap3A_412 = vector.shape_cast %mul3A_407 : vector<16xf32> to vector<1x16xf32>
            tpu.vector_store %run_scoped3A_6[%swap3A_408, %swap3A_409], %swap3A_412 {strides = array<i32>} : memref<80x128xf32, #tpu.memory_space<vmem>>, vector<1x16xf32>,
            %get3A_413 = arith.index_cast %add3A_390 : i32 to index
            %get3A_414 = arith.constant 32 : index
            %get3A_415 = tpu.vector_load %run_scoped3A_6[%get3A_413, %get3A_414] {strides = array<i32>} : memref<80x128xf32, #tpu.memory_space<vmem>>, vector<1x16xf32>,
            %get3A_416 = vector.shape_cast %get3A_415 : vector<1x16xf32> to vector<16xf32>
            %mul3A_417 = vector.broadcast %squeeze3A_386 : f32 to vector<16xf32>
            %mul3A_418 = arith.mulf %get3A_416, %mul3A_417 : vector<16xf32>
            %swap3A_419 = arith.index_cast %add3A_390 : i32 to index
            %swap3A_420 = arith.constant 32 : index
            %swap3A_421 = tpu.vector_load %run_scoped3A_6[%swap3A_419, %swap3A_420] {strides = array<i32>} : memref<80x128xf32, #tpu.memory_space<vmem>>, vector<1x16xf32>,
            %swap3A_422 = vector.shape_cast %swap3A_421 : vector<1x16xf32> to vector<16xf32>
            %swap3A_423 = vector.shape_cast %mul3A_418 : vector<16xf32> to vector<1x16xf32>
            tpu.vector_store %run_scoped3A_6[%swap3A_419, %swap3A_420], %swap3A_423 {strides = array<i32>} : memref<80x128xf32, #tpu.memory_space<vmem>>, vector<1x16xf32>,
            %get3A_424 = arith.index_cast %add3A_390 : i32 to index
            %get3A_425 = arith.constant 48 : index
            %get3A_426 = tpu.vector_load %run_scoped3A_6[%get3A_424, %get3A_425] {strides = array<i32>} : memref<80x128xf32, #tpu.memory_space<vmem>>, vector<1x16xf32>,
            %get3A_427 = vector.shape_cast %get3A_426 : vector<1x16xf32> to vector<16xf32>
            %mul3A_428 = vector.broadcast %squeeze3A_386 : f32 to vector<16xf32>
            %mul3A_429 = arith.mulf %get3A_427, %mul3A_428 : vector<16xf32>
            %swap3A_430 = arith.index_cast %add3A_390 : i32 to index
            %swap3A_431 = arith.constant 48 : index
            %swap3A_432 = tpu.vector_load %run_scoped3A_6[%swap3A_430, %swap3A_431] {strides = array<i32>} : memref<80x128xf32, #tpu.memory_space<vmem>>, vector<1x16xf32>,
            %swap3A_433 = vector.shape_cast %swap3A_432 : vector<1x16xf32> to vector<16xf32>
            %swap3A_434 = vector.shape_cast %mul3A_429 : vector<16xf32> to vector<1x16xf32>
            tpu.vector_store %run_scoped3A_6[%swap3A_430, %swap3A_431], %swap3A_434 {strides = array<i32>} : memref<80x128xf32, #tpu.memory_space<vmem>>, vector<1x16xf32>,
            %get3A_435 = arith.index_cast %add3A_390 : i32 to index
            %get3A_436 = arith.constant 64 : index
            %get3A_437 = tpu.vector_load %run_scoped3A_6[%get3A_435, %get3A_436] {strides = array<i32>} : memref<80x128xf32, #tpu.memory_space<vmem>>, vector<1x16xf32>,
            %get3A_438 = vector.shape_cast %get3A_437 : vector<1x16xf32> to vector<16xf32>
            %mul3A_439 = vector.broadcast %squeeze3A_386 : f32 to vector<16xf32>
            %mul3A_440 = arith.mulf %get3A_438, %mul3A_439 : vector<16xf32>
            %swap3A_441 = arith.index_cast %add3A_390 : i32 to index
            %swap3A_442 = arith.constant 64 : index
            %swap3A_443 = tpu.vector_load %run_scoped3A_6[%swap3A_441, %swap3A_442] {strides = array<i32>} : memref<80x128xf32, #tpu.memory_space<vmem>>, vector<1x16xf32>,
            %swap3A_444 = vector.shape_cast %swap3A_443 : vector<1x16xf32> to vector<16xf32>
            %swap3A_445 = vector.shape_cast %mul3A_440 : vector<16xf32> to vector<1x16xf32>
            tpu.vector_store %run_scoped3A_6[%swap3A_441, %swap3A_442], %swap3A_445 {strides = array<i32>} : memref<80x128xf32, #tpu.memory_space<vmem>>, vector<1x16xf32>,
            %get3A_446 = arith.index_cast %add3A_390 : i32 to index
            %get3A_447 = arith.constant 80 : index
            %get3A_448 = tpu.vector_load %run_scoped3A_6[%get3A_446, %get3A_447] {strides = array<i32>} : memref<80x128xf32, #tpu.memory_space<vmem>>, vector<1x16xf32>,
            %get3A_449 = vector.shape_cast %get3A_448 : vector<1x16xf32> to vector<16xf32>
            %mul3A_450 = vector.broadcast %squeeze3A_386 : f32 to vector<16xf32>
            %mul3A_451 = arith.mulf %get3A_449, %mul3A_450 : vector<16xf32>
            %swap3A_452 = arith.index_cast %add3A_390 : i32 to index
            %swap3A_453 = arith.constant 80 : index
            %swap3A_454 = tpu.vector_load %run_scoped3A_6[%swap3A_452, %swap3A_453] {strides = array<i32>} : memref<80x128xf32, #tpu.memory_space<vmem>>, vector<1x16xf32>,
            %swap3A_455 = vector.shape_cast %swap3A_454 : vector<1x16xf32> to vector<16xf32>
            %swap3A_456 = vector.shape_cast %mul3A_451 : vector<16xf32> to vector<1x16xf32>
            tpu.vector_store %run_scoped3A_6[%swap3A_452, %swap3A_453], %swap3A_456 {strides = array<i32>} : memref<80x128xf32, #tpu.memory_space<vmem>>, vector<1x16xf32>,
            %get3A_457 = arith.index_cast %add3A_390 : i32 to index
            %get3A_458 = arith.constant 96 : index
            %get3A_459 = tpu.vector_load %run_scoped3A_6[%get3A_457, %get3A_458] {strides = array<i32>} : memref<80x128xf32, #tpu.memory_space<vmem>>, vector<1x16xf32>,
            %get3A_460 = vector.shape_cast %get3A_459 : vector<1x16xf32> to vector<16xf32>
            %mul3A_461 = vector.broadcast %squeeze3A_386 : f32 to vector<16xf32>
            %mul3A_462 = arith.mulf %get3A_460, %mul3A_461 : vector<16xf32>
            %swap3A_463 = arith.index_cast %add3A_390 : i32 to index
            %swap3A_464 = arith.constant 96 : index
            %swap3A_465 = tpu.vector_load %run_scoped3A_6[%swap3A_463, %swap3A_464] {strides = array<i32>} : memref<80x128xf32, #tpu.memory_space<vmem>>, vector<1x16xf32>,
            %swap3A_466 = vector.shape_cast %swap3A_465 : vector<1x16xf32> to vector<16xf32>
            %swap3A_467 = vector.shape_cast %mul3A_462 : vector<16xf32> to vector<1x16xf32>
            tpu.vector_store %run_scoped3A_6[%swap3A_463, %swap3A_464], %swap3A_467 {strides = array<i32>} : memref<80x128xf32, #tpu.memory_space<vmem>>, vector<1x16xf32>,
            %get3A_468 = arith.index_cast %add3A_390 : i32 to index
            %get3A_469 = arith.constant 112 : index
            %get3A_470 = tpu.vector_load %run_scoped3A_6[%get3A_468, %get3A_469] {strides = array<i32>} : memref<80x128xf32, #tpu.memory_space<vmem>>, vector<1x16xf32>,
            %get3A_471 = vector.shape_cast %get3A_470 : vector<1x16xf32> to vector<16xf32>
            %mul3A_472 = vector.broadcast %squeeze3A_386 : f32 to vector<16xf32>
            %mul3A_473 = arith.mulf %get3A_471, %mul3A_472 : vector<16xf32>
            %swap3A_474 = arith.index_cast %add3A_390 : i32 to index
            %swap3A_475 = arith.constant 112 : index
            %swap3A_476 = tpu.vector_load %run_scoped3A_6[%swap3A_474, %swap3A_475] {strides = array<i32>} : memref<80x128xf32, #tpu.memory_space<vmem>>, vector<1x16xf32>,
            %swap3A_477 = vector.shape_cast %swap3A_476 : vector<1x16xf32> to vector<16xf32>
            %swap3A_478 = vector.shape_cast %mul3A_473 : vector<16xf32> to vector<1x16xf32>
            tpu.vector_store %run_scoped3A_6[%swap3A_474, %swap3A_475], %swap3A_478 {strides = array<i32>} : memref<80x128xf32, #tpu.memory_space<vmem>>, vector<1x16xf32>,
            %slice3A_479 = vector.extract_strided_slice %get3A_292 {offsets = [2], sizes = [1], strides = [1]} : vector<16xf32> to vector<1xf32>
            %squeeze3A_480 = vector.extract %slice3A_479[0] : f32 from vector<1xf32>
            %mul3A_481 = arith.constant 16 : i32
            %mul3A_482 = arith.muli %scan3A_287, %mul3A_481 : i32
            %add3A_483 = arith.constant 2 : i32
            %add3A_484 = arith.addi %mul3A_482, %add3A_483 : i32
            %get3A_485 = arith.index_cast %add3A_484 : i32 to index
            %get3A_486 = arith.constant 0 : index
            %get3A_487 = tpu.vector_load %run_scoped3A_6[%get3A_485, %get3A_486] {strides = array<i32>} : memref<80x128xf32, #tpu.memory_space<vmem>>, vector<1x16xf32>,
            %get3A_488 = vector.shape_cast %get3A_487 : vector<1x16xf32> to vector<16xf32>
            %mul3A_489 = vector.broadcast %squeeze3A_480 : f32 to vector<16xf32>
            %mul3A_490 = arith.mulf %get3A_488, %mul3A_489 : vector<16xf32>
            %swap3A_491 = arith.index_cast %add3A_484 : i32 to index
            %swap3A_492 = arith.constant 0 : index
            %swap3A_493 = tpu.vector_load %run_scoped3A_6[%swap3A_491, %swap3A_492] {strides = array<i32>} : memref<80x128xf32, #tpu.memory_space<vmem>>, vector<1x16xf32>,
            %swap3A_494 = vector.shape_cast %swap3A_493 : vector<1x16xf32> to vector<16xf32>
            %swap3A_495 = vector.shape_cast %mul3A_490 : vector<16xf32> to vector<1x16xf32>
            tpu.vector_store %run_scoped3A_6[%swap3A_491, %swap3A_492], %swap3A_495 {strides = array<i32>} : memref<80x128xf32, #tpu.memory_space<vmem>>, vector<1x16xf32>,
            %get3A_496 = arith.index_cast %add3A_484 : i32 to index
            %get3A_497 = arith.constant 16 : index
            %get3A_498 = tpu.vector_load %run_scoped3A_6[%get3A_496, %get3A_497] {strides = array<i32>} : memref<80x128xf32, #tpu.memory_space<vmem>>, vector<1x16xf32>,
            %get3A_499 = vector.shape_cast %get3A_498 : vector<1x16xf32> to vector<16xf32>
            %mul3A_500 = vector.broadcast %squeeze3A_480 : f32 to vector<16xf32>
            %mul3A_501 = arith.mulf %get3A_499, %mul3A_500 : vector<16xf32>
            %swap3A_502 = arith.index_cast %add3A_484 : i32 to index
            %swap3A_503 = arith.constant 16 : index
            %swap3A_504 = tpu.vector_load %run_scoped3A_6[%swap3A_502, %swap3A_503] {strides = array<i32>} : memref<80x128xf32, #tpu.memory_space<vmem>>, vector<1x16xf32>,
            %swap3A_505 = vector.shape_cast %swap3A_504 : vector<1x16xf32> to vector<16xf32>
            %swap3A_506 = vector.shape_cast %mul3A_501 : vector<16xf32> to vector<1x16xf32>
            tpu.vector_store %run_scoped3A_6[%swap3A_502, %swap3A_503], %swap3A_506 {strides = array<i32>} : memref<80x128xf32, #tpu.memory_space<vmem>>, vector<1x16xf32>,
            %get3A_507 = arith.index_cast %add3A_484 : i32 to index
            %get3A_508 = arith.constant 32 : index
            %get3A_509 = tpu.vector_load %run_scoped3A_6[%get3A_507, %get3A_508] {strides = array<i32>} : memref<80x128xf32, #tpu.memory_space<vmem>>, vector<1x16xf32>,
            %get3A_510 = vector.shape_cast %get3A_509 : vector<1x16xf32> to vector<16xf32>
            %mul3A_511 = vector.broadcast %squeeze3A_480 : f32 to vector<16xf32>
            %mul3A_512 = arith.mulf %get3A_510, %mul3A_511 : vector<16xf32>
            %swap3A_513 = arith.index_cast %add3A_484 : i32 to index
            %swap3A_514 = arith.constant 32 : index
            %swap3A_515 = tpu.vector_load %run_scoped3A_6[%swap3A_513, %swap3A_514] {strides = array<i32>} : memref<80x128xf32, #tpu.memory_space<vmem>>, vector<1x16xf32>,
            %swap3A_516 = vector.shape_cast %swap3A_515 : vector<1x16xf32> to vector<16xf32>
            %swap3A_517 = vector.shape_cast %mul3A_512 : vector<16xf32> to vector<1x16xf32>
            tpu.vector_store %run_scoped3A_6[%swap3A_513, %swap3A_514], %swap3A_517 {strides = array<i32>} : memref<80x128xf32, #tpu.memory_space<vmem>>, vector<1x16xf32>,
            %get3A_518 = arith.index_cast %add3A_484 : i32 to index
            %get3A_519 = arith.constant 48 : index
            %get3A_520 = tpu.vector_load %run_scoped3A_6[%get3A_518, %get3A_519] {strides = array<i32>} : memref<80x128xf32, #tpu.memory_space<vmem>>, vector<1x16xf32>,
            %get3A_521 = vector.shape_cast %get3A_520 : vector<1x16xf32> to vector<16xf32>
            %mul3A_522 = vector.broadcast %squeeze3A_480 : f32 to vector<16xf32>
            %mul3A_523 = arith.mulf %get3A_521, %mul3A_522 : vector<16xf32>
            %swap3A_524 = arith.index_cast %add3A_484 : i32 to index
            %swap3A_525 = arith.constant 48 : index
            %swap3A_526 = tpu.vector_load %run_scoped3A_6[%swap3A_524, %swap3A_525] {strides = array<i32>} : memref<80x128xf32, #tpu.memory_space<vmem>>, vector<1x16xf32>,
            %swap3A_527 = vector.shape_cast %swap3A_526 : vector<1x16xf32> to vector<16xf32>
            %swap3A_528 = vector.shape_cast %mul3A_523 : vector<16xf32> to vector<1x16xf32>
            tpu.vector_store %run_scoped3A_6[%swap3A_524, %swap3A_525], %swap3A_528 {strides = array<i32>} : memref<80x128xf32, #tpu.memory_space<vmem>>, vector<1x16xf32>,
            %get3A_529 = arith.index_cast %add3A_484 : i32 to index
            %get3A_530 = arith.constant 64 : index
            %get3A_531 = tpu.vector_load %run_scoped3A_6[%get3A_529, %get3A_530] {strides = array<i32>} : memref<80x128xf32, #tpu.memory_space<vmem>>, vector<1x16xf32>,
            %get3A_532 = vector.shape_cast %get3A_531 : vector<1x16xf32> to vector<16xf32>
            %mul3A_533 = vector.broadcast %squeeze3A_480 : f32 to vector<16xf32>
            %mul3A_534 = arith.mulf %get3A_532, %mul3A_533 : vector<16xf32>
            %swap3A_535 = arith.index_cast %add3A_484 : i32 to index
            %swap3A_536 = arith.constant 64 : index
            %swap3A_537 = tpu.vector_load %run_scoped3A_6[%swap3A_535, %swap3A_536] {strides = array<i32>} : memref<80x128xf32, #tpu.memory_space<vmem>>, vector<1x16xf32>,
            %swap3A_538 = vector.shape_cast %swap3A_537 : vector<1x16xf32> to vector<16xf32>
            %swap3A_539 = vector.shape_cast %mul3A_534 : vector<16xf32> to vector<1x16xf32>
            tpu.vector_store %run_scoped3A_6[%swap3A_535, %swap3A_536], %swap3A_539 {strides = array<i32>} : memref<80x128xf32, #tpu.memory_space<vmem>>, vector<1x16xf32>,
            %get3A_540 = arith.index_cast %add3A_484 : i32 to index
            %get3A_541 = arith.constant 80 : index
            %get3A_542 = tpu.vector_load %run_scoped3A_6[%get3A_540, %get3A_541] {strides = array<i32>} : memref<80x128xf32, #tpu.memory_space<vmem>>, vector<1x16xf32>,
            %get3A_543 = vector.shape_cast %get3A_542 : vector<1x16xf32> to vector<16xf32>
            %mul3A_544 = vector.broadcast %squeeze3A_480 : f32 to vector<16xf32>
            %mul3A_545 = arith.mulf %get3A_543, %mul3A_544 : vector<16xf32>
            %swap3A_546 = arith.index_cast %add3A_484 : i32 to index
            %swap3A_547 = arith.constant 80 : index
            %swap3A_548 = tpu.vector_load %run_scoped3A_6[%swap3A_546, %swap3A_547] {strides = array<i32>} : memref<80x128xf32, #tpu.memory_space<vmem>>, vector<1x16xf32>,
            %swap3A_549 = vector.shape_cast %swap3A_548 : vector<1x16xf32> to vector<16xf32>
            %swap3A_550 = vector.shape_cast %mul3A_545 : vector<16xf32> to vector<1x16xf32>
            tpu.vector_store %run_scoped3A_6[%swap3A_546, %swap3A_547], %swap3A_550 {strides = array<i32>} : memref<80x128xf32, #tpu.memory_space<vmem>>, vector<1x16xf32>,
            %get3A_551 = arith.index_cast %add3A_484 : i32 to index
            %get3A_552 = arith.constant 96 : index
            %get3A_553 = tpu.vector_load %run_scoped3A_6[%get3A_551, %get3A_552] {strides = array<i32>} : memref<80x128xf32, #tpu.memory_space<vmem>>, vector<1x16xf32>,
            %get3A_554 = vector.shape_cast %get3A_553 : vector<1x16xf32> to vector<16xf32>
            %mul3A_555 = vector.broadcast %squeeze3A_480 : f32 to vector<16xf32>
            %mul3A_556 = arith.mulf %get3A_554, %mul3A_555 : vector<16xf32>
            %swap3A_557 = arith.index_cast %add3A_484 : i32 to index
            %swap3A_558 = arith.constant 96 : index
            %swap3A_559 = tpu.vector_load %run_scoped3A_6[%swap3A_557, %swap3A_558] {strides = array<i32>} : memref<80x128xf32, #tpu.memory_space<vmem>>, vector<1x16xf32>,
            %swap3A_560 = vector.shape_cast %swap3A_559 : vector<1x16xf32> to vector<16xf32>
            %swap3A_561 = vector.shape_cast %mul3A_556 : vector<16xf32> to vector<1x16xf32>
            tpu.vector_store %run_scoped3A_6[%swap3A_557, %swap3A_558], %swap3A_561 {strides = array<i32>} : memref<80x128xf32, #tpu.memory_space<vmem>>, vector<1x16xf32>,
            %get3A_562 = arith.index_cast %add3A_484 : i32 to index
            %get3A_563 = arith.constant 112 : index
            %get3A_564 = tpu.vector_load %run_scoped3A_6[%get3A_562, %get3A_563] {strides = array<i32>} : memref<80x128xf32, #tpu.memory_space<vmem>>, vector<1x16xf32>,
            %get3A_565 = vector.shape_cast %get3A_564 : vector<1x16xf32> to vector<16xf32>
            %mul3A_566 = vector.broadcast %squeeze3A_480 : f32 to vector<16xf32>
            %mul3A_567 = arith.mulf %get3A_565, %mul3A_566 : vector<16xf32>
            %swap3A_568 = arith.index_cast %add3A_484 : i32 to index
            %swap3A_569 = arith.constant 112 : index
            %swap3A_570 = tpu.vector_load %run_scoped3A_6[%swap3A_568, %swap3A_569] {strides = array<i32>} : memref<80x128xf32, #tpu.memory_space<vmem>>, vector<1x16xf32>,
            %swap3A_571 = vector.shape_cast %swap3A_570 : vector<1x16xf32> to vector<16xf32>
            %swap3A_572 = vector.shape_cast %mul3A_567 : vector<16xf32> to vector<1x16xf32>
            tpu.vector_store %run_scoped3A_6[%swap3A_568, %swap3A_569], %swap3A_572 {strides = array<i32>} : memref<80x128xf32, #tpu.memory_space<vmem>>, vector<1x16xf32>,
            %slice3A_573 = vector.extract_strided_slice %get3A_292 {offsets = [3], sizes = [1], strides = [1]} : vector<16xf32> to vector<1xf32>
            %squeeze3A_574 = vector.extract %slice3A_573[0] : f32 from vector<1xf32>
            %mul3A_575 = arith.constant 16 : i32
            %mul3A_576 = arith.muli %scan3A_287, %mul3A_575 : i32
            %add3A_577 = arith.constant 3 : i32
            %add3A_578 = arith.addi %mul3A_576, %add3A_577 : i32
            %get3A_579 = arith.index_cast %add3A_578 : i32 to index
            %get3A_580 = arith.constant 0 : index
            %get3A_581 = tpu.vector_load %run_scoped3A_6[%get3A_579, %get3A_580] {strides = array<i32>} : memref<80x128xf32, #tpu.memory_space<vmem>>, vector<1x16xf32>,
            %get3A_582 = vector.shape_cast %get3A_581 : vector<1x16xf32> to vector<16xf32>
            %mul3A_583 = vector.broadcast %squeeze3A_574 : f32 to vector<16xf32>
            %mul3A_584 = arith.mulf %get3A_582, %mul3A_583 : vector<16xf32>
            %swap3A_585 = arith.index_cast %add3A_578 : i32 to index
            %swap3A_586 = arith.constant 0 : index
            %swap3A_587 = tpu.vector_load %run_scoped3A_6[%swap3A_585, %swap3A_586] {strides = array<i32>} : memref<80x128xf32, #tpu.memory_space<vmem>>, vector<1x16xf32>,
            %swap3A_588 = vector.shape_cast %swap3A_587 : vector<1x16xf32> to vector<16xf32>
            %swap3A_589 = vector.shape_cast %mul3A_584 : vector<16xf32> to vector<1x16xf32>
            tpu.vector_store %run_scoped3A_6[%swap3A_585, %swap3A_586], %swap3A_589 {strides = array<i32>} : memref<80x128xf32, #tpu.memory_space<vmem>>, vector<1x16xf32>,
            %get3A_590 = arith.index_cast %add3A_578 : i32 to index
            %get3A_591 = arith.constant 16 : index
            %get3A_592 = tpu.vector_load %run_scoped3A_6[%get3A_590, %get3A_591] {strides = array<i32>} : memref<80x128xf32, #tpu.memory_space<vmem>>, vector<1x16xf32>,
            %get3A_593 = vector.shape_cast %get3A_592 : vector<1x16xf32> to vector<16xf32>
            %mul3A_594 = vector.broadcast %squeeze3A_574 : f32 to vector<16xf32>
            %mul3A_595 = arith.mulf %get3A_593, %mul3A_594 : vector<16xf32>
            %swap3A_596 = arith.index_cast %add3A_578 : i32 to index
            %swap3A_597 = arith.constant 16 : index
            %swap3A_598 = tpu.vector_load %run_scoped3A_6[%swap3A_596, %swap3A_597] {strides = array<i32>} : memref<80x128xf32, #tpu.memory_space<vmem>>, vector<1x16xf32>,
            %swap3A_599 = vector.shape_cast %swap3A_598 : vector<1x16xf32> to vector<16xf32>
            %swap3A_600 = vector.shape_cast %mul3A_595 : vector<16xf32> to vector<1x16xf32>
            tpu.vector_store %run_scoped3A_6[%swap3A_596, %swap3A_597], %swap3A_600 {strides = array<i32>} : memref<80x128xf32, #tpu.memory_space<vmem>>, vector<1x16xf32>,
            %get3A_601 = arith.index_cast %add3A_578 : i32 to index
            %get3A_602 = arith.constant 32 : index
            %get3A_603 = tpu.vector_load %run_scoped3A_6[%get3A_601, %get3A_602] {strides = array<i32>} : memref<80x128xf32, #tpu.memory_space<vmem>>, vector<1x16xf32>,
            %get3A_604 = vector.shape_cast %get3A_603 : vector<1x16xf32> to vector<16xf32>
            %mul3A_605 = vector.broadcast %squeeze3A_574 : f32 to vector<16xf32>
            %mul3A_606 = arith.mulf %get3A_604, %mul3A_605 : vector<16xf32>
            %swap3A_607 = arith.index_cast %add3A_578 : i32 to index
            %swap3A_608 = arith.constant 32 : index
            %swap3A_609 = tpu.vector_load %run_scoped3A_6[%swap3A_607, %swap3A_608] {strides = array<i32>} : memref<80x128xf32, #tpu.memory_space<vmem>>, vector<1x16xf32>,
            %swap3A_610 = vector.shape_cast %swap3A_609 : vector<1x16xf32> to vector<16xf32>
            %swap3A_611 = vector.shape_cast %mul3A_606 : vector<16xf32> to vector<1x16xf32>
            tpu.vector_store %run_scoped3A_6[%swap3A_607, %swap3A_608], %swap3A_611 {strides = array<i32>} : memref<80x128xf32, #tpu.memory_space<vmem>>, vector<1x16xf32>,
            %get3A_612 = arith.index_cast %add3A_578 : i32 to index
            %get3A_613 = arith.constant 48 : index
            %get3A_614 = tpu.vector_load %run_scoped3A_6[%get3A_612, %get3A_613] {strides = array<i32>} : memref<80x128xf32, #tpu.memory_space<vmem>>, vector<1x16xf32>,
            %get3A_615 = vector.shape_cast %get3A_614 : vector<1x16xf32> to vector<16xf32>
            %mul3A_616 = vector.broadcast %squeeze3A_574 : f32 to vector<16xf32>
            %mul3A_617 = arith.mulf %get3A_615, %mul3A_616 : vector<16xf32>
            %swap3A_618 = arith.index_cast %add3A_578 : i32 to index
            %swap3A_619 = arith.constant 48 : index
            %swap3A_620 = tpu.vector_load %run_scoped3A_6[%swap3A_618, %swap3A_619] {strides = array<i32>} : memref<80x128xf32, #tpu.memory_space<vmem>>, vector<1x16xf32>,
            %swap3A_621 = vector.shape_cast %swap3A_620 : vector<1x16xf32> to vector<16xf32>
            %swap3A_622 = vector.shape_cast %mul3A_617 : vector<16xf32> to vector<1x16xf32>
            tpu.vector_store %run_scoped3A_6[%swap3A_618, %swap3A_619], %swap3A_622 {strides = array<i32>} : memref<80x128xf32, #tpu.memory_space<vmem>>, vector<1x16xf32>,
            %get3A_623 = arith.index_cast %add3A_578 : i32 to index
            %get3A_624 = arith.constant 64 : index
            %get3A_625 = tpu.vector_load %run_scoped3A_6[%get3A_623, %get3A_624] {strides = array<i32>} : memref<80x128xf32, #tpu.memory_space<vmem>>, vector<1x16xf32>,
            %get3A_626 = vector.shape_cast %get3A_625 : vector<1x16xf32> to vector<16xf32>
            %mul3A_627 = vector.broadcast %squeeze3A_574 : f32 to vector<16xf32>
            %mul3A_628 = arith.mulf %get3A_626, %mul3A_627 : vector<16xf32>
            %swap3A_629 = arith.index_cast %add3A_578 : i32 to index
            %swap3A_630 = arith.constant 64 : index
            %swap3A_631 = tpu.vector_load %run_scoped3A_6[%swap3A_629, %swap3A_630] {strides = array<i32>} : memref<80x128xf32, #tpu.memory_space<vmem>>, vector<1x16xf32>,
            %swap3A_632 = vector.shape_cast %swap3A_631 : vector<1x16xf32> to vector<16xf32>
            %swap3A_633 = vector.shape_cast %mul3A_628 : vector<16xf32> to vector<1x16xf32>
            tpu.vector_store %run_scoped3A_6[%swap3A_629, %swap3A_630], %swap3A_633 {strides = array<i32>} : memref<80x128xf32, #tpu.memory_space<vmem>>, vector<1x16xf32>,
            %get3A_634 = arith.index_cast %add3A_578 : i32 to index
            %get3A_635 = arith.constant 80 : index
            %get3A_636 = tpu.vector_load %run_scoped3A_6[%get3A_634, %get3A_635] {strides = array<i32>} : memref<80x128xf32, #tpu.memory_space<vmem>>, vector<1x16xf32>,
            %get3A_637 = vector.shape_cast %get3A_636 : vector<1x16xf32> to vector<16xf32>
            %mul3A_638 = vector.broadcast %squeeze3A_574 : f32 to vector<16xf32>
            %mul3A_639 = arith.mulf %get3A_637, %mul3A_638 : vector<16xf32>
            %swap3A_640 = arith.index_cast %add3A_578 : i32 to index
            %swap3A_641 = arith.constant 80 : index
            %swap3A_642 = tpu.vector_load %run_scoped3A_6[%swap3A_640, %swap3A_641] {strides = array<i32>} : memref<80x128xf32, #tpu.memory_space<vmem>>, vector<1x16xf32>,
            %swap3A_643 = vector.shape_cast %swap3A_642 : vector<1x16xf32> to vector<16xf32>
            %swap3A_644 = vector.shape_cast %mul3A_639 : vector<16xf32> to vector<1x16xf32>
            tpu.vector_store %run_scoped3A_6[%swap3A_640, %swap3A_641], %swap3A_644 {strides = array<i32>} : memref<80x128xf32, #tpu.memory_space<vmem>>, vector<1x16xf32>,
            %get3A_645 = arith.index_cast %add3A_578 : i32 to index
            %get3A_646 = arith.constant 96 : index
            %get3A_647 = tpu.vector_load %run_scoped3A_6[%get3A_645, %get3A_646] {strides = array<i32>} : memref<80x128xf32, #tpu.memory_space<vmem>>, vector<1x16xf32>,
            %get3A_648 = vector.shape_cast %get3A_647 : vector<1x16xf32> to vector<16xf32>
            %mul3A_649 = vector.broadcast %squeeze3A_574 : f32 to vector<16xf32>
            %mul3A_650 = arith.mulf %get3A_648, %mul3A_649 : vector<16xf32>
            %swap3A_651 = arith.index_cast %add3A_578 : i32 to index
            %swap3A_652 = arith.constant 96 : index
            %swap3A_653 = tpu.vector_load %run_scoped3A_6[%swap3A_651, %swap3A_652] {strides = array<i32>} : memref<80x128xf32, #tpu.memory_space<vmem>>, vector<1x16xf32>,
            %swap3A_654 = vector.shape_cast %swap3A_653 : vector<1x16xf32> to vector<16xf32>
            %swap3A_655 = vector.shape_cast %mul3A_650 : vector<16xf32> to vector<1x16xf32>
            tpu.vector_store %run_scoped3A_6[%swap3A_651, %swap3A_652], %swap3A_655 {strides = array<i32>} : memref<80x128xf32, #tpu.memory_space<vmem>>, vector<1x16xf32>,
            %get3A_656 = arith.index_cast %add3A_578 : i32 to index
            %get3A_657 = arith.constant 112 : index
            %get3A_658 = tpu.vector_load %run_scoped3A_6[%get3A_656, %get3A_657] {strides = array<i32>} : memref<80x128xf32, #tpu.memory_space<vmem>>, vector<1x16xf32>,
            %get3A_659 = vector.shape_cast %get3A_658 : vector<1x16xf32> to vector<16xf32>
            %mul3A_660 = vector.broadcast %squeeze3A_574 : f32 to vector<16xf32>
            %mul3A_661 = arith.mulf %get3A_659, %mul3A_660 : vector<16xf32>
            %swap3A_662 = arith.index_cast %add3A_578 : i32 to index
            %swap3A_663 = arith.constant 112 : index
            %swap3A_664 = tpu.vector_load %run_scoped3A_6[%swap3A_662, %swap3A_663] {strides = array<i32>} : memref<80x128xf32, #tpu.memory_space<vmem>>, vector<1x16xf32>,
            %swap3A_665 = vector.shape_cast %swap3A_664 : vector<1x16xf32> to vector<16xf32>
            %swap3A_666 = vector.shape_cast %mul3A_661 : vector<16xf32> to vector<1x16xf32>
            tpu.vector_store %run_scoped3A_6[%swap3A_662, %swap3A_663], %swap3A_666 {strides = array<i32>} : memref<80x128xf32, #tpu.memory_space<vmem>>, vector<1x16xf32>,
            %slice3A_667 = vector.extract_strided_slice %get3A_292 {offsets = [4], sizes = [1], strides = [1]} : vector<16xf32> to vector<1xf32>
            %squeeze3A_668 = vector.extract %slice3A_667[0] : f32 from vector<1xf32>
            %mul3A_669 = arith.constant 16 : i32
            %mul3A_670 = arith.muli %scan3A_287, %mul3A_669 : i32
            %add3A_671 = arith.constant 4 : i32
            %add3A_672 = arith.addi %mul3A_670, %add3A_671 : i32
            %get3A_673 = arith.index_cast %add3A_672 : i32 to index
            %get3A_674 = arith.constant 0 : index
            %get3A_675 = tpu.vector_load %run_scoped3A_6[%get3A_673, %get3A_674] {strides = array<i32>} : memref<80x128xf32, #tpu.memory_space<vmem>>, vector<1x16xf32>,
            %get3A_676 = vector.shape_cast %get3A_675 : vector<1x16xf32> to vector<16xf32>
            %mul3A_677 = vector.broadcast %squeeze3A_668 : f32 to vector<16xf32>
            %mul3A_678 = arith.mulf %get3A_676, %mul3A_677 : vector<16xf32>
            %swap3A_679 = arith.index_cast %add3A_672 : i32 to index
            %swap3A_680 = arith.constant 0 : index
            %swap3A_681 = tpu.vector_load %run_scoped3A_6[%swap3A_679, %swap3A_680] {strides = array<i32>} : memref<80x128xf32, #tpu.memory_space<vmem>>, vector<1x16xf32>,
            %swap3A_682 = vector.shape_cast %swap3A_681 : vector<1x16xf32> to vector<16xf32>
            %swap3A_683 = vector.shape_cast %mul3A_678 : vector<16xf32> to vector<1x16xf32>
            tpu.vector_store %run_scoped3A_6[%swap3A_679, %swap3A_680], %swap3A_683 {strides = array<i32>} : memref<80x128xf32, #tpu.memory_space<vmem>>, vector<1x16xf32>,
            %get3A_684 = arith.index_cast %add3A_672 : i32 to index
            %get3A_685 = arith.constant 16 : index
            %get3A_686 = tpu.vector_load %run_scoped3A_6[%get3A_684, %get3A_685] {strides = array<i32>} : memref<80x128xf32, #tpu.memory_space<vmem>>, vector<1x16xf32>,
            %get3A_687 = vector.shape_cast %get3A_686 : vector<1x16xf32> to vector<16xf32>
            %mul3A_688 = vector.broadcast %squeeze3A_668 : f32 to vector<16xf32>
            %mul3A_689 = arith.mulf %get3A_687, %mul3A_688 : vector<16xf32>
            %swap3A_690 = arith.index_cast %add3A_672 : i32 to index
            %swap3A_691 = arith.constant 16 : index
            %swap3A_692 = tpu.vector_load %run_scoped3A_6[%swap3A_690, %swap3A_691] {strides = array<i32>} : memref<80x128xf32, #tpu.memory_space<vmem>>, vector<1x16xf32>,
            %swap3A_693 = vector.shape_cast %swap3A_692 : vector<1x16xf32> to vector<16xf32>
            %swap3A_694 = vector.shape_cast %mul3A_689 : vector<16xf32> to vector<1x16xf32>
            tpu.vector_store %run_scoped3A_6[%swap3A_690, %swap3A_691], %swap3A_694 {strides = array<i32>} : memref<80x128xf32, #tpu.memory_space<vmem>>, vector<1x16xf32>,
            %get3A_695 = arith.index_cast %add3A_672 : i32 to index
            %get3A_696 = arith.constant 32 : index
            %get3A_697 = tpu.vector_load %run_scoped3A_6[%get3A_695, %get3A_696] {strides = array<i32>} : memref<80x128xf32, #tpu.memory_space<vmem>>, vector<1x16xf32>,
            %get3A_698 = vector.shape_cast %get3A_697 : vector<1x16xf32> to vector<16xf32>
            %mul3A_699 = vector.broadcast %squeeze3A_668 : f32 to vector<16xf32>
            %mul3A_700 = arith.mulf %get3A_698, %mul3A_699 : vector<16xf32>
            %swap3A_701 = arith.index_cast %add3A_672 : i32 to index
            %swap3A_702 = arith.constant 32 : index
            %swap3A_703 = tpu.vector_load %run_scoped3A_6[%swap3A_701, %swap3A_702] {strides = array<i32>} : memref<80x128xf32, #tpu.memory_space<vmem>>, vector<1x16xf32>,
            %swap3A_704 = vector.shape_cast %swap3A_703 : vector<1x16xf32> to vector<16xf32>
            %swap3A_705 = vector.shape_cast %mul3A_700 : vector<16xf32> to vector<1x16xf32>
            tpu.vector_store %run_scoped3A_6[%swap3A_701, %swap3A_702], %swap3A_705 {strides = array<i32>} : memref<80x128xf32, #tpu.memory_space<vmem>>, vector<1x16xf32>,
            %get3A_706 = arith.index_cast %add3A_672 : i32 to index
            %get3A_707 = arith.constant 48 : index
            %get3A_708 = tpu.vector_load %run_scoped3A_6[%get3A_706, %get3A_707] {strides = array<i32>} : memref<80x128xf32, #tpu.memory_space<vmem>>, vector<1x16xf32>,
            %get3A_709 = vector.shape_cast %get3A_708 : vector<1x16xf32> to vector<16xf32>
            %mul3A_710 = vector.broadcast %squeeze3A_668 : f32 to vector<16xf32>
            %mul3A_711 = arith.mulf %get3A_709, %mul3A_710 : vector<16xf32>
            %swap3A_712 = arith.index_cast %add3A_672 : i32 to index
            %swap3A_713 = arith.constant 48 : index
            %swap3A_714 = tpu.vector_load %run_scoped3A_6[%swap3A_712, %swap3A_713] {strides = array<i32>} : memref<80x128xf32, #tpu.memory_space<vmem>>, vector<1x16xf32>,
            %swap3A_715 = vector.shape_cast %swap3A_714 : vector<1x16xf32> to vector<16xf32>
            %swap3A_716 = vector.shape_cast %mul3A_711 : vector<16xf32> to vector<1x16xf32>
            tpu.vector_store %run_scoped3A_6[%swap3A_712, %swap3A_713], %swap3A_716 {strides = array<i32>} : memref<80x128xf32, #tpu.memory_space<vmem>>, vector<1x16xf32>,
            %get3A_717 = arith.index_cast %add3A_672 : i32 to index
            %get3A_718 = arith.constant 64 : index
            %get3A_719 = tpu.vector_load %run_scoped3A_6[%get3A_717, %get3A_718] {strides = array<i32>} : memref<80x128xf32, #tpu.memory_space<vmem>>, vector<1x16xf32>,
            %get3A_720 = vector.shape_cast %get3A_719 : vector<1x16xf32> to vector<16xf32>
            %mul3A_721 = vector.broadcast %squeeze3A_668 : f32 to vector<16xf32>
            %mul3A_722 = arith.mulf %get3A_720, %mul3A_721 : vector<16xf32>
            %swap3A_723 = arith.index_cast %add3A_672 : i32 to index
            %swap3A_724 = arith.constant 64 : index
            %swap3A_725 = tpu.vector_load %run_scoped3A_6[%swap3A_723, %swap3A_724] {strides = array<i32>} : memref<80x128xf32, #tpu.memory_space<vmem>>, vector<1x16xf32>,
            %swap3A_726 = vector.shape_cast %swap3A_725 : vector<1x16xf32> to vector<16xf32>
            %swap3A_727 = vector.shape_cast %mul3A_722 : vector<16xf32> to vector<1x16xf32>
            tpu.vector_store %run_scoped3A_6[%swap3A_723, %swap3A_724], %swap3A_727 {strides = array<i32>} : memref<80x128xf32, #tpu.memory_space<vmem>>, vector<1x16xf32>,
            %get3A_728 = arith.index_cast %add3A_672 : i32 to index
            %get3A_729 = arith.constant 80 : index
            %get3A_730 = tpu.vector_load %run_scoped3A_6[%get3A_728, %get3A_729] {strides = array<i32>} : memref<80x128xf32, #tpu.memory_space<vmem>>, vector<1x16xf32>,
            %get3A_731 = vector.shape_cast %get3A_730 : vector<1x16xf32> to vector<16xf32>
            %mul3A_732 = vector.broadcast %squeeze3A_668 : f32 to vector<16xf32>
            %mul3A_733 = arith.mulf %get3A_731, %mul3A_732 : vector<16xf32>
            %swap3A_734 = arith.index_cast %add3A_672 : i32 to index
            %swap3A_735 = arith.constant 80 : index
            %swap3A_736 = tpu.vector_load %run_scoped3A_6[%swap3A_734, %swap3A_735] {strides = array<i32>} : memref<80x128xf32, #tpu.memory_space<vmem>>, vector<1x16xf32>,
            %swap3A_737 = vector.shape_cast %swap3A_736 : vector<1x16xf32> to vector<16xf32>
            %swap3A_738 = vector.shape_cast %mul3A_733 : vector<16xf32> to vector<1x16xf32>
            tpu.vector_store %run_scoped3A_6[%swap3A_734, %swap3A_735], %swap3A_738 {strides = array<i32>} : memref<80x128xf32, #tpu.memory_space<vmem>>, vector<1x16xf32>,
            %get3A_739 = arith.index_cast %add3A_672 : i32 to index
            %get3A_740 = arith.constant 96 : index
            %get3A_741 = tpu.vector_load %run_scoped3A_6[%get3A_739, %get3A_740] {strides = array<i32>} : memref<80x128xf32, #tpu.memory_space<vmem>>, vector<1x16xf32>,
            %get3A_742 = vector.shape_cast %get3A_741 : vector<1x16xf32> to vector<16xf32>
            %mul3A_743 = vector.broadcast %squeeze3A_668 : f32 to vector<16xf32>
            %mul3A_744 = arith.mulf %get3A_742, %mul3A_743 : vector<16xf32>
            %swap3A_745 = arith.index_cast %add3A_672 : i32 to index
            %swap3A_746 = arith.constant 96 : index
            %swap3A_747 = tpu.vector_load %run_scoped3A_6[%swap3A_745, %swap3A_746] {strides = array<i32>} : memref<80x128xf32, #tpu.memory_space<vmem>>, vector<1x16xf32>,
            %swap3A_748 = vector.shape_cast %swap3A_747 : vector<1x16xf32> to vector<16xf32>
            %swap3A_749 = vector.shape_cast %mul3A_744 : vector<16xf32> to vector<1x16xf32>
            tpu.vector_store %run_scoped3A_6[%swap3A_745, %swap3A_746], %swap3A_749 {strides = array<i32>} : memref<80x128xf32, #tpu.memory_space<vmem>>, vector<1x16xf32>,
            %get3A_750 = arith.index_cast %add3A_672 : i32 to index
            %get3A_751 = arith.constant 112 : index
            %get3A_752 = tpu.vector_load %run_scoped3A_6[%get3A_750, %get3A_751] {strides = array<i32>} : memref<80x128xf32, #tpu.memory_space<vmem>>, vector<1x16xf32>,
            %get3A_753 = vector.shape_cast %get3A_752 : vector<1x16xf32> to vector<16xf32>
            %mul3A_754 = vector.broadcast %squeeze3A_668 : f32 to vector<16xf32>
            %mul3A_755 = arith.mulf %get3A_753, %mul3A_754 : vector<16xf32>
            %swap3A_756 = arith.index_cast %add3A_672 : i32 to index
            %swap3A_757 = arith.constant 112 : index
            %swap3A_758 = tpu.vector_load %run_scoped3A_6[%swap3A_756, %swap3A_757] {strides = array<i32>} : memref<80x128xf32, #tpu.memory_space<vmem>>, vector<1x16xf32>,
            %swap3A_759 = vector.shape_cast %swap3A_758 : vector<1x16xf32> to vector<16xf32>
            %swap3A_760 = vector.shape_cast %mul3A_755 : vector<16xf32> to vector<1x16xf32>
            tpu.vector_store %run_scoped3A_6[%swap3A_756, %swap3A_757], %swap3A_760 {strides = array<i32>} : memref<80x128xf32, #tpu.memory_space<vmem>>, vector<1x16xf32>,
            %slice3A_761 = vector.extract_strided_slice %get3A_292 {offsets = [5], sizes = [1], strides = [1]} : vector<16xf32> to vector<1xf32>
            %squeeze3A_762 = vector.extract %slice3A_761[0] : f32 from vector<1xf32>
            %mul3A_763 = arith.constant 16 : i32
            %mul3A_764 = arith.muli %scan3A_287, %mul3A_763 : i32
            %add3A_765 = arith.constant 5 : i32
            %add3A_766 = arith.addi %mul3A_764, %add3A_765 : i32
            %get3A_767 = arith.index_cast %add3A_766 : i32 to index
            %get3A_768 = arith.constant 0 : index
            %get3A_769 = tpu.vector_load %run_scoped3A_6[%get3A_767, %get3A_768] {strides = array<i32>} : memref<80x128xf32, #tpu.memory_space<vmem>>, vector<1x16xf32>,
            %get3A_770 = vector.shape_cast %get3A_769 : vector<1x16xf32> to vector<16xf32>
            %mul3A_771 = vector.broadcast %squeeze3A_762 : f32 to vector<16xf32>
            %mul3A_772 = arith.mulf %get3A_770, %mul3A_771 : vector<16xf32>
            %swap3A_773 = arith.index_cast %add3A_766 : i32 to index
            %swap3A_774 = arith.constant 0 : index
            %swap3A_775 = tpu.vector_load %run_scoped3A_6[%swap3A_773, %swap3A_774] {strides = array<i32>} : memref<80x128xf32, #tpu.memory_space<vmem>>, vector<1x16xf32>,
            %swap3A_776 = vector.shape_cast %swap3A_775 : vector<1x16xf32> to vector<16xf32>
            %swap3A_777 = vector.shape_cast %mul3A_772 : vector<16xf32> to vector<1x16xf32>
            tpu.vector_store %run_scoped3A_6[%swap3A_773, %swap3A_774], %swap3A_777 {strides = array<i32>} : memref<80x128xf32, #tpu.memory_space<vmem>>, vector<1x16xf32>,
            %get3A_778 = arith.index_cast %add3A_766 : i32 to index
            %get3A_779 = arith.constant 16 : index
            %get3A_780 = tpu.vector_load %run_scoped3A_6[%get3A_778, %get3A_779] {strides = array<i32>} : memref<80x128xf32, #tpu.memory_space<vmem>>, vector<1x16xf32>,
            %get3A_781 = vector.shape_cast %get3A_780 : vector<1x16xf32> to vector<16xf32>
            %mul3A_782 = vector.broadcast %squeeze3A_762 : f32 to vector<16xf32>
            %mul3A_783 = arith.mulf %get3A_781, %mul3A_782 : vector<16xf32>
            %swap3A_784 = arith.index_cast %add3A_766 : i32 to index
            %swap3A_785 = arith.constant 16 : index
            %swap3A_786 = tpu.vector_load %run_scoped3A_6[%swap3A_784, %swap3A_785] {strides = array<i32>} : memref<80x128xf32, #tpu.memory_space<vmem>>, vector<1x16xf32>,
            %swap3A_787 = vector.shape_cast %swap3A_786 : vector<1x16xf32> to vector<16xf32>
            %swap3A_788 = vector.shape_cast %mul3A_783 : vector<16xf32> to vector<1x16xf32>
            tpu.vector_store %run_scoped3A_6[%swap3A_784, %swap3A_785], %swap3A_788 {strides = array<i32>} : memref<80x128xf32, #tpu.memory_space<vmem>>, vector<1x16xf32>,
            %get3A_789 = arith.index_cast %add3A_766 : i32 to index
            %get3A_790 = arith.constant 32 : index
            %get3A_791 = tpu.vector_load %run_scoped3A_6[%get3A_789, %get3A_790] {strides = array<i32>} : memref<80x128xf32, #tpu.memory_space<vmem>>, vector<1x16xf32>,
            %get3A_792 = vector.shape_cast %get3A_791 : vector<1x16xf32> to vector<16xf32>
            %mul3A_793 = vector.broadcast %squeeze3A_762 : f32 to vector<16xf32>
            %mul3A_794 = arith.mulf %get3A_792, %mul3A_793 : vector<16xf32>
            %swap3A_795 = arith.index_cast %add3A_766 : i32 to index
            %swap3A_796 = arith.constant 32 : index
            %swap3A_797 = tpu.vector_load %run_scoped3A_6[%swap3A_795, %swap3A_796] {strides = array<i32>} : memref<80x128xf32, #tpu.memory_space<vmem>>, vector<1x16xf32>,
            %swap3A_798 = vector.shape_cast %swap3A_797 : vector<1x16xf32> to vector<16xf32>
            %swap3A_799 = vector.shape_cast %mul3A_794 : vector<16xf32> to vector<1x16xf32>
            tpu.vector_store %run_scoped3A_6[%swap3A_795, %swap3A_796], %swap3A_799 {strides = array<i32>} : memref<80x128xf32, #tpu.memory_space<vmem>>, vector<1x16xf32>,
            %get3A_800 = arith.index_cast %add3A_766 : i32 to index
            %get3A_801 = arith.constant 48 : index
            %get3A_802 = tpu.vector_load %run_scoped3A_6[%get3A_800, %get3A_801] {strides = array<i32>} : memref<80x128xf32, #tpu.memory_space<vmem>>, vector<1x16xf32>,
            %get3A_803 = vector.shape_cast %get3A_802 : vector<1x16xf32> to vector<16xf32>
            %mul3A_804 = vector.broadcast %squeeze3A_762 : f32 to vector<16xf32>
            %mul3A_805 = arith.mulf %get3A_803, %mul3A_804 : vector<16xf32>
            %swap3A_806 = arith.index_cast %add3A_766 : i32 to index
            %swap3A_807 = arith.constant 48 : index
            %swap3A_808 = tpu.vector_load %run_scoped3A_6[%swap3A_806, %swap3A_807] {strides = array<i32>} : memref<80x128xf32, #tpu.memory_space<vmem>>, vector<1x16xf32>,
            %swap3A_809 = vector.shape_cast %swap3A_808 : vector<1x16xf32> to vector<16xf32>
            %swap3A_810 = vector.shape_cast %mul3A_805 : vector<16xf32> to vector<1x16xf32>
            tpu.vector_store %run_scoped3A_6[%swap3A_806, %swap3A_807], %swap3A_810 {strides = array<i32>} : memref<80x128xf32, #tpu.memory_space<vmem>>, vector<1x16xf32>,
            %get3A_811 = arith.index_cast %add3A_766 : i32 to index
            %get3A_812 = arith.constant 64 : index
            %get3A_813 = tpu.vector_load %run_scoped3A_6[%get3A_811, %get3A_812] {strides = array<i32>} : memref<80x128xf32, #tpu.memory_space<vmem>>, vector<1x16xf32>,
            %get3A_814 = vector.shape_cast %get3A_813 : vector<1x16xf32> to vector<16xf32>
            %mul3A_815 = vector.broadcast %squeeze3A_762 : f32 to vector<16xf32>
            %mul3A_816 = arith.mulf %get3A_814, %mul3A_815 : vector<16xf32>
            %swap3A_817 = arith.index_cast %add3A_766 : i32 to index
            %swap3A_818 = arith.constant 64 : index
            %swap3A_819 = tpu.vector_load %run_scoped3A_6[%swap3A_817, %swap3A_818] {strides = array<i32>} : memref<80x128xf32, #tpu.memory_space<vmem>>, vector<1x16xf32>,
            %swap3A_820 = vector.shape_cast %swap3A_819 : vector<1x16xf32> to vector<16xf32>
            %swap3A_821 = vector.shape_cast %mul3A_816 : vector<16xf32> to vector<1x16xf32>
            tpu.vector_store %run_scoped3A_6[%swap3A_817, %swap3A_818], %swap3A_821 {strides = array<i32>} : memref<80x128xf32, #tpu.memory_space<vmem>>, vector<1x16xf32>,
            %get3A_822 = arith.index_cast %add3A_766 : i32 to index
            %get3A_823 = arith.constant 80 : index
            %get3A_824 = tpu.vector_load %run_scoped3A_6[%get3A_822, %get3A_823] {strides = array<i32>} : memref<80x128xf32, #tpu.memory_space<vmem>>, vector<1x16xf32>,
            %get3A_825 = vector.shape_cast %get3A_824 : vector<1x16xf32> to vector<16xf32>
            %mul3A_826 = vector.broadcast %squeeze3A_762 : f32 to vector<16xf32>
            %mul3A_827 = arith.mulf %get3A_825, %mul3A_826 : vector<16xf32>
            %swap3A_828 = arith.index_cast %add3A_766 : i32 to index
            %swap3A_829 = arith.constant 80 : index
            %swap3A_830 = tpu.vector_load %run_scoped3A_6[%swap3A_828, %swap3A_829] {strides = array<i32>} : memref<80x128xf32, #tpu.memory_space<vmem>>, vector<1x16xf32>,
            %swap3A_831 = vector.shape_cast %swap3A_830 : vector<1x16xf32> to vector<16xf32>
            %swap3A_832 = vector.shape_cast %mul3A_827 : vector<16xf32> to vector<1x16xf32>
            tpu.vector_store %run_scoped3A_6[%swap3A_828, %swap3A_829], %swap3A_832 {strides = array<i32>} : memref<80x128xf32, #tpu.memory_space<vmem>>, vector<1x16xf32>,
            %get3A_833 = arith.index_cast %add3A_766 : i32 to index
            %get3A_834 = arith.constant 96 : index
            %get3A_835 = tpu.vector_load %run_scoped3A_6[%get3A_833, %get3A_834] {strides = array<i32>} : memref<80x128xf32, #tpu.memory_space<vmem>>, vector<1x16xf32>,
            %get3A_836 = vector.shape_cast %get3A_835 : vector<1x16xf32> to vector<16xf32>
            %mul3A_837 = vector.broadcast %squeeze3A_762 : f32 to vector<16xf32>
            %mul3A_838 = arith.mulf %get3A_836, %mul3A_837 : vector<16xf32>
            %swap3A_839 = arith.index_cast %add3A_766 : i32 to index
            %swap3A_840 = arith.constant 96 : index
            %swap3A_841 = tpu.vector_load %run_scoped3A_6[%swap3A_839, %swap3A_840] {strides = array<i32>} : memref<80x128xf32, #tpu.memory_space<vmem>>, vector<1x16xf32>,
            %swap3A_842 = vector.shape_cast %swap3A_841 : vector<1x16xf32> to vector<16xf32>
            %swap3A_843 = vector.shape_cast %mul3A_838 : vector<16xf32> to vector<1x16xf32>
            tpu.vector_store %run_scoped3A_6[%swap3A_839, %swap3A_840], %swap3A_843 {strides = array<i32>} : memref<80x128xf32, #tpu.memory_space<vmem>>, vector<1x16xf32>,
            %get3A_844 = arith.index_cast %add3A_766 : i32 to index
            %get3A_845 = arith.constant 112 : index
            %get3A_846 = tpu.vector_load %run_scoped3A_6[%get3A_844, %get3A_845] {strides = array<i32>} : memref<80x128xf32, #tpu.memory_space<vmem>>, vector<1x16xf32>,
            %get3A_847 = vector.shape_cast %get3A_846 : vector<1x16xf32> to vector<16xf32>
            %mul3A_848 = vector.broadcast %squeeze3A_762 : f32 to vector<16xf32>
            %mul3A_849 = arith.mulf %get3A_847, %mul3A_848 : vector<16xf32>
            %swap3A_850 = arith.index_cast %add3A_766 : i32 to index
            %swap3A_851 = arith.constant 112 : index
            %swap3A_852 = tpu.vector_load %run_scoped3A_6[%swap3A_850, %swap3A_851] {strides = array<i32>} : memref<80x128xf32, #tpu.memory_space<vmem>>, vector<1x16xf32>,
            %swap3A_853 = vector.shape_cast %swap3A_852 : vector<1x16xf32> to vector<16xf32>
            %swap3A_854 = vector.shape_cast %mul3A_849 : vector<16xf32> to vector<1x16xf32>
            tpu.vector_store %run_scoped3A_6[%swap3A_850, %swap3A_851], %swap3A_854 {strides = array<i32>} : memref<80x128xf32, #tpu.memory_space<vmem>>, vector<1x16xf32>,
            %slice3A_855 = vector.extract_strided_slice %get3A_292 {offsets = [6], sizes = [1], strides = [1]} : vector<16xf32> to vector<1xf32>
            %squeeze3A_856 = vector.extract %slice3A_855[0] : f32 from vector<1xf32>
            %mul3A_857 = arith.constant 16 : i32
            %mul3A_858 = arith.muli %scan3A_287, %mul3A_857 : i32
            %add3A_859 = arith.constant 6 : i32
            %add3A_860 = arith.addi %mul3A_858, %add3A_859 : i32
            %get3A_861 = arith.index_cast %add3A_860 : i32 to index
            %get3A_862 = arith.constant 0 : index
            %get3A_863 = tpu.vector_load %run_scoped3A_6[%get3A_861, %get3A_862] {strides = array<i32>} : memref<80x128xf32, #tpu.memory_space<vmem>>, vector<1x16xf32>,
            %get3A_864 = vector.shape_cast %get3A_863 : vector<1x16xf32> to vector<16xf32>
            %mul3A_865 = vector.broadcast %squeeze3A_856 : f32 to vector<16xf32>
            %mul3A_866 = arith.mulf %get3A_864, %mul3A_865 : vector<16xf32>
            %swap3A_867 = arith.index_cast %add3A_860 : i32 to index
            %swap3A_868 = arith.constant 0 : index
            %swap3A_869 = tpu.vector_load %run_scoped3A_6[%swap3A_867, %swap3A_868] {strides = array<i32>} : memref<80x128xf32, #tpu.memory_space<vmem>>, vector<1x16xf32>,
            %swap3A_870 = vector.shape_cast %swap3A_869 : vector<1x16xf32> to vector<16xf32>
            %swap3A_871 = vector.shape_cast %mul3A_866 : vector<16xf32> to vector<1x16xf32>
            tpu.vector_store %run_scoped3A_6[%swap3A_867, %swap3A_868], %swap3A_871 {strides = array<i32>} : memref<80x128xf32, #tpu.memory_space<vmem>>, vector<1x16xf32>,
            %get3A_872 = arith.index_cast %add3A_860 : i32 to index
            %get3A_873 = arith.constant 16 : index
            %get3A_874 = tpu.vector_load %run_scoped3A_6[%get3A_872, %get3A_873] {strides = array<i32>} : memref<80x128xf32, #tpu.memory_space<vmem>>, vector<1x16xf32>,
            %get3A_875 = vector.shape_cast %get3A_874 : vector<1x16xf32> to vector<16xf32>
            %mul3A_876 = vector.broadcast %squeeze3A_856 : f32 to vector<16xf32>
            %mul3A_877 = arith.mulf %get3A_875, %mul3A_876 : vector<16xf32>
            %swap3A_878 = arith.index_cast %add3A_860 : i32 to index
            %swap3A_879 = arith.constant 16 : index
            %swap3A_880 = tpu.vector_load %run_scoped3A_6[%swap3A_878, %swap3A_879] {strides = array<i32>} : memref<80x128xf32, #tpu.memory_space<vmem>>, vector<1x16xf32>,
            %swap3A_881 = vector.shape_cast %swap3A_880 : vector<1x16xf32> to vector<16xf32>
            %swap3A_882 = vector.shape_cast %mul3A_877 : vector<16xf32> to vector<1x16xf32>
            tpu.vector_store %run_scoped3A_6[%swap3A_878, %swap3A_879], %swap3A_882 {strides = array<i32>} : memref<80x128xf32, #tpu.memory_space<vmem>>, vector<1x16xf32>,
            %get3A_883 = arith.index_cast %add3A_860 : i32 to index
            %get3A_884 = arith.constant 32 : index
            %get3A_885 = tpu.vector_load %run_scoped3A_6[%get3A_883, %get3A_884] {strides = array<i32>} : memref<80x128xf32, #tpu.memory_space<vmem>>, vector<1x16xf32>,
            %get3A_886 = vector.shape_cast %get3A_885 : vector<1x16xf32> to vector<16xf32>
            %mul3A_887 = vector.broadcast %squeeze3A_856 : f32 to vector<16xf32>
            %mul3A_888 = arith.mulf %get3A_886, %mul3A_887 : vector<16xf32>
            %swap3A_889 = arith.index_cast %add3A_860 : i32 to index
            %swap3A_890 = arith.constant 32 : index
            %swap3A_891 = tpu.vector_load %run_scoped3A_6[%swap3A_889, %swap3A_890] {strides = array<i32>} : memref<80x128xf32, #tpu.memory_space<vmem>>, vector<1x16xf32>,
            %swap3A_892 = vector.shape_cast %swap3A_891 : vector<1x16xf32> to vector<16xf32>
            %swap3A_893 = vector.shape_cast %mul3A_888 : vector<16xf32> to vector<1x16xf32>
            tpu.vector_store %run_scoped3A_6[%swap3A_889, %swap3A_890], %swap3A_893 {strides = array<i32>} : memref<80x128xf32, #tpu.memory_space<vmem>>, vector<1x16xf32>,
            %get3A_894 = arith.index_cast %add3A_860 : i32 to index
            %get3A_895 = arith.constant 48 : index
            %get3A_896 = tpu.vector_load %run_scoped3A_6[%get3A_894, %get3A_895] {strides = array<i32>} : memref<80x128xf32, #tpu.memory_space<vmem>>, vector<1x16xf32>,
            %get3A_897 = vector.shape_cast %get3A_896 : vector<1x16xf32> to vector<16xf32>
            %mul3A_898 = vector.broadcast %squeeze3A_856 : f32 to vector<16xf32>
            %mul3A_899 = arith.mulf %get3A_897, %mul3A_898 : vector<16xf32>
            %swap3A_900 = arith.index_cast %add3A_860 : i32 to index
            %swap3A_901 = arith.constant 48 : index
            %swap3A_902 = tpu.vector_load %run_scoped3A_6[%swap3A_900, %swap3A_901] {strides = array<i32>} : memref<80x128xf32, #tpu.memory_space<vmem>>, vector<1x16xf32>,
            %swap3A_903 = vector.shape_cast %swap3A_902 : vector<1x16xf32> to vector<16xf32>
            %swap3A_904 = vector.shape_cast %mul3A_899 : vector<16xf32> to vector<1x16xf32>
            tpu.vector_store %run_scoped3A_6[%swap3A_900, %swap3A_901], %swap3A_904 {strides = array<i32>} : memref<80x128xf32, #tpu.memory_space<vmem>>, vector<1x16xf32>,
            %get3A_905 = arith.index_cast %add3A_860 : i32 to index
            %get3A_906 = arith.constant 64 : index
            %get3A_907 = tpu.vector_load %run_scoped3A_6[%get3A_905, %get3A_906] {strides = array<i32>} : memref<80x128xf32, #tpu.memory_space<vmem>>, vector<1x16xf32>,
            %get3A_908 = vector.shape_cast %get3A_907 : vector<1x16xf32> to vector<16xf32>
            %mul3A_909 = vector.broadcast %squeeze3A_856 : f32 to vector<16xf32>
            %mul3A_910 = arith.mulf %get3A_908, %mul3A_909 : vector<16xf32>
            %swap3A_911 = arith.index_cast %add3A_860 : i32 to index
            %swap3A_912 = arith.constant 64 : index
            %swap3A_913 = tpu.vector_load %run_scoped3A_6[%swap3A_911, %swap3A_912] {strides = array<i32>} : memref<80x128xf32, #tpu.memory_space<vmem>>, vector<1x16xf32>,
            %swap3A_914 = vector.shape_cast %swap3A_913 : vector<1x16xf32> to vector<16xf32>
            %swap3A_915 = vector.shape_cast %mul3A_910 : vector<16xf32> to vector<1x16xf32>
            tpu.vector_store %run_scoped3A_6[%swap3A_911, %swap3A_912], %swap3A_915 {strides = array<i32>} : memref<80x128xf32, #tpu.memory_space<vmem>>, vector<1x16xf32>,
            %get3A_916 = arith.index_cast %add3A_860 : i32 to index
            %get3A_917 = arith.constant 80 : index
            %get3A_918 = tpu.vector_load %run_scoped3A_6[%get3A_916, %get3A_917] {strides = array<i32>} : memref<80x128xf32, #tpu.memory_space<vmem>>, vector<1x16xf32>,
            %get3A_919 = vector.shape_cast %get3A_918 : vector<1x16xf32> to vector<16xf32>
            %mul3A_920 = vector.broadcast %squeeze3A_856 : f32 to vector<16xf32>
            %mul3A_921 = arith.mulf %get3A_919, %mul3A_920 : vector<16xf32>
            %swap3A_922 = arith.index_cast %add3A_860 : i32 to index
            %swap3A_923 = arith.constant 80 : index
            %swap3A_924 = tpu.vector_load %run_scoped3A_6[%swap3A_922, %swap3A_923] {strides = array<i32>} : memref<80x128xf32, #tpu.memory_space<vmem>>, vector<1x16xf32>,
            %swap3A_925 = vector.shape_cast %swap3A_924 : vector<1x16xf32> to vector<16xf32>
            %swap3A_926 = vector.shape_cast %mul3A_921 : vector<16xf32> to vector<1x16xf32>
            tpu.vector_store %run_scoped3A_6[%swap3A_922, %swap3A_923], %swap3A_926 {strides = array<i32>} : memref<80x128xf32, #tpu.memory_space<vmem>>, vector<1x16xf32>,
            %get3A_927 = arith.index_cast %add3A_860 : i32 to index
            %get3A_928 = arith.constant 96 : index
            %get3A_929 = tpu.vector_load %run_scoped3A_6[%get3A_927, %get3A_928] {strides = array<i32>} : memref<80x128xf32, #tpu.memory_space<vmem>>, vector<1x16xf32>,
            %get3A_930 = vector.shape_cast %get3A_929 : vector<1x16xf32> to vector<16xf32>
            %mul3A_931 = vector.broadcast %squeeze3A_856 : f32 to vector<16xf32>
            %mul3A_932 = arith.mulf %get3A_930, %mul3A_931 : vector<16xf32>
            %swap3A_933 = arith.index_cast %add3A_860 : i32 to index
            %swap3A_934 = arith.constant 96 : index
            %swap3A_935 = tpu.vector_load %run_scoped3A_6[%swap3A_933, %swap3A_934] {strides = array<i32>} : memref<80x128xf32, #tpu.memory_space<vmem>>, vector<1x16xf32>,
            %swap3A_936 = vector.shape_cast %swap3A_935 : vector<1x16xf32> to vector<16xf32>
            %swap3A_937 = vector.shape_cast %mul3A_932 : vector<16xf32> to vector<1x16xf32>
            tpu.vector_store %run_scoped3A_6[%swap3A_933, %swap3A_934], %swap3A_937 {strides = array<i32>} : memref<80x128xf32, #tpu.memory_space<vmem>>, vector<1x16xf32>,
            %get3A_938 = arith.index_cast %add3A_860 : i32 to index
            %get3A_939 = arith.constant 112 : index
            %get3A_940 = tpu.vector_load %run_scoped3A_6[%get3A_938, %get3A_939] {strides = array<i32>} : memref<80x128xf32, #tpu.memory_space<vmem>>, vector<1x16xf32>,
            %get3A_941 = vector.shape_cast %get3A_940 : vector<1x16xf32> to vector<16xf32>
            %mul3A_942 = vector.broadcast %squeeze3A_856 : f32 to vector<16xf32>
            %mul3A_943 = arith.mulf %get3A_941, %mul3A_942 : vector<16xf32>
            %swap3A_944 = arith.index_cast %add3A_860 : i32 to index
            %swap3A_945 = arith.constant 112 : index
            %swap3A_946 = tpu.vector_load %run_scoped3A_6[%swap3A_944, %swap3A_945] {strides = array<i32>} : memref<80x128xf32, #tpu.memory_space<vmem>>, vector<1x16xf32>,
            %swap3A_947 = vector.shape_cast %swap3A_946 : vector<1x16xf32> to vector<16xf32>
            %swap3A_948 = vector.shape_cast %mul3A_943 : vector<16xf32> to vector<1x16xf32>
            tpu.vector_store %run_scoped3A_6[%swap3A_944, %swap3A_945], %swap3A_948 {strides = array<i32>} : memref<80x128xf32, #tpu.memory_space<vmem>>, vector<1x16xf32>,
            %slice3A_949 = vector.extract_strided_slice %get3A_292 {offsets = [7], sizes = [1], strides = [1]} : vector<16xf32> to vector<1xf32>
            %squeeze3A_950 = vector.extract %slice3A_949[0] : f32 from vector<1xf32>
            %mul3A_951 = arith.constant 16 : i32
            %mul3A_952 = arith.muli %scan3A_287, %mul3A_951 : i32
            %add3A_953 = arith.constant 7 : i32
            %add3A_954 = arith.addi %mul3A_952, %add3A_953 : i32
            %get3A_955 = arith.index_cast %add3A_954 : i32 to index
            %get3A_956 = arith.constant 0 : index
            %get3A_957 = tpu.vector_load %run_scoped3A_6[%get3A_955, %get3A_956] {strides = array<i32>} : memref<80x128xf32, #tpu.memory_space<vmem>>, vector<1x16xf32>,
            %get3A_958 = vector.shape_cast %get3A_957 : vector<1x16xf32> to vector<16xf32>
            %mul3A_959 = vector.broadcast %squeeze3A_950 : f32 to vector<16xf32>
            %mul3A_960 = arith.mulf %get3A_958, %mul3A_959 : vector<16xf32>
            %swap3A_961 = arith.index_cast %add3A_954 : i32 to index
            %swap3A_962 = arith.constant 0 : index
            %swap3A_963 = tpu.vector_load %run_scoped3A_6[%swap3A_961, %swap3A_962] {strides = array<i32>} : memref<80x128xf32, #tpu.memory_space<vmem>>, vector<1x16xf32>,
            %swap3A_964 = vector.shape_cast %swap3A_963 : vector<1x16xf32> to vector<16xf32>
            %swap3A_965 = vector.shape_cast %mul3A_960 : vector<16xf32> to vector<1x16xf32>
            tpu.vector_store %run_scoped3A_6[%swap3A_961, %swap3A_962], %swap3A_965 {strides = array<i32>} : memref<80x128xf32, #tpu.memory_space<vmem>>, vector<1x16xf32>,
            %get3A_966 = arith.index_cast %add3A_954 : i32 to index
            %get3A_967 = arith.constant 16 : index
            %get3A_968 = tpu.vector_load %run_scoped3A_6[%get3A_966, %get3A_967] {strides = array<i32>} : memref<80x128xf32, #tpu.memory_space<vmem>>, vector<1x16xf32>,
            %get3A_969 = vector.shape_cast %get3A_968 : vector<1x16xf32> to vector<16xf32>
            %mul3A_970 = vector.broadcast %squeeze3A_950 : f32 to vector<16xf32>
            %mul3A_971 = arith.mulf %get3A_969, %mul3A_970 : vector<16xf32>
            %swap3A_972 = arith.index_cast %add3A_954 : i32 to index
            %swap3A_973 = arith.constant 16 : index
            %swap3A_974 = tpu.vector_load %run_scoped3A_6[%swap3A_972, %swap3A_973] {strides = array<i32>} : memref<80x128xf32, #tpu.memory_space<vmem>>, vector<1x16xf32>,
            %swap3A_975 = vector.shape_cast %swap3A_974 : vector<1x16xf32> to vector<16xf32>
            %swap3A_976 = vector.shape_cast %mul3A_971 : vector<16xf32> to vector<1x16xf32>
            tpu.vector_store %run_scoped3A_6[%swap3A_972, %swap3A_973], %swap3A_976 {strides = array<i32>} : memref<80x128xf32, #tpu.memory_space<vmem>>, vector<1x16xf32>,
            %get3A_977 = arith.index_cast %add3A_954 : i32 to index
            %get3A_978 = arith.constant 32 : index
            %get3A_979 = tpu.vector_load %run_scoped3A_6[%get3A_977, %get3A_978] {strides = array<i32>} : memref<80x128xf32, #tpu.memory_space<vmem>>, vector<1x16xf32>,
            %get3A_980 = vector.shape_cast %get3A_979 : vector<1x16xf32> to vector<16xf32>
            %mul3A_981 = vector.broadcast %squeeze3A_950 : f32 to vector<16xf32>
            %mul3A_982 = arith.mulf %get3A_980, %mul3A_981 : vector<16xf32>
            %swap3A_983 = arith.index_cast %add3A_954 : i32 to index
            %swap3A_984 = arith.constant 32 : index
            %swap3A_985 = tpu.vector_load %run_scoped3A_6[%swap3A_983, %swap3A_984] {strides = array<i32>} : memref<80x128xf32, #tpu.memory_space<vmem>>, vector<1x16xf32>,
            %swap3A_986 = vector.shape_cast %swap3A_985 : vector<1x16xf32> to vector<16xf32>
            %swap3A_987 = vector.shape_cast %mul3A_982 : vector<16xf32> to vector<1x16xf32>
            tpu.vector_store %run_scoped3A_6[%swap3A_983, %swap3A_984], %swap3A_987 {strides = array<i32>} : memref<80x128xf32, #tpu.memory_space<vmem>>, vector<1x16xf32>,
            %get3A_988 = arith.index_cast %add3A_954 : i32 to index
            %get3A_989 = arith.constant 48 : index
            %get3A_990 = tpu.vector_load %run_scoped3A_6[%get3A_988, %get3A_989] {strides = array<i32>} : memref<80x128xf32, #tpu.memory_space<vmem>>, vector<1x16xf32>,
            %get3A_991 = vector.shape_cast %get3A_990 : vector<1x16xf32> to vector<16xf32>
            %mul3A_992 = vector.broadcast %squeeze3A_950 : f32 to vector<16xf32>
            %mul3A_993 = arith.mulf %get3A_991, %mul3A_992 : vector<16xf32>
            %swap3A_994 = arith.index_cast %add3A_954 : i32 to index
            %swap3A_995 = arith.constant 48 : index
            %swap3A_996 = tpu.vector_load %run_scoped3A_6[%swap3A_994, %swap3A_995] {strides = array<i32>} : memref<80x128xf32, #tpu.memory_space<vmem>>, vector<1x16xf32>,
            %swap3A_997 = vector.shape_cast %swap3A_996 : vector<1x16xf32> to vector<16xf32>
            %swap3A_998 = vector.shape_cast %mul3A_993 : vector<16xf32> to vector<1x16xf32>
            tpu.vector_store %run_scoped3A_6[%swap3A_994, %swap3A_995], %swap3A_998 {strides = array<i32>} : memref<80x128xf32, #tpu.memory_space<vmem>>, vector<1x16xf32>,
            %get3A_999 = arith.index_cast %add3A_954 : i32 to index
            %get3A_1000 = arith.constant 64 : index
            %get3A_1001 = tpu.vector_load %run_scoped3A_6[%get3A_999, %get3A_1000] {strides = array<i32>} : memref<80x128xf32, #tpu.memory_space<vmem>>, vector<1x16xf32>,
            %get3A_1002 = vector.shape_cast %get3A_1001 : vector<1x16xf32> to vector<16xf32>
            %mul3A_1003 = vector.broadcast %squeeze3A_950 : f32 to vector<16xf32>
            %mul3A_1004 = arith.mulf %get3A_1002, %mul3A_1003 : vector<16xf32>
            %swap3A_1005 = arith.index_cast %add3A_954 : i32 to index
            %swap3A_1006 = arith.constant 64 : index
            %swap3A_1007 = tpu.vector_load %run_scoped3A_6[%swap3A_1005, %swap3A_1006] {strides = array<i32>} : memref<80x128xf32, #tpu.memory_space<vmem>>, vector<1x16xf32>,
            %swap3A_1008 = vector.shape_cast %swap3A_1007 : vector<1x16xf32> to vector<16xf32>
            %swap3A_1009 = vector.shape_cast %mul3A_1004 : vector<16xf32> to vector<1x16xf32>
            tpu.vector_store %run_scoped3A_6[%swap3A_1005, %swap3A_1006], %swap3A_1009 {strides = array<i32>} : memref<80x128xf32, #tpu.memory_space<vmem>>, vector<1x16xf32>,
            %get3A_1010 = arith.index_cast %add3A_954 : i32 to index
            %get3A_1011 = arith.constant 80 : index
            %get3A_1012 = tpu.vector_load %run_scoped3A_6[%get3A_1010, %get3A_1011] {strides = array<i32>} : memref<80x128xf32, #tpu.memory_space<vmem>>, vector<1x16xf32>,
            %get3A_1013 = vector.shape_cast %get3A_1012 : vector<1x16xf32> to vector<16xf32>
            %mul3A_1014 = vector.broadcast %squeeze3A_950 : f32 to vector<16xf32>
            %mul3A_1015 = arith.mulf %get3A_1013, %mul3A_1014 : vector<16xf32>
            %swap3A_1016 = arith.index_cast %add3A_954 : i32 to index
            %swap3A_1017 = arith.constant 80 : index
            %swap3A_1018 = tpu.vector_load %run_scoped3A_6[%swap3A_1016, %swap3A_1017] {strides = array<i32>} : memref<80x128xf32, #tpu.memory_space<vmem>>, vector<1x16xf32>,
            %swap3A_1019 = vector.shape_cast %swap3A_1018 : vector<1x16xf32> to vector<16xf32>
            %swap3A_1020 = vector.shape_cast %mul3A_1015 : vector<16xf32> to vector<1x16xf32>
            tpu.vector_store %run_scoped3A_6[%swap3A_1016, %swap3A_1017], %swap3A_1020 {strides = array<i32>} : memref<80x128xf32, #tpu.memory_space<vmem>>, vector<1x16xf32>,
            %get3A_1021 = arith.index_cast %add3A_954 : i32 to index
            %get3A_1022 = arith.constant 96 : index
            %get3A_1023 = tpu.vector_load %run_scoped3A_6[%get3A_1021, %get3A_1022] {strides = array<i32>} : memref<80x128xf32, #tpu.memory_space<vmem>>, vector<1x16xf32>,
            %get3A_1024 = vector.shape_cast %get3A_1023 : vector<1x16xf32> to vector<16xf32>
            %mul3A_1025 = vector.broadcast %squeeze3A_950 : f32 to vector<16xf32>
            %mul3A_1026 = arith.mulf %get3A_1024, %mul3A_1025 : vector<16xf32>
            %swap3A_1027 = arith.index_cast %add3A_954 : i32 to index
            %swap3A_1028 = arith.constant 96 : index
            %swap3A_1029 = tpu.vector_load %run_scoped3A_6[%swap3A_1027, %swap3A_1028] {strides = array<i32>} : memref<80x128xf32, #tpu.memory_space<vmem>>, vector<1x16xf32>,
            %swap3A_1030 = vector.shape_cast %swap3A_1029 : vector<1x16xf32> to vector<16xf32>
            %swap3A_1031 = vector.shape_cast %mul3A_1026 : vector<16xf32> to vector<1x16xf32>
            tpu.vector_store %run_scoped3A_6[%swap3A_1027, %swap3A_1028], %swap3A_1031 {strides = array<i32>} : memref<80x128xf32, #tpu.memory_space<vmem>>, vector<1x16xf32>,
            %get3A_1032 = arith.index_cast %add3A_954 : i32 to index
            %get3A_1033 = arith.constant 112 : index
            %get3A_1034 = tpu.vector_load %run_scoped3A_6[%get3A_1032, %get3A_1033] {strides = array<i32>} : memref<80x128xf32, #tpu.memory_space<vmem>>, vector<1x16xf32>,
            %get3A_1035 = vector.shape_cast %get3A_1034 : vector<1x16xf32> to vector<16xf32>
            %mul3A_1036 = vector.broadcast %squeeze3A_950 : f32 to vector<16xf32>
            %mul3A_1037 = arith.mulf %get3A_1035, %mul3A_1036 : vector<16xf32>
            %swap3A_1038 = arith.index_cast %add3A_954 : i32 to index
            %swap3A_1039 = arith.constant 112 : index
            %swap3A_1040 = tpu.vector_load %run_scoped3A_6[%swap3A_1038, %swap3A_1039] {strides = array<i32>} : memref<80x128xf32, #tpu.memory_space<vmem>>, vector<1x16xf32>,
            %swap3A_1041 = vector.shape_cast %swap3A_1040 : vector<1x16xf32> to vector<16xf32>
            %swap3A_1042 = vector.shape_cast %mul3A_1037 : vector<16xf32> to vector<1x16xf32>
            tpu.vector_store %run_scoped3A_6[%swap3A_1038, %swap3A_1039], %swap3A_1042 {strides = array<i32>} : memref<80x128xf32, #tpu.memory_space<vmem>>, vector<1x16xf32>,
            %slice3A_1043 = vector.extract_strided_slice %get3A_292 {offsets = [8], sizes = [1], strides = [1]} : vector<16xf32> to vector<1xf32>
            %squeeze3A_1044 = vector.extract %slice3A_1043[0] : f32 from vector<1xf32>
            %mul3A_1045 = arith.constant 16 : i32
            %mul3A_1046 = arith.muli %scan3A_287, %mul3A_1045 : i32
            %add3A_1047 = arith.constant 8 : i32
            %add3A_1048 = arith.addi %mul3A_1046, %add3A_1047 : i32
            %get3A_1049 = arith.index_cast %add3A_1048 : i32 to index
            %get3A_1050 = arith.constant 0 : index
            %get3A_1051 = tpu.vector_load %run_scoped3A_6[%get3A_1049, %get3A_1050] {strides = array<i32>} : memref<80x128xf32, #tpu.memory_space<vmem>>, vector<1x16xf32>,
            %get3A_1052 = vector.shape_cast %get3A_1051 : vector<1x16xf32> to vector<16xf32>
            %mul3A_1053 = vector.broadcast %squeeze3A_1044 : f32 to vector<16xf32>
            %mul3A_1054 = arith.mulf %get3A_1052, %mul3A_1053 : vector<16xf32>
            %swap3A_1055 = arith.index_cast %add3A_1048 : i32 to index
            %swap3A_1056 = arith.constant 0 : index
            %swap3A_1057 = tpu.vector_load %run_scoped3A_6[%swap3A_1055, %swap3A_1056] {strides = array<i32>} : memref<80x128xf32, #tpu.memory_space<vmem>>, vector<1x16xf32>,
            %swap3A_1058 = vector.shape_cast %swap3A_1057 : vector<1x16xf32> to vector<16xf32>
            %swap3A_1059 = vector.shape_cast %mul3A_1054 : vector<16xf32> to vector<1x16xf32>
            tpu.vector_store %run_scoped3A_6[%swap3A_1055, %swap3A_1056], %swap3A_1059 {strides = array<i32>} : memref<80x128xf32, #tpu.memory_space<vmem>>, vector<1x16xf32>,
            %get3A_1060 = arith.index_cast %add3A_1048 : i32 to index
            %get3A_1061 = arith.constant 16 : index
            %get3A_1062 = tpu.vector_load %run_scoped3A_6[%get3A_1060, %get3A_1061] {strides = array<i32>} : memref<80x128xf32, #tpu.memory_space<vmem>>, vector<1x16xf32>,
            %get3A_1063 = vector.shape_cast %get3A_1062 : vector<1x16xf32> to vector<16xf32>
            %mul3A_1064 = vector.broadcast %squeeze3A_1044 : f32 to vector<16xf32>
            %mul3A_1065 = arith.mulf %get3A_1063, %mul3A_1064 : vector<16xf32>
            %swap3A_1066 = arith.index_cast %add3A_1048 : i32 to index
            %swap3A_1067 = arith.constant 16 : index
            %swap3A_1068 = tpu.vector_load %run_scoped3A_6[%swap3A_1066, %swap3A_1067] {strides = array<i32>} : memref<80x128xf32, #tpu.memory_space<vmem>>, vector<1x16xf32>,
            %swap3A_1069 = vector.shape_cast %swap3A_1068 : vector<1x16xf32> to vector<16xf32>
            %swap3A_1070 = vector.shape_cast %mul3A_1065 : vector<16xf32> to vector<1x16xf32>
            tpu.vector_store %run_scoped3A_6[%swap3A_1066, %swap3A_1067], %swap3A_1070 {strides = array<i32>} : memref<80x128xf32, #tpu.memory_space<vmem>>, vector<1x16xf32>,
            %get3A_1071 = arith.index_cast %add3A_1048 : i32 to index
            %get3A_1072 = arith.constant 32 : index
            %get3A_1073 = tpu.vector_load %run_scoped3A_6[%get3A_1071, %get3A_1072] {strides = array<i32>} : memref<80x128xf32, #tpu.memory_space<vmem>>, vector<1x16xf32>,
            %get3A_1074 = vector.shape_cast %get3A_1073 : vector<1x16xf32> to vector<16xf32>
            %mul3A_1075 = vector.broadcast %squeeze3A_1044 : f32 to vector<16xf32>
            %mul3A_1076 = arith.mulf %get3A_1074, %mul3A_1075 : vector<16xf32>
            %swap3A_1077 = arith.index_cast %add3A_1048 : i32 to index
            %swap3A_1078 = arith.constant 32 : index
            %swap3A_1079 = tpu.vector_load %run_scoped3A_6[%swap3A_1077, %swap3A_1078] {strides = array<i32>} : memref<80x128xf32, #tpu.memory_space<vmem>>, vector<1x16xf32>,
            %swap3A_1080 = vector.shape_cast %swap3A_1079 : vector<1x16xf32> to vector<16xf32>
            %swap3A_1081 = vector.shape_cast %mul3A_1076 : vector<16xf32> to vector<1x16xf32>
            tpu.vector_store %run_scoped3A_6[%swap3A_1077, %swap3A_1078], %swap3A_1081 {strides = array<i32>} : memref<80x128xf32, #tpu.memory_space<vmem>>, vector<1x16xf32>,
            %get3A_1082 = arith.index_cast %add3A_1048 : i32 to index
            %get3A_1083 = arith.constant 48 : index
            %get3A_1084 = tpu.vector_load %run_scoped3A_6[%get3A_1082, %get3A_1083] {strides = array<i32>} : memref<80x128xf32, #tpu.memory_space<vmem>>, vector<1x16xf32>,
            %get3A_1085 = vector.shape_cast %get3A_1084 : vector<1x16xf32> to vector<16xf32>
            %mul3A_1086 = vector.broadcast %squeeze3A_1044 : f32 to vector<16xf32>
            %mul3A_1087 = arith.mulf %get3A_1085, %mul3A_1086 : vector<16xf32>
            %swap3A_1088 = arith.index_cast %add3A_1048 : i32 to index
            %swap3A_1089 = arith.constant 48 : index
            %swap3A_1090 = tpu.vector_load %run_scoped3A_6[%swap3A_1088, %swap3A_1089] {strides = array<i32>} : memref<80x128xf32, #tpu.memory_space<vmem>>, vector<1x16xf32>,
            %swap3A_1091 = vector.shape_cast %swap3A_1090 : vector<1x16xf32> to vector<16xf32>
            %swap3A_1092 = vector.shape_cast %mul3A_1087 : vector<16xf32> to vector<1x16xf32>
            tpu.vector_store %run_scoped3A_6[%swap3A_1088, %swap3A_1089], %swap3A_1092 {strides = array<i32>} : memref<80x128xf32, #tpu.memory_space<vmem>>, vector<1x16xf32>,
            %get3A_1093 = arith.index_cast %add3A_1048 : i32 to index
            %get3A_1094 = arith.constant 64 : index
            %get3A_1095 = tpu.vector_load %run_scoped3A_6[%get3A_1093, %get3A_1094] {strides = array<i32>} : memref<80x128xf32, #tpu.memory_space<vmem>>, vector<1x16xf32>,
            %get3A_1096 = vector.shape_cast %get3A_1095 : vector<1x16xf32> to vector<16xf32>
            %mul3A_1097 = vector.broadcast %squeeze3A_1044 : f32 to vector<16xf32>
            %mul3A_1098 = arith.mulf %get3A_1096, %mul3A_1097 : vector<16xf32>
            %swap3A_1099 = arith.index_cast %add3A_1048 : i32 to index
            %swap3A_1100 = arith.constant 64 : index
            %swap3A_1101 = tpu.vector_load %run_scoped3A_6[%swap3A_1099, %swap3A_1100] {strides = array<i32>} : memref<80x128xf32, #tpu.memory_space<vmem>>, vector<1x16xf32>,
            %swap3A_1102 = vector.shape_cast %swap3A_1101 : vector<1x16xf32> to vector<16xf32>
            %swap3A_1103 = vector.shape_cast %mul3A_1098 : vector<16xf32> to vector<1x16xf32>
            tpu.vector_store %run_scoped3A_6[%swap3A_1099, %swap3A_1100], %swap3A_1103 {strides = array<i32>} : memref<80x128xf32, #tpu.memory_space<vmem>>, vector<1x16xf32>,
            %get3A_1104 = arith.index_cast %add3A_1048 : i32 to index
            %get3A_1105 = arith.constant 80 : index
            %get3A_1106 = tpu.vector_load %run_scoped3A_6[%get3A_1104, %get3A_1105] {strides = array<i32>} : memref<80x128xf32, #tpu.memory_space<vmem>>, vector<1x16xf32>,
            %get3A_1107 = vector.shape_cast %get3A_1106 : vector<1x16xf32> to vector<16xf32>
            %mul3A_1108 = vector.broadcast %squeeze3A_1044 : f32 to vector<16xf32>
            %mul3A_1109 = arith.mulf %get3A_1107, %mul3A_1108 : vector<16xf32>
            %swap3A_1110 = arith.index_cast %add3A_1048 : i32 to index
            %swap3A_1111 = arith.constant 80 : index
            %swap3A_1112 = tpu.vector_load %run_scoped3A_6[%swap3A_1110, %swap3A_1111] {strides = array<i32>} : memref<80x128xf32, #tpu.memory_space<vmem>>, vector<1x16xf32>,
            %swap3A_1113 = vector.shape_cast %swap3A_1112 : vector<1x16xf32> to vector<16xf32>
            %swap3A_1114 = vector.shape_cast %mul3A_1109 : vector<16xf32> to vector<1x16xf32>
            tpu.vector_store %run_scoped3A_6[%swap3A_1110, %swap3A_1111], %swap3A_1114 {strides = array<i32>} : memref<80x128xf32, #tpu.memory_space<vmem>>, vector<1x16xf32>,
            %get3A_1115 = arith.index_cast %add3A_1048 : i32 to index
            %get3A_1116 = arith.constant 96 : index
            %get3A_1117 = tpu.vector_load %run_scoped3A_6[%get3A_1115, %get3A_1116] {strides = array<i32>} : memref<80x128xf32, #tpu.memory_space<vmem>>, vector<1x16xf32>,
            %get3A_1118 = vector.shape_cast %get3A_1117 : vector<1x16xf32> to vector<16xf32>
            %mul3A_1119 = vector.broadcast %squeeze3A_1044 : f32 to vector<16xf32>
            %mul3A_1120 = arith.mulf %get3A_1118, %mul3A_1119 : vector<16xf32>
            %swap3A_1121 = arith.index_cast %add3A_1048 : i32 to index
            %swap3A_1122 = arith.constant 96 : index
            %swap3A_1123 = tpu.vector_load %run_scoped3A_6[%swap3A_1121, %swap3A_1122] {strides = array<i32>} : memref<80x128xf32, #tpu.memory_space<vmem>>, vector<1x16xf32>,
            %swap3A_1124 = vector.shape_cast %swap3A_1123 : vector<1x16xf32> to vector<16xf32>
            %swap3A_1125 = vector.shape_cast %mul3A_1120 : vector<16xf32> to vector<1x16xf32>
            tpu.vector_store %run_scoped3A_6[%swap3A_1121, %swap3A_1122], %swap3A_1125 {strides = array<i32>} : memref<80x128xf32, #tpu.memory_space<vmem>>, vector<1x16xf32>,
            %get3A_1126 = arith.index_cast %add3A_1048 : i32 to index
            %get3A_1127 = arith.constant 112 : index
            %get3A_1128 = tpu.vector_load %run_scoped3A_6[%get3A_1126, %get3A_1127] {strides = array<i32>} : memref<80x128xf32, #tpu.memory_space<vmem>>, vector<1x16xf32>,
            %get3A_1129 = vector.shape_cast %get3A_1128 : vector<1x16xf32> to vector<16xf32>
            %mul3A_1130 = vector.broadcast %squeeze3A_1044 : f32 to vector<16xf32>
            %mul3A_1131 = arith.mulf %get3A_1129, %mul3A_1130 : vector<16xf32>
            %swap3A_1132 = arith.index_cast %add3A_1048 : i32 to index
            %swap3A_1133 = arith.constant 112 : index
            %swap3A_1134 = tpu.vector_load %run_scoped3A_6[%swap3A_1132, %swap3A_1133] {strides = array<i32>} : memref<80x128xf32, #tpu.memory_space<vmem>>, vector<1x16xf32>,
            %swap3A_1135 = vector.shape_cast %swap3A_1134 : vector<1x16xf32> to vector<16xf32>
            %swap3A_1136 = vector.shape_cast %mul3A_1131 : vector<16xf32> to vector<1x16xf32>
            tpu.vector_store %run_scoped3A_6[%swap3A_1132, %swap3A_1133], %swap3A_1136 {strides = array<i32>} : memref<80x128xf32, #tpu.memory_space<vmem>>, vector<1x16xf32>,
            %slice3A_1137 = vector.extract_strided_slice %get3A_292 {offsets = [9], sizes = [1], strides = [1]} : vector<16xf32> to vector<1xf32>
            %squeeze3A_1138 = vector.extract %slice3A_1137[0] : f32 from vector<1xf32>
            %mul3A_1139 = arith.constant 16 : i32
            %mul3A_1140 = arith.muli %scan3A_287, %mul3A_1139 : i32
            %add3A_1141 = arith.constant 9 : i32
            %add3A_1142 = arith.addi %mul3A_1140, %add3A_1141 : i32
            %get3A_1143 = arith.index_cast %add3A_1142 : i32 to index
            %get3A_1144 = arith.constant 0 : index
            %get3A_1145 = tpu.vector_load %run_scoped3A_6[%get3A_1143, %get3A_1144] {strides = array<i32>} : memref<80x128xf32, #tpu.memory_space<vmem>>, vector<1x16xf32>,
            %get3A_1146 = vector.shape_cast %get3A_1145 : vector<1x16xf32> to vector<16xf32>
            %mul3A_1147 = vector.broadcast %squeeze3A_1138 : f32 to vector<16xf32>
            %mul3A_1148 = arith.mulf %get3A_1146, %mul3A_1147 : vector<16xf32>
            %swap3A_1149 = arith.index_cast %add3A_1142 : i32 to index
            %swap3A_1150 = arith.constant 0 : index
            %swap3A_1151 = tpu.vector_load %run_scoped3A_6[%swap3A_1149, %swap3A_1150] {strides = array<i32>} : memref<80x128xf32, #tpu.memory_space<vmem>>, vector<1x16xf32>,
            %swap3A_1152 = vector.shape_cast %swap3A_1151 : vector<1x16xf32> to vector<16xf32>
            %swap3A_1153 = vector.shape_cast %mul3A_1148 : vector<16xf32> to vector<1x16xf32>
            tpu.vector_store %run_scoped3A_6[%swap3A_1149, %swap3A_1150], %swap3A_1153 {strides = array<i32>} : memref<80x128xf32, #tpu.memory_space<vmem>>, vector<1x16xf32>,
            %get3A_1154 = arith.index_cast %add3A_1142 : i32 to index
            %get3A_1155 = arith.constant 16 : index
            %get3A_1156 = tpu.vector_load %run_scoped3A_6[%get3A_1154, %get3A_1155] {strides = array<i32>} : memref<80x128xf32, #tpu.memory_space<vmem>>, vector<1x16xf32>,
            %get3A_1157 = vector.shape_cast %get3A_1156 : vector<1x16xf32> to vector<16xf32>
            %mul3A_1158 = vector.broadcast %squeeze3A_1138 : f32 to vector<16xf32>
            %mul3A_1159 = arith.mulf %get3A_1157, %mul3A_1158 : vector<16xf32>
            %swap3A_1160 = arith.index_cast %add3A_1142 : i32 to index
            %swap3A_1161 = arith.constant 16 : index
            %swap3A_1162 = tpu.vector_load %run_scoped3A_6[%swap3A_1160, %swap3A_1161] {strides = array<i32>} : memref<80x128xf32, #tpu.memory_space<vmem>>, vector<1x16xf32>,
            %swap3A_1163 = vector.shape_cast %swap3A_1162 : vector<1x16xf32> to vector<16xf32>
            %swap3A_1164 = vector.shape_cast %mul3A_1159 : vector<16xf32> to vector<1x16xf32>
            tpu.vector_store %run_scoped3A_6[%swap3A_1160, %swap3A_1161], %swap3A_1164 {strides = array<i32>} : memref<80x128xf32, #tpu.memory_space<vmem>>, vector<1x16xf32>,
            %get3A_1165 = arith.index_cast %add3A_1142 : i32 to index
            %get3A_1166 = arith.constant 32 : index
            %get3A_1167 = tpu.vector_load %run_scoped3A_6[%get3A_1165, %get3A_1166] {strides = array<i32>} : memref<80x128xf32, #tpu.memory_space<vmem>>, vector<1x16xf32>,
            %get3A_1168 = vector.shape_cast %get3A_1167 : vector<1x16xf32> to vector<16xf32>
            %mul3A_1169 = vector.broadcast %squeeze3A_1138 : f32 to vector<16xf32>
            %mul3A_1170 = arith.mulf %get3A_1168, %mul3A_1169 : vector<16xf32>
            %swap3A_1171 = arith.index_cast %add3A_1142 : i32 to index
            %swap3A_1172 = arith.constant 32 : index
            %swap3A_1173 = tpu.vector_load %run_scoped3A_6[%swap3A_1171, %swap3A_1172] {strides = array<i32>} : memref<80x128xf32, #tpu.memory_space<vmem>>, vector<1x16xf32>,
            %swap3A_1174 = vector.shape_cast %swap3A_1173 : vector<1x16xf32> to vector<16xf32>
            %swap3A_1175 = vector.shape_cast %mul3A_1170 : vector<16xf32> to vector<1x16xf32>
            tpu.vector_store %run_scoped3A_6[%swap3A_1171, %swap3A_1172], %swap3A_1175 {strides = array<i32>} : memref<80x128xf32, #tpu.memory_space<vmem>>, vector<1x16xf32>,
            %get3A_1176 = arith.index_cast %add3A_1142 : i32 to index
            %get3A_1177 = arith.constant 48 : index
            %get3A_1178 = tpu.vector_load %run_scoped3A_6[%get3A_1176, %get3A_1177] {strides = array<i32>} : memref<80x128xf32, #tpu.memory_space<vmem>>, vector<1x16xf32>,
            %get3A_1179 = vector.shape_cast %get3A_1178 : vector<1x16xf32> to vector<16xf32>
            %mul3A_1180 = vector.broadcast %squeeze3A_1138 : f32 to vector<16xf32>
            %mul3A_1181 = arith.mulf %get3A_1179, %mul3A_1180 : vector<16xf32>
            %swap3A_1182 = arith.index_cast %add3A_1142 : i32 to index
            %swap3A_1183 = arith.constant 48 : index
            %swap3A_1184 = tpu.vector_load %run_scoped3A_6[%swap3A_1182, %swap3A_1183] {strides = array<i32>} : memref<80x128xf32, #tpu.memory_space<vmem>>, vector<1x16xf32>,
            %swap3A_1185 = vector.shape_cast %swap3A_1184 : vector<1x16xf32> to vector<16xf32>
            %swap3A_1186 = vector.shape_cast %mul3A_1181 : vector<16xf32> to vector<1x16xf32>
            tpu.vector_store %run_scoped3A_6[%swap3A_1182, %swap3A_1183], %swap3A_1186 {strides = array<i32>} : memref<80x128xf32, #tpu.memory_space<vmem>>, vector<1x16xf32>,
            %get3A_1187 = arith.index_cast %add3A_1142 : i32 to index
            %get3A_1188 = arith.constant 64 : index
            %get3A_1189 = tpu.vector_load %run_scoped3A_6[%get3A_1187, %get3A_1188] {strides = array<i32>} : memref<80x128xf32, #tpu.memory_space<vmem>>, vector<1x16xf32>,
            %get3A_1190 = vector.shape_cast %get3A_1189 : vector<1x16xf32> to vector<16xf32>
            %mul3A_1191 = vector.broadcast %squeeze3A_1138 : f32 to vector<16xf32>
            %mul3A_1192 = arith.mulf %get3A_1190, %mul3A_1191 : vector<16xf32>
            %swap3A_1193 = arith.index_cast %add3A_1142 : i32 to index
            %swap3A_1194 = arith.constant 64 : index
            %swap3A_1195 = tpu.vector_load %run_scoped3A_6[%swap3A_1193, %swap3A_1194] {strides = array<i32>} : memref<80x128xf32, #tpu.memory_space<vmem>>, vector<1x16xf32>,
            %swap3A_1196 = vector.shape_cast %swap3A_1195 : vector<1x16xf32> to vector<16xf32>
            %swap3A_1197 = vector.shape_cast %mul3A_1192 : vector<16xf32> to vector<1x16xf32>
            tpu.vector_store %run_scoped3A_6[%swap3A_1193, %swap3A_1194], %swap3A_1197 {strides = array<i32>} : memref<80x128xf32, #tpu.memory_space<vmem>>, vector<1x16xf32>,
            %get3A_1198 = arith.index_cast %add3A_1142 : i32 to index
            %get3A_1199 = arith.constant 80 : index
            %get3A_1200 = tpu.vector_load %run_scoped3A_6[%get3A_1198, %get3A_1199] {strides = array<i32>} : memref<80x128xf32, #tpu.memory_space<vmem>>, vector<1x16xf32>,
            %get3A_1201 = vector.shape_cast %get3A_1200 : vector<1x16xf32> to vector<16xf32>
            %mul3A_1202 = vector.broadcast %squeeze3A_1138 : f32 to vector<16xf32>
            %mul3A_1203 = arith.mulf %get3A_1201, %mul3A_1202 : vector<16xf32>
            %swap3A_1204 = arith.index_cast %add3A_1142 : i32 to index
            %swap3A_1205 = arith.constant 80 : index
            %swap3A_1206 = tpu.vector_load %run_scoped3A_6[%swap3A_1204, %swap3A_1205] {strides = array<i32>} : memref<80x128xf32, #tpu.memory_space<vmem>>, vector<1x16xf32>,
            %swap3A_1207 = vector.shape_cast %swap3A_1206 : vector<1x16xf32> to vector<16xf32>
            %swap3A_1208 = vector.shape_cast %mul3A_1203 : vector<16xf32> to vector<1x16xf32>
            tpu.vector_store %run_scoped3A_6[%swap3A_1204, %swap3A_1205], %swap3A_1208 {strides = array<i32>} : memref<80x128xf32, #tpu.memory_space<vmem>>, vector<1x16xf32>,
            %get3A_1209 = arith.index_cast %add3A_1142 : i32 to index
            %get3A_1210 = arith.constant 96 : index
            %get3A_1211 = tpu.vector_load %run_scoped3A_6[%get3A_1209, %get3A_1210] {strides = array<i32>} : memref<80x128xf32, #tpu.memory_space<vmem>>, vector<1x16xf32>,
            %get3A_1212 = vector.shape_cast %get3A_1211 : vector<1x16xf32> to vector<16xf32>
            %mul3A_1213 = vector.broadcast %squeeze3A_1138 : f32 to vector<16xf32>
            %mul3A_1214 = arith.mulf %get3A_1212, %mul3A_1213 : vector<16xf32>
            %swap3A_1215 = arith.index_cast %add3A_1142 : i32 to index
            %swap3A_1216 = arith.constant 96 : index
            %swap3A_1217 = tpu.vector_load %run_scoped3A_6[%swap3A_1215, %swap3A_1216] {strides = array<i32>} : memref<80x128xf32, #tpu.memory_space<vmem>>, vector<1x16xf32>,
            %swap3A_1218 = vector.shape_cast %swap3A_1217 : vector<1x16xf32> to vector<16xf32>
            %swap3A_1219 = vector.shape_cast %mul3A_1214 : vector<16xf32> to vector<1x16xf32>
            tpu.vector_store %run_scoped3A_6[%swap3A_1215, %swap3A_1216], %swap3A_1219 {strides = array<i32>} : memref<80x128xf32, #tpu.memory_space<vmem>>, vector<1x16xf32>,
            %get3A_1220 = arith.index_cast %add3A_1142 : i32 to index
            %get3A_1221 = arith.constant 112 : index
            %get3A_1222 = tpu.vector_load %run_scoped3A_6[%get3A_1220, %get3A_1221] {strides = array<i32>} : memref<80x128xf32, #tpu.memory_space<vmem>>, vector<1x16xf32>,
            %get3A_1223 = vector.shape_cast %get3A_1222 : vector<1x16xf32> to vector<16xf32>
            %mul3A_1224 = vector.broadcast %squeeze3A_1138 : f32 to vector<16xf32>
            %mul3A_1225 = arith.mulf %get3A_1223, %mul3A_1224 : vector<16xf32>
            %swap3A_1226 = arith.index_cast %add3A_1142 : i32 to index
            %swap3A_1227 = arith.constant 112 : index
            %swap3A_1228 = tpu.vector_load %run_scoped3A_6[%swap3A_1226, %swap3A_1227] {strides = array<i32>} : memref<80x128xf32, #tpu.memory_space<vmem>>, vector<1x16xf32>,
            %swap3A_1229 = vector.shape_cast %swap3A_1228 : vector<1x16xf32> to vector<16xf32>
            %swap3A_1230 = vector.shape_cast %mul3A_1225 : vector<16xf32> to vector<1x16xf32>
            tpu.vector_store %run_scoped3A_6[%swap3A_1226, %swap3A_1227], %swap3A_1230 {strides = array<i32>} : memref<80x128xf32, #tpu.memory_space<vmem>>, vector<1x16xf32>,
            %slice3A_1231 = vector.extract_strided_slice %get3A_292 {offsets = [10], sizes = [1], strides = [1]} : vector<16xf32> to vector<1xf32>
            %squeeze3A_1232 = vector.extract %slice3A_1231[0] : f32 from vector<1xf32>
            %mul3A_1233 = arith.constant 16 : i32
            %mul3A_1234 = arith.muli %scan3A_287, %mul3A_1233 : i32
            %add3A_1235 = arith.constant 10 : i32
            %add3A_1236 = arith.addi %mul3A_1234, %add3A_1235 : i32
            %get3A_1237 = arith.index_cast %add3A_1236 : i32 to index
            %get3A_1238 = arith.constant 0 : index
            %get3A_1239 = tpu.vector_load %run_scoped3A_6[%get3A_1237, %get3A_1238] {strides = array<i32>} : memref<80x128xf32, #tpu.memory_space<vmem>>, vector<1x16xf32>,
            %get3A_1240 = vector.shape_cast %get3A_1239 : vector<1x16xf32> to vector<16xf32>
            %mul3A_1241 = vector.broadcast %squeeze3A_1232 : f32 to vector<16xf32>
            %mul3A_1242 = arith.mulf %get3A_1240, %mul3A_1241 : vector<16xf32>
            %swap3A_1243 = arith.index_cast %add3A_1236 : i32 to index
            %swap3A_1244 = arith.constant 0 : index
            %swap3A_1245 = tpu.vector_load %run_scoped3A_6[%swap3A_1243, %swap3A_1244] {strides = array<i32>} : memref<80x128xf32, #tpu.memory_space<vmem>>, vector<1x16xf32>,
            %swap3A_1246 = vector.shape_cast %swap3A_1245 : vector<1x16xf32> to vector<16xf32>
            %swap3A_1247 = vector.shape_cast %mul3A_1242 : vector<16xf32> to vector<1x16xf32>
            tpu.vector_store %run_scoped3A_6[%swap3A_1243, %swap3A_1244], %swap3A_1247 {strides = array<i32>} : memref<80x128xf32, #tpu.memory_space<vmem>>, vector<1x16xf32>,
            %get3A_1248 = arith.index_cast %add3A_1236 : i32 to index
            %get3A_1249 = arith.constant 16 : index
            %get3A_1250 = tpu.vector_load %run_scoped3A_6[%get3A_1248, %get3A_1249] {strides = array<i32>} : memref<80x128xf32, #tpu.memory_space<vmem>>, vector<1x16xf32>,
            %get3A_1251 = vector.shape_cast %get3A_1250 : vector<1x16xf32> to vector<16xf32>
            %mul3A_1252 = vector.broadcast %squeeze3A_1232 : f32 to vector<16xf32>
            %mul3A_1253 = arith.mulf %get3A_1251, %mul3A_1252 : vector<16xf32>
            %swap3A_1254 = arith.index_cast %add3A_1236 : i32 to index
            %swap3A_1255 = arith.constant 16 : index
            %swap3A_1256 = tpu.vector_load %run_scoped3A_6[%swap3A_1254, %swap3A_1255] {strides = array<i32>} : memref<80x128xf32, #tpu.memory_space<vmem>>, vector<1x16xf32>,
            %swap3A_1257 = vector.shape_cast %swap3A_1256 : vector<1x16xf32> to vector<16xf32>
            %swap3A_1258 = vector.shape_cast %mul3A_1253 : vector<16xf32> to vector<1x16xf32>
            tpu.vector_store %run_scoped3A_6[%swap3A_1254, %swap3A_1255], %swap3A_1258 {strides = array<i32>} : memref<80x128xf32, #tpu.memory_space<vmem>>, vector<1x16xf32>,
            %get3A_1259 = arith.index_cast %add3A_1236 : i32 to index
            %get3A_1260 = arith.constant 32 : index
            %get3A_1261 = tpu.vector_load %run_scoped3A_6[%get3A_1259, %get3A_1260] {strides = array<i32>} : memref<80x128xf32, #tpu.memory_space<vmem>>, vector<1x16xf32>,
            %get3A_1262 = vector.shape_cast %get3A_1261 : vector<1x16xf32> to vector<16xf32>
            %mul3A_1263 = vector.broadcast %squeeze3A_1232 : f32 to vector<16xf32>
            %mul3A_1264 = arith.mulf %get3A_1262, %mul3A_1263 : vector<16xf32>
            %swap3A_1265 = arith.index_cast %add3A_1236 : i32 to index
            %swap3A_1266 = arith.constant 32 : index
            %swap3A_1267 = tpu.vector_load %run_scoped3A_6[%swap3A_1265, %swap3A_1266] {strides = array<i32>} : memref<80x128xf32, #tpu.memory_space<vmem>>, vector<1x16xf32>,
            %swap3A_1268 = vector.shape_cast %swap3A_1267 : vector<1x16xf32> to vector<16xf32>
            %swap3A_1269 = vector.shape_cast %mul3A_1264 : vector<16xf32> to vector<1x16xf32>
            tpu.vector_store %run_scoped3A_6[%swap3A_1265, %swap3A_1266], %swap3A_1269 {strides = array<i32>} : memref<80x128xf32, #tpu.memory_space<vmem>>, vector<1x16xf32>,
            %get3A_1270 = arith.index_cast %add3A_1236 : i32 to index
            %get3A_1271 = arith.constant 48 : index
            %get3A_1272 = tpu.vector_load %run_scoped3A_6[%get3A_1270, %get3A_1271] {strides = array<i32>} : memref<80x128xf32, #tpu.memory_space<vmem>>, vector<1x16xf32>,
            %get3A_1273 = vector.shape_cast %get3A_1272 : vector<1x16xf32> to vector<16xf32>
            %mul3A_1274 = vector.broadcast %squeeze3A_1232 : f32 to vector<16xf32>
            %mul3A_1275 = arith.mulf %get3A_1273, %mul3A_1274 : vector<16xf32>
            %swap3A_1276 = arith.index_cast %add3A_1236 : i32 to index
            %swap3A_1277 = arith.constant 48 : index
            %swap3A_1278 = tpu.vector_load %run_scoped3A_6[%swap3A_1276, %swap3A_1277] {strides = array<i32>} : memref<80x128xf32, #tpu.memory_space<vmem>>, vector<1x16xf32>,
            %swap3A_1279 = vector.shape_cast %swap3A_1278 : vector<1x16xf32> to vector<16xf32>
            %swap3A_1280 = vector.shape_cast %mul3A_1275 : vector<16xf32> to vector<1x16xf32>
            tpu.vector_store %run_scoped3A_6[%swap3A_1276, %swap3A_1277], %swap3A_1280 {strides = array<i32>} : memref<80x128xf32, #tpu.memory_space<vmem>>, vector<1x16xf32>,
            %get3A_1281 = arith.index_cast %add3A_1236 : i32 to index
            %get3A_1282 = arith.constant 64 : index
            %get3A_1283 = tpu.vector_load %run_scoped3A_6[%get3A_1281, %get3A_1282] {strides = array<i32>} : memref<80x128xf32, #tpu.memory_space<vmem>>, vector<1x16xf32>,
            %get3A_1284 = vector.shape_cast %get3A_1283 : vector<1x16xf32> to vector<16xf32>
            %mul3A_1285 = vector.broadcast %squeeze3A_1232 : f32 to vector<16xf32>
            %mul3A_1286 = arith.mulf %get3A_1284, %mul3A_1285 : vector<16xf32>
            %swap3A_1287 = arith.index_cast %add3A_1236 : i32 to index
            %swap3A_1288 = arith.constant 64 : index
            %swap3A_1289 = tpu.vector_load %run_scoped3A_6[%swap3A_1287, %swap3A_1288] {strides = array<i32>} : memref<80x128xf32, #tpu.memory_space<vmem>>, vector<1x16xf32>,
            %swap3A_1290 = vector.shape_cast %swap3A_1289 : vector<1x16xf32> to vector<16xf32>
            %swap3A_1291 = vector.shape_cast %mul3A_1286 : vector<16xf32> to vector<1x16xf32>
            tpu.vector_store %run_scoped3A_6[%swap3A_1287, %swap3A_1288], %swap3A_1291 {strides = array<i32>} : memref<80x128xf32, #tpu.memory_space<vmem>>, vector<1x16xf32>,
            %get3A_1292 = arith.index_cast %add3A_1236 : i32 to index
            %get3A_1293 = arith.constant 80 : index
            %get3A_1294 = tpu.vector_load %run_scoped3A_6[%get3A_1292, %get3A_1293] {strides = array<i32>} : memref<80x128xf32, #tpu.memory_space<vmem>>, vector<1x16xf32>,
            %get3A_1295 = vector.shape_cast %get3A_1294 : vector<1x16xf32> to vector<16xf32>
            %mul3A_1296 = vector.broadcast %squeeze3A_1232 : f32 to vector<16xf32>
            %mul3A_1297 = arith.mulf %get3A_1295, %mul3A_1296 : vector<16xf32>
            %swap3A_1298 = arith.index_cast %add3A_1236 : i32 to index
            %swap3A_1299 = arith.constant 80 : index
            %swap3A_1300 = tpu.vector_load %run_scoped3A_6[%swap3A_1298, %swap3A_1299] {strides = array<i32>} : memref<80x128xf32, #tpu.memory_space<vmem>>, vector<1x16xf32>,
            %swap3A_1301 = vector.shape_cast %swap3A_1300 : vector<1x16xf32> to vector<16xf32>
            %swap3A_1302 = vector.shape_cast %mul3A_1297 : vector<16xf32> to vector<1x16xf32>
            tpu.vector_store %run_scoped3A_6[%swap3A_1298, %swap3A_1299], %swap3A_1302 {strides = array<i32>} : memref<80x128xf32, #tpu.memory_space<vmem>>, vector<1x16xf32>,
            %get3A_1303 = arith.index_cast %add3A_1236 : i32 to index
            %get3A_1304 = arith.constant 96 : index
            %get3A_1305 = tpu.vector_load %run_scoped3A_6[%get3A_1303, %get3A_1304] {strides = array<i32>} : memref<80x128xf32, #tpu.memory_space<vmem>>, vector<1x16xf32>,
            %get3A_1306 = vector.shape_cast %get3A_1305 : vector<1x16xf32> to vector<16xf32>
            %mul3A_1307 = vector.broadcast %squeeze3A_1232 : f32 to vector<16xf32>
            %mul3A_1308 = arith.mulf %get3A_1306, %mul3A_1307 : vector<16xf32>
            %swap3A_1309 = arith.index_cast %add3A_1236 : i32 to index
            %swap3A_1310 = arith.constant 96 : index
            %swap3A_1311 = tpu.vector_load %run_scoped3A_6[%swap3A_1309, %swap3A_1310] {strides = array<i32>} : memref<80x128xf32, #tpu.memory_space<vmem>>, vector<1x16xf32>,
            %swap3A_1312 = vector.shape_cast %swap3A_1311 : vector<1x16xf32> to vector<16xf32>
            %swap3A_1313 = vector.shape_cast %mul3A_1308 : vector<16xf32> to vector<1x16xf32>
            tpu.vector_store %run_scoped3A_6[%swap3A_1309, %swap3A_1310], %swap3A_1313 {strides = array<i32>} : memref<80x128xf32, #tpu.memory_space<vmem>>, vector<1x16xf32>,
            %get3A_1314 = arith.index_cast %add3A_1236 : i32 to index
            %get3A_1315 = arith.constant 112 : index
            %get3A_1316 = tpu.vector_load %run_scoped3A_6[%get3A_1314, %get3A_1315] {strides = array<i32>} : memref<80x128xf32, #tpu.memory_space<vmem>>, vector<1x16xf32>,
            %get3A_1317 = vector.shape_cast %get3A_1316 : vector<1x16xf32> to vector<16xf32>
            %mul3A_1318 = vector.broadcast %squeeze3A_1232 : f32 to vector<16xf32>
            %mul3A_1319 = arith.mulf %get3A_1317, %mul3A_1318 : vector<16xf32>
            %swap3A_1320 = arith.index_cast %add3A_1236 : i32 to index
            %swap3A_1321 = arith.constant 112 : index
            %swap3A_1322 = tpu.vector_load %run_scoped3A_6[%swap3A_1320, %swap3A_1321] {strides = array<i32>} : memref<80x128xf32, #tpu.memory_space<vmem>>, vector<1x16xf32>,
            %swap3A_1323 = vector.shape_cast %swap3A_1322 : vector<1x16xf32> to vector<16xf32>
            %swap3A_1324 = vector.shape_cast %mul3A_1319 : vector<16xf32> to vector<1x16xf32>
            tpu.vector_store %run_scoped3A_6[%swap3A_1320, %swap3A_1321], %swap3A_1324 {strides = array<i32>} : memref<80x128xf32, #tpu.memory_space<vmem>>, vector<1x16xf32>,
            %slice3A_1325 = vector.extract_strided_slice %get3A_292 {offsets = [11], sizes = [1], strides = [1]} : vector<16xf32> to vector<1xf32>
            %squeeze3A_1326 = vector.extract %slice3A_1325[0] : f32 from vector<1xf32>
            %mul3A_1327 = arith.constant 16 : i32
            %mul3A_1328 = arith.muli %scan3A_287, %mul3A_1327 : i32
            %add3A_1329 = arith.constant 11 : i32
            %add3A_1330 = arith.addi %mul3A_1328, %add3A_1329 : i32
            %get3A_1331 = arith.index_cast %add3A_1330 : i32 to index
            %get3A_1332 = arith.constant 0 : index
            %get3A_1333 = tpu.vector_load %run_scoped3A_6[%get3A_1331, %get3A_1332] {strides = array<i32>} : memref<80x128xf32, #tpu.memory_space<vmem>>, vector<1x16xf32>,
            %get3A_1334 = vector.shape_cast %get3A_1333 : vector<1x16xf32> to vector<16xf32>
            %mul3A_1335 = vector.broadcast %squeeze3A_1326 : f32 to vector<16xf32>
            %mul3A_1336 = arith.mulf %get3A_1334, %mul3A_1335 : vector<16xf32>
            %swap3A_1337 = arith.index_cast %add3A_1330 : i32 to index
            %swap3A_1338 = arith.constant 0 : index
            %swap3A_1339 = tpu.vector_load %run_scoped3A_6[%swap3A_1337, %swap3A_1338] {strides = array<i32>} : memref<80x128xf32, #tpu.memory_space<vmem>>, vector<1x16xf32>,
            %swap3A_1340 = vector.shape_cast %swap3A_1339 : vector<1x16xf32> to vector<16xf32>
            %swap3A_1341 = vector.shape_cast %mul3A_1336 : vector<16xf32> to vector<1x16xf32>
            tpu.vector_store %run_scoped3A_6[%swap3A_1337, %swap3A_1338], %swap3A_1341 {strides = array<i32>} : memref<80x128xf32, #tpu.memory_space<vmem>>, vector<1x16xf32>,
            %get3A_1342 = arith.index_cast %add3A_1330 : i32 to index
            %get3A_1343 = arith.constant 16 : index
            %get3A_1344 = tpu.vector_load %run_scoped3A_6[%get3A_1342, %get3A_1343] {strides = array<i32>} : memref<80x128xf32, #tpu.memory_space<vmem>>, vector<1x16xf32>,
            %get3A_1345 = vector.shape_cast %get3A_1344 : vector<1x16xf32> to vector<16xf32>
            %mul3A_1346 = vector.broadcast %squeeze3A_1326 : f32 to vector<16xf32>
            %mul3A_1347 = arith.mulf %get3A_1345, %mul3A_1346 : vector<16xf32>
            %swap3A_1348 = arith.index_cast %add3A_1330 : i32 to index
            %swap3A_1349 = arith.constant 16 : index
            %swap3A_1350 = tpu.vector_load %run_scoped3A_6[%swap3A_1348, %swap3A_1349] {strides = array<i32>} : memref<80x128xf32, #tpu.memory_space<vmem>>, vector<1x16xf32>,
            %swap3A_1351 = vector.shape_cast %swap3A_1350 : vector<1x16xf32> to vector<16xf32>
            %swap3A_1352 = vector.shape_cast %mul3A_1347 : vector<16xf32> to vector<1x16xf32>
            tpu.vector_store %run_scoped3A_6[%swap3A_1348, %swap3A_1349], %swap3A_1352 {strides = array<i32>} : memref<80x128xf32, #tpu.memory_space<vmem>>, vector<1x16xf32>,
            %get3A_1353 = arith.index_cast %add3A_1330 : i32 to index
            %get3A_1354 = arith.constant 32 : index
            %get3A_1355 = tpu.vector_load %run_scoped3A_6[%get3A_1353, %get3A_1354] {strides = array<i32>} : memref<80x128xf32, #tpu.memory_space<vmem>>, vector<1x16xf32>,
            %get3A_1356 = vector.shape_cast %get3A_1355 : vector<1x16xf32> to vector<16xf32>
            %mul3A_1357 = vector.broadcast %squeeze3A_1326 : f32 to vector<16xf32>
            %mul3A_1358 = arith.mulf %get3A_1356, %mul3A_1357 : vector<16xf32>
            %swap3A_1359 = arith.index_cast %add3A_1330 : i32 to index
            %swap3A_1360 = arith.constant 32 : index
            %swap3A_1361 = tpu.vector_load %run_scoped3A_6[%swap3A_1359, %swap3A_1360] {strides = array<i32>} : memref<80x128xf32, #tpu.memory_space<vmem>>, vector<1x16xf32>,
            %swap3A_1362 = vector.shape_cast %swap3A_1361 : vector<1x16xf32> to vector<16xf32>
            %swap3A_1363 = vector.shape_cast %mul3A_1358 : vector<16xf32> to vector<1x16xf32>
            tpu.vector_store %run_scoped3A_6[%swap3A_1359, %swap3A_1360], %swap3A_1363 {strides = array<i32>} : memref<80x128xf32, #tpu.memory_space<vmem>>, vector<1x16xf32>,
            %get3A_1364 = arith.index_cast %add3A_1330 : i32 to index
            %get3A_1365 = arith.constant 48 : index
            %get3A_1366 = tpu.vector_load %run_scoped3A_6[%get3A_1364, %get3A_1365] {strides = array<i32>} : memref<80x128xf32, #tpu.memory_space<vmem>>, vector<1x16xf32>,
            %get3A_1367 = vector.shape_cast %get3A_1366 : vector<1x16xf32> to vector<16xf32>
            %mul3A_1368 = vector.broadcast %squeeze3A_1326 : f32 to vector<16xf32>
            %mul3A_1369 = arith.mulf %get3A_1367, %mul3A_1368 : vector<16xf32>
            %swap3A_1370 = arith.index_cast %add3A_1330 : i32 to index
            %swap3A_1371 = arith.constant 48 : index
            %swap3A_1372 = tpu.vector_load %run_scoped3A_6[%swap3A_1370, %swap3A_1371] {strides = array<i32>} : memref<80x128xf32, #tpu.memory_space<vmem>>, vector<1x16xf32>,
            %swap3A_1373 = vector.shape_cast %swap3A_1372 : vector<1x16xf32> to vector<16xf32>
            %swap3A_1374 = vector.shape_cast %mul3A_1369 : vector<16xf32> to vector<1x16xf32>
            tpu.vector_store %run_scoped3A_6[%swap3A_1370, %swap3A_1371], %swap3A_1374 {strides = array<i32>} : memref<80x128xf32, #tpu.memory_space<vmem>>, vector<1x16xf32>,
            %get3A_1375 = arith.index_cast %add3A_1330 : i32 to index
            %get3A_1376 = arith.constant 64 : index
            %get3A_1377 = tpu.vector_load %run_scoped3A_6[%get3A_1375, %get3A_1376] {strides = array<i32>} : memref<80x128xf32, #tpu.memory_space<vmem>>, vector<1x16xf32>,
            %get3A_1378 = vector.shape_cast %get3A_1377 : vector<1x16xf32> to vector<16xf32>
            %mul3A_1379 = vector.broadcast %squeeze3A_1326 : f32 to vector<16xf32>
            %mul3A_1380 = arith.mulf %get3A_1378, %mul3A_1379 : vector<16xf32>
            %swap3A_1381 = arith.index_cast %add3A_1330 : i32 to index
            %swap3A_1382 = arith.constant 64 : index
            %swap3A_1383 = tpu.vector_load %run_scoped3A_6[%swap3A_1381, %swap3A_1382] {strides = array<i32>} : memref<80x128xf32, #tpu.memory_space<vmem>>, vector<1x16xf32>,
            %swap3A_1384 = vector.shape_cast %swap3A_1383 : vector<1x16xf32> to vector<16xf32>
            %swap3A_1385 = vector.shape_cast %mul3A_1380 : vector<16xf32> to vector<1x16xf32>
            tpu.vector_store %run_scoped3A_6[%swap3A_1381, %swap3A_1382], %swap3A_1385 {strides = array<i32>} : memref<80x128xf32, #tpu.memory_space<vmem>>, vector<1x16xf32>,
            %get3A_1386 = arith.index_cast %add3A_1330 : i32 to index
            %get3A_1387 = arith.constant 80 : index
            %get3A_1388 = tpu.vector_load %run_scoped3A_6[%get3A_1386, %get3A_1387] {strides = array<i32>} : memref<80x128xf32, #tpu.memory_space<vmem>>, vector<1x16xf32>,
            %get3A_1389 = vector.shape_cast %get3A_1388 : vector<1x16xf32> to vector<16xf32>
            %mul3A_1390 = vector.broadcast %squeeze3A_1326 : f32 to vector<16xf32>
            %mul3A_1391 = arith.mulf %get3A_1389, %mul3A_1390 : vector<16xf32>
            %swap3A_1392 = arith.index_cast %add3A_1330 : i32 to index
            %swap3A_1393 = arith.constant 80 : index
            %swap3A_1394 = tpu.vector_load %run_scoped3A_6[%swap3A_1392, %swap3A_1393] {strides = array<i32>} : memref<80x128xf32, #tpu.memory_space<vmem>>, vector<1x16xf32>,
            %swap3A_1395 = vector.shape_cast %swap3A_1394 : vector<1x16xf32> to vector<16xf32>
            %swap3A_1396 = vector.shape_cast %mul3A_1391 : vector<16xf32> to vector<1x16xf32>
            tpu.vector_store %run_scoped3A_6[%swap3A_1392, %swap3A_1393], %swap3A_1396 {strides = array<i32>} : memref<80x128xf32, #tpu.memory_space<vmem>>, vector<1x16xf32>,
            %get3A_1397 = arith.index_cast %add3A_1330 : i32 to index
            %get3A_1398 = arith.constant 96 : index
            %get3A_1399 = tpu.vector_load %run_scoped3A_6[%get3A_1397, %get3A_1398] {strides = array<i32>} : memref<80x128xf32, #tpu.memory_space<vmem>>, vector<1x16xf32>,
            %get3A_1400 = vector.shape_cast %get3A_1399 : vector<1x16xf32> to vector<16xf32>
            %mul3A_1401 = vector.broadcast %squeeze3A_1326 : f32 to vector<16xf32>
            %mul3A_1402 = arith.mulf %get3A_1400, %mul3A_1401 : vector<16xf32>
            %swap3A_1403 = arith.index_cast %add3A_1330 : i32 to index
            %swap3A_1404 = arith.constant 96 : index
            %swap3A_1405 = tpu.vector_load %run_scoped3A_6[%swap3A_1403, %swap3A_1404] {strides = array<i32>} : memref<80x128xf32, #tpu.memory_space<vmem>>, vector<1x16xf32>,
            %swap3A_1406 = vector.shape_cast %swap3A_1405 : vector<1x16xf32> to vector<16xf32>
            %swap3A_1407 = vector.shape_cast %mul3A_1402 : vector<16xf32> to vector<1x16xf32>
            tpu.vector_store %run_scoped3A_6[%swap3A_1403, %swap3A_1404], %swap3A_1407 {strides = array<i32>} : memref<80x128xf32, #tpu.memory_space<vmem>>, vector<1x16xf32>,
            %get3A_1408 = arith.index_cast %add3A_1330 : i32 to index
            %get3A_1409 = arith.constant 112 : index
            %get3A_1410 = tpu.vector_load %run_scoped3A_6[%get3A_1408, %get3A_1409] {strides = array<i32>} : memref<80x128xf32, #tpu.memory_space<vmem>>, vector<1x16xf32>,
            %get3A_1411 = vector.shape_cast %get3A_1410 : vector<1x16xf32> to vector<16xf32>
            %mul3A_1412 = vector.broadcast %squeeze3A_1326 : f32 to vector<16xf32>
            %mul3A_1413 = arith.mulf %get3A_1411, %mul3A_1412 : vector<16xf32>
            %swap3A_1414 = arith.index_cast %add3A_1330 : i32 to index
            %swap3A_1415 = arith.constant 112 : index
            %swap3A_1416 = tpu.vector_load %run_scoped3A_6[%swap3A_1414, %swap3A_1415] {strides = array<i32>} : memref<80x128xf32, #tpu.memory_space<vmem>>, vector<1x16xf32>,
            %swap3A_1417 = vector.shape_cast %swap3A_1416 : vector<1x16xf32> to vector<16xf32>
            %swap3A_1418 = vector.shape_cast %mul3A_1413 : vector<16xf32> to vector<1x16xf32>
            tpu.vector_store %run_scoped3A_6[%swap3A_1414, %swap3A_1415], %swap3A_1418 {strides = array<i32>} : memref<80x128xf32, #tpu.memory_space<vmem>>, vector<1x16xf32>,
            %slice3A_1419 = vector.extract_strided_slice %get3A_292 {offsets = [12], sizes = [1], strides = [1]} : vector<16xf32> to vector<1xf32>
            %squeeze3A_1420 = vector.extract %slice3A_1419[0] : f32 from vector<1xf32>
            %mul3A_1421 = arith.constant 16 : i32
            %mul3A_1422 = arith.muli %scan3A_287, %mul3A_1421 : i32
            %add3A_1423 = arith.constant 12 : i32
            %add3A_1424 = arith.addi %mul3A_1422, %add3A_1423 : i32
            %get3A_1425 = arith.index_cast %add3A_1424 : i32 to index
            %get3A_1426 = arith.constant 0 : index
            %get3A_1427 = tpu.vector_load %run_scoped3A_6[%get3A_1425, %get3A_1426] {strides = array<i32>} : memref<80x128xf32, #tpu.memory_space<vmem>>, vector<1x16xf32>,
            %get3A_1428 = vector.shape_cast %get3A_1427 : vector<1x16xf32> to vector<16xf32>
            %mul3A_1429 = vector.broadcast %squeeze3A_1420 : f32 to vector<16xf32>
            %mul3A_1430 = arith.mulf %get3A_1428, %mul3A_1429 : vector<16xf32>
            %swap3A_1431 = arith.index_cast %add3A_1424 : i32 to index
            %swap3A_1432 = arith.constant 0 : index
            %swap3A_1433 = tpu.vector_load %run_scoped3A_6[%swap3A_1431, %swap3A_1432] {strides = array<i32>} : memref<80x128xf32, #tpu.memory_space<vmem>>, vector<1x16xf32>,
            %swap3A_1434 = vector.shape_cast %swap3A_1433 : vector<1x16xf32> to vector<16xf32>
            %swap3A_1435 = vector.shape_cast %mul3A_1430 : vector<16xf32> to vector<1x16xf32>
            tpu.vector_store %run_scoped3A_6[%swap3A_1431, %swap3A_1432], %swap3A_1435 {strides = array<i32>} : memref<80x128xf32, #tpu.memory_space<vmem>>, vector<1x16xf32>,
            %get3A_1436 = arith.index_cast %add3A_1424 : i32 to index
            %get3A_1437 = arith.constant 16 : index
            %get3A_1438 = tpu.vector_load %run_scoped3A_6[%get3A_1436, %get3A_1437] {strides = array<i32>} : memref<80x128xf32, #tpu.memory_space<vmem>>, vector<1x16xf32>,
            %get3A_1439 = vector.shape_cast %get3A_1438 : vector<1x16xf32> to vector<16xf32>
            %mul3A_1440 = vector.broadcast %squeeze3A_1420 : f32 to vector<16xf32>
            %mul3A_1441 = arith.mulf %get3A_1439, %mul3A_1440 : vector<16xf32>
            %swap3A_1442 = arith.index_cast %add3A_1424 : i32 to index
            %swap3A_1443 = arith.constant 16 : index
            %swap3A_1444 = tpu.vector_load %run_scoped3A_6[%swap3A_1442, %swap3A_1443] {strides = array<i32>} : memref<80x128xf32, #tpu.memory_space<vmem>>, vector<1x16xf32>,
            %swap3A_1445 = vector.shape_cast %swap3A_1444 : vector<1x16xf32> to vector<16xf32>
            %swap3A_1446 = vector.shape_cast %mul3A_1441 : vector<16xf32> to vector<1x16xf32>
            tpu.vector_store %run_scoped3A_6[%swap3A_1442, %swap3A_1443], %swap3A_1446 {strides = array<i32>} : memref<80x128xf32, #tpu.memory_space<vmem>>, vector<1x16xf32>,
            %get3A_1447 = arith.index_cast %add3A_1424 : i32 to index
            %get3A_1448 = arith.constant 32 : index
            %get3A_1449 = tpu.vector_load %run_scoped3A_6[%get3A_1447, %get3A_1448] {strides = array<i32>} : memref<80x128xf32, #tpu.memory_space<vmem>>, vector<1x16xf32>,
            %get3A_1450 = vector.shape_cast %get3A_1449 : vector<1x16xf32> to vector<16xf32>
            %mul3A_1451 = vector.broadcast %squeeze3A_1420 : f32 to vector<16xf32>
            %mul3A_1452 = arith.mulf %get3A_1450, %mul3A_1451 : vector<16xf32>
            %swap3A_1453 = arith.index_cast %add3A_1424 : i32 to index
            %swap3A_1454 = arith.constant 32 : index
            %swap3A_1455 = tpu.vector_load %run_scoped3A_6[%swap3A_1453, %swap3A_1454] {strides = array<i32>} : memref<80x128xf32, #tpu.memory_space<vmem>>, vector<1x16xf32>,
            %swap3A_1456 = vector.shape_cast %swap3A_1455 : vector<1x16xf32> to vector<16xf32>
            %swap3A_1457 = vector.shape_cast %mul3A_1452 : vector<16xf32> to vector<1x16xf32>
            tpu.vector_store %run_scoped3A_6[%swap3A_1453, %swap3A_1454], %swap3A_1457 {strides = array<i32>} : memref<80x128xf32, #tpu.memory_space<vmem>>, vector<1x16xf32>,
            %get3A_1458 = arith.index_cast %add3A_1424 : i32 to index
            %get3A_1459 = arith.constant 48 : index
            %get3A_1460 = tpu.vector_load %run_scoped3A_6[%get3A_1458, %get3A_1459] {strides = array<i32>} : memref<80x128xf32, #tpu.memory_space<vmem>>, vector<1x16xf32>,
            %get3A_1461 = vector.shape_cast %get3A_1460 : vector<1x16xf32> to vector<16xf32>
            %mul3A_1462 = vector.broadcast %squeeze3A_1420 : f32 to vector<16xf32>
            %mul3A_1463 = arith.mulf %get3A_1461, %mul3A_1462 : vector<16xf32>
            %swap3A_1464 = arith.index_cast %add3A_1424 : i32 to index
            %swap3A_1465 = arith.constant 48 : index
            %swap3A_1466 = tpu.vector_load %run_scoped3A_6[%swap3A_1464, %swap3A_1465] {strides = array<i32>} : memref<80x128xf32, #tpu.memory_space<vmem>>, vector<1x16xf32>,
            %swap3A_1467 = vector.shape_cast %swap3A_1466 : vector<1x16xf32> to vector<16xf32>
            %swap3A_1468 = vector.shape_cast %mul3A_1463 : vector<16xf32> to vector<1x16xf32>
            tpu.vector_store %run_scoped3A_6[%swap3A_1464, %swap3A_1465], %swap3A_1468 {strides = array<i32>} : memref<80x128xf32, #tpu.memory_space<vmem>>, vector<1x16xf32>,
            %get3A_1469 = arith.index_cast %add3A_1424 : i32 to index
            %get3A_1470 = arith.constant 64 : index
            %get3A_1471 = tpu.vector_load %run_scoped3A_6[%get3A_1469, %get3A_1470] {strides = array<i32>} : memref<80x128xf32, #tpu.memory_space<vmem>>, vector<1x16xf32>,
            %get3A_1472 = vector.shape_cast %get3A_1471 : vector<1x16xf32> to vector<16xf32>
            %mul3A_1473 = vector.broadcast %squeeze3A_1420 : f32 to vector<16xf32>
            %mul3A_1474 = arith.mulf %get3A_1472, %mul3A_1473 : vector<16xf32>
            %swap3A_1475 = arith.index_cast %add3A_1424 : i32 to index
            %swap3A_1476 = arith.constant 64 : index
            %swap3A_1477 = tpu.vector_load %run_scoped3A_6[%swap3A_1475, %swap3A_1476] {strides = array<i32>} : memref<80x128xf32, #tpu.memory_space<vmem>>, vector<1x16xf32>,
            %swap3A_1478 = vector.shape_cast %swap3A_1477 : vector<1x16xf32> to vector<16xf32>
            %swap3A_1479 = vector.shape_cast %mul3A_1474 : vector<16xf32> to vector<1x16xf32>
            tpu.vector_store %run_scoped3A_6[%swap3A_1475, %swap3A_1476], %swap3A_1479 {strides = array<i32>} : memref<80x128xf32, #tpu.memory_space<vmem>>, vector<1x16xf32>,
            %get3A_1480 = arith.index_cast %add3A_1424 : i32 to index
            %get3A_1481 = arith.constant 80 : index
            %get3A_1482 = tpu.vector_load %run_scoped3A_6[%get3A_1480, %get3A_1481] {strides = array<i32>} : memref<80x128xf32, #tpu.memory_space<vmem>>, vector<1x16xf32>,
            %get3A_1483 = vector.shape_cast %get3A_1482 : vector<1x16xf32> to vector<16xf32>
            %mul3A_1484 = vector.broadcast %squeeze3A_1420 : f32 to vector<16xf32>
            %mul3A_1485 = arith.mulf %get3A_1483, %mul3A_1484 : vector<16xf32>
            %swap3A_1486 = arith.index_cast %add3A_1424 : i32 to index
            %swap3A_1487 = arith.constant 80 : index
            %swap3A_1488 = tpu.vector_load %run_scoped3A_6[%swap3A_1486, %swap3A_1487] {strides = array<i32>} : memref<80x128xf32, #tpu.memory_space<vmem>>, vector<1x16xf32>,
            %swap3A_1489 = vector.shape_cast %swap3A_1488 : vector<1x16xf32> to vector<16xf32>
            %swap3A_1490 = vector.shape_cast %mul3A_1485 : vector<16xf32> to vector<1x16xf32>
            tpu.vector_store %run_scoped3A_6[%swap3A_1486, %swap3A_1487], %swap3A_1490 {strides = array<i32>} : memref<80x128xf32, #tpu.memory_space<vmem>>, vector<1x16xf32>,
            %get3A_1491 = arith.index_cast %add3A_1424 : i32 to index
            %get3A_1492 = arith.constant 96 : index
            %get3A_1493 = tpu.vector_load %run_scoped3A_6[%get3A_1491, %get3A_1492] {strides = array<i32>} : memref<80x128xf32, #tpu.memory_space<vmem>>, vector<1x16xf32>,
            %get3A_1494 = vector.shape_cast %get3A_1493 : vector<1x16xf32> to vector<16xf32>
            %mul3A_1495 = vector.broadcast %squeeze3A_1420 : f32 to vector<16xf32>
            %mul3A_1496 = arith.mulf %get3A_1494, %mul3A_1495 : vector<16xf32>
            %swap3A_1497 = arith.index_cast %add3A_1424 : i32 to index
            %swap3A_1498 = arith.constant 96 : index
            %swap3A_1499 = tpu.vector_load %run_scoped3A_6[%swap3A_1497, %swap3A_1498] {strides = array<i32>} : memref<80x128xf32, #tpu.memory_space<vmem>>, vector<1x16xf32>,
            %swap3A_1500 = vector.shape_cast %swap3A_1499 : vector<1x16xf32> to vector<16xf32>
            %swap3A_1501 = vector.shape_cast %mul3A_1496 : vector<16xf32> to vector<1x16xf32>
            tpu.vector_store %run_scoped3A_6[%swap3A_1497, %swap3A_1498], %swap3A_1501 {strides = array<i32>} : memref<80x128xf32, #tpu.memory_space<vmem>>, vector<1x16xf32>,
            %get3A_1502 = arith.index_cast %add3A_1424 : i32 to index
            %get3A_1503 = arith.constant 112 : index
            %get3A_1504 = tpu.vector_load %run_scoped3A_6[%get3A_1502, %get3A_1503] {strides = array<i32>} : memref<80x128xf32, #tpu.memory_space<vmem>>, vector<1x16xf32>,
            %get3A_1505 = vector.shape_cast %get3A_1504 : vector<1x16xf32> to vector<16xf32>
            %mul3A_1506 = vector.broadcast %squeeze3A_1420 : f32 to vector<16xf32>
            %mul3A_1507 = arith.mulf %get3A_1505, %mul3A_1506 : vector<16xf32>
            %swap3A_1508 = arith.index_cast %add3A_1424 : i32 to index
            %swap3A_1509 = arith.constant 112 : index
            %swap3A_1510 = tpu.vector_load %run_scoped3A_6[%swap3A_1508, %swap3A_1509] {strides = array<i32>} : memref<80x128xf32, #tpu.memory_space<vmem>>, vector<1x16xf32>,
            %swap3A_1511 = vector.shape_cast %swap3A_1510 : vector<1x16xf32> to vector<16xf32>
            %swap3A_1512 = vector.shape_cast %mul3A_1507 : vector<16xf32> to vector<1x16xf32>
            tpu.vector_store %run_scoped3A_6[%swap3A_1508, %swap3A_1509], %swap3A_1512 {strides = array<i32>} : memref<80x128xf32, #tpu.memory_space<vmem>>, vector<1x16xf32>,
            %slice3A_1513 = vector.extract_strided_slice %get3A_292 {offsets = [13], sizes = [1], strides = [1]} : vector<16xf32> to vector<1xf32>
            %squeeze3A_1514 = vector.extract %slice3A_1513[0] : f32 from vector<1xf32>
            %mul3A_1515 = arith.constant 16 : i32
            %mul3A_1516 = arith.muli %scan3A_287, %mul3A_1515 : i32
            %add3A_1517 = arith.constant 13 : i32
            %add3A_1518 = arith.addi %mul3A_1516, %add3A_1517 : i32
            %get3A_1519 = arith.index_cast %add3A_1518 : i32 to index
            %get3A_1520 = arith.constant 0 : index
            %get3A_1521 = tpu.vector_load %run_scoped3A_6[%get3A_1519, %get3A_1520] {strides = array<i32>} : memref<80x128xf32, #tpu.memory_space<vmem>>, vector<1x16xf32>,
            %get3A_1522 = vector.shape_cast %get3A_1521 : vector<1x16xf32> to vector<16xf32>
            %mul3A_1523 = vector.broadcast %squeeze3A_1514 : f32 to vector<16xf32>
            %mul3A_1524 = arith.mulf %get3A_1522, %mul3A_1523 : vector<16xf32>
            %swap3A_1525 = arith.index_cast %add3A_1518 : i32 to index
            %swap3A_1526 = arith.constant 0 : index
            %swap3A_1527 = tpu.vector_load %run_scoped3A_6[%swap3A_1525, %swap3A_1526] {strides = array<i32>} : memref<80x128xf32, #tpu.memory_space<vmem>>, vector<1x16xf32>,
            %swap3A_1528 = vector.shape_cast %swap3A_1527 : vector<1x16xf32> to vector<16xf32>
            %swap3A_1529 = vector.shape_cast %mul3A_1524 : vector<16xf32> to vector<1x16xf32>
            tpu.vector_store %run_scoped3A_6[%swap3A_1525, %swap3A_1526], %swap3A_1529 {strides = array<i32>} : memref<80x128xf32, #tpu.memory_space<vmem>>, vector<1x16xf32>,
            %get3A_1530 = arith.index_cast %add3A_1518 : i32 to index
            %get3A_1531 = arith.constant 16 : index
            %get3A_1532 = tpu.vector_load %run_scoped3A_6[%get3A_1530, %get3A_1531] {strides = array<i32>} : memref<80x128xf32, #tpu.memory_space<vmem>>, vector<1x16xf32>,
            %get3A_1533 = vector.shape_cast %get3A_1532 : vector<1x16xf32> to vector<16xf32>
            %mul3A_1534 = vector.broadcast %squeeze3A_1514 : f32 to vector<16xf32>
            %mul3A_1535 = arith.mulf %get3A_1533, %mul3A_1534 : vector<16xf32>
            %swap3A_1536 = arith.index_cast %add3A_1518 : i32 to index
            %swap3A_1537 = arith.constant 16 : index
            %swap3A_1538 = tpu.vector_load %run_scoped3A_6[%swap3A_1536, %swap3A_1537] {strides = array<i32>} : memref<80x128xf32, #tpu.memory_space<vmem>>, vector<1x16xf32>,
            %swap3A_1539 = vector.shape_cast %swap3A_1538 : vector<1x16xf32> to vector<16xf32>
            %swap3A_1540 = vector.shape_cast %mul3A_1535 : vector<16xf32> to vector<1x16xf32>
            tpu.vector_store %run_scoped3A_6[%swap3A_1536, %swap3A_1537], %swap3A_1540 {strides = array<i32>} : memref<80x128xf32, #tpu.memory_space<vmem>>, vector<1x16xf32>,
            %get3A_1541 = arith.index_cast %add3A_1518 : i32 to index
            %get3A_1542 = arith.constant 32 : index
            %get3A_1543 = tpu.vector_load %run_scoped3A_6[%get3A_1541, %get3A_1542] {strides = array<i32>} : memref<80x128xf32, #tpu.memory_space<vmem>>, vector<1x16xf32>,
            %get3A_1544 = vector.shape_cast %get3A_1543 : vector<1x16xf32> to vector<16xf32>
            %mul3A_1545 = vector.broadcast %squeeze3A_1514 : f32 to vector<16xf32>
            %mul3A_1546 = arith.mulf %get3A_1544, %mul3A_1545 : vector<16xf32>
            %swap3A_1547 = arith.index_cast %add3A_1518 : i32 to index
            %swap3A_1548 = arith.constant 32 : index
            %swap3A_1549 = tpu.vector_load %run_scoped3A_6[%swap3A_1547, %swap3A_1548] {strides = array<i32>} : memref<80x128xf32, #tpu.memory_space<vmem>>, vector<1x16xf32>,
            %swap3A_1550 = vector.shape_cast %swap3A_1549 : vector<1x16xf32> to vector<16xf32>
            %swap3A_1551 = vector.shape_cast %mul3A_1546 : vector<16xf32> to vector<1x16xf32>
            tpu.vector_store %run_scoped3A_6[%swap3A_1547, %swap3A_1548], %swap3A_1551 {strides = array<i32>} : memref<80x128xf32, #tpu.memory_space<vmem>>, vector<1x16xf32>,
            %get3A_1552 = arith.index_cast %add3A_1518 : i32 to index
            %get3A_1553 = arith.constant 48 : index
            %get3A_1554 = tpu.vector_load %run_scoped3A_6[%get3A_1552, %get3A_1553] {strides = array<i32>} : memref<80x128xf32, #tpu.memory_space<vmem>>, vector<1x16xf32>,
            %get3A_1555 = vector.shape_cast %get3A_1554 : vector<1x16xf32> to vector<16xf32>
            %mul3A_1556 = vector.broadcast %squeeze3A_1514 : f32 to vector<16xf32>
            %mul3A_1557 = arith.mulf %get3A_1555, %mul3A_1556 : vector<16xf32>
            %swap3A_1558 = arith.index_cast %add3A_1518 : i32 to index
            %swap3A_1559 = arith.constant 48 : index
            %swap3A_1560 = tpu.vector_load %run_scoped3A_6[%swap3A_1558, %swap3A_1559] {strides = array<i32>} : memref<80x128xf32, #tpu.memory_space<vmem>>, vector<1x16xf32>,
            %swap3A_1561 = vector.shape_cast %swap3A_1560 : vector<1x16xf32> to vector<16xf32>
            %swap3A_1562 = vector.shape_cast %mul3A_1557 : vector<16xf32> to vector<1x16xf32>
            tpu.vector_store %run_scoped3A_6[%swap3A_1558, %swap3A_1559], %swap3A_1562 {strides = array<i32>} : memref<80x128xf32, #tpu.memory_space<vmem>>, vector<1x16xf32>,
            %get3A_1563 = arith.index_cast %add3A_1518 : i32 to index
            %get3A_1564 = arith.constant 64 : index
            %get3A_1565 = tpu.vector_load %run_scoped3A_6[%get3A_1563, %get3A_1564] {strides = array<i32>} : memref<80x128xf32, #tpu.memory_space<vmem>>, vector<1x16xf32>,
            %get3A_1566 = vector.shape_cast %get3A_1565 : vector<1x16xf32> to vector<16xf32>
            %mul3A_1567 = vector.broadcast %squeeze3A_1514 : f32 to vector<16xf32>
            %mul3A_1568 = arith.mulf %get3A_1566, %mul3A_1567 : vector<16xf32>
            %swap3A_1569 = arith.index_cast %add3A_1518 : i32 to index
            %swap3A_1570 = arith.constant 64 : index
            %swap3A_1571 = tpu.vector_load %run_scoped3A_6[%swap3A_1569, %swap3A_1570] {strides = array<i32>} : memref<80x128xf32, #tpu.memory_space<vmem>>, vector<1x16xf32>,
            %swap3A_1572 = vector.shape_cast %swap3A_1571 : vector<1x16xf32> to vector<16xf32>
            %swap3A_1573 = vector.shape_cast %mul3A_1568 : vector<16xf32> to vector<1x16xf32>
            tpu.vector_store %run_scoped3A_6[%swap3A_1569, %swap3A_1570], %swap3A_1573 {strides = array<i32>} : memref<80x128xf32, #tpu.memory_space<vmem>>, vector<1x16xf32>,
            %get3A_1574 = arith.index_cast %add3A_1518 : i32 to index
            %get3A_1575 = arith.constant 80 : index
            %get3A_1576 = tpu.vector_load %run_scoped3A_6[%get3A_1574, %get3A_1575] {strides = array<i32>} : memref<80x128xf32, #tpu.memory_space<vmem>>, vector<1x16xf32>,
            %get3A_1577 = vector.shape_cast %get3A_1576 : vector<1x16xf32> to vector<16xf32>
            %mul3A_1578 = vector.broadcast %squeeze3A_1514 : f32 to vector<16xf32>
            %mul3A_1579 = arith.mulf %get3A_1577, %mul3A_1578 : vector<16xf32>
            %swap3A_1580 = arith.index_cast %add3A_1518 : i32 to index
            %swap3A_1581 = arith.constant 80 : index
            %swap3A_1582 = tpu.vector_load %run_scoped3A_6[%swap3A_1580, %swap3A_1581] {strides = array<i32>} : memref<80x128xf32, #tpu.memory_space<vmem>>, vector<1x16xf32>,
            %swap3A_1583 = vector.shape_cast %swap3A_1582 : vector<1x16xf32> to vector<16xf32>
            %swap3A_1584 = vector.shape_cast %mul3A_1579 : vector<16xf32> to vector<1x16xf32>
            tpu.vector_store %run_scoped3A_6[%swap3A_1580, %swap3A_1581], %swap3A_1584 {strides = array<i32>} : memref<80x128xf32, #tpu.memory_space<vmem>>, vector<1x16xf32>,
            %get3A_1585 = arith.index_cast %add3A_1518 : i32 to index
            %get3A_1586 = arith.constant 96 : index
            %get3A_1587 = tpu.vector_load %run_scoped3A_6[%get3A_1585, %get3A_1586] {strides = array<i32>} : memref<80x128xf32, #tpu.memory_space<vmem>>, vector<1x16xf32>,
            %get3A_1588 = vector.shape_cast %get3A_1587 : vector<1x16xf32> to vector<16xf32>
            %mul3A_1589 = vector.broadcast %squeeze3A_1514 : f32 to vector<16xf32>
            %mul3A_1590 = arith.mulf %get3A_1588, %mul3A_1589 : vector<16xf32>
            %swap3A_1591 = arith.index_cast %add3A_1518 : i32 to index
            %swap3A_1592 = arith.constant 96 : index
            %swap3A_1593 = tpu.vector_load %run_scoped3A_6[%swap3A_1591, %swap3A_1592] {strides = array<i32>} : memref<80x128xf32, #tpu.memory_space<vmem>>, vector<1x16xf32>,
            %swap3A_1594 = vector.shape_cast %swap3A_1593 : vector<1x16xf32> to vector<16xf32>
            %swap3A_1595 = vector.shape_cast %mul3A_1590 : vector<16xf32> to vector<1x16xf32>
            tpu.vector_store %run_scoped3A_6[%swap3A_1591, %swap3A_1592], %swap3A_1595 {strides = array<i32>} : memref<80x128xf32, #tpu.memory_space<vmem>>, vector<1x16xf32>,
            %get3A_1596 = arith.index_cast %add3A_1518 : i32 to index
            %get3A_1597 = arith.constant 112 : index
            %get3A_1598 = tpu.vector_load %run_scoped3A_6[%get3A_1596, %get3A_1597] {strides = array<i32>} : memref<80x128xf32, #tpu.memory_space<vmem>>, vector<1x16xf32>,
            %get3A_1599 = vector.shape_cast %get3A_1598 : vector<1x16xf32> to vector<16xf32>
            %mul3A_1600 = vector.broadcast %squeeze3A_1514 : f32 to vector<16xf32>
            %mul3A_1601 = arith.mulf %get3A_1599, %mul3A_1600 : vector<16xf32>
            %swap3A_1602 = arith.index_cast %add3A_1518 : i32 to index
            %swap3A_1603 = arith.constant 112 : index
            %swap3A_1604 = tpu.vector_load %run_scoped3A_6[%swap3A_1602, %swap3A_1603] {strides = array<i32>} : memref<80x128xf32, #tpu.memory_space<vmem>>, vector<1x16xf32>,
            %swap3A_1605 = vector.shape_cast %swap3A_1604 : vector<1x16xf32> to vector<16xf32>
            %swap3A_1606 = vector.shape_cast %mul3A_1601 : vector<16xf32> to vector<1x16xf32>
            tpu.vector_store %run_scoped3A_6[%swap3A_1602, %swap3A_1603], %swap3A_1606 {strides = array<i32>} : memref<80x128xf32, #tpu.memory_space<vmem>>, vector<1x16xf32>,
            %slice3A_1607 = vector.extract_strided_slice %get3A_292 {offsets = [14], sizes = [1], strides = [1]} : vector<16xf32> to vector<1xf32>
            %squeeze3A_1608 = vector.extract %slice3A_1607[0] : f32 from vector<1xf32>
            %mul3A_1609 = arith.constant 16 : i32
            %mul3A_1610 = arith.muli %scan3A_287, %mul3A_1609 : i32
            %add3A_1611 = arith.constant 14 : i32
            %add3A_1612 = arith.addi %mul3A_1610, %add3A_1611 : i32
            %get3A_1613 = arith.index_cast %add3A_1612 : i32 to index
            %get3A_1614 = arith.constant 0 : index
            %get3A_1615 = tpu.vector_load %run_scoped3A_6[%get3A_1613, %get3A_1614] {strides = array<i32>} : memref<80x128xf32, #tpu.memory_space<vmem>>, vector<1x16xf32>,
            %get3A_1616 = vector.shape_cast %get3A_1615 : vector<1x16xf32> to vector<16xf32>
            %mul3A_1617 = vector.broadcast %squeeze3A_1608 : f32 to vector<16xf32>
            %mul3A_1618 = arith.mulf %get3A_1616, %mul3A_1617 : vector<16xf32>
            %swap3A_1619 = arith.index_cast %add3A_1612 : i32 to index
            %swap3A_1620 = arith.constant 0 : index
            %swap3A_1621 = tpu.vector_load %run_scoped3A_6[%swap3A_1619, %swap3A_1620] {strides = array<i32>} : memref<80x128xf32, #tpu.memory_space<vmem>>, vector<1x16xf32>,
            %swap3A_1622 = vector.shape_cast %swap3A_1621 : vector<1x16xf32> to vector<16xf32>
            %swap3A_1623 = vector.shape_cast %mul3A_1618 : vector<16xf32> to vector<1x16xf32>
            tpu.vector_store %run_scoped3A_6[%swap3A_1619, %swap3A_1620], %swap3A_1623 {strides = array<i32>} : memref<80x128xf32, #tpu.memory_space<vmem>>, vector<1x16xf32>,
            %get3A_1624 = arith.index_cast %add3A_1612 : i32 to index
            %get3A_1625 = arith.constant 16 : index
            %get3A_1626 = tpu.vector_load %run_scoped3A_6[%get3A_1624, %get3A_1625] {strides = array<i32>} : memref<80x128xf32, #tpu.memory_space<vmem>>, vector<1x16xf32>,
            %get3A_1627 = vector.shape_cast %get3A_1626 : vector<1x16xf32> to vector<16xf32>
            %mul3A_1628 = vector.broadcast %squeeze3A_1608 : f32 to vector<16xf32>
            %mul3A_1629 = arith.mulf %get3A_1627, %mul3A_1628 : vector<16xf32>
            %swap3A_1630 = arith.index_cast %add3A_1612 : i32 to index
            %swap3A_1631 = arith.constant 16 : index
            %swap3A_1632 = tpu.vector_load %run_scoped3A_6[%swap3A_1630, %swap3A_1631] {strides = array<i32>} : memref<80x128xf32, #tpu.memory_space<vmem>>, vector<1x16xf32>,
            %swap3A_1633 = vector.shape_cast %swap3A_1632 : vector<1x16xf32> to vector<16xf32>
            %swap3A_1634 = vector.shape_cast %mul3A_1629 : vector<16xf32> to vector<1x16xf32>
            tpu.vector_store %run_scoped3A_6[%swap3A_1630, %swap3A_1631], %swap3A_1634 {strides = array<i32>} : memref<80x128xf32, #tpu.memory_space<vmem>>, vector<1x16xf32>,
            %get3A_1635 = arith.index_cast %add3A_1612 : i32 to index
            %get3A_1636 = arith.constant 32 : index
            %get3A_1637 = tpu.vector_load %run_scoped3A_6[%get3A_1635, %get3A_1636] {strides = array<i32>} : memref<80x128xf32, #tpu.memory_space<vmem>>, vector<1x16xf32>,
            %get3A_1638 = vector.shape_cast %get3A_1637 : vector<1x16xf32> to vector<16xf32>
            %mul3A_1639 = vector.broadcast %squeeze3A_1608 : f32 to vector<16xf32>
            %mul3A_1640 = arith.mulf %get3A_1638, %mul3A_1639 : vector<16xf32>
            %swap3A_1641 = arith.index_cast %add3A_1612 : i32 to index
            %swap3A_1642 = arith.constant 32 : index
            %swap3A_1643 = tpu.vector_load %run_scoped3A_6[%swap3A_1641, %swap3A_1642] {strides = array<i32>} : memref<80x128xf32, #tpu.memory_space<vmem>>, vector<1x16xf32>,
            %swap3A_1644 = vector.shape_cast %swap3A_1643 : vector<1x16xf32> to vector<16xf32>
            %swap3A_1645 = vector.shape_cast %mul3A_1640 : vector<16xf32> to vector<1x16xf32>
            tpu.vector_store %run_scoped3A_6[%swap3A_1641, %swap3A_1642], %swap3A_1645 {strides = array<i32>} : memref<80x128xf32, #tpu.memory_space<vmem>>, vector<1x16xf32>,
            %get3A_1646 = arith.index_cast %add3A_1612 : i32 to index
            %get3A_1647 = arith.constant 48 : index
            %get3A_1648 = tpu.vector_load %run_scoped3A_6[%get3A_1646, %get3A_1647] {strides = array<i32>} : memref<80x128xf32, #tpu.memory_space<vmem>>, vector<1x16xf32>,
            %get3A_1649 = vector.shape_cast %get3A_1648 : vector<1x16xf32> to vector<16xf32>
            %mul3A_1650 = vector.broadcast %squeeze3A_1608 : f32 to vector<16xf32>
            %mul3A_1651 = arith.mulf %get3A_1649, %mul3A_1650 : vector<16xf32>
            %swap3A_1652 = arith.index_cast %add3A_1612 : i32 to index
            %swap3A_1653 = arith.constant 48 : index
            %swap3A_1654 = tpu.vector_load %run_scoped3A_6[%swap3A_1652, %swap3A_1653] {strides = array<i32>} : memref<80x128xf32, #tpu.memory_space<vmem>>, vector<1x16xf32>,
            %swap3A_1655 = vector.shape_cast %swap3A_1654 : vector<1x16xf32> to vector<16xf32>
            %swap3A_1656 = vector.shape_cast %mul3A_1651 : vector<16xf32> to vector<1x16xf32>
            tpu.vector_store %run_scoped3A_6[%swap3A_1652, %swap3A_1653], %swap3A_1656 {strides = array<i32>} : memref<80x128xf32, #tpu.memory_space<vmem>>, vector<1x16xf32>,
            %get3A_1657 = arith.index_cast %add3A_1612 : i32 to index
            %get3A_1658 = arith.constant 64 : index
            %get3A_1659 = tpu.vector_load %run_scoped3A_6[%get3A_1657, %get3A_1658] {strides = array<i32>} : memref<80x128xf32, #tpu.memory_space<vmem>>, vector<1x16xf32>,
            %get3A_1660 = vector.shape_cast %get3A_1659 : vector<1x16xf32> to vector<16xf32>
            %mul3A_1661 = vector.broadcast %squeeze3A_1608 : f32 to vector<16xf32>
            %mul3A_1662 = arith.mulf %get3A_1660, %mul3A_1661 : vector<16xf32>
            %swap3A_1663 = arith.index_cast %add3A_1612 : i32 to index
            %swap3A_1664 = arith.constant 64 : index
            %swap3A_1665 = tpu.vector_load %run_scoped3A_6[%swap3A_1663, %swap3A_1664] {strides = array<i32>} : memref<80x128xf32, #tpu.memory_space<vmem>>, vector<1x16xf32>,
            %swap3A_1666 = vector.shape_cast %swap3A_1665 : vector<1x16xf32> to vector<16xf32>
            %swap3A_1667 = vector.shape_cast %mul3A_1662 : vector<16xf32> to vector<1x16xf32>
            tpu.vector_store %run_scoped3A_6[%swap3A_1663, %swap3A_1664], %swap3A_1667 {strides = array<i32>} : memref<80x128xf32, #tpu.memory_space<vmem>>, vector<1x16xf32>,
            %get3A_1668 = arith.index_cast %add3A_1612 : i32 to index
            %get3A_1669 = arith.constant 80 : index
            %get3A_1670 = tpu.vector_load %run_scoped3A_6[%get3A_1668, %get3A_1669] {strides = array<i32>} : memref<80x128xf32, #tpu.memory_space<vmem>>, vector<1x16xf32>,
            %get3A_1671 = vector.shape_cast %get3A_1670 : vector<1x16xf32> to vector<16xf32>
            %mul3A_1672 = vector.broadcast %squeeze3A_1608 : f32 to vector<16xf32>
            %mul3A_1673 = arith.mulf %get3A_1671, %mul3A_1672 : vector<16xf32>
            %swap3A_1674 = arith.index_cast %add3A_1612 : i32 to index
            %swap3A_1675 = arith.constant 80 : index
            %swap3A_1676 = tpu.vector_load %run_scoped3A_6[%swap3A_1674, %swap3A_1675] {strides = array<i32>} : memref<80x128xf32, #tpu.memory_space<vmem>>, vector<1x16xf32>,
            %swap3A_1677 = vector.shape_cast %swap3A_1676 : vector<1x16xf32> to vector<16xf32>
            %swap3A_1678 = vector.shape_cast %mul3A_1673 : vector<16xf32> to vector<1x16xf32>
            tpu.vector_store %run_scoped3A_6[%swap3A_1674, %swap3A_1675], %swap3A_1678 {strides = array<i32>} : memref<80x128xf32, #tpu.memory_space<vmem>>, vector<1x16xf32>,
            %get3A_1679 = arith.index_cast %add3A_1612 : i32 to index
            %get3A_1680 = arith.constant 96 : index
            %get3A_1681 = tpu.vector_load %run_scoped3A_6[%get3A_1679, %get3A_1680] {strides = array<i32>} : memref<80x128xf32, #tpu.memory_space<vmem>>, vector<1x16xf32>,
            %get3A_1682 = vector.shape_cast %get3A_1681 : vector<1x16xf32> to vector<16xf32>
            %mul3A_1683 = vector.broadcast %squeeze3A_1608 : f32 to vector<16xf32>
            %mul3A_1684 = arith.mulf %get3A_1682, %mul3A_1683 : vector<16xf32>
            %swap3A_1685 = arith.index_cast %add3A_1612 : i32 to index
            %swap3A_1686 = arith.constant 96 : index
            %swap3A_1687 = tpu.vector_load %run_scoped3A_6[%swap3A_1685, %swap3A_1686] {strides = array<i32>} : memref<80x128xf32, #tpu.memory_space<vmem>>, vector<1x16xf32>,
            %swap3A_1688 = vector.shape_cast %swap3A_1687 : vector<1x16xf32> to vector<16xf32>
            %swap3A_1689 = vector.shape_cast %mul3A_1684 : vector<16xf32> to vector<1x16xf32>
            tpu.vector_store %run_scoped3A_6[%swap3A_1685, %swap3A_1686], %swap3A_1689 {strides = array<i32>} : memref<80x128xf32, #tpu.memory_space<vmem>>, vector<1x16xf32>,
            %get3A_1690 = arith.index_cast %add3A_1612 : i32 to index
            %get3A_1691 = arith.constant 112 : index
            %get3A_1692 = tpu.vector_load %run_scoped3A_6[%get3A_1690, %get3A_1691] {strides = array<i32>} : memref<80x128xf32, #tpu.memory_space<vmem>>, vector<1x16xf32>,
            %get3A_1693 = vector.shape_cast %get3A_1692 : vector<1x16xf32> to vector<16xf32>
            %mul3A_1694 = vector.broadcast %squeeze3A_1608 : f32 to vector<16xf32>
            %mul3A_1695 = arith.mulf %get3A_1693, %mul3A_1694 : vector<16xf32>
            %swap3A_1696 = arith.index_cast %add3A_1612 : i32 to index
            %swap3A_1697 = arith.constant 112 : index
            %swap3A_1698 = tpu.vector_load %run_scoped3A_6[%swap3A_1696, %swap3A_1697] {strides = array<i32>} : memref<80x128xf32, #tpu.memory_space<vmem>>, vector<1x16xf32>,
            %swap3A_1699 = vector.shape_cast %swap3A_1698 : vector<1x16xf32> to vector<16xf32>
            %swap3A_1700 = vector.shape_cast %mul3A_1695 : vector<16xf32> to vector<1x16xf32>
            tpu.vector_store %run_scoped3A_6[%swap3A_1696, %swap3A_1697], %swap3A_1700 {strides = array<i32>} : memref<80x128xf32, #tpu.memory_space<vmem>>, vector<1x16xf32>,
            %slice3A_1701 = vector.extract_strided_slice %get3A_292 {offsets = [15], sizes = [1], strides = [1]} : vector<16xf32> to vector<1xf32>
            %squeeze3A_1702 = vector.extract %slice3A_1701[0] : f32 from vector<1xf32>
            %mul3A_1703 = arith.constant 16 : i32
            %mul3A_1704 = arith.muli %scan3A_287, %mul3A_1703 : i32
            %add3A_1705 = arith.constant 15 : i32
            %add3A_1706 = arith.addi %mul3A_1704, %add3A_1705 : i32
            %get3A_1707 = arith.index_cast %add3A_1706 : i32 to index
            %get3A_1708 = arith.constant 0 : index
            %get3A_1709 = tpu.vector_load %run_scoped3A_6[%get3A_1707, %get3A_1708] {strides = array<i32>} : memref<80x128xf32, #tpu.memory_space<vmem>>, vector<1x16xf32>,
            %get3A_1710 = vector.shape_cast %get3A_1709 : vector<1x16xf32> to vector<16xf32>
            %mul3A_1711 = vector.broadcast %squeeze3A_1702 : f32 to vector<16xf32>
            %mul3A_1712 = arith.mulf %get3A_1710, %mul3A_1711 : vector<16xf32>
            %swap3A_1713 = arith.index_cast %add3A_1706 : i32 to index
            %swap3A_1714 = arith.constant 0 : index
            %swap3A_1715 = tpu.vector_load %run_scoped3A_6[%swap3A_1713, %swap3A_1714] {strides = array<i32>} : memref<80x128xf32, #tpu.memory_space<vmem>>, vector<1x16xf32>,
            %swap3A_1716 = vector.shape_cast %swap3A_1715 : vector<1x16xf32> to vector<16xf32>
            %swap3A_1717 = vector.shape_cast %mul3A_1712 : vector<16xf32> to vector<1x16xf32>
            tpu.vector_store %run_scoped3A_6[%swap3A_1713, %swap3A_1714], %swap3A_1717 {strides = array<i32>} : memref<80x128xf32, #tpu.memory_space<vmem>>, vector<1x16xf32>,
            %get3A_1718 = arith.index_cast %add3A_1706 : i32 to index
            %get3A_1719 = arith.constant 16 : index
            %get3A_1720 = tpu.vector_load %run_scoped3A_6[%get3A_1718, %get3A_1719] {strides = array<i32>} : memref<80x128xf32, #tpu.memory_space<vmem>>, vector<1x16xf32>,
            %get3A_1721 = vector.shape_cast %get3A_1720 : vector<1x16xf32> to vector<16xf32>
            %mul3A_1722 = vector.broadcast %squeeze3A_1702 : f32 to vector<16xf32>
            %mul3A_1723 = arith.mulf %get3A_1721, %mul3A_1722 : vector<16xf32>
            %swap3A_1724 = arith.index_cast %add3A_1706 : i32 to index
            %swap3A_1725 = arith.constant 16 : index
            %swap3A_1726 = tpu.vector_load %run_scoped3A_6[%swap3A_1724, %swap3A_1725] {strides = array<i32>} : memref<80x128xf32, #tpu.memory_space<vmem>>, vector<1x16xf32>,
            %swap3A_1727 = vector.shape_cast %swap3A_1726 : vector<1x16xf32> to vector<16xf32>
            %swap3A_1728 = vector.shape_cast %mul3A_1723 : vector<16xf32> to vector<1x16xf32>
            tpu.vector_store %run_scoped3A_6[%swap3A_1724, %swap3A_1725], %swap3A_1728 {strides = array<i32>} : memref<80x128xf32, #tpu.memory_space<vmem>>, vector<1x16xf32>,
            %get3A_1729 = arith.index_cast %add3A_1706 : i32 to index
            %get3A_1730 = arith.constant 32 : index
            %get3A_1731 = tpu.vector_load %run_scoped3A_6[%get3A_1729, %get3A_1730] {strides = array<i32>} : memref<80x128xf32, #tpu.memory_space<vmem>>, vector<1x16xf32>,
            %get3A_1732 = vector.shape_cast %get3A_1731 : vector<1x16xf32> to vector<16xf32>
            %mul3A_1733 = vector.broadcast %squeeze3A_1702 : f32 to vector<16xf32>
            %mul3A_1734 = arith.mulf %get3A_1732, %mul3A_1733 : vector<16xf32>
            %swap3A_1735 = arith.index_cast %add3A_1706 : i32 to index
            %swap3A_1736 = arith.constant 32 : index
            %swap3A_1737 = tpu.vector_load %run_scoped3A_6[%swap3A_1735, %swap3A_1736] {strides = array<i32>} : memref<80x128xf32, #tpu.memory_space<vmem>>, vector<1x16xf32>,
            %swap3A_1738 = vector.shape_cast %swap3A_1737 : vector<1x16xf32> to vector<16xf32>
            %swap3A_1739 = vector.shape_cast %mul3A_1734 : vector<16xf32> to vector<1x16xf32>
            tpu.vector_store %run_scoped3A_6[%swap3A_1735, %swap3A_1736], %swap3A_1739 {strides = array<i32>} : memref<80x128xf32, #tpu.memory_space<vmem>>, vector<1x16xf32>,
            %get3A_1740 = arith.index_cast %add3A_1706 : i32 to index
            %get3A_1741 = arith.constant 48 : index
            %get3A_1742 = tpu.vector_load %run_scoped3A_6[%get3A_1740, %get3A_1741] {strides = array<i32>} : memref<80x128xf32, #tpu.memory_space<vmem>>, vector<1x16xf32>,
            %get3A_1743 = vector.shape_cast %get3A_1742 : vector<1x16xf32> to vector<16xf32>
            %mul3A_1744 = vector.broadcast %squeeze3A_1702 : f32 to vector<16xf32>
            %mul3A_1745 = arith.mulf %get3A_1743, %mul3A_1744 : vector<16xf32>
            %swap3A_1746 = arith.index_cast %add3A_1706 : i32 to index
            %swap3A_1747 = arith.constant 48 : index
            %swap3A_1748 = tpu.vector_load %run_scoped3A_6[%swap3A_1746, %swap3A_1747] {strides = array<i32>} : memref<80x128xf32, #tpu.memory_space<vmem>>, vector<1x16xf32>,
            %swap3A_1749 = vector.shape_cast %swap3A_1748 : vector<1x16xf32> to vector<16xf32>
            %swap3A_1750 = vector.shape_cast %mul3A_1745 : vector<16xf32> to vector<1x16xf32>
            tpu.vector_store %run_scoped3A_6[%swap3A_1746, %swap3A_1747], %swap3A_1750 {strides = array<i32>} : memref<80x128xf32, #tpu.memory_space<vmem>>, vector<1x16xf32>,
            %get3A_1751 = arith.index_cast %add3A_1706 : i32 to index
            %get3A_1752 = arith.constant 64 : index
            %get3A_1753 = tpu.vector_load %run_scoped3A_6[%get3A_1751, %get3A_1752] {strides = array<i32>} : memref<80x128xf32, #tpu.memory_space<vmem>>, vector<1x16xf32>,
            %get3A_1754 = vector.shape_cast %get3A_1753 : vector<1x16xf32> to vector<16xf32>
            %mul3A_1755 = vector.broadcast %squeeze3A_1702 : f32 to vector<16xf32>
            %mul3A_1756 = arith.mulf %get3A_1754, %mul3A_1755 : vector<16xf32>
            %swap3A_1757 = arith.index_cast %add3A_1706 : i32 to index
            %swap3A_1758 = arith.constant 64 : index
            %swap3A_1759 = tpu.vector_load %run_scoped3A_6[%swap3A_1757, %swap3A_1758] {strides = array<i32>} : memref<80x128xf32, #tpu.memory_space<vmem>>, vector<1x16xf32>,
            %swap3A_1760 = vector.shape_cast %swap3A_1759 : vector<1x16xf32> to vector<16xf32>
            %swap3A_1761 = vector.shape_cast %mul3A_1756 : vector<16xf32> to vector<1x16xf32>
            tpu.vector_store %run_scoped3A_6[%swap3A_1757, %swap3A_1758], %swap3A_1761 {strides = array<i32>} : memref<80x128xf32, #tpu.memory_space<vmem>>, vector<1x16xf32>,
            %get3A_1762 = arith.index_cast %add3A_1706 : i32 to index
            %get3A_1763 = arith.constant 80 : index
            %get3A_1764 = tpu.vector_load %run_scoped3A_6[%get3A_1762, %get3A_1763] {strides = array<i32>} : memref<80x128xf32, #tpu.memory_space<vmem>>, vector<1x16xf32>,
            %get3A_1765 = vector.shape_cast %get3A_1764 : vector<1x16xf32> to vector<16xf32>
            %mul3A_1766 = vector.broadcast %squeeze3A_1702 : f32 to vector<16xf32>
            %mul3A_1767 = arith.mulf %get3A_1765, %mul3A_1766 : vector<16xf32>
            %swap3A_1768 = arith.index_cast %add3A_1706 : i32 to index
            %swap3A_1769 = arith.constant 80 : index
            %swap3A_1770 = tpu.vector_load %run_scoped3A_6[%swap3A_1768, %swap3A_1769] {strides = array<i32>} : memref<80x128xf32, #tpu.memory_space<vmem>>, vector<1x16xf32>,
            %swap3A_1771 = vector.shape_cast %swap3A_1770 : vector<1x16xf32> to vector<16xf32>
            %swap3A_1772 = vector.shape_cast %mul3A_1767 : vector<16xf32> to vector<1x16xf32>
            tpu.vector_store %run_scoped3A_6[%swap3A_1768, %swap3A_1769], %swap3A_1772 {strides = array<i32>} : memref<80x128xf32, #tpu.memory_space<vmem>>, vector<1x16xf32>,
            %get3A_1773 = arith.index_cast %add3A_1706 : i32 to index
            %get3A_1774 = arith.constant 96 : index
            %get3A_1775 = tpu.vector_load %run_scoped3A_6[%get3A_1773, %get3A_1774] {strides = array<i32>} : memref<80x128xf32, #tpu.memory_space<vmem>>, vector<1x16xf32>,
            %get3A_1776 = vector.shape_cast %get3A_1775 : vector<1x16xf32> to vector<16xf32>
            %mul3A_1777 = vector.broadcast %squeeze3A_1702 : f32 to vector<16xf32>
            %mul3A_1778 = arith.mulf %get3A_1776, %mul3A_1777 : vector<16xf32>
            %swap3A_1779 = arith.index_cast %add3A_1706 : i32 to index
            %swap3A_1780 = arith.constant 96 : index
            %swap3A_1781 = tpu.vector_load %run_scoped3A_6[%swap3A_1779, %swap3A_1780] {strides = array<i32>} : memref<80x128xf32, #tpu.memory_space<vmem>>, vector<1x16xf32>,
            %swap3A_1782 = vector.shape_cast %swap3A_1781 : vector<1x16xf32> to vector<16xf32>
            %swap3A_1783 = vector.shape_cast %mul3A_1778 : vector<16xf32> to vector<1x16xf32>
            tpu.vector_store %run_scoped3A_6[%swap3A_1779, %swap3A_1780], %swap3A_1783 {strides = array<i32>} : memref<80x128xf32, #tpu.memory_space<vmem>>, vector<1x16xf32>,
            %get3A_1784 = arith.index_cast %add3A_1706 : i32 to index
            %get3A_1785 = arith.constant 112 : index
            %get3A_1786 = tpu.vector_load %run_scoped3A_6[%get3A_1784, %get3A_1785] {strides = array<i32>} : memref<80x128xf32, #tpu.memory_space<vmem>>, vector<1x16xf32>,
            %get3A_1787 = vector.shape_cast %get3A_1786 : vector<1x16xf32> to vector<16xf32>
            %mul3A_1788 = vector.broadcast %squeeze3A_1702 : f32 to vector<16xf32>
            %mul3A_1789 = arith.mulf %get3A_1787, %mul3A_1788 : vector<16xf32>
            %swap3A_1790 = arith.index_cast %add3A_1706 : i32 to index
            %swap3A_1791 = arith.constant 112 : index
            %swap3A_1792 = tpu.vector_load %run_scoped3A_6[%swap3A_1790, %swap3A_1791] {strides = array<i32>} : memref<80x128xf32, #tpu.memory_space<vmem>>, vector<1x16xf32>,
            %swap3A_1793 = vector.shape_cast %swap3A_1792 : vector<1x16xf32> to vector<16xf32>
            %swap3A_1794 = vector.shape_cast %mul3A_1789 : vector<16xf32> to vector<1x16xf32>
            tpu.vector_store %run_scoped3A_6[%swap3A_1790, %swap3A_1791], %swap3A_1794 {strides = array<i32>} : memref<80x128xf32, #tpu.memory_space<vmem>>, vector<1x16xf32>,
          }
          %scan3A_281 = arith.constant 5 : i32
          %dma_start3A_282 = arith.constant 0 : i32
          %dma_start3A_283 = tpu.memref_slice %arg12[%dma_start3A_282] : memref<10240xf32, #tpu.memory_space<vmem_shared>> -> memref<10240xf32, #tpu.memory_space<vmem_shared>>
          tpu.enqueue_indirect_dma source(%run_scoped3A_5 : memref<80xf32, #tpu.memory_space<vmem>>) target(%dma_start3A_283 : memref<10240xf32, #tpu.memory_space<vmem_shared>>) offsets(%run_scoped3A_2 : memref<80xi32, #tpu.memory_space<vmem>>) semaphore(%arg16 : memref<!tpu.dma_semaphore, #tpu.memory_space<semaphore_mem>>) {add = true}
          %dma_start3A_284 = arith.constant 0 : i32
          %dma_start3A_285 = arith.constant 0 : i32
          %dma_start3A_286 = tpu.memref_slice %arg11[%dma_start3A_284, %dma_start3A_285] : memref<10240x128xf32, #tpu.memory_space<vmem_shared>> -> memref<10240x128xf32, #tpu.memory_space<vmem_shared>>
          tpu.enqueue_indirect_dma source(%run_scoped3A_6 : memref<80x128xf32, #tpu.memory_space<vmem>>) target(%dma_start3A_286 : memref<10240x128xf32, #tpu.memory_space<vmem_shared>>) offsets(%run_scoped3A_2 : memref<80xi32, #tpu.memory_space<vmem>>) semaphore(%arg16 : memref<!tpu.dma_semaphore, #tpu.memory_space<semaphore_mem>>) {add = true}
        } else {
        }
        %mul3A_135 = arith.constant 2 : i32
        %mul3A_136 = arith.muli %mul3A_135, %scan3A_128 : i32
        %add3A_137 = arith.constant 1 : i32
        %add3A_138 = arith.addi %mul3A_136, %add3A_137 : i32
        %lt3A_139 = arith.constant 125 : i32
        %lt3A_140 = arith.cmpi slt, %add3A_138, %lt3A_139 : i32
        %convert_element_type3A_141 = arith.extui %lt3A_140 : i1 to i32
        %cond3A_142 = arith.constant 0 : i32
        %cond3A_143 = arith.cmpi ne, %convert_element_type3A_141, %cond3A_142 : i32
        scf.if %cond3A_143 {
          %add3A_144 = arith.constant 1 : i32
          %add3A_145 = arith.addi %add3A_138, %add3A_144 : i32
          %lt3A_146 = arith.constant 125 : i32
          %lt3A_147 = arith.cmpi slt, %add3A_145, %lt3A_146 : i32
          %convert_element_type3A_148 = arith.extui %lt3A_147 : i1 to i32
          %cond3A_149 = arith.constant 0 : i32
          %cond3A_150 = arith.cmpi ne, %convert_element_type3A_148, %cond3A_149 : i32
          scf.if %cond3A_150 {
            %ge3A = arith.constant 1 : i32
            %ge3A_287 = arith.cmpi sge, %add3A_138, %ge3A : i32
            %convert_element_type3A_288 = arith.extui %ge3A_287 : i1 to i32
            %cond3A_289 = arith.constant 0 : i32
            %cond3A_290 = arith.cmpi ne, %convert_element_type3A_288, %cond3A_289 : i32
            scf.if %cond3A_290 {
              %sub3A = arith.constant 1 : i32
              %sub3A_407 = arith.subi %add3A_138, %sub3A : i32
              %dma_wait3A_408 = arith.constant 0 : i32
              %dma_wait3A_409 = tpu.memref_slice %arg12[%dma_wait3A_408] : memref<10240xf32, #tpu.memory_space<vmem_shared>> -> memref<10240xf32, #tpu.memory_space<vmem_shared>>
              tpu.wait_indirect_dma semaphore(%arg16 : memref<!tpu.dma_semaphore, #tpu.memory_space<semaphore_mem>>) src(%run_scoped3A_5 : memref<80xf32, #tpu.memory_space<vmem>>) dst(%dma_wait3A_409 : memref<10240xf32, #tpu.memory_space<vmem_shared>>)
              %dma_wait3A_410 = arith.constant 0 : i32
              %dma_wait3A_411 = arith.constant 0 : i32
              %dma_wait3A_412 = tpu.memref_slice %arg11[%dma_wait3A_410, %dma_wait3A_411] : memref<10240x128xf32, #tpu.memory_space<vmem_shared>> -> memref<10240x128xf32, #tpu.memory_space<vmem_shared>>
              tpu.wait_indirect_dma semaphore(%arg16 : memref<!tpu.dma_semaphore, #tpu.memory_space<semaphore_mem>>) src(%run_scoped3A_6 : memref<80x128xf32, #tpu.memory_space<vmem>>) dst(%dma_wait3A_412 : memref<10240x128xf32, #tpu.memory_space<vmem_shared>>)
            } else {
            }
            %add3A_291 = arith.constant 1 : i32
            %add3A_292 = arith.addi %add3A_138, %add3A_291 : i32
            %mul3A_293 = arith.constant 80 : i32
            %mul3A_294 = arith.muli %add3A_292, %mul3A_293 : i32
            %add3A_295 = arith.constant 0 : i32
            %add3A_296 = arith.addi %mul3A_294, %add3A_295 : i32
            %get3A_297 = arith.index_cast %add3A_296 : i32 to index
            %get3A_298 = tpu.vector_load %run_scoped3A[%get3A_297] {strides = array<i32>} : memref<10000xi32, #tpu.memory_space<vmem>>, vector<16xi32>,
            %get3A_299 = vector.shape_cast %get3A_298 : vector<16xi32> to vector<16xi32>
            %and3A_300 = arith.constant 16383 : i32
            %and3A_301 = vector.broadcast %and3A_300 : i32 to vector<16xi32>
            %and3A_302 = arith.andi %get3A_299, %and3A_301 : vector<16xi32>
            %swap3A_303 = arith.constant 0 : index
            %swap3A_304 = tpu.vector_load %run_scoped3A_1[%swap3A_303] {strides = array<i32>} : memref<80xi32, #tpu.memory_space<vmem>>, vector<16xi32>,
            %swap3A_305 = vector.shape_cast %swap3A_304 : vector<16xi32> to vector<16xi32>
            %swap3A_306 = vector.shape_cast %and3A_302 : vector<16xi32> to vector<16xi32>
            tpu.vector_store %run_scoped3A_1[%swap3A_303], %swap3A_306 {strides = array<i32>} : memref<80xi32, #tpu.memory_space<vmem>>, vector<16xi32>,
            %shift_right_logical3A_307 = arith.constant 14 : i32
            %shift_right_logical3A_308 = vector.broadcast %shift_right_logical3A_307 : i32 to vector<16xi32>
            %shift_right_logical3A_309 = arith.shrui %get3A_299, %shift_right_logical3A_308 : vector<16xi32>
            %swap3A_310 = arith.constant 0 : index
            %swap3A_311 = tpu.vector_load %run_scoped3A_2[%swap3A_310] {strides = array<i32>} : memref<80xi32, #tpu.memory_space<vmem>>, vector<16xi32>,
            %swap3A_312 = vector.shape_cast %swap3A_311 : vector<16xi32> to vector<16xi32>
            %swap3A_313 = vector.shape_cast %shift_right_logical3A_309 : vector<16xi32> to vector<16xi32>
            tpu.vector_store %run_scoped3A_2[%swap3A_310], %swap3A_313 {strides = array<i32>} : memref<80xi32, #tpu.memory_space<vmem>>, vector<16xi32>,
            %mul3A_314 = arith.constant 80 : i32
            %mul3A_315 = arith.muli %add3A_292, %mul3A_314 : i32
            %add3A_316 = arith.constant 16 : i32
            %add3A_317 = arith.addi %mul3A_315, %add3A_316 : i32
            %get3A_318 = arith.index_cast %add3A_317 : i32 to index
            %get3A_319 = tpu.vector_load %run_scoped3A[%get3A_318] {strides = array<i32>} : memref<10000xi32, #tpu.memory_space<vmem>>, vector<16xi32>,
            %get3A_320 = vector.shape_cast %get3A_319 : vector<16xi32> to vector<16xi32>
            %and3A_321 = arith.constant 16383 : i32
            %and3A_322 = vector.broadcast %and3A_321 : i32 to vector<16xi32>
            %and3A_323 = arith.andi %get3A_320, %and3A_322 : vector<16xi32>
            %swap3A_324 = arith.constant 16 : index
            %swap3A_325 = tpu.vector_load %run_scoped3A_1[%swap3A_324] {strides = array<i32>} : memref<80xi32, #tpu.memory_space<vmem>>, vector<16xi32>,
            %swap3A_326 = vector.shape_cast %swap3A_325 : vector<16xi32> to vector<16xi32>
            %swap3A_327 = vector.shape_cast %and3A_323 : vector<16xi32> to vector<16xi32>
            tpu.vector_store %run_scoped3A_1[%swap3A_324], %swap3A_327 {strides = array<i32>} : memref<80xi32, #tpu.memory_space<vmem>>, vector<16xi32>,
            %shift_right_logical3A_328 = arith.constant 14 : i32
            %shift_right_logical3A_329 = vector.broadcast %shift_right_logical3A_328 : i32 to vector<16xi32>
            %shift_right_logical3A_330 = arith.shrui %get3A_320, %shift_right_logical3A_329 : vector<16xi32>
            %swap3A_331 = arith.constant 16 : index
            %swap3A_332 = tpu.vector_load %run_scoped3A_2[%swap3A_331] {strides = array<i32>} : memref<80xi32, #tpu.memory_space<vmem>>, vector<16xi32>,
            %swap3A_333 = vector.shape_cast %swap3A_332 : vector<16xi32> to vector<16xi32>
            %swap3A_334 = vector.shape_cast %shift_right_logical3A_330 : vector<16xi32> to vector<16xi32>
            tpu.vector_store %run_scoped3A_2[%swap3A_331], %swap3A_334 {strides = array<i32>} : memref<80xi32, #tpu.memory_space<vmem>>, vector<16xi32>,
            %mul3A_335 = arith.constant 80 : i32
            %mul3A_336 = arith.muli %add3A_292, %mul3A_335 : i32
            %add3A_337 = arith.constant 32 : i32
            %add3A_338 = arith.addi %mul3A_336, %add3A_337 : i32
            %get3A_339 = arith.index_cast %add3A_338 : i32 to index
            %get3A_340 = tpu.vector_load %run_scoped3A[%get3A_339] {strides = array<i32>} : memref<10000xi32, #tpu.memory_space<vmem>>, vector<16xi32>,
            %get3A_341 = vector.shape_cast %get3A_340 : vector<16xi32> to vector<16xi32>
            %and3A_342 = arith.constant 16383 : i32
            %and3A_343 = vector.broadcast %and3A_342 : i32 to vector<16xi32>
            %and3A_344 = arith.andi %get3A_341, %and3A_343 : vector<16xi32>
            %swap3A_345 = arith.constant 32 : index
            %swap3A_346 = tpu.vector_load %run_scoped3A_1[%swap3A_345] {strides = array<i32>} : memref<80xi32, #tpu.memory_space<vmem>>, vector<16xi32>,
            %swap3A_347 = vector.shape_cast %swap3A_346 : vector<16xi32> to vector<16xi32>
            %swap3A_348 = vector.shape_cast %and3A_344 : vector<16xi32> to vector<16xi32>
            tpu.vector_store %run_scoped3A_1[%swap3A_345], %swap3A_348 {strides = array<i32>} : memref<80xi32, #tpu.memory_space<vmem>>, vector<16xi32>,
            %shift_right_logical3A_349 = arith.constant 14 : i32
            %shift_right_logical3A_350 = vector.broadcast %shift_right_logical3A_349 : i32 to vector<16xi32>
            %shift_right_logical3A_351 = arith.shrui %get3A_341, %shift_right_logical3A_350 : vector<16xi32>
            %swap3A_352 = arith.constant 32 : index
            %swap3A_353 = tpu.vector_load %run_scoped3A_2[%swap3A_352] {strides = array<i32>} : memref<80xi32, #tpu.memory_space<vmem>>, vector<16xi32>,
            %swap3A_354 = vector.shape_cast %swap3A_353 : vector<16xi32> to vector<16xi32>
            %swap3A_355 = vector.shape_cast %shift_right_logical3A_351 : vector<16xi32> to vector<16xi32>
            tpu.vector_store %run_scoped3A_2[%swap3A_352], %swap3A_355 {strides = array<i32>} : memref<80xi32, #tpu.memory_space<vmem>>, vector<16xi32>,
            %mul3A_356 = arith.constant 80 : i32
            %mul3A_357 = arith.muli %add3A_292, %mul3A_356 : i32
            %add3A_358 = arith.constant 48 : i32
            %add3A_359 = arith.addi %mul3A_357, %add3A_358 : i32
            %get3A_360 = arith.index_cast %add3A_359 : i32 to index
            %get3A_361 = tpu.vector_load %run_scoped3A[%get3A_360] {strides = array<i32>} : memref<10000xi32, #tpu.memory_space<vmem>>, vector<16xi32>,
            %get3A_362 = vector.shape_cast %get3A_361 : vector<16xi32> to vector<16xi32>
            %and3A_363 = arith.constant 16383 : i32
            %and3A_364 = vector.broadcast %and3A_363 : i32 to vector<16xi32>
            %and3A_365 = arith.andi %get3A_362, %and3A_364 : vector<16xi32>
            %swap3A_366 = arith.constant 48 : index
            %swap3A_367 = tpu.vector_load %run_scoped3A_1[%swap3A_366] {strides = array<i32>} : memref<80xi32, #tpu.memory_space<vmem>>, vector<16xi32>,
            %swap3A_368 = vector.shape_cast %swap3A_367 : vector<16xi32> to vector<16xi32>
            %swap3A_369 = vector.shape_cast %and3A_365 : vector<16xi32> to vector<16xi32>
            tpu.vector_store %run_scoped3A_1[%swap3A_366], %swap3A_369 {strides = array<i32>} : memref<80xi32, #tpu.memory_space<vmem>>, vector<16xi32>,
            %shift_right_logical3A_370 = arith.constant 14 : i32
            %shift_right_logical3A_371 = vector.broadcast %shift_right_logical3A_370 : i32 to vector<16xi32>
            %shift_right_logical3A_372 = arith.shrui %get3A_362, %shift_right_logical3A_371 : vector<16xi32>
            %swap3A_373 = arith.constant 48 : index
            %swap3A_374 = tpu.vector_load %run_scoped3A_2[%swap3A_373] {strides = array<i32>} : memref<80xi32, #tpu.memory_space<vmem>>, vector<16xi32>,
            %swap3A_375 = vector.shape_cast %swap3A_374 : vector<16xi32> to vector<16xi32>
            %swap3A_376 = vector.shape_cast %shift_right_logical3A_372 : vector<16xi32> to vector<16xi32>
            tpu.vector_store %run_scoped3A_2[%swap3A_373], %swap3A_376 {strides = array<i32>} : memref<80xi32, #tpu.memory_space<vmem>>, vector<16xi32>,
            %mul3A_377 = arith.constant 80 : i32
            %mul3A_378 = arith.muli %add3A_292, %mul3A_377 : i32
            %add3A_379 = arith.constant 64 : i32
            %add3A_380 = arith.addi %mul3A_378, %add3A_379 : i32
            %get3A_381 = arith.index_cast %add3A_380 : i32 to index
            %get3A_382 = tpu.vector_load %run_scoped3A[%get3A_381] {strides = array<i32>} : memref<10000xi32, #tpu.memory_space<vmem>>, vector<16xi32>,
            %get3A_383 = vector.shape_cast %get3A_382 : vector<16xi32> to vector<16xi32>
            %and3A_384 = arith.constant 16383 : i32
            %and3A_385 = vector.broadcast %and3A_384 : i32 to vector<16xi32>
            %and3A_386 = arith.andi %get3A_383, %and3A_385 : vector<16xi32>
            %swap3A_387 = arith.constant 64 : index
            %swap3A_388 = tpu.vector_load %run_scoped3A_1[%swap3A_387] {strides = array<i32>} : memref<80xi32, #tpu.memory_space<vmem>>, vector<16xi32>,
            %swap3A_389 = vector.shape_cast %swap3A_388 : vector<16xi32> to vector<16xi32>
            %swap3A_390 = vector.shape_cast %and3A_386 : vector<16xi32> to vector<16xi32>
            tpu.vector_store %run_scoped3A_1[%swap3A_387], %swap3A_390 {strides = array<i32>} : memref<80xi32, #tpu.memory_space<vmem>>, vector<16xi32>,
            %shift_right_logical3A_391 = arith.constant 14 : i32
            %shift_right_logical3A_392 = vector.broadcast %shift_right_logical3A_391 : i32 to vector<16xi32>
            %shift_right_logical3A_393 = arith.shrui %get3A_383, %shift_right_logical3A_392 : vector<16xi32>
            %swap3A_394 = arith.constant 64 : index
            %swap3A_395 = tpu.vector_load %run_scoped3A_2[%swap3A_394] {strides = array<i32>} : memref<80xi32, #tpu.memory_space<vmem>>, vector<16xi32>,
            %swap3A_396 = vector.shape_cast %swap3A_395 : vector<16xi32> to vector<16xi32>
            %swap3A_397 = vector.shape_cast %shift_right_logical3A_393 : vector<16xi32> to vector<16xi32>
            tpu.vector_store %run_scoped3A_2[%swap3A_394], %swap3A_397 {strides = array<i32>} : memref<80xi32, #tpu.memory_space<vmem>>, vector<16xi32>,
            %add3A_398 = arith.constant 1 : i32
            %add3A_399 = arith.addi %add3A_138, %add3A_398 : i32
            %dma_start3A_400 = arith.constant 0 : i32
            %dma_start3A_401 = tpu.memref_slice %arg3[%dma_start3A_400] : memref<10000xf32, #tpu.memory_space<hbm>> -> memref<10000xf32, #tpu.memory_space<hbm>>
            tpu.enqueue_indirect_dma source(%dma_start3A_401 : memref<10000xf32, #tpu.memory_space<hbm>>) target(%run_scoped3A_3 : memref<80xf32, #tpu.memory_space<vmem>>) offsets(%run_scoped3A_1 : memref<80xi32, #tpu.memory_space<vmem>>) semaphore(%arg14 : memref<!tpu.dma_semaphore, #tpu.memory_space<semaphore_mem>>)
            %dma_start3A_402 = arith.constant 0 : i32
            %dma_start3A_403 = tpu.memref_slice %arg4[%dma_start3A_402] : memref<10000xf32, #tpu.memory_space<hbm>> -> memref<10000xf32, #tpu.memory_space<hbm>>
            tpu.enqueue_indirect_dma source(%dma_start3A_403 : memref<10000xf32, #tpu.memory_space<hbm>>) target(%run_scoped3A_4 : memref<80xf32, #tpu.memory_space<vmem>>) offsets(%run_scoped3A_2 : memref<80xi32, #tpu.memory_space<vmem>>) semaphore(%arg14 : memref<!tpu.dma_semaphore, #tpu.memory_space<semaphore_mem>>)
            %dma_start3A_404 = arith.constant 0 : i32
            %dma_start3A_405 = arith.constant 0 : i32
            %dma_start3A_406 = tpu.memref_slice %arg6[%dma_start3A_404, %dma_start3A_405] : memref<10000x128xf32, #tpu.memory_space<hbm>> -> memref<10000x128xf32, #tpu.memory_space<hbm>>
            tpu.enqueue_indirect_dma source(%dma_start3A_406 : memref<10000x128xf32, #tpu.memory_space<hbm>>) target(%run_scoped3A_6 : memref<80x128xf32, #tpu.memory_space<vmem>>) offsets(%run_scoped3A_1 : memref<80xi32, #tpu.memory_space<vmem>>) semaphore(%arg14 : memref<!tpu.dma_semaphore, #tpu.memory_space<semaphore_mem>>)
          } else {
          }
          %dma_wait3A_151 = arith.constant 0 : i32
          %dma_wait3A_152 = tpu.memref_slice %arg3[%dma_wait3A_151] : memref<10000xf32, #tpu.memory_space<hbm>> -> memref<10000xf32, #tpu.memory_space<hbm>>
          tpu.wait_indirect_dma semaphore(%arg15 : memref<!tpu.dma_semaphore, #tpu.memory_space<semaphore_mem>>) src(%dma_wait3A_152 : memref<10000xf32, #tpu.memory_space<hbm>>) dst(%run_scoped3A_9 : memref<80xf32, #tpu.memory_space<vmem>>)
          %dma_wait3A_153 = arith.constant 0 : i32
          %dma_wait3A_154 = tpu.memref_slice %arg4[%dma_wait3A_153] : memref<10000xf32, #tpu.memory_space<hbm>> -> memref<10000xf32, #tpu.memory_space<hbm>>
          tpu.wait_indirect_dma semaphore(%arg15 : memref<!tpu.dma_semaphore, #tpu.memory_space<semaphore_mem>>) src(%dma_wait3A_154 : memref<10000xf32, #tpu.memory_space<hbm>>) dst(%run_scoped3A_10 : memref<80xf32, #tpu.memory_space<vmem>>)
          %dma_wait3A_155 = arith.constant 0 : i32
          %dma_wait3A_156 = arith.constant 0 : i32
          %dma_wait3A_157 = tpu.memref_slice %arg6[%dma_wait3A_155, %dma_wait3A_156] : memref<10000x128xf32, #tpu.memory_space<hbm>> -> memref<10000x128xf32, #tpu.memory_space<hbm>>
          tpu.wait_indirect_dma semaphore(%arg15 : memref<!tpu.dma_semaphore, #tpu.memory_space<semaphore_mem>>) src(%dma_wait3A_157 : memref<10000x128xf32, #tpu.memory_space<hbm>>) dst(%run_scoped3A_12 : memref<80x128xf32, #tpu.memory_space<vmem>>)
          %get3A_158 = arith.constant 0 : index
          %get3A_159 = tpu.vector_load %run_scoped3A_9[%get3A_158] {strides = array<i32>} : memref<80xf32, #tpu.memory_space<vmem>>, vector<16xf32>,
          %get3A_160 = vector.shape_cast %get3A_159 : vector<16xf32> to vector<16xf32>
          %get3A_161 = arith.constant 0 : index
          %get3A_162 = tpu.vector_load %run_scoped3A_10[%get3A_161] {strides = array<i32>} : memref<80xf32, #tpu.memory_space<vmem>>, vector<16xf32>,
          %get3A_163 = vector.shape_cast %get3A_162 : vector<16xf32> to vector<16xf32>
          %add3A_164 = arith.addf %get3A_160, %get3A_163 : vector<16xf32>
          %mul3A_165 = arith.constant 80 : i32
          %mul3A_166 = arith.muli %add3A_138, %mul3A_165 : i32
          %add3A_167 = arith.constant 0 : i32
          %add3A_168 = arith.addi %mul3A_166, %add3A_167 : i32
          %get3A_169 = arith.index_cast %add3A_168 : i32 to index
          %get3A_170 = tpu.vector_load %run_scoped3A_0[%get3A_169] {strides = array<i32>} : memref<10000xf32, #tpu.memory_space<vmem>>, vector<16xf32>,
          %get3A_171 = vector.shape_cast %get3A_170 : vector<16xf32> to vector<16xf32>
          %add3A_172 = arith.addf %add3A_164, %get3A_171 : vector<16xf32>
          %mul3A_173 = arith.constant 0.00999999977 : f32
          %mul3A_174 = vector.broadcast %mul3A_173 : f32 to vector<16xf32>
          %mul3A_175 = arith.mulf %mul3A_174, %add3A_172 : vector<16xf32>
          %max3A = arith.maximumf %add3A_172, %mul3A_175 : vector<16xf32>
          %exp3A = math.exp %max3A : vector<16xf32>
          %swap3A_176 = arith.constant 0 : index
          %swap3A_177 = tpu.vector_load %run_scoped3A_11[%swap3A_176] {strides = array<i32>} : memref<80xf32, #tpu.memory_space<vmem>>, vector<16xf32>,
          %swap3A_178 = vector.shape_cast %swap3A_177 : vector<16xf32> to vector<16xf32>
          %swap3A_179 = vector.shape_cast %exp3A : vector<16xf32> to vector<16xf32>
          tpu.vector_store %run_scoped3A_11[%swap3A_176], %swap3A_179 {strides = array<i32>} : memref<80xf32, #tpu.memory_space<vmem>>, vector<16xf32>,
          %get3A_180 = arith.constant 16 : index
          %get3A_181 = tpu.vector_load %run_scoped3A_9[%get3A_180] {strides = array<i32>} : memref<80xf32, #tpu.memory_space<vmem>>, vector<16xf32>,
          %get3A_182 = vector.shape_cast %get3A_181 : vector<16xf32> to vector<16xf32>
          %get3A_183 = arith.constant 16 : index
          %get3A_184 = tpu.vector_load %run_scoped3A_10[%get3A_183] {strides = array<i32>} : memref<80xf32, #tpu.memory_space<vmem>>, vector<16xf32>,
          %get3A_185 = vector.shape_cast %get3A_184 : vector<16xf32> to vector<16xf32>
          %add3A_186 = arith.addf %get3A_182, %get3A_185 : vector<16xf32>
          %mul3A_187 = arith.constant 80 : i32
          %mul3A_188 = arith.muli %add3A_138, %mul3A_187 : i32
          %add3A_189 = arith.constant 16 : i32
          %add3A_190 = arith.addi %mul3A_188, %add3A_189 : i32
          %get3A_191 = arith.index_cast %add3A_190 : i32 to index
          %get3A_192 = tpu.vector_load %run_scoped3A_0[%get3A_191] {strides = array<i32>} : memref<10000xf32, #tpu.memory_space<vmem>>, vector<16xf32>,
          %get3A_193 = vector.shape_cast %get3A_192 : vector<16xf32> to vector<16xf32>
          %add3A_194 = arith.addf %add3A_186, %get3A_193 : vector<16xf32>
          %mul3A_195 = arith.constant 0.00999999977 : f32
          %mul3A_196 = vector.broadcast %mul3A_195 : f32 to vector<16xf32>
          %mul3A_197 = arith.mulf %mul3A_196, %add3A_194 : vector<16xf32>
          %max3A_198 = arith.maximumf %add3A_194, %mul3A_197 : vector<16xf32>
          %exp3A_199 = math.exp %max3A_198 : vector<16xf32>
          %swap3A_200 = arith.constant 16 : index
          %swap3A_201 = tpu.vector_load %run_scoped3A_11[%swap3A_200] {strides = array<i32>} : memref<80xf32, #tpu.memory_space<vmem>>, vector<16xf32>,
          %swap3A_202 = vector.shape_cast %swap3A_201 : vector<16xf32> to vector<16xf32>
          %swap3A_203 = vector.shape_cast %exp3A_199 : vector<16xf32> to vector<16xf32>
          tpu.vector_store %run_scoped3A_11[%swap3A_200], %swap3A_203 {strides = array<i32>} : memref<80xf32, #tpu.memory_space<vmem>>, vector<16xf32>,
          %get3A_204 = arith.constant 32 : index
          %get3A_205 = tpu.vector_load %run_scoped3A_9[%get3A_204] {strides = array<i32>} : memref<80xf32, #tpu.memory_space<vmem>>, vector<16xf32>,
          %get3A_206 = vector.shape_cast %get3A_205 : vector<16xf32> to vector<16xf32>
          %get3A_207 = arith.constant 32 : index
          %get3A_208 = tpu.vector_load %run_scoped3A_10[%get3A_207] {strides = array<i32>} : memref<80xf32, #tpu.memory_space<vmem>>, vector<16xf32>,
          %get3A_209 = vector.shape_cast %get3A_208 : vector<16xf32> to vector<16xf32>
          %add3A_210 = arith.addf %get3A_206, %get3A_209 : vector<16xf32>
          %mul3A_211 = arith.constant 80 : i32
          %mul3A_212 = arith.muli %add3A_138, %mul3A_211 : i32
          %add3A_213 = arith.constant 32 : i32
          %add3A_214 = arith.addi %mul3A_212, %add3A_213 : i32
          %get3A_215 = arith.index_cast %add3A_214 : i32 to index
          %get3A_216 = tpu.vector_load %run_scoped3A_0[%get3A_215] {strides = array<i32>} : memref<10000xf32, #tpu.memory_space<vmem>>, vector<16xf32>,
          %get3A_217 = vector.shape_cast %get3A_216 : vector<16xf32> to vector<16xf32>
          %add3A_218 = arith.addf %add3A_210, %get3A_217 : vector<16xf32>
          %mul3A_219 = arith.constant 0.00999999977 : f32
          %mul3A_220 = vector.broadcast %mul3A_219 : f32 to vector<16xf32>
          %mul3A_221 = arith.mulf %mul3A_220, %add3A_218 : vector<16xf32>
          %max3A_222 = arith.maximumf %add3A_218, %mul3A_221 : vector<16xf32>
          %exp3A_223 = math.exp %max3A_222 : vector<16xf32>
          %swap3A_224 = arith.constant 32 : index
          %swap3A_225 = tpu.vector_load %run_scoped3A_11[%swap3A_224] {strides = array<i32>} : memref<80xf32, #tpu.memory_space<vmem>>, vector<16xf32>,
          %swap3A_226 = vector.shape_cast %swap3A_225 : vector<16xf32> to vector<16xf32>
          %swap3A_227 = vector.shape_cast %exp3A_223 : vector<16xf32> to vector<16xf32>
          tpu.vector_store %run_scoped3A_11[%swap3A_224], %swap3A_227 {strides = array<i32>} : memref<80xf32, #tpu.memory_space<vmem>>, vector<16xf32>,
          %get3A_228 = arith.constant 48 : index
          %get3A_229 = tpu.vector_load %run_scoped3A_9[%get3A_228] {strides = array<i32>} : memref<80xf32, #tpu.memory_space<vmem>>, vector<16xf32>,
          %get3A_230 = vector.shape_cast %get3A_229 : vector<16xf32> to vector<16xf32>
          %get3A_231 = arith.constant 48 : index
          %get3A_232 = tpu.vector_load %run_scoped3A_10[%get3A_231] {strides = array<i32>} : memref<80xf32, #tpu.memory_space<vmem>>, vector<16xf32>,
          %get3A_233 = vector.shape_cast %get3A_232 : vector<16xf32> to vector<16xf32>
          %add3A_234 = arith.addf %get3A_230, %get3A_233 : vector<16xf32>
          %mul3A_235 = arith.constant 80 : i32
          %mul3A_236 = arith.muli %add3A_138, %mul3A_235 : i32
          %add3A_237 = arith.constant 48 : i32
          %add3A_238 = arith.addi %mul3A_236, %add3A_237 : i32
          %get3A_239 = arith.index_cast %add3A_238 : i32 to index
          %get3A_240 = tpu.vector_load %run_scoped3A_0[%get3A_239] {strides = array<i32>} : memref<10000xf32, #tpu.memory_space<vmem>>, vector<16xf32>,
          %get3A_241 = vector.shape_cast %get3A_240 : vector<16xf32> to vector<16xf32>
          %add3A_242 = arith.addf %add3A_234, %get3A_241 : vector<16xf32>
          %mul3A_243 = arith.constant 0.00999999977 : f32
          %mul3A_244 = vector.broadcast %mul3A_243 : f32 to vector<16xf32>
          %mul3A_245 = arith.mulf %mul3A_244, %add3A_242 : vector<16xf32>
          %max3A_246 = arith.maximumf %add3A_242, %mul3A_245 : vector<16xf32>
          %exp3A_247 = math.exp %max3A_246 : vector<16xf32>
          %swap3A_248 = arith.constant 48 : index
          %swap3A_249 = tpu.vector_load %run_scoped3A_11[%swap3A_248] {strides = array<i32>} : memref<80xf32, #tpu.memory_space<vmem>>, vector<16xf32>,
          %swap3A_250 = vector.shape_cast %swap3A_249 : vector<16xf32> to vector<16xf32>
          %swap3A_251 = vector.shape_cast %exp3A_247 : vector<16xf32> to vector<16xf32>
          tpu.vector_store %run_scoped3A_11[%swap3A_248], %swap3A_251 {strides = array<i32>} : memref<80xf32, #tpu.memory_space<vmem>>, vector<16xf32>,
          %get3A_252 = arith.constant 64 : index
          %get3A_253 = tpu.vector_load %run_scoped3A_9[%get3A_252] {strides = array<i32>} : memref<80xf32, #tpu.memory_space<vmem>>, vector<16xf32>,
          %get3A_254 = vector.shape_cast %get3A_253 : vector<16xf32> to vector<16xf32>
          %get3A_255 = arith.constant 64 : index
          %get3A_256 = tpu.vector_load %run_scoped3A_10[%get3A_255] {strides = array<i32>} : memref<80xf32, #tpu.memory_space<vmem>>, vector<16xf32>,
          %get3A_257 = vector.shape_cast %get3A_256 : vector<16xf32> to vector<16xf32>
          %add3A_258 = arith.addf %get3A_254, %get3A_257 : vector<16xf32>
          %mul3A_259 = arith.constant 80 : i32
          %mul3A_260 = arith.muli %add3A_138, %mul3A_259 : i32
          %add3A_261 = arith.constant 64 : i32
          %add3A_262 = arith.addi %mul3A_260, %add3A_261 : i32
          %get3A_263 = arith.index_cast %add3A_262 : i32 to index
          %get3A_264 = tpu.vector_load %run_scoped3A_0[%get3A_263] {strides = array<i32>} : memref<10000xf32, #tpu.memory_space<vmem>>, vector<16xf32>,
          %get3A_265 = vector.shape_cast %get3A_264 : vector<16xf32> to vector<16xf32>
          %add3A_266 = arith.addf %add3A_258, %get3A_265 : vector<16xf32>
          %mul3A_267 = arith.constant 0.00999999977 : f32
          %mul3A_268 = vector.broadcast %mul3A_267 : f32 to vector<16xf32>
          %mul3A_269 = arith.mulf %mul3A_268, %add3A_266 : vector<16xf32>
          %max3A_270 = arith.maximumf %add3A_266, %mul3A_269 : vector<16xf32>
          %exp3A_271 = math.exp %max3A_270 : vector<16xf32>
          %swap3A_272 = arith.constant 64 : index
          %swap3A_273 = tpu.vector_load %run_scoped3A_11[%swap3A_272] {strides = array<i32>} : memref<80xf32, #tpu.memory_space<vmem>>, vector<16xf32>,
          %swap3A_274 = vector.shape_cast %swap3A_273 : vector<16xf32> to vector<16xf32>
          %swap3A_275 = vector.shape_cast %exp3A_271 : vector<16xf32> to vector<16xf32>
          tpu.vector_store %run_scoped3A_11[%swap3A_272], %swap3A_275 {strides = array<i32>} : memref<80xf32, #tpu.memory_space<vmem>>, vector<16xf32>,
          %scan3A_276 = arith.constant 0 : i32
          %scan3A_277 = arith.constant 0 : i32
          %scan3A_278 = arith.constant 5 : i32
          %scan3A_279 = arith.addi %scan3A_277, %scan3A_278 : i32
          %scan3A_280 = arith.constant 1 : i32
          scf.for %scan3A_287 = %scan3A_277 to %scan3A_279 step %scan3A_280  : i32 {
            %mul3A_288 = arith.constant 16 : i32
            %mul3A_289 = arith.muli %scan3A_287, %mul3A_288 : i32
            %get3A_290 = arith.index_cast %mul3A_289 : i32 to index
            %get3A_291 = tpu.vector_load %run_scoped3A_11[%get3A_290] {strides = array<i32>} : memref<80xf32, #tpu.memory_space<vmem>>, vector<16xf32>,
            %get3A_292 = vector.shape_cast %get3A_291 : vector<16xf32> to vector<16xf32>
            %slice3A = vector.extract_strided_slice %get3A_292 {offsets = [0], sizes = [1], strides = [1]} : vector<16xf32> to vector<1xf32>
            %squeeze3A = vector.extract %slice3A[0] : f32 from vector<1xf32>
            %mul3A_293 = arith.constant 16 : i32
            %mul3A_294 = arith.muli %scan3A_287, %mul3A_293 : i32
            %add3A_295 = arith.constant 0 : i32
            %add3A_296 = arith.addi %mul3A_294, %add3A_295 : i32
            %get3A_297 = arith.index_cast %add3A_296 : i32 to index
            %get3A_298 = arith.constant 0 : index
            %get3A_299 = tpu.vector_load %run_scoped3A_12[%get3A_297, %get3A_298] {strides = array<i32>} : memref<80x128xf32, #tpu.memory_space<vmem>>, vector<1x16xf32>,
            %get3A_300 = vector.shape_cast %get3A_299 : vector<1x16xf32> to vector<16xf32>
            %mul3A_301 = vector.broadcast %squeeze3A : f32 to vector<16xf32>
            %mul3A_302 = arith.mulf %get3A_300, %mul3A_301 : vector<16xf32>
            %swap3A_303 = arith.index_cast %add3A_296 : i32 to index
            %swap3A_304 = arith.constant 0 : index
            %swap3A_305 = tpu.vector_load %run_scoped3A_12[%swap3A_303, %swap3A_304] {strides = array<i32>} : memref<80x128xf32, #tpu.memory_space<vmem>>, vector<1x16xf32>,
            %swap3A_306 = vector.shape_cast %swap3A_305 : vector<1x16xf32> to vector<16xf32>
            %swap3A_307 = vector.shape_cast %mul3A_302 : vector<16xf32> to vector<1x16xf32>
            tpu.vector_store %run_scoped3A_12[%swap3A_303, %swap3A_304], %swap3A_307 {strides = array<i32>} : memref<80x128xf32, #tpu.memory_space<vmem>>, vector<1x16xf32>,
            %get3A_308 = arith.index_cast %add3A_296 : i32 to index
            %get3A_309 = arith.constant 16 : index
            %get3A_310 = tpu.vector_load %run_scoped3A_12[%get3A_308, %get3A_309] {strides = array<i32>} : memref<80x128xf32, #tpu.memory_space<vmem>>, vector<1x16xf32>,
            %get3A_311 = vector.shape_cast %get3A_310 : vector<1x16xf32> to vector<16xf32>
            %mul3A_312 = vector.broadcast %squeeze3A : f32 to vector<16xf32>
            %mul3A_313 = arith.mulf %get3A_311, %mul3A_312 : vector<16xf32>
            %swap3A_314 = arith.index_cast %add3A_296 : i32 to index
            %swap3A_315 = arith.constant 16 : index
            %swap3A_316 = tpu.vector_load %run_scoped3A_12[%swap3A_314, %swap3A_315] {strides = array<i32>} : memref<80x128xf32, #tpu.memory_space<vmem>>, vector<1x16xf32>,
            %swap3A_317 = vector.shape_cast %swap3A_316 : vector<1x16xf32> to vector<16xf32>
            %swap3A_318 = vector.shape_cast %mul3A_313 : vector<16xf32> to vector<1x16xf32>
            tpu.vector_store %run_scoped3A_12[%swap3A_314, %swap3A_315], %swap3A_318 {strides = array<i32>} : memref<80x128xf32, #tpu.memory_space<vmem>>, vector<1x16xf32>,
            %get3A_319 = arith.index_cast %add3A_296 : i32 to index
            %get3A_320 = arith.constant 32 : index
            %get3A_321 = tpu.vector_load %run_scoped3A_12[%get3A_319, %get3A_320] {strides = array<i32>} : memref<80x128xf32, #tpu.memory_space<vmem>>, vector<1x16xf32>,
            %get3A_322 = vector.shape_cast %get3A_321 : vector<1x16xf32> to vector<16xf32>
            %mul3A_323 = vector.broadcast %squeeze3A : f32 to vector<16xf32>
            %mul3A_324 = arith.mulf %get3A_322, %mul3A_323 : vector<16xf32>
            %swap3A_325 = arith.index_cast %add3A_296 : i32 to index
            %swap3A_326 = arith.constant 32 : index
            %swap3A_327 = tpu.vector_load %run_scoped3A_12[%swap3A_325, %swap3A_326] {strides = array<i32>} : memref<80x128xf32, #tpu.memory_space<vmem>>, vector<1x16xf32>,
            %swap3A_328 = vector.shape_cast %swap3A_327 : vector<1x16xf32> to vector<16xf32>
            %swap3A_329 = vector.shape_cast %mul3A_324 : vector<16xf32> to vector<1x16xf32>
            tpu.vector_store %run_scoped3A_12[%swap3A_325, %swap3A_326], %swap3A_329 {strides = array<i32>} : memref<80x128xf32, #tpu.memory_space<vmem>>, vector<1x16xf32>,
            %get3A_330 = arith.index_cast %add3A_296 : i32 to index
            %get3A_331 = arith.constant 48 : index
            %get3A_332 = tpu.vector_load %run_scoped3A_12[%get3A_330, %get3A_331] {strides = array<i32>} : memref<80x128xf32, #tpu.memory_space<vmem>>, vector<1x16xf32>,
            %get3A_333 = vector.shape_cast %get3A_332 : vector<1x16xf32> to vector<16xf32>
            %mul3A_334 = vector.broadcast %squeeze3A : f32 to vector<16xf32>
            %mul3A_335 = arith.mulf %get3A_333, %mul3A_334 : vector<16xf32>
            %swap3A_336 = arith.index_cast %add3A_296 : i32 to index
            %swap3A_337 = arith.constant 48 : index
            %swap3A_338 = tpu.vector_load %run_scoped3A_12[%swap3A_336, %swap3A_337] {strides = array<i32>} : memref<80x128xf32, #tpu.memory_space<vmem>>, vector<1x16xf32>,
            %swap3A_339 = vector.shape_cast %swap3A_338 : vector<1x16xf32> to vector<16xf32>
            %swap3A_340 = vector.shape_cast %mul3A_335 : vector<16xf32> to vector<1x16xf32>
            tpu.vector_store %run_scoped3A_12[%swap3A_336, %swap3A_337], %swap3A_340 {strides = array<i32>} : memref<80x128xf32, #tpu.memory_space<vmem>>, vector<1x16xf32>,
            %get3A_341 = arith.index_cast %add3A_296 : i32 to index
            %get3A_342 = arith.constant 64 : index
            %get3A_343 = tpu.vector_load %run_scoped3A_12[%get3A_341, %get3A_342] {strides = array<i32>} : memref<80x128xf32, #tpu.memory_space<vmem>>, vector<1x16xf32>,
            %get3A_344 = vector.shape_cast %get3A_343 : vector<1x16xf32> to vector<16xf32>
            %mul3A_345 = vector.broadcast %squeeze3A : f32 to vector<16xf32>
            %mul3A_346 = arith.mulf %get3A_344, %mul3A_345 : vector<16xf32>
            %swap3A_347 = arith.index_cast %add3A_296 : i32 to index
            %swap3A_348 = arith.constant 64 : index
            %swap3A_349 = tpu.vector_load %run_scoped3A_12[%swap3A_347, %swap3A_348] {strides = array<i32>} : memref<80x128xf32, #tpu.memory_space<vmem>>, vector<1x16xf32>,
            %swap3A_350 = vector.shape_cast %swap3A_349 : vector<1x16xf32> to vector<16xf32>
            %swap3A_351 = vector.shape_cast %mul3A_346 : vector<16xf32> to vector<1x16xf32>
            tpu.vector_store %run_scoped3A_12[%swap3A_347, %swap3A_348], %swap3A_351 {strides = array<i32>} : memref<80x128xf32, #tpu.memory_space<vmem>>, vector<1x16xf32>,
            %get3A_352 = arith.index_cast %add3A_296 : i32 to index
            %get3A_353 = arith.constant 80 : index
            %get3A_354 = tpu.vector_load %run_scoped3A_12[%get3A_352, %get3A_353] {strides = array<i32>} : memref<80x128xf32, #tpu.memory_space<vmem>>, vector<1x16xf32>,
            %get3A_355 = vector.shape_cast %get3A_354 : vector<1x16xf32> to vector<16xf32>
            %mul3A_356 = vector.broadcast %squeeze3A : f32 to vector<16xf32>
            %mul3A_357 = arith.mulf %get3A_355, %mul3A_356 : vector<16xf32>
            %swap3A_358 = arith.index_cast %add3A_296 : i32 to index
            %swap3A_359 = arith.constant 80 : index
            %swap3A_360 = tpu.vector_load %run_scoped3A_12[%swap3A_358, %swap3A_359] {strides = array<i32>} : memref<80x128xf32, #tpu.memory_space<vmem>>, vector<1x16xf32>,
            %swap3A_361 = vector.shape_cast %swap3A_360 : vector<1x16xf32> to vector<16xf32>
            %swap3A_362 = vector.shape_cast %mul3A_357 : vector<16xf32> to vector<1x16xf32>
            tpu.vector_store %run_scoped3A_12[%swap3A_358, %swap3A_359], %swap3A_362 {strides = array<i32>} : memref<80x128xf32, #tpu.memory_space<vmem>>, vector<1x16xf32>,
            %get3A_363 = arith.index_cast %add3A_296 : i32 to index
            %get3A_364 = arith.constant 96 : index
            %get3A_365 = tpu.vector_load %run_scoped3A_12[%get3A_363, %get3A_364] {strides = array<i32>} : memref<80x128xf32, #tpu.memory_space<vmem>>, vector<1x16xf32>,
            %get3A_366 = vector.shape_cast %get3A_365 : vector<1x16xf32> to vector<16xf32>
            %mul3A_367 = vector.broadcast %squeeze3A : f32 to vector<16xf32>
            %mul3A_368 = arith.mulf %get3A_366, %mul3A_367 : vector<16xf32>
            %swap3A_369 = arith.index_cast %add3A_296 : i32 to index
            %swap3A_370 = arith.constant 96 : index
            %swap3A_371 = tpu.vector_load %run_scoped3A_12[%swap3A_369, %swap3A_370] {strides = array<i32>} : memref<80x128xf32, #tpu.memory_space<vmem>>, vector<1x16xf32>,
            %swap3A_372 = vector.shape_cast %swap3A_371 : vector<1x16xf32> to vector<16xf32>
            %swap3A_373 = vector.shape_cast %mul3A_368 : vector<16xf32> to vector<1x16xf32>
            tpu.vector_store %run_scoped3A_12[%swap3A_369, %swap3A_370], %swap3A_373 {strides = array<i32>} : memref<80x128xf32, #tpu.memory_space<vmem>>, vector<1x16xf32>,
            %get3A_374 = arith.index_cast %add3A_296 : i32 to index
            %get3A_375 = arith.constant 112 : index
            %get3A_376 = tpu.vector_load %run_scoped3A_12[%get3A_374, %get3A_375] {strides = array<i32>} : memref<80x128xf32, #tpu.memory_space<vmem>>, vector<1x16xf32>,
            %get3A_377 = vector.shape_cast %get3A_376 : vector<1x16xf32> to vector<16xf32>
            %mul3A_378 = vector.broadcast %squeeze3A : f32 to vector<16xf32>
            %mul3A_379 = arith.mulf %get3A_377, %mul3A_378 : vector<16xf32>
            %swap3A_380 = arith.index_cast %add3A_296 : i32 to index
            %swap3A_381 = arith.constant 112 : index
            %swap3A_382 = tpu.vector_load %run_scoped3A_12[%swap3A_380, %swap3A_381] {strides = array<i32>} : memref<80x128xf32, #tpu.memory_space<vmem>>, vector<1x16xf32>,
            %swap3A_383 = vector.shape_cast %swap3A_382 : vector<1x16xf32> to vector<16xf32>
            %swap3A_384 = vector.shape_cast %mul3A_379 : vector<16xf32> to vector<1x16xf32>
            tpu.vector_store %run_scoped3A_12[%swap3A_380, %swap3A_381], %swap3A_384 {strides = array<i32>} : memref<80x128xf32, #tpu.memory_space<vmem>>, vector<1x16xf32>,
            %slice3A_385 = vector.extract_strided_slice %get3A_292 {offsets = [1], sizes = [1], strides = [1]} : vector<16xf32> to vector<1xf32>
            %squeeze3A_386 = vector.extract %slice3A_385[0] : f32 from vector<1xf32>
            %mul3A_387 = arith.constant 16 : i32
            %mul3A_388 = arith.muli %scan3A_287, %mul3A_387 : i32
            %add3A_389 = arith.constant 1 : i32
            %add3A_390 = arith.addi %mul3A_388, %add3A_389 : i32
            %get3A_391 = arith.index_cast %add3A_390 : i32 to index
            %get3A_392 = arith.constant 0 : index
            %get3A_393 = tpu.vector_load %run_scoped3A_12[%get3A_391, %get3A_392] {strides = array<i32>} : memref<80x128xf32, #tpu.memory_space<vmem>>, vector<1x16xf32>,
            %get3A_394 = vector.shape_cast %get3A_393 : vector<1x16xf32> to vector<16xf32>
            %mul3A_395 = vector.broadcast %squeeze3A_386 : f32 to vector<16xf32>
            %mul3A_396 = arith.mulf %get3A_394, %mul3A_395 : vector<16xf32>
            %swap3A_397 = arith.index_cast %add3A_390 : i32 to index
            %swap3A_398 = arith.constant 0 : index
            %swap3A_399 = tpu.vector_load %run_scoped3A_12[%swap3A_397, %swap3A_398] {strides = array<i32>} : memref<80x128xf32, #tpu.memory_space<vmem>>, vector<1x16xf32>,
            %swap3A_400 = vector.shape_cast %swap3A_399 : vector<1x16xf32> to vector<16xf32>
            %swap3A_401 = vector.shape_cast %mul3A_396 : vector<16xf32> to vector<1x16xf32>
            tpu.vector_store %run_scoped3A_12[%swap3A_397, %swap3A_398], %swap3A_401 {strides = array<i32>} : memref<80x128xf32, #tpu.memory_space<vmem>>, vector<1x16xf32>,
            %get3A_402 = arith.index_cast %add3A_390 : i32 to index
            %get3A_403 = arith.constant 16 : index
            %get3A_404 = tpu.vector_load %run_scoped3A_12[%get3A_402, %get3A_403] {strides = array<i32>} : memref<80x128xf32, #tpu.memory_space<vmem>>, vector<1x16xf32>,
            %get3A_405 = vector.shape_cast %get3A_404 : vector<1x16xf32> to vector<16xf32>
            %mul3A_406 = vector.broadcast %squeeze3A_386 : f32 to vector<16xf32>
            %mul3A_407 = arith.mulf %get3A_405, %mul3A_406 : vector<16xf32>
            %swap3A_408 = arith.index_cast %add3A_390 : i32 to index
            %swap3A_409 = arith.constant 16 : index
            %swap3A_410 = tpu.vector_load %run_scoped3A_12[%swap3A_408, %swap3A_409] {strides = array<i32>} : memref<80x128xf32, #tpu.memory_space<vmem>>, vector<1x16xf32>,
            %swap3A_411 = vector.shape_cast %swap3A_410 : vector<1x16xf32> to vector<16xf32>
            %swap3A_412 = vector.shape_cast %mul3A_407 : vector<16xf32> to vector<1x16xf32>
            tpu.vector_store %run_scoped3A_12[%swap3A_408, %swap3A_409], %swap3A_412 {strides = array<i32>} : memref<80x128xf32, #tpu.memory_space<vmem>>, vector<1x16xf32>,
            %get3A_413 = arith.index_cast %add3A_390 : i32 to index
            %get3A_414 = arith.constant 32 : index
            %get3A_415 = tpu.vector_load %run_scoped3A_12[%get3A_413, %get3A_414] {strides = array<i32>} : memref<80x128xf32, #tpu.memory_space<vmem>>, vector<1x16xf32>,
            %get3A_416 = vector.shape_cast %get3A_415 : vector<1x16xf32> to vector<16xf32>
            %mul3A_417 = vector.broadcast %squeeze3A_386 : f32 to vector<16xf32>
            %mul3A_418 = arith.mulf %get3A_416, %mul3A_417 : vector<16xf32>
            %swap3A_419 = arith.index_cast %add3A_390 : i32 to index
            %swap3A_420 = arith.constant 32 : index
            %swap3A_421 = tpu.vector_load %run_scoped3A_12[%swap3A_419, %swap3A_420] {strides = array<i32>} : memref<80x128xf32, #tpu.memory_space<vmem>>, vector<1x16xf32>,
            %swap3A_422 = vector.shape_cast %swap3A_421 : vector<1x16xf32> to vector<16xf32>
            %swap3A_423 = vector.shape_cast %mul3A_418 : vector<16xf32> to vector<1x16xf32>
            tpu.vector_store %run_scoped3A_12[%swap3A_419, %swap3A_420], %swap3A_423 {strides = array<i32>} : memref<80x128xf32, #tpu.memory_space<vmem>>, vector<1x16xf32>,
            %get3A_424 = arith.index_cast %add3A_390 : i32 to index
            %get3A_425 = arith.constant 48 : index
            %get3A_426 = tpu.vector_load %run_scoped3A_12[%get3A_424, %get3A_425] {strides = array<i32>} : memref<80x128xf32, #tpu.memory_space<vmem>>, vector<1x16xf32>,
            %get3A_427 = vector.shape_cast %get3A_426 : vector<1x16xf32> to vector<16xf32>
            %mul3A_428 = vector.broadcast %squeeze3A_386 : f32 to vector<16xf32>
            %mul3A_429 = arith.mulf %get3A_427, %mul3A_428 : vector<16xf32>
            %swap3A_430 = arith.index_cast %add3A_390 : i32 to index
            %swap3A_431 = arith.constant 48 : index
            %swap3A_432 = tpu.vector_load %run_scoped3A_12[%swap3A_430, %swap3A_431] {strides = array<i32>} : memref<80x128xf32, #tpu.memory_space<vmem>>, vector<1x16xf32>,
            %swap3A_433 = vector.shape_cast %swap3A_432 : vector<1x16xf32> to vector<16xf32>
            %swap3A_434 = vector.shape_cast %mul3A_429 : vector<16xf32> to vector<1x16xf32>
            tpu.vector_store %run_scoped3A_12[%swap3A_430, %swap3A_431], %swap3A_434 {strides = array<i32>} : memref<80x128xf32, #tpu.memory_space<vmem>>, vector<1x16xf32>,
            %get3A_435 = arith.index_cast %add3A_390 : i32 to index
            %get3A_436 = arith.constant 64 : index
            %get3A_437 = tpu.vector_load %run_scoped3A_12[%get3A_435, %get3A_436] {strides = array<i32>} : memref<80x128xf32, #tpu.memory_space<vmem>>, vector<1x16xf32>,
            %get3A_438 = vector.shape_cast %get3A_437 : vector<1x16xf32> to vector<16xf32>
            %mul3A_439 = vector.broadcast %squeeze3A_386 : f32 to vector<16xf32>
            %mul3A_440 = arith.mulf %get3A_438, %mul3A_439 : vector<16xf32>
            %swap3A_441 = arith.index_cast %add3A_390 : i32 to index
            %swap3A_442 = arith.constant 64 : index
            %swap3A_443 = tpu.vector_load %run_scoped3A_12[%swap3A_441, %swap3A_442] {strides = array<i32>} : memref<80x128xf32, #tpu.memory_space<vmem>>, vector<1x16xf32>,
            %swap3A_444 = vector.shape_cast %swap3A_443 : vector<1x16xf32> to vector<16xf32>
            %swap3A_445 = vector.shape_cast %mul3A_440 : vector<16xf32> to vector<1x16xf32>
            tpu.vector_store %run_scoped3A_12[%swap3A_441, %swap3A_442], %swap3A_445 {strides = array<i32>} : memref<80x128xf32, #tpu.memory_space<vmem>>, vector<1x16xf32>,
            %get3A_446 = arith.index_cast %add3A_390 : i32 to index
            %get3A_447 = arith.constant 80 : index
            %get3A_448 = tpu.vector_load %run_scoped3A_12[%get3A_446, %get3A_447] {strides = array<i32>} : memref<80x128xf32, #tpu.memory_space<vmem>>, vector<1x16xf32>,
            %get3A_449 = vector.shape_cast %get3A_448 : vector<1x16xf32> to vector<16xf32>
            %mul3A_450 = vector.broadcast %squeeze3A_386 : f32 to vector<16xf32>
            %mul3A_451 = arith.mulf %get3A_449, %mul3A_450 : vector<16xf32>
            %swap3A_452 = arith.index_cast %add3A_390 : i32 to index
            %swap3A_453 = arith.constant 80 : index
            %swap3A_454 = tpu.vector_load %run_scoped3A_12[%swap3A_452, %swap3A_453] {strides = array<i32>} : memref<80x128xf32, #tpu.memory_space<vmem>>, vector<1x16xf32>,
            %swap3A_455 = vector.shape_cast %swap3A_454 : vector<1x16xf32> to vector<16xf32>
            %swap3A_456 = vector.shape_cast %mul3A_451 : vector<16xf32> to vector<1x16xf32>
            tpu.vector_store %run_scoped3A_12[%swap3A_452, %swap3A_453], %swap3A_456 {strides = array<i32>} : memref<80x128xf32, #tpu.memory_space<vmem>>, vector<1x16xf32>,
            %get3A_457 = arith.index_cast %add3A_390 : i32 to index
            %get3A_458 = arith.constant 96 : index
            %get3A_459 = tpu.vector_load %run_scoped3A_12[%get3A_457, %get3A_458] {strides = array<i32>} : memref<80x128xf32, #tpu.memory_space<vmem>>, vector<1x16xf32>,
            %get3A_460 = vector.shape_cast %get3A_459 : vector<1x16xf32> to vector<16xf32>
            %mul3A_461 = vector.broadcast %squeeze3A_386 : f32 to vector<16xf32>
            %mul3A_462 = arith.mulf %get3A_460, %mul3A_461 : vector<16xf32>
            %swap3A_463 = arith.index_cast %add3A_390 : i32 to index
            %swap3A_464 = arith.constant 96 : index
            %swap3A_465 = tpu.vector_load %run_scoped3A_12[%swap3A_463, %swap3A_464] {strides = array<i32>} : memref<80x128xf32, #tpu.memory_space<vmem>>, vector<1x16xf32>,
            %swap3A_466 = vector.shape_cast %swap3A_465 : vector<1x16xf32> to vector<16xf32>
            %swap3A_467 = vector.shape_cast %mul3A_462 : vector<16xf32> to vector<1x16xf32>
            tpu.vector_store %run_scoped3A_12[%swap3A_463, %swap3A_464], %swap3A_467 {strides = array<i32>} : memref<80x128xf32, #tpu.memory_space<vmem>>, vector<1x16xf32>,
            %get3A_468 = arith.index_cast %add3A_390 : i32 to index
            %get3A_469 = arith.constant 112 : index
            %get3A_470 = tpu.vector_load %run_scoped3A_12[%get3A_468, %get3A_469] {strides = array<i32>} : memref<80x128xf32, #tpu.memory_space<vmem>>, vector<1x16xf32>,
            %get3A_471 = vector.shape_cast %get3A_470 : vector<1x16xf32> to vector<16xf32>
            %mul3A_472 = vector.broadcast %squeeze3A_386 : f32 to vector<16xf32>
            %mul3A_473 = arith.mulf %get3A_471, %mul3A_472 : vector<16xf32>
            %swap3A_474 = arith.index_cast %add3A_390 : i32 to index
            %swap3A_475 = arith.constant 112 : index
            %swap3A_476 = tpu.vector_load %run_scoped3A_12[%swap3A_474, %swap3A_475] {strides = array<i32>} : memref<80x128xf32, #tpu.memory_space<vmem>>, vector<1x16xf32>,
            %swap3A_477 = vector.shape_cast %swap3A_476 : vector<1x16xf32> to vector<16xf32>
            %swap3A_478 = vector.shape_cast %mul3A_473 : vector<16xf32> to vector<1x16xf32>
            tpu.vector_store %run_scoped3A_12[%swap3A_474, %swap3A_475], %swap3A_478 {strides = array<i32>} : memref<80x128xf32, #tpu.memory_space<vmem>>, vector<1x16xf32>,
            %slice3A_479 = vector.extract_strided_slice %get3A_292 {offsets = [2], sizes = [1], strides = [1]} : vector<16xf32> to vector<1xf32>
            %squeeze3A_480 = vector.extract %slice3A_479[0] : f32 from vector<1xf32>
            %mul3A_481 = arith.constant 16 : i32
            %mul3A_482 = arith.muli %scan3A_287, %mul3A_481 : i32
            %add3A_483 = arith.constant 2 : i32
            %add3A_484 = arith.addi %mul3A_482, %add3A_483 : i32
            %get3A_485 = arith.index_cast %add3A_484 : i32 to index
            %get3A_486 = arith.constant 0 : index
            %get3A_487 = tpu.vector_load %run_scoped3A_12[%get3A_485, %get3A_486] {strides = array<i32>} : memref<80x128xf32, #tpu.memory_space<vmem>>, vector<1x16xf32>,
            %get3A_488 = vector.shape_cast %get3A_487 : vector<1x16xf32> to vector<16xf32>
            %mul3A_489 = vector.broadcast %squeeze3A_480 : f32 to vector<16xf32>
            %mul3A_490 = arith.mulf %get3A_488, %mul3A_489 : vector<16xf32>
            %swap3A_491 = arith.index_cast %add3A_484 : i32 to index
            %swap3A_492 = arith.constant 0 : index
            %swap3A_493 = tpu.vector_load %run_scoped3A_12[%swap3A_491, %swap3A_492] {strides = array<i32>} : memref<80x128xf32, #tpu.memory_space<vmem>>, vector<1x16xf32>,
            %swap3A_494 = vector.shape_cast %swap3A_493 : vector<1x16xf32> to vector<16xf32>
            %swap3A_495 = vector.shape_cast %mul3A_490 : vector<16xf32> to vector<1x16xf32>
            tpu.vector_store %run_scoped3A_12[%swap3A_491, %swap3A_492], %swap3A_495 {strides = array<i32>} : memref<80x128xf32, #tpu.memory_space<vmem>>, vector<1x16xf32>,
            %get3A_496 = arith.index_cast %add3A_484 : i32 to index
            %get3A_497 = arith.constant 16 : index
            %get3A_498 = tpu.vector_load %run_scoped3A_12[%get3A_496, %get3A_497] {strides = array<i32>} : memref<80x128xf32, #tpu.memory_space<vmem>>, vector<1x16xf32>,
            %get3A_499 = vector.shape_cast %get3A_498 : vector<1x16xf32> to vector<16xf32>
            %mul3A_500 = vector.broadcast %squeeze3A_480 : f32 to vector<16xf32>
            %mul3A_501 = arith.mulf %get3A_499, %mul3A_500 : vector<16xf32>
            %swap3A_502 = arith.index_cast %add3A_484 : i32 to index
            %swap3A_503 = arith.constant 16 : index
            %swap3A_504 = tpu.vector_load %run_scoped3A_12[%swap3A_502, %swap3A_503] {strides = array<i32>} : memref<80x128xf32, #tpu.memory_space<vmem>>, vector<1x16xf32>,
            %swap3A_505 = vector.shape_cast %swap3A_504 : vector<1x16xf32> to vector<16xf32>
            %swap3A_506 = vector.shape_cast %mul3A_501 : vector<16xf32> to vector<1x16xf32>
            tpu.vector_store %run_scoped3A_12[%swap3A_502, %swap3A_503], %swap3A_506 {strides = array<i32>} : memref<80x128xf32, #tpu.memory_space<vmem>>, vector<1x16xf32>,
            %get3A_507 = arith.index_cast %add3A_484 : i32 to index
            %get3A_508 = arith.constant 32 : index
            %get3A_509 = tpu.vector_load %run_scoped3A_12[%get3A_507, %get3A_508] {strides = array<i32>} : memref<80x128xf32, #tpu.memory_space<vmem>>, vector<1x16xf32>,
            %get3A_510 = vector.shape_cast %get3A_509 : vector<1x16xf32> to vector<16xf32>
            %mul3A_511 = vector.broadcast %squeeze3A_480 : f32 to vector<16xf32>
            %mul3A_512 = arith.mulf %get3A_510, %mul3A_511 : vector<16xf32>
            %swap3A_513 = arith.index_cast %add3A_484 : i32 to index
            %swap3A_514 = arith.constant 32 : index
            %swap3A_515 = tpu.vector_load %run_scoped3A_12[%swap3A_513, %swap3A_514] {strides = array<i32>} : memref<80x128xf32, #tpu.memory_space<vmem>>, vector<1x16xf32>,
            %swap3A_516 = vector.shape_cast %swap3A_515 : vector<1x16xf32> to vector<16xf32>
            %swap3A_517 = vector.shape_cast %mul3A_512 : vector<16xf32> to vector<1x16xf32>
            tpu.vector_store %run_scoped3A_12[%swap3A_513, %swap3A_514], %swap3A_517 {strides = array<i32>} : memref<80x128xf32, #tpu.memory_space<vmem>>, vector<1x16xf32>,
            %get3A_518 = arith.index_cast %add3A_484 : i32 to index
            %get3A_519 = arith.constant 48 : index
            %get3A_520 = tpu.vector_load %run_scoped3A_12[%get3A_518, %get3A_519] {strides = array<i32>} : memref<80x128xf32, #tpu.memory_space<vmem>>, vector<1x16xf32>,
            %get3A_521 = vector.shape_cast %get3A_520 : vector<1x16xf32> to vector<16xf32>
            %mul3A_522 = vector.broadcast %squeeze3A_480 : f32 to vector<16xf32>
            %mul3A_523 = arith.mulf %get3A_521, %mul3A_522 : vector<16xf32>
            %swap3A_524 = arith.index_cast %add3A_484 : i32 to index
            %swap3A_525 = arith.constant 48 : index
            %swap3A_526 = tpu.vector_load %run_scoped3A_12[%swap3A_524, %swap3A_525] {strides = array<i32>} : memref<80x128xf32, #tpu.memory_space<vmem>>, vector<1x16xf32>,
            %swap3A_527 = vector.shape_cast %swap3A_526 : vector<1x16xf32> to vector<16xf32>
            %swap3A_528 = vector.shape_cast %mul3A_523 : vector<16xf32> to vector<1x16xf32>
            tpu.vector_store %run_scoped3A_12[%swap3A_524, %swap3A_525], %swap3A_528 {strides = array<i32>} : memref<80x128xf32, #tpu.memory_space<vmem>>, vector<1x16xf32>,
            %get3A_529 = arith.index_cast %add3A_484 : i32 to index
            %get3A_530 = arith.constant 64 : index
            %get3A_531 = tpu.vector_load %run_scoped3A_12[%get3A_529, %get3A_530] {strides = array<i32>} : memref<80x128xf32, #tpu.memory_space<vmem>>, vector<1x16xf32>,
            %get3A_532 = vector.shape_cast %get3A_531 : vector<1x16xf32> to vector<16xf32>
            %mul3A_533 = vector.broadcast %squeeze3A_480 : f32 to vector<16xf32>
            %mul3A_534 = arith.mulf %get3A_532, %mul3A_533 : vector<16xf32>
            %swap3A_535 = arith.index_cast %add3A_484 : i32 to index
            %swap3A_536 = arith.constant 64 : index
            %swap3A_537 = tpu.vector_load %run_scoped3A_12[%swap3A_535, %swap3A_536] {strides = array<i32>} : memref<80x128xf32, #tpu.memory_space<vmem>>, vector<1x16xf32>,
            %swap3A_538 = vector.shape_cast %swap3A_537 : vector<1x16xf32> to vector<16xf32>
            %swap3A_539 = vector.shape_cast %mul3A_534 : vector<16xf32> to vector<1x16xf32>
            tpu.vector_store %run_scoped3A_12[%swap3A_535, %swap3A_536], %swap3A_539 {strides = array<i32>} : memref<80x128xf32, #tpu.memory_space<vmem>>, vector<1x16xf32>,
            %get3A_540 = arith.index_cast %add3A_484 : i32 to index
            %get3A_541 = arith.constant 80 : index
            %get3A_542 = tpu.vector_load %run_scoped3A_12[%get3A_540, %get3A_541] {strides = array<i32>} : memref<80x128xf32, #tpu.memory_space<vmem>>, vector<1x16xf32>,
            %get3A_543 = vector.shape_cast %get3A_542 : vector<1x16xf32> to vector<16xf32>
            %mul3A_544 = vector.broadcast %squeeze3A_480 : f32 to vector<16xf32>
            %mul3A_545 = arith.mulf %get3A_543, %mul3A_544 : vector<16xf32>
            %swap3A_546 = arith.index_cast %add3A_484 : i32 to index
            %swap3A_547 = arith.constant 80 : index
            %swap3A_548 = tpu.vector_load %run_scoped3A_12[%swap3A_546, %swap3A_547] {strides = array<i32>} : memref<80x128xf32, #tpu.memory_space<vmem>>, vector<1x16xf32>,
            %swap3A_549 = vector.shape_cast %swap3A_548 : vector<1x16xf32> to vector<16xf32>
            %swap3A_550 = vector.shape_cast %mul3A_545 : vector<16xf32> to vector<1x16xf32>
            tpu.vector_store %run_scoped3A_12[%swap3A_546, %swap3A_547], %swap3A_550 {strides = array<i32>} : memref<80x128xf32, #tpu.memory_space<vmem>>, vector<1x16xf32>,
            %get3A_551 = arith.index_cast %add3A_484 : i32 to index
            %get3A_552 = arith.constant 96 : index
            %get3A_553 = tpu.vector_load %run_scoped3A_12[%get3A_551, %get3A_552] {strides = array<i32>} : memref<80x128xf32, #tpu.memory_space<vmem>>, vector<1x16xf32>,
            %get3A_554 = vector.shape_cast %get3A_553 : vector<1x16xf32> to vector<16xf32>
            %mul3A_555 = vector.broadcast %squeeze3A_480 : f32 to vector<16xf32>
            %mul3A_556 = arith.mulf %get3A_554, %mul3A_555 : vector<16xf32>
            %swap3A_557 = arith.index_cast %add3A_484 : i32 to index
            %swap3A_558 = arith.constant 96 : index
            %swap3A_559 = tpu.vector_load %run_scoped3A_12[%swap3A_557, %swap3A_558] {strides = array<i32>} : memref<80x128xf32, #tpu.memory_space<vmem>>, vector<1x16xf32>,
            %swap3A_560 = vector.shape_cast %swap3A_559 : vector<1x16xf32> to vector<16xf32>
            %swap3A_561 = vector.shape_cast %mul3A_556 : vector<16xf32> to vector<1x16xf32>
            tpu.vector_store %run_scoped3A_12[%swap3A_557, %swap3A_558], %swap3A_561 {strides = array<i32>} : memref<80x128xf32, #tpu.memory_space<vmem>>, vector<1x16xf32>,
            %get3A_562 = arith.index_cast %add3A_484 : i32 to index
            %get3A_563 = arith.constant 112 : index
            %get3A_564 = tpu.vector_load %run_scoped3A_12[%get3A_562, %get3A_563] {strides = array<i32>} : memref<80x128xf32, #tpu.memory_space<vmem>>, vector<1x16xf32>,
            %get3A_565 = vector.shape_cast %get3A_564 : vector<1x16xf32> to vector<16xf32>
            %mul3A_566 = vector.broadcast %squeeze3A_480 : f32 to vector<16xf32>
            %mul3A_567 = arith.mulf %get3A_565, %mul3A_566 : vector<16xf32>
            %swap3A_568 = arith.index_cast %add3A_484 : i32 to index
            %swap3A_569 = arith.constant 112 : index
            %swap3A_570 = tpu.vector_load %run_scoped3A_12[%swap3A_568, %swap3A_569] {strides = array<i32>} : memref<80x128xf32, #tpu.memory_space<vmem>>, vector<1x16xf32>,
            %swap3A_571 = vector.shape_cast %swap3A_570 : vector<1x16xf32> to vector<16xf32>
            %swap3A_572 = vector.shape_cast %mul3A_567 : vector<16xf32> to vector<1x16xf32>
            tpu.vector_store %run_scoped3A_12[%swap3A_568, %swap3A_569], %swap3A_572 {strides = array<i32>} : memref<80x128xf32, #tpu.memory_space<vmem>>, vector<1x16xf32>,
            %slice3A_573 = vector.extract_strided_slice %get3A_292 {offsets = [3], sizes = [1], strides = [1]} : vector<16xf32> to vector<1xf32>
            %squeeze3A_574 = vector.extract %slice3A_573[0] : f32 from vector<1xf32>
            %mul3A_575 = arith.constant 16 : i32
            %mul3A_576 = arith.muli %scan3A_287, %mul3A_575 : i32
            %add3A_577 = arith.constant 3 : i32
            %add3A_578 = arith.addi %mul3A_576, %add3A_577 : i32
            %get3A_579 = arith.index_cast %add3A_578 : i32 to index
            %get3A_580 = arith.constant 0 : index
            %get3A_581 = tpu.vector_load %run_scoped3A_12[%get3A_579, %get3A_580] {strides = array<i32>} : memref<80x128xf32, #tpu.memory_space<vmem>>, vector<1x16xf32>,
            %get3A_582 = vector.shape_cast %get3A_581 : vector<1x16xf32> to vector<16xf32>
            %mul3A_583 = vector.broadcast %squeeze3A_574 : f32 to vector<16xf32>
            %mul3A_584 = arith.mulf %get3A_582, %mul3A_583 : vector<16xf32>
            %swap3A_585 = arith.index_cast %add3A_578 : i32 to index
            %swap3A_586 = arith.constant 0 : index
            %swap3A_587 = tpu.vector_load %run_scoped3A_12[%swap3A_585, %swap3A_586] {strides = array<i32>} : memref<80x128xf32, #tpu.memory_space<vmem>>, vector<1x16xf32>,
            %swap3A_588 = vector.shape_cast %swap3A_587 : vector<1x16xf32> to vector<16xf32>
            %swap3A_589 = vector.shape_cast %mul3A_584 : vector<16xf32> to vector<1x16xf32>
            tpu.vector_store %run_scoped3A_12[%swap3A_585, %swap3A_586], %swap3A_589 {strides = array<i32>} : memref<80x128xf32, #tpu.memory_space<vmem>>, vector<1x16xf32>,
            %get3A_590 = arith.index_cast %add3A_578 : i32 to index
            %get3A_591 = arith.constant 16 : index
            %get3A_592 = tpu.vector_load %run_scoped3A_12[%get3A_590, %get3A_591] {strides = array<i32>} : memref<80x128xf32, #tpu.memory_space<vmem>>, vector<1x16xf32>,
            %get3A_593 = vector.shape_cast %get3A_592 : vector<1x16xf32> to vector<16xf32>
            %mul3A_594 = vector.broadcast %squeeze3A_574 : f32 to vector<16xf32>
            %mul3A_595 = arith.mulf %get3A_593, %mul3A_594 : vector<16xf32>
            %swap3A_596 = arith.index_cast %add3A_578 : i32 to index
            %swap3A_597 = arith.constant 16 : index
            %swap3A_598 = tpu.vector_load %run_scoped3A_12[%swap3A_596, %swap3A_597] {strides = array<i32>} : memref<80x128xf32, #tpu.memory_space<vmem>>, vector<1x16xf32>,
            %swap3A_599 = vector.shape_cast %swap3A_598 : vector<1x16xf32> to vector<16xf32>
            %swap3A_600 = vector.shape_cast %mul3A_595 : vector<16xf32> to vector<1x16xf32>
            tpu.vector_store %run_scoped3A_12[%swap3A_596, %swap3A_597], %swap3A_600 {strides = array<i32>} : memref<80x128xf32, #tpu.memory_space<vmem>>, vector<1x16xf32>,
            %get3A_601 = arith.index_cast %add3A_578 : i32 to index
            %get3A_602 = arith.constant 32 : index
            %get3A_603 = tpu.vector_load %run_scoped3A_12[%get3A_601, %get3A_602] {strides = array<i32>} : memref<80x128xf32, #tpu.memory_space<vmem>>, vector<1x16xf32>,
            %get3A_604 = vector.shape_cast %get3A_603 : vector<1x16xf32> to vector<16xf32>
            %mul3A_605 = vector.broadcast %squeeze3A_574 : f32 to vector<16xf32>
            %mul3A_606 = arith.mulf %get3A_604, %mul3A_605 : vector<16xf32>
            %swap3A_607 = arith.index_cast %add3A_578 : i32 to index
            %swap3A_608 = arith.constant 32 : index
            %swap3A_609 = tpu.vector_load %run_scoped3A_12[%swap3A_607, %swap3A_608] {strides = array<i32>} : memref<80x128xf32, #tpu.memory_space<vmem>>, vector<1x16xf32>,
            %swap3A_610 = vector.shape_cast %swap3A_609 : vector<1x16xf32> to vector<16xf32>
            %swap3A_611 = vector.shape_cast %mul3A_606 : vector<16xf32> to vector<1x16xf32>
            tpu.vector_store %run_scoped3A_12[%swap3A_607, %swap3A_608], %swap3A_611 {strides = array<i32>} : memref<80x128xf32, #tpu.memory_space<vmem>>, vector<1x16xf32>,
            %get3A_612 = arith.index_cast %add3A_578 : i32 to index
            %get3A_613 = arith.constant 48 : index
            %get3A_614 = tpu.vector_load %run_scoped3A_12[%get3A_612, %get3A_613] {strides = array<i32>} : memref<80x128xf32, #tpu.memory_space<vmem>>, vector<1x16xf32>,
            %get3A_615 = vector.shape_cast %get3A_614 : vector<1x16xf32> to vector<16xf32>
            %mul3A_616 = vector.broadcast %squeeze3A_574 : f32 to vector<16xf32>
            %mul3A_617 = arith.mulf %get3A_615, %mul3A_616 : vector<16xf32>
            %swap3A_618 = arith.index_cast %add3A_578 : i32 to index
            %swap3A_619 = arith.constant 48 : index
            %swap3A_620 = tpu.vector_load %run_scoped3A_12[%swap3A_618, %swap3A_619] {strides = array<i32>} : memref<80x128xf32, #tpu.memory_space<vmem>>, vector<1x16xf32>,
            %swap3A_621 = vector.shape_cast %swap3A_620 : vector<1x16xf32> to vector<16xf32>
            %swap3A_622 = vector.shape_cast %mul3A_617 : vector<16xf32> to vector<1x16xf32>
            tpu.vector_store %run_scoped3A_12[%swap3A_618, %swap3A_619], %swap3A_622 {strides = array<i32>} : memref<80x128xf32, #tpu.memory_space<vmem>>, vector<1x16xf32>,
            %get3A_623 = arith.index_cast %add3A_578 : i32 to index
            %get3A_624 = arith.constant 64 : index
            %get3A_625 = tpu.vector_load %run_scoped3A_12[%get3A_623, %get3A_624] {strides = array<i32>} : memref<80x128xf32, #tpu.memory_space<vmem>>, vector<1x16xf32>,
            %get3A_626 = vector.shape_cast %get3A_625 : vector<1x16xf32> to vector<16xf32>
            %mul3A_627 = vector.broadcast %squeeze3A_574 : f32 to vector<16xf32>
            %mul3A_628 = arith.mulf %get3A_626, %mul3A_627 : vector<16xf32>
            %swap3A_629 = arith.index_cast %add3A_578 : i32 to index
            %swap3A_630 = arith.constant 64 : index
            %swap3A_631 = tpu.vector_load %run_scoped3A_12[%swap3A_629, %swap3A_630] {strides = array<i32>} : memref<80x128xf32, #tpu.memory_space<vmem>>, vector<1x16xf32>,
            %swap3A_632 = vector.shape_cast %swap3A_631 : vector<1x16xf32> to vector<16xf32>
            %swap3A_633 = vector.shape_cast %mul3A_628 : vector<16xf32> to vector<1x16xf32>
            tpu.vector_store %run_scoped3A_12[%swap3A_629, %swap3A_630], %swap3A_633 {strides = array<i32>} : memref<80x128xf32, #tpu.memory_space<vmem>>, vector<1x16xf32>,
            %get3A_634 = arith.index_cast %add3A_578 : i32 to index
            %get3A_635 = arith.constant 80 : index
            %get3A_636 = tpu.vector_load %run_scoped3A_12[%get3A_634, %get3A_635] {strides = array<i32>} : memref<80x128xf32, #tpu.memory_space<vmem>>, vector<1x16xf32>,
            %get3A_637 = vector.shape_cast %get3A_636 : vector<1x16xf32> to vector<16xf32>
            %mul3A_638 = vector.broadcast %squeeze3A_574 : f32 to vector<16xf32>
            %mul3A_639 = arith.mulf %get3A_637, %mul3A_638 : vector<16xf32>
            %swap3A_640 = arith.index_cast %add3A_578 : i32 to index
            %swap3A_641 = arith.constant 80 : index
            %swap3A_642 = tpu.vector_load %run_scoped3A_12[%swap3A_640, %swap3A_641] {strides = array<i32>} : memref<80x128xf32, #tpu.memory_space<vmem>>, vector<1x16xf32>,
            %swap3A_643 = vector.shape_cast %swap3A_642 : vector<1x16xf32> to vector<16xf32>
            %swap3A_644 = vector.shape_cast %mul3A_639 : vector<16xf32> to vector<1x16xf32>
            tpu.vector_store %run_scoped3A_12[%swap3A_640, %swap3A_641], %swap3A_644 {strides = array<i32>} : memref<80x128xf32, #tpu.memory_space<vmem>>, vector<1x16xf32>,
            %get3A_645 = arith.index_cast %add3A_578 : i32 to index
            %get3A_646 = arith.constant 96 : index
            %get3A_647 = tpu.vector_load %run_scoped3A_12[%get3A_645, %get3A_646] {strides = array<i32>} : memref<80x128xf32, #tpu.memory_space<vmem>>, vector<1x16xf32>,
            %get3A_648 = vector.shape_cast %get3A_647 : vector<1x16xf32> to vector<16xf32>
            %mul3A_649 = vector.broadcast %squeeze3A_574 : f32 to vector<16xf32>
            %mul3A_650 = arith.mulf %get3A_648, %mul3A_649 : vector<16xf32>
            %swap3A_651 = arith.index_cast %add3A_578 : i32 to index
            %swap3A_652 = arith.constant 96 : index
            %swap3A_653 = tpu.vector_load %run_scoped3A_12[%swap3A_651, %swap3A_652] {strides = array<i32>} : memref<80x128xf32, #tpu.memory_space<vmem>>, vector<1x16xf32>,
            %swap3A_654 = vector.shape_cast %swap3A_653 : vector<1x16xf32> to vector<16xf32>
            %swap3A_655 = vector.shape_cast %mul3A_650 : vector<16xf32> to vector<1x16xf32>
            tpu.vector_store %run_scoped3A_12[%swap3A_651, %swap3A_652], %swap3A_655 {strides = array<i32>} : memref<80x128xf32, #tpu.memory_space<vmem>>, vector<1x16xf32>,
            %get3A_656 = arith.index_cast %add3A_578 : i32 to index
            %get3A_657 = arith.constant 112 : index
            %get3A_658 = tpu.vector_load %run_scoped3A_12[%get3A_656, %get3A_657] {strides = array<i32>} : memref<80x128xf32, #tpu.memory_space<vmem>>, vector<1x16xf32>,
            %get3A_659 = vector.shape_cast %get3A_658 : vector<1x16xf32> to vector<16xf32>
            %mul3A_660 = vector.broadcast %squeeze3A_574 : f32 to vector<16xf32>
            %mul3A_661 = arith.mulf %get3A_659, %mul3A_660 : vector<16xf32>
            %swap3A_662 = arith.index_cast %add3A_578 : i32 to index
            %swap3A_663 = arith.constant 112 : index
            %swap3A_664 = tpu.vector_load %run_scoped3A_12[%swap3A_662, %swap3A_663] {strides = array<i32>} : memref<80x128xf32, #tpu.memory_space<vmem>>, vector<1x16xf32>,
            %swap3A_665 = vector.shape_cast %swap3A_664 : vector<1x16xf32> to vector<16xf32>
            %swap3A_666 = vector.shape_cast %mul3A_661 : vector<16xf32> to vector<1x16xf32>
            tpu.vector_store %run_scoped3A_12[%swap3A_662, %swap3A_663], %swap3A_666 {strides = array<i32>} : memref<80x128xf32, #tpu.memory_space<vmem>>, vector<1x16xf32>,
            %slice3A_667 = vector.extract_strided_slice %get3A_292 {offsets = [4], sizes = [1], strides = [1]} : vector<16xf32> to vector<1xf32>
            %squeeze3A_668 = vector.extract %slice3A_667[0] : f32 from vector<1xf32>
            %mul3A_669 = arith.constant 16 : i32
            %mul3A_670 = arith.muli %scan3A_287, %mul3A_669 : i32
            %add3A_671 = arith.constant 4 : i32
            %add3A_672 = arith.addi %mul3A_670, %add3A_671 : i32
            %get3A_673 = arith.index_cast %add3A_672 : i32 to index
            %get3A_674 = arith.constant 0 : index
            %get3A_675 = tpu.vector_load %run_scoped3A_12[%get3A_673, %get3A_674] {strides = array<i32>} : memref<80x128xf32, #tpu.memory_space<vmem>>, vector<1x16xf32>,
            %get3A_676 = vector.shape_cast %get3A_675 : vector<1x16xf32> to vector<16xf32>
            %mul3A_677 = vector.broadcast %squeeze3A_668 : f32 to vector<16xf32>
            %mul3A_678 = arith.mulf %get3A_676, %mul3A_677 : vector<16xf32>
            %swap3A_679 = arith.index_cast %add3A_672 : i32 to index
            %swap3A_680 = arith.constant 0 : index
            %swap3A_681 = tpu.vector_load %run_scoped3A_12[%swap3A_679, %swap3A_680] {strides = array<i32>} : memref<80x128xf32, #tpu.memory_space<vmem>>, vector<1x16xf32>,
            %swap3A_682 = vector.shape_cast %swap3A_681 : vector<1x16xf32> to vector<16xf32>
            %swap3A_683 = vector.shape_cast %mul3A_678 : vector<16xf32> to vector<1x16xf32>
            tpu.vector_store %run_scoped3A_12[%swap3A_679, %swap3A_680], %swap3A_683 {strides = array<i32>} : memref<80x128xf32, #tpu.memory_space<vmem>>, vector<1x16xf32>,
            %get3A_684 = arith.index_cast %add3A_672 : i32 to index
            %get3A_685 = arith.constant 16 : index
            %get3A_686 = tpu.vector_load %run_scoped3A_12[%get3A_684, %get3A_685] {strides = array<i32>} : memref<80x128xf32, #tpu.memory_space<vmem>>, vector<1x16xf32>,
            %get3A_687 = vector.shape_cast %get3A_686 : vector<1x16xf32> to vector<16xf32>
            %mul3A_688 = vector.broadcast %squeeze3A_668 : f32 to vector<16xf32>
            %mul3A_689 = arith.mulf %get3A_687, %mul3A_688 : vector<16xf32>
            %swap3A_690 = arith.index_cast %add3A_672 : i32 to index
            %swap3A_691 = arith.constant 16 : index
            %swap3A_692 = tpu.vector_load %run_scoped3A_12[%swap3A_690, %swap3A_691] {strides = array<i32>} : memref<80x128xf32, #tpu.memory_space<vmem>>, vector<1x16xf32>,
            %swap3A_693 = vector.shape_cast %swap3A_692 : vector<1x16xf32> to vector<16xf32>
            %swap3A_694 = vector.shape_cast %mul3A_689 : vector<16xf32> to vector<1x16xf32>
            tpu.vector_store %run_scoped3A_12[%swap3A_690, %swap3A_691], %swap3A_694 {strides = array<i32>} : memref<80x128xf32, #tpu.memory_space<vmem>>, vector<1x16xf32>,
            %get3A_695 = arith.index_cast %add3A_672 : i32 to index
            %get3A_696 = arith.constant 32 : index
            %get3A_697 = tpu.vector_load %run_scoped3A_12[%get3A_695, %get3A_696] {strides = array<i32>} : memref<80x128xf32, #tpu.memory_space<vmem>>, vector<1x16xf32>,
            %get3A_698 = vector.shape_cast %get3A_697 : vector<1x16xf32> to vector<16xf32>
            %mul3A_699 = vector.broadcast %squeeze3A_668 : f32 to vector<16xf32>
            %mul3A_700 = arith.mulf %get3A_698, %mul3A_699 : vector<16xf32>
            %swap3A_701 = arith.index_cast %add3A_672 : i32 to index
            %swap3A_702 = arith.constant 32 : index
            %swap3A_703 = tpu.vector_load %run_scoped3A_12[%swap3A_701, %swap3A_702] {strides = array<i32>} : memref<80x128xf32, #tpu.memory_space<vmem>>, vector<1x16xf32>,
            %swap3A_704 = vector.shape_cast %swap3A_703 : vector<1x16xf32> to vector<16xf32>
            %swap3A_705 = vector.shape_cast %mul3A_700 : vector<16xf32> to vector<1x16xf32>
            tpu.vector_store %run_scoped3A_12[%swap3A_701, %swap3A_702], %swap3A_705 {strides = array<i32>} : memref<80x128xf32, #tpu.memory_space<vmem>>, vector<1x16xf32>,
            %get3A_706 = arith.index_cast %add3A_672 : i32 to index
            %get3A_707 = arith.constant 48 : index
            %get3A_708 = tpu.vector_load %run_scoped3A_12[%get3A_706, %get3A_707] {strides = array<i32>} : memref<80x128xf32, #tpu.memory_space<vmem>>, vector<1x16xf32>,
            %get3A_709 = vector.shape_cast %get3A_708 : vector<1x16xf32> to vector<16xf32>
            %mul3A_710 = vector.broadcast %squeeze3A_668 : f32 to vector<16xf32>
            %mul3A_711 = arith.mulf %get3A_709, %mul3A_710 : vector<16xf32>
            %swap3A_712 = arith.index_cast %add3A_672 : i32 to index
            %swap3A_713 = arith.constant 48 : index
            %swap3A_714 = tpu.vector_load %run_scoped3A_12[%swap3A_712, %swap3A_713] {strides = array<i32>} : memref<80x128xf32, #tpu.memory_space<vmem>>, vector<1x16xf32>,
            %swap3A_715 = vector.shape_cast %swap3A_714 : vector<1x16xf32> to vector<16xf32>
            %swap3A_716 = vector.shape_cast %mul3A_711 : vector<16xf32> to vector<1x16xf32>
            tpu.vector_store %run_scoped3A_12[%swap3A_712, %swap3A_713], %swap3A_716 {strides = array<i32>} : memref<80x128xf32, #tpu.memory_space<vmem>>, vector<1x16xf32>,
            %get3A_717 = arith.index_cast %add3A_672 : i32 to index
            %get3A_718 = arith.constant 64 : index
            %get3A_719 = tpu.vector_load %run_scoped3A_12[%get3A_717, %get3A_718] {strides = array<i32>} : memref<80x128xf32, #tpu.memory_space<vmem>>, vector<1x16xf32>,
            %get3A_720 = vector.shape_cast %get3A_719 : vector<1x16xf32> to vector<16xf32>
            %mul3A_721 = vector.broadcast %squeeze3A_668 : f32 to vector<16xf32>
            %mul3A_722 = arith.mulf %get3A_720, %mul3A_721 : vector<16xf32>
            %swap3A_723 = arith.index_cast %add3A_672 : i32 to index
            %swap3A_724 = arith.constant 64 : index
            %swap3A_725 = tpu.vector_load %run_scoped3A_12[%swap3A_723, %swap3A_724] {strides = array<i32>} : memref<80x128xf32, #tpu.memory_space<vmem>>, vector<1x16xf32>,
            %swap3A_726 = vector.shape_cast %swap3A_725 : vector<1x16xf32> to vector<16xf32>
            %swap3A_727 = vector.shape_cast %mul3A_722 : vector<16xf32> to vector<1x16xf32>
            tpu.vector_store %run_scoped3A_12[%swap3A_723, %swap3A_724], %swap3A_727 {strides = array<i32>} : memref<80x128xf32, #tpu.memory_space<vmem>>, vector<1x16xf32>,
            %get3A_728 = arith.index_cast %add3A_672 : i32 to index
            %get3A_729 = arith.constant 80 : index
            %get3A_730 = tpu.vector_load %run_scoped3A_12[%get3A_728, %get3A_729] {strides = array<i32>} : memref<80x128xf32, #tpu.memory_space<vmem>>, vector<1x16xf32>,
            %get3A_731 = vector.shape_cast %get3A_730 : vector<1x16xf32> to vector<16xf32>
            %mul3A_732 = vector.broadcast %squeeze3A_668 : f32 to vector<16xf32>
            %mul3A_733 = arith.mulf %get3A_731, %mul3A_732 : vector<16xf32>
            %swap3A_734 = arith.index_cast %add3A_672 : i32 to index
            %swap3A_735 = arith.constant 80 : index
            %swap3A_736 = tpu.vector_load %run_scoped3A_12[%swap3A_734, %swap3A_735] {strides = array<i32>} : memref<80x128xf32, #tpu.memory_space<vmem>>, vector<1x16xf32>,
            %swap3A_737 = vector.shape_cast %swap3A_736 : vector<1x16xf32> to vector<16xf32>
            %swap3A_738 = vector.shape_cast %mul3A_733 : vector<16xf32> to vector<1x16xf32>
            tpu.vector_store %run_scoped3A_12[%swap3A_734, %swap3A_735], %swap3A_738 {strides = array<i32>} : memref<80x128xf32, #tpu.memory_space<vmem>>, vector<1x16xf32>,
            %get3A_739 = arith.index_cast %add3A_672 : i32 to index
            %get3A_740 = arith.constant 96 : index
            %get3A_741 = tpu.vector_load %run_scoped3A_12[%get3A_739, %get3A_740] {strides = array<i32>} : memref<80x128xf32, #tpu.memory_space<vmem>>, vector<1x16xf32>,
            %get3A_742 = vector.shape_cast %get3A_741 : vector<1x16xf32> to vector<16xf32>
            %mul3A_743 = vector.broadcast %squeeze3A_668 : f32 to vector<16xf32>
            %mul3A_744 = arith.mulf %get3A_742, %mul3A_743 : vector<16xf32>
            %swap3A_745 = arith.index_cast %add3A_672 : i32 to index
            %swap3A_746 = arith.constant 96 : index
            %swap3A_747 = tpu.vector_load %run_scoped3A_12[%swap3A_745, %swap3A_746] {strides = array<i32>} : memref<80x128xf32, #tpu.memory_space<vmem>>, vector<1x16xf32>,
            %swap3A_748 = vector.shape_cast %swap3A_747 : vector<1x16xf32> to vector<16xf32>
            %swap3A_749 = vector.shape_cast %mul3A_744 : vector<16xf32> to vector<1x16xf32>
            tpu.vector_store %run_scoped3A_12[%swap3A_745, %swap3A_746], %swap3A_749 {strides = array<i32>} : memref<80x128xf32, #tpu.memory_space<vmem>>, vector<1x16xf32>,
            %get3A_750 = arith.index_cast %add3A_672 : i32 to index
            %get3A_751 = arith.constant 112 : index
            %get3A_752 = tpu.vector_load %run_scoped3A_12[%get3A_750, %get3A_751] {strides = array<i32>} : memref<80x128xf32, #tpu.memory_space<vmem>>, vector<1x16xf32>,
            %get3A_753 = vector.shape_cast %get3A_752 : vector<1x16xf32> to vector<16xf32>
            %mul3A_754 = vector.broadcast %squeeze3A_668 : f32 to vector<16xf32>
            %mul3A_755 = arith.mulf %get3A_753, %mul3A_754 : vector<16xf32>
            %swap3A_756 = arith.index_cast %add3A_672 : i32 to index
            %swap3A_757 = arith.constant 112 : index
            %swap3A_758 = tpu.vector_load %run_scoped3A_12[%swap3A_756, %swap3A_757] {strides = array<i32>} : memref<80x128xf32, #tpu.memory_space<vmem>>, vector<1x16xf32>,
            %swap3A_759 = vector.shape_cast %swap3A_758 : vector<1x16xf32> to vector<16xf32>
            %swap3A_760 = vector.shape_cast %mul3A_755 : vector<16xf32> to vector<1x16xf32>
            tpu.vector_store %run_scoped3A_12[%swap3A_756, %swap3A_757], %swap3A_760 {strides = array<i32>} : memref<80x128xf32, #tpu.memory_space<vmem>>, vector<1x16xf32>,
            %slice3A_761 = vector.extract_strided_slice %get3A_292 {offsets = [5], sizes = [1], strides = [1]} : vector<16xf32> to vector<1xf32>
            %squeeze3A_762 = vector.extract %slice3A_761[0] : f32 from vector<1xf32>
            %mul3A_763 = arith.constant 16 : i32
            %mul3A_764 = arith.muli %scan3A_287, %mul3A_763 : i32
            %add3A_765 = arith.constant 5 : i32
            %add3A_766 = arith.addi %mul3A_764, %add3A_765 : i32
            %get3A_767 = arith.index_cast %add3A_766 : i32 to index
            %get3A_768 = arith.constant 0 : index
            %get3A_769 = tpu.vector_load %run_scoped3A_12[%get3A_767, %get3A_768] {strides = array<i32>} : memref<80x128xf32, #tpu.memory_space<vmem>>, vector<1x16xf32>,
            %get3A_770 = vector.shape_cast %get3A_769 : vector<1x16xf32> to vector<16xf32>
            %mul3A_771 = vector.broadcast %squeeze3A_762 : f32 to vector<16xf32>
            %mul3A_772 = arith.mulf %get3A_770, %mul3A_771 : vector<16xf32>
            %swap3A_773 = arith.index_cast %add3A_766 : i32 to index
            %swap3A_774 = arith.constant 0 : index
            %swap3A_775 = tpu.vector_load %run_scoped3A_12[%swap3A_773, %swap3A_774] {strides = array<i32>} : memref<80x128xf32, #tpu.memory_space<vmem>>, vector<1x16xf32>,
            %swap3A_776 = vector.shape_cast %swap3A_775 : vector<1x16xf32> to vector<16xf32>
            %swap3A_777 = vector.shape_cast %mul3A_772 : vector<16xf32> to vector<1x16xf32>
            tpu.vector_store %run_scoped3A_12[%swap3A_773, %swap3A_774], %swap3A_777 {strides = array<i32>} : memref<80x128xf32, #tpu.memory_space<vmem>>, vector<1x16xf32>,
            %get3A_778 = arith.index_cast %add3A_766 : i32 to index
            %get3A_779 = arith.constant 16 : index
            %get3A_780 = tpu.vector_load %run_scoped3A_12[%get3A_778, %get3A_779] {strides = array<i32>} : memref<80x128xf32, #tpu.memory_space<vmem>>, vector<1x16xf32>,
            %get3A_781 = vector.shape_cast %get3A_780 : vector<1x16xf32> to vector<16xf32>
            %mul3A_782 = vector.broadcast %squeeze3A_762 : f32 to vector<16xf32>
            %mul3A_783 = arith.mulf %get3A_781, %mul3A_782 : vector<16xf32>
            %swap3A_784 = arith.index_cast %add3A_766 : i32 to index
            %swap3A_785 = arith.constant 16 : index
            %swap3A_786 = tpu.vector_load %run_scoped3A_12[%swap3A_784, %swap3A_785] {strides = array<i32>} : memref<80x128xf32, #tpu.memory_space<vmem>>, vector<1x16xf32>,
            %swap3A_787 = vector.shape_cast %swap3A_786 : vector<1x16xf32> to vector<16xf32>
            %swap3A_788 = vector.shape_cast %mul3A_783 : vector<16xf32> to vector<1x16xf32>
            tpu.vector_store %run_scoped3A_12[%swap3A_784, %swap3A_785], %swap3A_788 {strides = array<i32>} : memref<80x128xf32, #tpu.memory_space<vmem>>, vector<1x16xf32>,
            %get3A_789 = arith.index_cast %add3A_766 : i32 to index
            %get3A_790 = arith.constant 32 : index
            %get3A_791 = tpu.vector_load %run_scoped3A_12[%get3A_789, %get3A_790] {strides = array<i32>} : memref<80x128xf32, #tpu.memory_space<vmem>>, vector<1x16xf32>,
            %get3A_792 = vector.shape_cast %get3A_791 : vector<1x16xf32> to vector<16xf32>
            %mul3A_793 = vector.broadcast %squeeze3A_762 : f32 to vector<16xf32>
            %mul3A_794 = arith.mulf %get3A_792, %mul3A_793 : vector<16xf32>
            %swap3A_795 = arith.index_cast %add3A_766 : i32 to index
            %swap3A_796 = arith.constant 32 : index
            %swap3A_797 = tpu.vector_load %run_scoped3A_12[%swap3A_795, %swap3A_796] {strides = array<i32>} : memref<80x128xf32, #tpu.memory_space<vmem>>, vector<1x16xf32>,
            %swap3A_798 = vector.shape_cast %swap3A_797 : vector<1x16xf32> to vector<16xf32>
            %swap3A_799 = vector.shape_cast %mul3A_794 : vector<16xf32> to vector<1x16xf32>
            tpu.vector_store %run_scoped3A_12[%swap3A_795, %swap3A_796], %swap3A_799 {strides = array<i32>} : memref<80x128xf32, #tpu.memory_space<vmem>>, vector<1x16xf32>,
            %get3A_800 = arith.index_cast %add3A_766 : i32 to index
            %get3A_801 = arith.constant 48 : index
            %get3A_802 = tpu.vector_load %run_scoped3A_12[%get3A_800, %get3A_801] {strides = array<i32>} : memref<80x128xf32, #tpu.memory_space<vmem>>, vector<1x16xf32>,
            %get3A_803 = vector.shape_cast %get3A_802 : vector<1x16xf32> to vector<16xf32>
            %mul3A_804 = vector.broadcast %squeeze3A_762 : f32 to vector<16xf32>
            %mul3A_805 = arith.mulf %get3A_803, %mul3A_804 : vector<16xf32>
            %swap3A_806 = arith.index_cast %add3A_766 : i32 to index
            %swap3A_807 = arith.constant 48 : index
            %swap3A_808 = tpu.vector_load %run_scoped3A_12[%swap3A_806, %swap3A_807] {strides = array<i32>} : memref<80x128xf32, #tpu.memory_space<vmem>>, vector<1x16xf32>,
            %swap3A_809 = vector.shape_cast %swap3A_808 : vector<1x16xf32> to vector<16xf32>
            %swap3A_810 = vector.shape_cast %mul3A_805 : vector<16xf32> to vector<1x16xf32>
            tpu.vector_store %run_scoped3A_12[%swap3A_806, %swap3A_807], %swap3A_810 {strides = array<i32>} : memref<80x128xf32, #tpu.memory_space<vmem>>, vector<1x16xf32>,
            %get3A_811 = arith.index_cast %add3A_766 : i32 to index
            %get3A_812 = arith.constant 64 : index
            %get3A_813 = tpu.vector_load %run_scoped3A_12[%get3A_811, %get3A_812] {strides = array<i32>} : memref<80x128xf32, #tpu.memory_space<vmem>>, vector<1x16xf32>,
            %get3A_814 = vector.shape_cast %get3A_813 : vector<1x16xf32> to vector<16xf32>
            %mul3A_815 = vector.broadcast %squeeze3A_762 : f32 to vector<16xf32>
            %mul3A_816 = arith.mulf %get3A_814, %mul3A_815 : vector<16xf32>
            %swap3A_817 = arith.index_cast %add3A_766 : i32 to index
            %swap3A_818 = arith.constant 64 : index
            %swap3A_819 = tpu.vector_load %run_scoped3A_12[%swap3A_817, %swap3A_818] {strides = array<i32>} : memref<80x128xf32, #tpu.memory_space<vmem>>, vector<1x16xf32>,
            %swap3A_820 = vector.shape_cast %swap3A_819 : vector<1x16xf32> to vector<16xf32>
            %swap3A_821 = vector.shape_cast %mul3A_816 : vector<16xf32> to vector<1x16xf32>
            tpu.vector_store %run_scoped3A_12[%swap3A_817, %swap3A_818], %swap3A_821 {strides = array<i32>} : memref<80x128xf32, #tpu.memory_space<vmem>>, vector<1x16xf32>,
            %get3A_822 = arith.index_cast %add3A_766 : i32 to index
            %get3A_823 = arith.constant 80 : index
            %get3A_824 = tpu.vector_load %run_scoped3A_12[%get3A_822, %get3A_823] {strides = array<i32>} : memref<80x128xf32, #tpu.memory_space<vmem>>, vector<1x16xf32>,
            %get3A_825 = vector.shape_cast %get3A_824 : vector<1x16xf32> to vector<16xf32>
            %mul3A_826 = vector.broadcast %squeeze3A_762 : f32 to vector<16xf32>
            %mul3A_827 = arith.mulf %get3A_825, %mul3A_826 : vector<16xf32>
            %swap3A_828 = arith.index_cast %add3A_766 : i32 to index
            %swap3A_829 = arith.constant 80 : index
            %swap3A_830 = tpu.vector_load %run_scoped3A_12[%swap3A_828, %swap3A_829] {strides = array<i32>} : memref<80x128xf32, #tpu.memory_space<vmem>>, vector<1x16xf32>,
            %swap3A_831 = vector.shape_cast %swap3A_830 : vector<1x16xf32> to vector<16xf32>
            %swap3A_832 = vector.shape_cast %mul3A_827 : vector<16xf32> to vector<1x16xf32>
            tpu.vector_store %run_scoped3A_12[%swap3A_828, %swap3A_829], %swap3A_832 {strides = array<i32>} : memref<80x128xf32, #tpu.memory_space<vmem>>, vector<1x16xf32>,
            %get3A_833 = arith.index_cast %add3A_766 : i32 to index
            %get3A_834 = arith.constant 96 : index
            %get3A_835 = tpu.vector_load %run_scoped3A_12[%get3A_833, %get3A_834] {strides = array<i32>} : memref<80x128xf32, #tpu.memory_space<vmem>>, vector<1x16xf32>,
            %get3A_836 = vector.shape_cast %get3A_835 : vector<1x16xf32> to vector<16xf32>
            %mul3A_837 = vector.broadcast %squeeze3A_762 : f32 to vector<16xf32>
            %mul3A_838 = arith.mulf %get3A_836, %mul3A_837 : vector<16xf32>
            %swap3A_839 = arith.index_cast %add3A_766 : i32 to index
            %swap3A_840 = arith.constant 96 : index
            %swap3A_841 = tpu.vector_load %run_scoped3A_12[%swap3A_839, %swap3A_840] {strides = array<i32>} : memref<80x128xf32, #tpu.memory_space<vmem>>, vector<1x16xf32>,
            %swap3A_842 = vector.shape_cast %swap3A_841 : vector<1x16xf32> to vector<16xf32>
            %swap3A_843 = vector.shape_cast %mul3A_838 : vector<16xf32> to vector<1x16xf32>
            tpu.vector_store %run_scoped3A_12[%swap3A_839, %swap3A_840], %swap3A_843 {strides = array<i32>} : memref<80x128xf32, #tpu.memory_space<vmem>>, vector<1x16xf32>,
            %get3A_844 = arith.index_cast %add3A_766 : i32 to index
            %get3A_845 = arith.constant 112 : index
            %get3A_846 = tpu.vector_load %run_scoped3A_12[%get3A_844, %get3A_845] {strides = array<i32>} : memref<80x128xf32, #tpu.memory_space<vmem>>, vector<1x16xf32>,
            %get3A_847 = vector.shape_cast %get3A_846 : vector<1x16xf32> to vector<16xf32>
            %mul3A_848 = vector.broadcast %squeeze3A_762 : f32 to vector<16xf32>
            %mul3A_849 = arith.mulf %get3A_847, %mul3A_848 : vector<16xf32>
            %swap3A_850 = arith.index_cast %add3A_766 : i32 to index
            %swap3A_851 = arith.constant 112 : index
            %swap3A_852 = tpu.vector_load %run_scoped3A_12[%swap3A_850, %swap3A_851] {strides = array<i32>} : memref<80x128xf32, #tpu.memory_space<vmem>>, vector<1x16xf32>,
            %swap3A_853 = vector.shape_cast %swap3A_852 : vector<1x16xf32> to vector<16xf32>
            %swap3A_854 = vector.shape_cast %mul3A_849 : vector<16xf32> to vector<1x16xf32>
            tpu.vector_store %run_scoped3A_12[%swap3A_850, %swap3A_851], %swap3A_854 {strides = array<i32>} : memref<80x128xf32, #tpu.memory_space<vmem>>, vector<1x16xf32>,
            %slice3A_855 = vector.extract_strided_slice %get3A_292 {offsets = [6], sizes = [1], strides = [1]} : vector<16xf32> to vector<1xf32>
            %squeeze3A_856 = vector.extract %slice3A_855[0] : f32 from vector<1xf32>
            %mul3A_857 = arith.constant 16 : i32
            %mul3A_858 = arith.muli %scan3A_287, %mul3A_857 : i32
            %add3A_859 = arith.constant 6 : i32
            %add3A_860 = arith.addi %mul3A_858, %add3A_859 : i32
            %get3A_861 = arith.index_cast %add3A_860 : i32 to index
            %get3A_862 = arith.constant 0 : index
            %get3A_863 = tpu.vector_load %run_scoped3A_12[%get3A_861, %get3A_862] {strides = array<i32>} : memref<80x128xf32, #tpu.memory_space<vmem>>, vector<1x16xf32>,
            %get3A_864 = vector.shape_cast %get3A_863 : vector<1x16xf32> to vector<16xf32>
            %mul3A_865 = vector.broadcast %squeeze3A_856 : f32 to vector<16xf32>
            %mul3A_866 = arith.mulf %get3A_864, %mul3A_865 : vector<16xf32>
            %swap3A_867 = arith.index_cast %add3A_860 : i32 to index
            %swap3A_868 = arith.constant 0 : index
            %swap3A_869 = tpu.vector_load %run_scoped3A_12[%swap3A_867, %swap3A_868] {strides = array<i32>} : memref<80x128xf32, #tpu.memory_space<vmem>>, vector<1x16xf32>,
            %swap3A_870 = vector.shape_cast %swap3A_869 : vector<1x16xf32> to vector<16xf32>
            %swap3A_871 = vector.shape_cast %mul3A_866 : vector<16xf32> to vector<1x16xf32>
            tpu.vector_store %run_scoped3A_12[%swap3A_867, %swap3A_868], %swap3A_871 {strides = array<i32>} : memref<80x128xf32, #tpu.memory_space<vmem>>, vector<1x16xf32>,
            %get3A_872 = arith.index_cast %add3A_860 : i32 to index
            %get3A_873 = arith.constant 16 : index
            %get3A_874 = tpu.vector_load %run_scoped3A_12[%get3A_872, %get3A_873] {strides = array<i32>} : memref<80x128xf32, #tpu.memory_space<vmem>>, vector<1x16xf32>,
            %get3A_875 = vector.shape_cast %get3A_874 : vector<1x16xf32> to vector<16xf32>
            %mul3A_876 = vector.broadcast %squeeze3A_856 : f32 to vector<16xf32>
            %mul3A_877 = arith.mulf %get3A_875, %mul3A_876 : vector<16xf32>
            %swap3A_878 = arith.index_cast %add3A_860 : i32 to index
            %swap3A_879 = arith.constant 16 : index
            %swap3A_880 = tpu.vector_load %run_scoped3A_12[%swap3A_878, %swap3A_879] {strides = array<i32>} : memref<80x128xf32, #tpu.memory_space<vmem>>, vector<1x16xf32>,
            %swap3A_881 = vector.shape_cast %swap3A_880 : vector<1x16xf32> to vector<16xf32>
            %swap3A_882 = vector.shape_cast %mul3A_877 : vector<16xf32> to vector<1x16xf32>
            tpu.vector_store %run_scoped3A_12[%swap3A_878, %swap3A_879], %swap3A_882 {strides = array<i32>} : memref<80x128xf32, #tpu.memory_space<vmem>>, vector<1x16xf32>,
            %get3A_883 = arith.index_cast %add3A_860 : i32 to index
            %get3A_884 = arith.constant 32 : index
            %get3A_885 = tpu.vector_load %run_scoped3A_12[%get3A_883, %get3A_884] {strides = array<i32>} : memref<80x128xf32, #tpu.memory_space<vmem>>, vector<1x16xf32>,
            %get3A_886 = vector.shape_cast %get3A_885 : vector<1x16xf32> to vector<16xf32>
            %mul3A_887 = vector.broadcast %squeeze3A_856 : f32 to vector<16xf32>
            %mul3A_888 = arith.mulf %get3A_886, %mul3A_887 : vector<16xf32>
            %swap3A_889 = arith.index_cast %add3A_860 : i32 to index
            %swap3A_890 = arith.constant 32 : index
            %swap3A_891 = tpu.vector_load %run_scoped3A_12[%swap3A_889, %swap3A_890] {strides = array<i32>} : memref<80x128xf32, #tpu.memory_space<vmem>>, vector<1x16xf32>,
            %swap3A_892 = vector.shape_cast %swap3A_891 : vector<1x16xf32> to vector<16xf32>
            %swap3A_893 = vector.shape_cast %mul3A_888 : vector<16xf32> to vector<1x16xf32>
            tpu.vector_store %run_scoped3A_12[%swap3A_889, %swap3A_890], %swap3A_893 {strides = array<i32>} : memref<80x128xf32, #tpu.memory_space<vmem>>, vector<1x16xf32>,
            %get3A_894 = arith.index_cast %add3A_860 : i32 to index
            %get3A_895 = arith.constant 48 : index
            %get3A_896 = tpu.vector_load %run_scoped3A_12[%get3A_894, %get3A_895] {strides = array<i32>} : memref<80x128xf32, #tpu.memory_space<vmem>>, vector<1x16xf32>,
            %get3A_897 = vector.shape_cast %get3A_896 : vector<1x16xf32> to vector<16xf32>
            %mul3A_898 = vector.broadcast %squeeze3A_856 : f32 to vector<16xf32>
            %mul3A_899 = arith.mulf %get3A_897, %mul3A_898 : vector<16xf32>
            %swap3A_900 = arith.index_cast %add3A_860 : i32 to index
            %swap3A_901 = arith.constant 48 : index
            %swap3A_902 = tpu.vector_load %run_scoped3A_12[%swap3A_900, %swap3A_901] {strides = array<i32>} : memref<80x128xf32, #tpu.memory_space<vmem>>, vector<1x16xf32>,
            %swap3A_903 = vector.shape_cast %swap3A_902 : vector<1x16xf32> to vector<16xf32>
            %swap3A_904 = vector.shape_cast %mul3A_899 : vector<16xf32> to vector<1x16xf32>
            tpu.vector_store %run_scoped3A_12[%swap3A_900, %swap3A_901], %swap3A_904 {strides = array<i32>} : memref<80x128xf32, #tpu.memory_space<vmem>>, vector<1x16xf32>,
            %get3A_905 = arith.index_cast %add3A_860 : i32 to index
            %get3A_906 = arith.constant 64 : index
            %get3A_907 = tpu.vector_load %run_scoped3A_12[%get3A_905, %get3A_906] {strides = array<i32>} : memref<80x128xf32, #tpu.memory_space<vmem>>, vector<1x16xf32>,
            %get3A_908 = vector.shape_cast %get3A_907 : vector<1x16xf32> to vector<16xf32>
            %mul3A_909 = vector.broadcast %squeeze3A_856 : f32 to vector<16xf32>
            %mul3A_910 = arith.mulf %get3A_908, %mul3A_909 : vector<16xf32>
            %swap3A_911 = arith.index_cast %add3A_860 : i32 to index
            %swap3A_912 = arith.constant 64 : index
            %swap3A_913 = tpu.vector_load %run_scoped3A_12[%swap3A_911, %swap3A_912] {strides = array<i32>} : memref<80x128xf32, #tpu.memory_space<vmem>>, vector<1x16xf32>,
            %swap3A_914 = vector.shape_cast %swap3A_913 : vector<1x16xf32> to vector<16xf32>
            %swap3A_915 = vector.shape_cast %mul3A_910 : vector<16xf32> to vector<1x16xf32>
            tpu.vector_store %run_scoped3A_12[%swap3A_911, %swap3A_912], %swap3A_915 {strides = array<i32>} : memref<80x128xf32, #tpu.memory_space<vmem>>, vector<1x16xf32>,
            %get3A_916 = arith.index_cast %add3A_860 : i32 to index
            %get3A_917 = arith.constant 80 : index
            %get3A_918 = tpu.vector_load %run_scoped3A_12[%get3A_916, %get3A_917] {strides = array<i32>} : memref<80x128xf32, #tpu.memory_space<vmem>>, vector<1x16xf32>,
            %get3A_919 = vector.shape_cast %get3A_918 : vector<1x16xf32> to vector<16xf32>
            %mul3A_920 = vector.broadcast %squeeze3A_856 : f32 to vector<16xf32>
            %mul3A_921 = arith.mulf %get3A_919, %mul3A_920 : vector<16xf32>
            %swap3A_922 = arith.index_cast %add3A_860 : i32 to index
            %swap3A_923 = arith.constant 80 : index
            %swap3A_924 = tpu.vector_load %run_scoped3A_12[%swap3A_922, %swap3A_923] {strides = array<i32>} : memref<80x128xf32, #tpu.memory_space<vmem>>, vector<1x16xf32>,
            %swap3A_925 = vector.shape_cast %swap3A_924 : vector<1x16xf32> to vector<16xf32>
            %swap3A_926 = vector.shape_cast %mul3A_921 : vector<16xf32> to vector<1x16xf32>
            tpu.vector_store %run_scoped3A_12[%swap3A_922, %swap3A_923], %swap3A_926 {strides = array<i32>} : memref<80x128xf32, #tpu.memory_space<vmem>>, vector<1x16xf32>,
            %get3A_927 = arith.index_cast %add3A_860 : i32 to index
            %get3A_928 = arith.constant 96 : index
            %get3A_929 = tpu.vector_load %run_scoped3A_12[%get3A_927, %get3A_928] {strides = array<i32>} : memref<80x128xf32, #tpu.memory_space<vmem>>, vector<1x16xf32>,
            %get3A_930 = vector.shape_cast %get3A_929 : vector<1x16xf32> to vector<16xf32>
            %mul3A_931 = vector.broadcast %squeeze3A_856 : f32 to vector<16xf32>
            %mul3A_932 = arith.mulf %get3A_930, %mul3A_931 : vector<16xf32>
            %swap3A_933 = arith.index_cast %add3A_860 : i32 to index
            %swap3A_934 = arith.constant 96 : index
            %swap3A_935 = tpu.vector_load %run_scoped3A_12[%swap3A_933, %swap3A_934] {strides = array<i32>} : memref<80x128xf32, #tpu.memory_space<vmem>>, vector<1x16xf32>,
            %swap3A_936 = vector.shape_cast %swap3A_935 : vector<1x16xf32> to vector<16xf32>
            %swap3A_937 = vector.shape_cast %mul3A_932 : vector<16xf32> to vector<1x16xf32>
            tpu.vector_store %run_scoped3A_12[%swap3A_933, %swap3A_934], %swap3A_937 {strides = array<i32>} : memref<80x128xf32, #tpu.memory_space<vmem>>, vector<1x16xf32>,
            %get3A_938 = arith.index_cast %add3A_860 : i32 to index
            %get3A_939 = arith.constant 112 : index
            %get3A_940 = tpu.vector_load %run_scoped3A_12[%get3A_938, %get3A_939] {strides = array<i32>} : memref<80x128xf32, #tpu.memory_space<vmem>>, vector<1x16xf32>,
            %get3A_941 = vector.shape_cast %get3A_940 : vector<1x16xf32> to vector<16xf32>
            %mul3A_942 = vector.broadcast %squeeze3A_856 : f32 to vector<16xf32>
            %mul3A_943 = arith.mulf %get3A_941, %mul3A_942 : vector<16xf32>
            %swap3A_944 = arith.index_cast %add3A_860 : i32 to index
            %swap3A_945 = arith.constant 112 : index
            %swap3A_946 = tpu.vector_load %run_scoped3A_12[%swap3A_944, %swap3A_945] {strides = array<i32>} : memref<80x128xf32, #tpu.memory_space<vmem>>, vector<1x16xf32>,
            %swap3A_947 = vector.shape_cast %swap3A_946 : vector<1x16xf32> to vector<16xf32>
            %swap3A_948 = vector.shape_cast %mul3A_943 : vector<16xf32> to vector<1x16xf32>
            tpu.vector_store %run_scoped3A_12[%swap3A_944, %swap3A_945], %swap3A_948 {strides = array<i32>} : memref<80x128xf32, #tpu.memory_space<vmem>>, vector<1x16xf32>,
            %slice3A_949 = vector.extract_strided_slice %get3A_292 {offsets = [7], sizes = [1], strides = [1]} : vector<16xf32> to vector<1xf32>
            %squeeze3A_950 = vector.extract %slice3A_949[0] : f32 from vector<1xf32>
            %mul3A_951 = arith.constant 16 : i32
            %mul3A_952 = arith.muli %scan3A_287, %mul3A_951 : i32
            %add3A_953 = arith.constant 7 : i32
            %add3A_954 = arith.addi %mul3A_952, %add3A_953 : i32
            %get3A_955 = arith.index_cast %add3A_954 : i32 to index
            %get3A_956 = arith.constant 0 : index
            %get3A_957 = tpu.vector_load %run_scoped3A_12[%get3A_955, %get3A_956] {strides = array<i32>} : memref<80x128xf32, #tpu.memory_space<vmem>>, vector<1x16xf32>,
            %get3A_958 = vector.shape_cast %get3A_957 : vector<1x16xf32> to vector<16xf32>
            %mul3A_959 = vector.broadcast %squeeze3A_950 : f32 to vector<16xf32>
            %mul3A_960 = arith.mulf %get3A_958, %mul3A_959 : vector<16xf32>
            %swap3A_961 = arith.index_cast %add3A_954 : i32 to index
            %swap3A_962 = arith.constant 0 : index
            %swap3A_963 = tpu.vector_load %run_scoped3A_12[%swap3A_961, %swap3A_962] {strides = array<i32>} : memref<80x128xf32, #tpu.memory_space<vmem>>, vector<1x16xf32>,
            %swap3A_964 = vector.shape_cast %swap3A_963 : vector<1x16xf32> to vector<16xf32>
            %swap3A_965 = vector.shape_cast %mul3A_960 : vector<16xf32> to vector<1x16xf32>
            tpu.vector_store %run_scoped3A_12[%swap3A_961, %swap3A_962], %swap3A_965 {strides = array<i32>} : memref<80x128xf32, #tpu.memory_space<vmem>>, vector<1x16xf32>,
            %get3A_966 = arith.index_cast %add3A_954 : i32 to index
            %get3A_967 = arith.constant 16 : index
            %get3A_968 = tpu.vector_load %run_scoped3A_12[%get3A_966, %get3A_967] {strides = array<i32>} : memref<80x128xf32, #tpu.memory_space<vmem>>, vector<1x16xf32>,
            %get3A_969 = vector.shape_cast %get3A_968 : vector<1x16xf32> to vector<16xf32>
            %mul3A_970 = vector.broadcast %squeeze3A_950 : f32 to vector<16xf32>
            %mul3A_971 = arith.mulf %get3A_969, %mul3A_970 : vector<16xf32>
            %swap3A_972 = arith.index_cast %add3A_954 : i32 to index
            %swap3A_973 = arith.constant 16 : index
            %swap3A_974 = tpu.vector_load %run_scoped3A_12[%swap3A_972, %swap3A_973] {strides = array<i32>} : memref<80x128xf32, #tpu.memory_space<vmem>>, vector<1x16xf32>,
            %swap3A_975 = vector.shape_cast %swap3A_974 : vector<1x16xf32> to vector<16xf32>
            %swap3A_976 = vector.shape_cast %mul3A_971 : vector<16xf32> to vector<1x16xf32>
            tpu.vector_store %run_scoped3A_12[%swap3A_972, %swap3A_973], %swap3A_976 {strides = array<i32>} : memref<80x128xf32, #tpu.memory_space<vmem>>, vector<1x16xf32>,
            %get3A_977 = arith.index_cast %add3A_954 : i32 to index
            %get3A_978 = arith.constant 32 : index
            %get3A_979 = tpu.vector_load %run_scoped3A_12[%get3A_977, %get3A_978] {strides = array<i32>} : memref<80x128xf32, #tpu.memory_space<vmem>>, vector<1x16xf32>,
            %get3A_980 = vector.shape_cast %get3A_979 : vector<1x16xf32> to vector<16xf32>
            %mul3A_981 = vector.broadcast %squeeze3A_950 : f32 to vector<16xf32>
            %mul3A_982 = arith.mulf %get3A_980, %mul3A_981 : vector<16xf32>
            %swap3A_983 = arith.index_cast %add3A_954 : i32 to index
            %swap3A_984 = arith.constant 32 : index
            %swap3A_985 = tpu.vector_load %run_scoped3A_12[%swap3A_983, %swap3A_984] {strides = array<i32>} : memref<80x128xf32, #tpu.memory_space<vmem>>, vector<1x16xf32>,
            %swap3A_986 = vector.shape_cast %swap3A_985 : vector<1x16xf32> to vector<16xf32>
            %swap3A_987 = vector.shape_cast %mul3A_982 : vector<16xf32> to vector<1x16xf32>
            tpu.vector_store %run_scoped3A_12[%swap3A_983, %swap3A_984], %swap3A_987 {strides = array<i32>} : memref<80x128xf32, #tpu.memory_space<vmem>>, vector<1x16xf32>,
            %get3A_988 = arith.index_cast %add3A_954 : i32 to index
            %get3A_989 = arith.constant 48 : index
            %get3A_990 = tpu.vector_load %run_scoped3A_12[%get3A_988, %get3A_989] {strides = array<i32>} : memref<80x128xf32, #tpu.memory_space<vmem>>, vector<1x16xf32>,
            %get3A_991 = vector.shape_cast %get3A_990 : vector<1x16xf32> to vector<16xf32>
            %mul3A_992 = vector.broadcast %squeeze3A_950 : f32 to vector<16xf32>
            %mul3A_993 = arith.mulf %get3A_991, %mul3A_992 : vector<16xf32>
            %swap3A_994 = arith.index_cast %add3A_954 : i32 to index
            %swap3A_995 = arith.constant 48 : index
            %swap3A_996 = tpu.vector_load %run_scoped3A_12[%swap3A_994, %swap3A_995] {strides = array<i32>} : memref<80x128xf32, #tpu.memory_space<vmem>>, vector<1x16xf32>,
            %swap3A_997 = vector.shape_cast %swap3A_996 : vector<1x16xf32> to vector<16xf32>
            %swap3A_998 = vector.shape_cast %mul3A_993 : vector<16xf32> to vector<1x16xf32>
            tpu.vector_store %run_scoped3A_12[%swap3A_994, %swap3A_995], %swap3A_998 {strides = array<i32>} : memref<80x128xf32, #tpu.memory_space<vmem>>, vector<1x16xf32>,
            %get3A_999 = arith.index_cast %add3A_954 : i32 to index
            %get3A_1000 = arith.constant 64 : index
            %get3A_1001 = tpu.vector_load %run_scoped3A_12[%get3A_999, %get3A_1000] {strides = array<i32>} : memref<80x128xf32, #tpu.memory_space<vmem>>, vector<1x16xf32>,
            %get3A_1002 = vector.shape_cast %get3A_1001 : vector<1x16xf32> to vector<16xf32>
            %mul3A_1003 = vector.broadcast %squeeze3A_950 : f32 to vector<16xf32>
            %mul3A_1004 = arith.mulf %get3A_1002, %mul3A_1003 : vector<16xf32>
            %swap3A_1005 = arith.index_cast %add3A_954 : i32 to index
            %swap3A_1006 = arith.constant 64 : index
            %swap3A_1007 = tpu.vector_load %run_scoped3A_12[%swap3A_1005, %swap3A_1006] {strides = array<i32>} : memref<80x128xf32, #tpu.memory_space<vmem>>, vector<1x16xf32>,
            %swap3A_1008 = vector.shape_cast %swap3A_1007 : vector<1x16xf32> to vector<16xf32>
            %swap3A_1009 = vector.shape_cast %mul3A_1004 : vector<16xf32> to vector<1x16xf32>
            tpu.vector_store %run_scoped3A_12[%swap3A_1005, %swap3A_1006], %swap3A_1009 {strides = array<i32>} : memref<80x128xf32, #tpu.memory_space<vmem>>, vector<1x16xf32>,
            %get3A_1010 = arith.index_cast %add3A_954 : i32 to index
            %get3A_1011 = arith.constant 80 : index
            %get3A_1012 = tpu.vector_load %run_scoped3A_12[%get3A_1010, %get3A_1011] {strides = array<i32>} : memref<80x128xf32, #tpu.memory_space<vmem>>, vector<1x16xf32>,
            %get3A_1013 = vector.shape_cast %get3A_1012 : vector<1x16xf32> to vector<16xf32>
            %mul3A_1014 = vector.broadcast %squeeze3A_950 : f32 to vector<16xf32>
            %mul3A_1015 = arith.mulf %get3A_1013, %mul3A_1014 : vector<16xf32>
            %swap3A_1016 = arith.index_cast %add3A_954 : i32 to index
            %swap3A_1017 = arith.constant 80 : index
            %swap3A_1018 = tpu.vector_load %run_scoped3A_12[%swap3A_1016, %swap3A_1017] {strides = array<i32>} : memref<80x128xf32, #tpu.memory_space<vmem>>, vector<1x16xf32>,
            %swap3A_1019 = vector.shape_cast %swap3A_1018 : vector<1x16xf32> to vector<16xf32>
            %swap3A_1020 = vector.shape_cast %mul3A_1015 : vector<16xf32> to vector<1x16xf32>
            tpu.vector_store %run_scoped3A_12[%swap3A_1016, %swap3A_1017], %swap3A_1020 {strides = array<i32>} : memref<80x128xf32, #tpu.memory_space<vmem>>, vector<1x16xf32>,
            %get3A_1021 = arith.index_cast %add3A_954 : i32 to index
            %get3A_1022 = arith.constant 96 : index
            %get3A_1023 = tpu.vector_load %run_scoped3A_12[%get3A_1021, %get3A_1022] {strides = array<i32>} : memref<80x128xf32, #tpu.memory_space<vmem>>, vector<1x16xf32>,
            %get3A_1024 = vector.shape_cast %get3A_1023 : vector<1x16xf32> to vector<16xf32>
            %mul3A_1025 = vector.broadcast %squeeze3A_950 : f32 to vector<16xf32>
            %mul3A_1026 = arith.mulf %get3A_1024, %mul3A_1025 : vector<16xf32>
            %swap3A_1027 = arith.index_cast %add3A_954 : i32 to index
            %swap3A_1028 = arith.constant 96 : index
            %swap3A_1029 = tpu.vector_load %run_scoped3A_12[%swap3A_1027, %swap3A_1028] {strides = array<i32>} : memref<80x128xf32, #tpu.memory_space<vmem>>, vector<1x16xf32>,
            %swap3A_1030 = vector.shape_cast %swap3A_1029 : vector<1x16xf32> to vector<16xf32>
            %swap3A_1031 = vector.shape_cast %mul3A_1026 : vector<16xf32> to vector<1x16xf32>
            tpu.vector_store %run_scoped3A_12[%swap3A_1027, %swap3A_1028], %swap3A_1031 {strides = array<i32>} : memref<80x128xf32, #tpu.memory_space<vmem>>, vector<1x16xf32>,
            %get3A_1032 = arith.index_cast %add3A_954 : i32 to index
            %get3A_1033 = arith.constant 112 : index
            %get3A_1034 = tpu.vector_load %run_scoped3A_12[%get3A_1032, %get3A_1033] {strides = array<i32>} : memref<80x128xf32, #tpu.memory_space<vmem>>, vector<1x16xf32>,
            %get3A_1035 = vector.shape_cast %get3A_1034 : vector<1x16xf32> to vector<16xf32>
            %mul3A_1036 = vector.broadcast %squeeze3A_950 : f32 to vector<16xf32>
            %mul3A_1037 = arith.mulf %get3A_1035, %mul3A_1036 : vector<16xf32>
            %swap3A_1038 = arith.index_cast %add3A_954 : i32 to index
            %swap3A_1039 = arith.constant 112 : index
            %swap3A_1040 = tpu.vector_load %run_scoped3A_12[%swap3A_1038, %swap3A_1039] {strides = array<i32>} : memref<80x128xf32, #tpu.memory_space<vmem>>, vector<1x16xf32>,
            %swap3A_1041 = vector.shape_cast %swap3A_1040 : vector<1x16xf32> to vector<16xf32>
            %swap3A_1042 = vector.shape_cast %mul3A_1037 : vector<16xf32> to vector<1x16xf32>
            tpu.vector_store %run_scoped3A_12[%swap3A_1038, %swap3A_1039], %swap3A_1042 {strides = array<i32>} : memref<80x128xf32, #tpu.memory_space<vmem>>, vector<1x16xf32>,
            %slice3A_1043 = vector.extract_strided_slice %get3A_292 {offsets = [8], sizes = [1], strides = [1]} : vector<16xf32> to vector<1xf32>
            %squeeze3A_1044 = vector.extract %slice3A_1043[0] : f32 from vector<1xf32>
            %mul3A_1045 = arith.constant 16 : i32
            %mul3A_1046 = arith.muli %scan3A_287, %mul3A_1045 : i32
            %add3A_1047 = arith.constant 8 : i32
            %add3A_1048 = arith.addi %mul3A_1046, %add3A_1047 : i32
            %get3A_1049 = arith.index_cast %add3A_1048 : i32 to index
            %get3A_1050 = arith.constant 0 : index
            %get3A_1051 = tpu.vector_load %run_scoped3A_12[%get3A_1049, %get3A_1050] {strides = array<i32>} : memref<80x128xf32, #tpu.memory_space<vmem>>, vector<1x16xf32>,
            %get3A_1052 = vector.shape_cast %get3A_1051 : vector<1x16xf32> to vector<16xf32>
            %mul3A_1053 = vector.broadcast %squeeze3A_1044 : f32 to vector<16xf32>
            %mul3A_1054 = arith.mulf %get3A_1052, %mul3A_1053 : vector<16xf32>
            %swap3A_1055 = arith.index_cast %add3A_1048 : i32 to index
            %swap3A_1056 = arith.constant 0 : index
            %swap3A_1057 = tpu.vector_load %run_scoped3A_12[%swap3A_1055, %swap3A_1056] {strides = array<i32>} : memref<80x128xf32, #tpu.memory_space<vmem>>, vector<1x16xf32>,
            %swap3A_1058 = vector.shape_cast %swap3A_1057 : vector<1x16xf32> to vector<16xf32>
            %swap3A_1059 = vector.shape_cast %mul3A_1054 : vector<16xf32> to vector<1x16xf32>
            tpu.vector_store %run_scoped3A_12[%swap3A_1055, %swap3A_1056], %swap3A_1059 {strides = array<i32>} : memref<80x128xf32, #tpu.memory_space<vmem>>, vector<1x16xf32>,
            %get3A_1060 = arith.index_cast %add3A_1048 : i32 to index
            %get3A_1061 = arith.constant 16 : index
            %get3A_1062 = tpu.vector_load %run_scoped3A_12[%get3A_1060, %get3A_1061] {strides = array<i32>} : memref<80x128xf32, #tpu.memory_space<vmem>>, vector<1x16xf32>,
            %get3A_1063 = vector.shape_cast %get3A_1062 : vector<1x16xf32> to vector<16xf32>
            %mul3A_1064 = vector.broadcast %squeeze3A_1044 : f32 to vector<16xf32>
            %mul3A_1065 = arith.mulf %get3A_1063, %mul3A_1064 : vector<16xf32>
            %swap3A_1066 = arith.index_cast %add3A_1048 : i32 to index
            %swap3A_1067 = arith.constant 16 : index
            %swap3A_1068 = tpu.vector_load %run_scoped3A_12[%swap3A_1066, %swap3A_1067] {strides = array<i32>} : memref<80x128xf32, #tpu.memory_space<vmem>>, vector<1x16xf32>,
            %swap3A_1069 = vector.shape_cast %swap3A_1068 : vector<1x16xf32> to vector<16xf32>
            %swap3A_1070 = vector.shape_cast %mul3A_1065 : vector<16xf32> to vector<1x16xf32>
            tpu.vector_store %run_scoped3A_12[%swap3A_1066, %swap3A_1067], %swap3A_1070 {strides = array<i32>} : memref<80x128xf32, #tpu.memory_space<vmem>>, vector<1x16xf32>,
            %get3A_1071 = arith.index_cast %add3A_1048 : i32 to index
            %get3A_1072 = arith.constant 32 : index
            %get3A_1073 = tpu.vector_load %run_scoped3A_12[%get3A_1071, %get3A_1072] {strides = array<i32>} : memref<80x128xf32, #tpu.memory_space<vmem>>, vector<1x16xf32>,
            %get3A_1074 = vector.shape_cast %get3A_1073 : vector<1x16xf32> to vector<16xf32>
            %mul3A_1075 = vector.broadcast %squeeze3A_1044 : f32 to vector<16xf32>
            %mul3A_1076 = arith.mulf %get3A_1074, %mul3A_1075 : vector<16xf32>
            %swap3A_1077 = arith.index_cast %add3A_1048 : i32 to index
            %swap3A_1078 = arith.constant 32 : index
            %swap3A_1079 = tpu.vector_load %run_scoped3A_12[%swap3A_1077, %swap3A_1078] {strides = array<i32>} : memref<80x128xf32, #tpu.memory_space<vmem>>, vector<1x16xf32>,
            %swap3A_1080 = vector.shape_cast %swap3A_1079 : vector<1x16xf32> to vector<16xf32>
            %swap3A_1081 = vector.shape_cast %mul3A_1076 : vector<16xf32> to vector<1x16xf32>
            tpu.vector_store %run_scoped3A_12[%swap3A_1077, %swap3A_1078], %swap3A_1081 {strides = array<i32>} : memref<80x128xf32, #tpu.memory_space<vmem>>, vector<1x16xf32>,
            %get3A_1082 = arith.index_cast %add3A_1048 : i32 to index
            %get3A_1083 = arith.constant 48 : index
            %get3A_1084 = tpu.vector_load %run_scoped3A_12[%get3A_1082, %get3A_1083] {strides = array<i32>} : memref<80x128xf32, #tpu.memory_space<vmem>>, vector<1x16xf32>,
            %get3A_1085 = vector.shape_cast %get3A_1084 : vector<1x16xf32> to vector<16xf32>
            %mul3A_1086 = vector.broadcast %squeeze3A_1044 : f32 to vector<16xf32>
            %mul3A_1087 = arith.mulf %get3A_1085, %mul3A_1086 : vector<16xf32>
            %swap3A_1088 = arith.index_cast %add3A_1048 : i32 to index
            %swap3A_1089 = arith.constant 48 : index
            %swap3A_1090 = tpu.vector_load %run_scoped3A_12[%swap3A_1088, %swap3A_1089] {strides = array<i32>} : memref<80x128xf32, #tpu.memory_space<vmem>>, vector<1x16xf32>,
            %swap3A_1091 = vector.shape_cast %swap3A_1090 : vector<1x16xf32> to vector<16xf32>
            %swap3A_1092 = vector.shape_cast %mul3A_1087 : vector<16xf32> to vector<1x16xf32>
            tpu.vector_store %run_scoped3A_12[%swap3A_1088, %swap3A_1089], %swap3A_1092 {strides = array<i32>} : memref<80x128xf32, #tpu.memory_space<vmem>>, vector<1x16xf32>,
            %get3A_1093 = arith.index_cast %add3A_1048 : i32 to index
            %get3A_1094 = arith.constant 64 : index
            %get3A_1095 = tpu.vector_load %run_scoped3A_12[%get3A_1093, %get3A_1094] {strides = array<i32>} : memref<80x128xf32, #tpu.memory_space<vmem>>, vector<1x16xf32>,
            %get3A_1096 = vector.shape_cast %get3A_1095 : vector<1x16xf32> to vector<16xf32>
            %mul3A_1097 = vector.broadcast %squeeze3A_1044 : f32 to vector<16xf32>
            %mul3A_1098 = arith.mulf %get3A_1096, %mul3A_1097 : vector<16xf32>
            %swap3A_1099 = arith.index_cast %add3A_1048 : i32 to index
            %swap3A_1100 = arith.constant 64 : index
            %swap3A_1101 = tpu.vector_load %run_scoped3A_12[%swap3A_1099, %swap3A_1100] {strides = array<i32>} : memref<80x128xf32, #tpu.memory_space<vmem>>, vector<1x16xf32>,
            %swap3A_1102 = vector.shape_cast %swap3A_1101 : vector<1x16xf32> to vector<16xf32>
            %swap3A_1103 = vector.shape_cast %mul3A_1098 : vector<16xf32> to vector<1x16xf32>
            tpu.vector_store %run_scoped3A_12[%swap3A_1099, %swap3A_1100], %swap3A_1103 {strides = array<i32>} : memref<80x128xf32, #tpu.memory_space<vmem>>, vector<1x16xf32>,
            %get3A_1104 = arith.index_cast %add3A_1048 : i32 to index
            %get3A_1105 = arith.constant 80 : index
            %get3A_1106 = tpu.vector_load %run_scoped3A_12[%get3A_1104, %get3A_1105] {strides = array<i32>} : memref<80x128xf32, #tpu.memory_space<vmem>>, vector<1x16xf32>,
            %get3A_1107 = vector.shape_cast %get3A_1106 : vector<1x16xf32> to vector<16xf32>
            %mul3A_1108 = vector.broadcast %squeeze3A_1044 : f32 to vector<16xf32>
            %mul3A_1109 = arith.mulf %get3A_1107, %mul3A_1108 : vector<16xf32>
            %swap3A_1110 = arith.index_cast %add3A_1048 : i32 to index
            %swap3A_1111 = arith.constant 80 : index
            %swap3A_1112 = tpu.vector_load %run_scoped3A_12[%swap3A_1110, %swap3A_1111] {strides = array<i32>} : memref<80x128xf32, #tpu.memory_space<vmem>>, vector<1x16xf32>,
            %swap3A_1113 = vector.shape_cast %swap3A_1112 : vector<1x16xf32> to vector<16xf32>
            %swap3A_1114 = vector.shape_cast %mul3A_1109 : vector<16xf32> to vector<1x16xf32>
            tpu.vector_store %run_scoped3A_12[%swap3A_1110, %swap3A_1111], %swap3A_1114 {strides = array<i32>} : memref<80x128xf32, #tpu.memory_space<vmem>>, vector<1x16xf32>,
            %get3A_1115 = arith.index_cast %add3A_1048 : i32 to index
            %get3A_1116 = arith.constant 96 : index
            %get3A_1117 = tpu.vector_load %run_scoped3A_12[%get3A_1115, %get3A_1116] {strides = array<i32>} : memref<80x128xf32, #tpu.memory_space<vmem>>, vector<1x16xf32>,
            %get3A_1118 = vector.shape_cast %get3A_1117 : vector<1x16xf32> to vector<16xf32>
            %mul3A_1119 = vector.broadcast %squeeze3A_1044 : f32 to vector<16xf32>
            %mul3A_1120 = arith.mulf %get3A_1118, %mul3A_1119 : vector<16xf32>
            %swap3A_1121 = arith.index_cast %add3A_1048 : i32 to index
            %swap3A_1122 = arith.constant 96 : index
            %swap3A_1123 = tpu.vector_load %run_scoped3A_12[%swap3A_1121, %swap3A_1122] {strides = array<i32>} : memref<80x128xf32, #tpu.memory_space<vmem>>, vector<1x16xf32>,
            %swap3A_1124 = vector.shape_cast %swap3A_1123 : vector<1x16xf32> to vector<16xf32>
            %swap3A_1125 = vector.shape_cast %mul3A_1120 : vector<16xf32> to vector<1x16xf32>
            tpu.vector_store %run_scoped3A_12[%swap3A_1121, %swap3A_1122], %swap3A_1125 {strides = array<i32>} : memref<80x128xf32, #tpu.memory_space<vmem>>, vector<1x16xf32>,
            %get3A_1126 = arith.index_cast %add3A_1048 : i32 to index
            %get3A_1127 = arith.constant 112 : index
            %get3A_1128 = tpu.vector_load %run_scoped3A_12[%get3A_1126, %get3A_1127] {strides = array<i32>} : memref<80x128xf32, #tpu.memory_space<vmem>>, vector<1x16xf32>,
            %get3A_1129 = vector.shape_cast %get3A_1128 : vector<1x16xf32> to vector<16xf32>
            %mul3A_1130 = vector.broadcast %squeeze3A_1044 : f32 to vector<16xf32>
            %mul3A_1131 = arith.mulf %get3A_1129, %mul3A_1130 : vector<16xf32>
            %swap3A_1132 = arith.index_cast %add3A_1048 : i32 to index
            %swap3A_1133 = arith.constant 112 : index
            %swap3A_1134 = tpu.vector_load %run_scoped3A_12[%swap3A_1132, %swap3A_1133] {strides = array<i32>} : memref<80x128xf32, #tpu.memory_space<vmem>>, vector<1x16xf32>,
            %swap3A_1135 = vector.shape_cast %swap3A_1134 : vector<1x16xf32> to vector<16xf32>
            %swap3A_1136 = vector.shape_cast %mul3A_1131 : vector<16xf32> to vector<1x16xf32>
            tpu.vector_store %run_scoped3A_12[%swap3A_1132, %swap3A_1133], %swap3A_1136 {strides = array<i32>} : memref<80x128xf32, #tpu.memory_space<vmem>>, vector<1x16xf32>,
            %slice3A_1137 = vector.extract_strided_slice %get3A_292 {offsets = [9], sizes = [1], strides = [1]} : vector<16xf32> to vector<1xf32>
            %squeeze3A_1138 = vector.extract %slice3A_1137[0] : f32 from vector<1xf32>
            %mul3A_1139 = arith.constant 16 : i32
            %mul3A_1140 = arith.muli %scan3A_287, %mul3A_1139 : i32
            %add3A_1141 = arith.constant 9 : i32
            %add3A_1142 = arith.addi %mul3A_1140, %add3A_1141 : i32
            %get3A_1143 = arith.index_cast %add3A_1142 : i32 to index
            %get3A_1144 = arith.constant 0 : index
            %get3A_1145 = tpu.vector_load %run_scoped3A_12[%get3A_1143, %get3A_1144] {strides = array<i32>} : memref<80x128xf32, #tpu.memory_space<vmem>>, vector<1x16xf32>,
            %get3A_1146 = vector.shape_cast %get3A_1145 : vector<1x16xf32> to vector<16xf32>
            %mul3A_1147 = vector.broadcast %squeeze3A_1138 : f32 to vector<16xf32>
            %mul3A_1148 = arith.mulf %get3A_1146, %mul3A_1147 : vector<16xf32>
            %swap3A_1149 = arith.index_cast %add3A_1142 : i32 to index
            %swap3A_1150 = arith.constant 0 : index
            %swap3A_1151 = tpu.vector_load %run_scoped3A_12[%swap3A_1149, %swap3A_1150] {strides = array<i32>} : memref<80x128xf32, #tpu.memory_space<vmem>>, vector<1x16xf32>,
            %swap3A_1152 = vector.shape_cast %swap3A_1151 : vector<1x16xf32> to vector<16xf32>
            %swap3A_1153 = vector.shape_cast %mul3A_1148 : vector<16xf32> to vector<1x16xf32>
            tpu.vector_store %run_scoped3A_12[%swap3A_1149, %swap3A_1150], %swap3A_1153 {strides = array<i32>} : memref<80x128xf32, #tpu.memory_space<vmem>>, vector<1x16xf32>,
            %get3A_1154 = arith.index_cast %add3A_1142 : i32 to index
            %get3A_1155 = arith.constant 16 : index
            %get3A_1156 = tpu.vector_load %run_scoped3A_12[%get3A_1154, %get3A_1155] {strides = array<i32>} : memref<80x128xf32, #tpu.memory_space<vmem>>, vector<1x16xf32>,
            %get3A_1157 = vector.shape_cast %get3A_1156 : vector<1x16xf32> to vector<16xf32>
            %mul3A_1158 = vector.broadcast %squeeze3A_1138 : f32 to vector<16xf32>
            %mul3A_1159 = arith.mulf %get3A_1157, %mul3A_1158 : vector<16xf32>
            %swap3A_1160 = arith.index_cast %add3A_1142 : i32 to index
            %swap3A_1161 = arith.constant 16 : index
            %swap3A_1162 = tpu.vector_load %run_scoped3A_12[%swap3A_1160, %swap3A_1161] {strides = array<i32>} : memref<80x128xf32, #tpu.memory_space<vmem>>, vector<1x16xf32>,
            %swap3A_1163 = vector.shape_cast %swap3A_1162 : vector<1x16xf32> to vector<16xf32>
            %swap3A_1164 = vector.shape_cast %mul3A_1159 : vector<16xf32> to vector<1x16xf32>
            tpu.vector_store %run_scoped3A_12[%swap3A_1160, %swap3A_1161], %swap3A_1164 {strides = array<i32>} : memref<80x128xf32, #tpu.memory_space<vmem>>, vector<1x16xf32>,
            %get3A_1165 = arith.index_cast %add3A_1142 : i32 to index
            %get3A_1166 = arith.constant 32 : index
            %get3A_1167 = tpu.vector_load %run_scoped3A_12[%get3A_1165, %get3A_1166] {strides = array<i32>} : memref<80x128xf32, #tpu.memory_space<vmem>>, vector<1x16xf32>,
            %get3A_1168 = vector.shape_cast %get3A_1167 : vector<1x16xf32> to vector<16xf32>
            %mul3A_1169 = vector.broadcast %squeeze3A_1138 : f32 to vector<16xf32>
            %mul3A_1170 = arith.mulf %get3A_1168, %mul3A_1169 : vector<16xf32>
            %swap3A_1171 = arith.index_cast %add3A_1142 : i32 to index
            %swap3A_1172 = arith.constant 32 : index
            %swap3A_1173 = tpu.vector_load %run_scoped3A_12[%swap3A_1171, %swap3A_1172] {strides = array<i32>} : memref<80x128xf32, #tpu.memory_space<vmem>>, vector<1x16xf32>,
            %swap3A_1174 = vector.shape_cast %swap3A_1173 : vector<1x16xf32> to vector<16xf32>
            %swap3A_1175 = vector.shape_cast %mul3A_1170 : vector<16xf32> to vector<1x16xf32>
            tpu.vector_store %run_scoped3A_12[%swap3A_1171, %swap3A_1172], %swap3A_1175 {strides = array<i32>} : memref<80x128xf32, #tpu.memory_space<vmem>>, vector<1x16xf32>,
            %get3A_1176 = arith.index_cast %add3A_1142 : i32 to index
            %get3A_1177 = arith.constant 48 : index
            %get3A_1178 = tpu.vector_load %run_scoped3A_12[%get3A_1176, %get3A_1177] {strides = array<i32>} : memref<80x128xf32, #tpu.memory_space<vmem>>, vector<1x16xf32>,
            %get3A_1179 = vector.shape_cast %get3A_1178 : vector<1x16xf32> to vector<16xf32>
            %mul3A_1180 = vector.broadcast %squeeze3A_1138 : f32 to vector<16xf32>
            %mul3A_1181 = arith.mulf %get3A_1179, %mul3A_1180 : vector<16xf32>
            %swap3A_1182 = arith.index_cast %add3A_1142 : i32 to index
            %swap3A_1183 = arith.constant 48 : index
            %swap3A_1184 = tpu.vector_load %run_scoped3A_12[%swap3A_1182, %swap3A_1183] {strides = array<i32>} : memref<80x128xf32, #tpu.memory_space<vmem>>, vector<1x16xf32>,
            %swap3A_1185 = vector.shape_cast %swap3A_1184 : vector<1x16xf32> to vector<16xf32>
            %swap3A_1186 = vector.shape_cast %mul3A_1181 : vector<16xf32> to vector<1x16xf32>
            tpu.vector_store %run_scoped3A_12[%swap3A_1182, %swap3A_1183], %swap3A_1186 {strides = array<i32>} : memref<80x128xf32, #tpu.memory_space<vmem>>, vector<1x16xf32>,
            %get3A_1187 = arith.index_cast %add3A_1142 : i32 to index
            %get3A_1188 = arith.constant 64 : index
            %get3A_1189 = tpu.vector_load %run_scoped3A_12[%get3A_1187, %get3A_1188] {strides = array<i32>} : memref<80x128xf32, #tpu.memory_space<vmem>>, vector<1x16xf32>,
            %get3A_1190 = vector.shape_cast %get3A_1189 : vector<1x16xf32> to vector<16xf32>
            %mul3A_1191 = vector.broadcast %squeeze3A_1138 : f32 to vector<16xf32>
            %mul3A_1192 = arith.mulf %get3A_1190, %mul3A_1191 : vector<16xf32>
            %swap3A_1193 = arith.index_cast %add3A_1142 : i32 to index
            %swap3A_1194 = arith.constant 64 : index
            %swap3A_1195 = tpu.vector_load %run_scoped3A_12[%swap3A_1193, %swap3A_1194] {strides = array<i32>} : memref<80x128xf32, #tpu.memory_space<vmem>>, vector<1x16xf32>,
            %swap3A_1196 = vector.shape_cast %swap3A_1195 : vector<1x16xf32> to vector<16xf32>
            %swap3A_1197 = vector.shape_cast %mul3A_1192 : vector<16xf32> to vector<1x16xf32>
            tpu.vector_store %run_scoped3A_12[%swap3A_1193, %swap3A_1194], %swap3A_1197 {strides = array<i32>} : memref<80x128xf32, #tpu.memory_space<vmem>>, vector<1x16xf32>,
            %get3A_1198 = arith.index_cast %add3A_1142 : i32 to index
            %get3A_1199 = arith.constant 80 : index
            %get3A_1200 = tpu.vector_load %run_scoped3A_12[%get3A_1198, %get3A_1199] {strides = array<i32>} : memref<80x128xf32, #tpu.memory_space<vmem>>, vector<1x16xf32>,
            %get3A_1201 = vector.shape_cast %get3A_1200 : vector<1x16xf32> to vector<16xf32>
            %mul3A_1202 = vector.broadcast %squeeze3A_1138 : f32 to vector<16xf32>
            %mul3A_1203 = arith.mulf %get3A_1201, %mul3A_1202 : vector<16xf32>
            %swap3A_1204 = arith.index_cast %add3A_1142 : i32 to index
            %swap3A_1205 = arith.constant 80 : index
            %swap3A_1206 = tpu.vector_load %run_scoped3A_12[%swap3A_1204, %swap3A_1205] {strides = array<i32>} : memref<80x128xf32, #tpu.memory_space<vmem>>, vector<1x16xf32>,
            %swap3A_1207 = vector.shape_cast %swap3A_1206 : vector<1x16xf32> to vector<16xf32>
            %swap3A_1208 = vector.shape_cast %mul3A_1203 : vector<16xf32> to vector<1x16xf32>
            tpu.vector_store %run_scoped3A_12[%swap3A_1204, %swap3A_1205], %swap3A_1208 {strides = array<i32>} : memref<80x128xf32, #tpu.memory_space<vmem>>, vector<1x16xf32>,
            %get3A_1209 = arith.index_cast %add3A_1142 : i32 to index
            %get3A_1210 = arith.constant 96 : index
            %get3A_1211 = tpu.vector_load %run_scoped3A_12[%get3A_1209, %get3A_1210] {strides = array<i32>} : memref<80x128xf32, #tpu.memory_space<vmem>>, vector<1x16xf32>,
            %get3A_1212 = vector.shape_cast %get3A_1211 : vector<1x16xf32> to vector<16xf32>
            %mul3A_1213 = vector.broadcast %squeeze3A_1138 : f32 to vector<16xf32>
            %mul3A_1214 = arith.mulf %get3A_1212, %mul3A_1213 : vector<16xf32>
            %swap3A_1215 = arith.index_cast %add3A_1142 : i32 to index
            %swap3A_1216 = arith.constant 96 : index
            %swap3A_1217 = tpu.vector_load %run_scoped3A_12[%swap3A_1215, %swap3A_1216] {strides = array<i32>} : memref<80x128xf32, #tpu.memory_space<vmem>>, vector<1x16xf32>,
            %swap3A_1218 = vector.shape_cast %swap3A_1217 : vector<1x16xf32> to vector<16xf32>
            %swap3A_1219 = vector.shape_cast %mul3A_1214 : vector<16xf32> to vector<1x16xf32>
            tpu.vector_store %run_scoped3A_12[%swap3A_1215, %swap3A_1216], %swap3A_1219 {strides = array<i32>} : memref<80x128xf32, #tpu.memory_space<vmem>>, vector<1x16xf32>,
            %get3A_1220 = arith.index_cast %add3A_1142 : i32 to index
            %get3A_1221 = arith.constant 112 : index
            %get3A_1222 = tpu.vector_load %run_scoped3A_12[%get3A_1220, %get3A_1221] {strides = array<i32>} : memref<80x128xf32, #tpu.memory_space<vmem>>, vector<1x16xf32>,
            %get3A_1223 = vector.shape_cast %get3A_1222 : vector<1x16xf32> to vector<16xf32>
            %mul3A_1224 = vector.broadcast %squeeze3A_1138 : f32 to vector<16xf32>
            %mul3A_1225 = arith.mulf %get3A_1223, %mul3A_1224 : vector<16xf32>
            %swap3A_1226 = arith.index_cast %add3A_1142 : i32 to index
            %swap3A_1227 = arith.constant 112 : index
            %swap3A_1228 = tpu.vector_load %run_scoped3A_12[%swap3A_1226, %swap3A_1227] {strides = array<i32>} : memref<80x128xf32, #tpu.memory_space<vmem>>, vector<1x16xf32>,
            %swap3A_1229 = vector.shape_cast %swap3A_1228 : vector<1x16xf32> to vector<16xf32>
            %swap3A_1230 = vector.shape_cast %mul3A_1225 : vector<16xf32> to vector<1x16xf32>
            tpu.vector_store %run_scoped3A_12[%swap3A_1226, %swap3A_1227], %swap3A_1230 {strides = array<i32>} : memref<80x128xf32, #tpu.memory_space<vmem>>, vector<1x16xf32>,
            %slice3A_1231 = vector.extract_strided_slice %get3A_292 {offsets = [10], sizes = [1], strides = [1]} : vector<16xf32> to vector<1xf32>
            %squeeze3A_1232 = vector.extract %slice3A_1231[0] : f32 from vector<1xf32>
            %mul3A_1233 = arith.constant 16 : i32
            %mul3A_1234 = arith.muli %scan3A_287, %mul3A_1233 : i32
            %add3A_1235 = arith.constant 10 : i32
            %add3A_1236 = arith.addi %mul3A_1234, %add3A_1235 : i32
            %get3A_1237 = arith.index_cast %add3A_1236 : i32 to index
            %get3A_1238 = arith.constant 0 : index
            %get3A_1239 = tpu.vector_load %run_scoped3A_12[%get3A_1237, %get3A_1238] {strides = array<i32>} : memref<80x128xf32, #tpu.memory_space<vmem>>, vector<1x16xf32>,
            %get3A_1240 = vector.shape_cast %get3A_1239 : vector<1x16xf32> to vector<16xf32>
            %mul3A_1241 = vector.broadcast %squeeze3A_1232 : f32 to vector<16xf32>
            %mul3A_1242 = arith.mulf %get3A_1240, %mul3A_1241 : vector<16xf32>
            %swap3A_1243 = arith.index_cast %add3A_1236 : i32 to index
            %swap3A_1244 = arith.constant 0 : index
            %swap3A_1245 = tpu.vector_load %run_scoped3A_12[%swap3A_1243, %swap3A_1244] {strides = array<i32>} : memref<80x128xf32, #tpu.memory_space<vmem>>, vector<1x16xf32>,
            %swap3A_1246 = vector.shape_cast %swap3A_1245 : vector<1x16xf32> to vector<16xf32>
            %swap3A_1247 = vector.shape_cast %mul3A_1242 : vector<16xf32> to vector<1x16xf32>
            tpu.vector_store %run_scoped3A_12[%swap3A_1243, %swap3A_1244], %swap3A_1247 {strides = array<i32>} : memref<80x128xf32, #tpu.memory_space<vmem>>, vector<1x16xf32>,
            %get3A_1248 = arith.index_cast %add3A_1236 : i32 to index
            %get3A_1249 = arith.constant 16 : index
            %get3A_1250 = tpu.vector_load %run_scoped3A_12[%get3A_1248, %get3A_1249] {strides = array<i32>} : memref<80x128xf32, #tpu.memory_space<vmem>>, vector<1x16xf32>,
            %get3A_1251 = vector.shape_cast %get3A_1250 : vector<1x16xf32> to vector<16xf32>
            %mul3A_1252 = vector.broadcast %squeeze3A_1232 : f32 to vector<16xf32>
            %mul3A_1253 = arith.mulf %get3A_1251, %mul3A_1252 : vector<16xf32>
            %swap3A_1254 = arith.index_cast %add3A_1236 : i32 to index
            %swap3A_1255 = arith.constant 16 : index
            %swap3A_1256 = tpu.vector_load %run_scoped3A_12[%swap3A_1254, %swap3A_1255] {strides = array<i32>} : memref<80x128xf32, #tpu.memory_space<vmem>>, vector<1x16xf32>,
            %swap3A_1257 = vector.shape_cast %swap3A_1256 : vector<1x16xf32> to vector<16xf32>
            %swap3A_1258 = vector.shape_cast %mul3A_1253 : vector<16xf32> to vector<1x16xf32>
            tpu.vector_store %run_scoped3A_12[%swap3A_1254, %swap3A_1255], %swap3A_1258 {strides = array<i32>} : memref<80x128xf32, #tpu.memory_space<vmem>>, vector<1x16xf32>,
            %get3A_1259 = arith.index_cast %add3A_1236 : i32 to index
            %get3A_1260 = arith.constant 32 : index
            %get3A_1261 = tpu.vector_load %run_scoped3A_12[%get3A_1259, %get3A_1260] {strides = array<i32>} : memref<80x128xf32, #tpu.memory_space<vmem>>, vector<1x16xf32>,
            %get3A_1262 = vector.shape_cast %get3A_1261 : vector<1x16xf32> to vector<16xf32>
            %mul3A_1263 = vector.broadcast %squeeze3A_1232 : f32 to vector<16xf32>
            %mul3A_1264 = arith.mulf %get3A_1262, %mul3A_1263 : vector<16xf32>
            %swap3A_1265 = arith.index_cast %add3A_1236 : i32 to index
            %swap3A_1266 = arith.constant 32 : index
            %swap3A_1267 = tpu.vector_load %run_scoped3A_12[%swap3A_1265, %swap3A_1266] {strides = array<i32>} : memref<80x128xf32, #tpu.memory_space<vmem>>, vector<1x16xf32>,
            %swap3A_1268 = vector.shape_cast %swap3A_1267 : vector<1x16xf32> to vector<16xf32>
            %swap3A_1269 = vector.shape_cast %mul3A_1264 : vector<16xf32> to vector<1x16xf32>
            tpu.vector_store %run_scoped3A_12[%swap3A_1265, %swap3A_1266], %swap3A_1269 {strides = array<i32>} : memref<80x128xf32, #tpu.memory_space<vmem>>, vector<1x16xf32>,
            %get3A_1270 = arith.index_cast %add3A_1236 : i32 to index
            %get3A_1271 = arith.constant 48 : index
            %get3A_1272 = tpu.vector_load %run_scoped3A_12[%get3A_1270, %get3A_1271] {strides = array<i32>} : memref<80x128xf32, #tpu.memory_space<vmem>>, vector<1x16xf32>,
            %get3A_1273 = vector.shape_cast %get3A_1272 : vector<1x16xf32> to vector<16xf32>
            %mul3A_1274 = vector.broadcast %squeeze3A_1232 : f32 to vector<16xf32>
            %mul3A_1275 = arith.mulf %get3A_1273, %mul3A_1274 : vector<16xf32>
            %swap3A_1276 = arith.index_cast %add3A_1236 : i32 to index
            %swap3A_1277 = arith.constant 48 : index
            %swap3A_1278 = tpu.vector_load %run_scoped3A_12[%swap3A_1276, %swap3A_1277] {strides = array<i32>} : memref<80x128xf32, #tpu.memory_space<vmem>>, vector<1x16xf32>,
            %swap3A_1279 = vector.shape_cast %swap3A_1278 : vector<1x16xf32> to vector<16xf32>
            %swap3A_1280 = vector.shape_cast %mul3A_1275 : vector<16xf32> to vector<1x16xf32>
            tpu.vector_store %run_scoped3A_12[%swap3A_1276, %swap3A_1277], %swap3A_1280 {strides = array<i32>} : memref<80x128xf32, #tpu.memory_space<vmem>>, vector<1x16xf32>,
            %get3A_1281 = arith.index_cast %add3A_1236 : i32 to index
            %get3A_1282 = arith.constant 64 : index
            %get3A_1283 = tpu.vector_load %run_scoped3A_12[%get3A_1281, %get3A_1282] {strides = array<i32>} : memref<80x128xf32, #tpu.memory_space<vmem>>, vector<1x16xf32>,
            %get3A_1284 = vector.shape_cast %get3A_1283 : vector<1x16xf32> to vector<16xf32>
            %mul3A_1285 = vector.broadcast %squeeze3A_1232 : f32 to vector<16xf32>
            %mul3A_1286 = arith.mulf %get3A_1284, %mul3A_1285 : vector<16xf32>
            %swap3A_1287 = arith.index_cast %add3A_1236 : i32 to index
            %swap3A_1288 = arith.constant 64 : index
            %swap3A_1289 = tpu.vector_load %run_scoped3A_12[%swap3A_1287, %swap3A_1288] {strides = array<i32>} : memref<80x128xf32, #tpu.memory_space<vmem>>, vector<1x16xf32>,
            %swap3A_1290 = vector.shape_cast %swap3A_1289 : vector<1x16xf32> to vector<16xf32>
            %swap3A_1291 = vector.shape_cast %mul3A_1286 : vector<16xf32> to vector<1x16xf32>
            tpu.vector_store %run_scoped3A_12[%swap3A_1287, %swap3A_1288], %swap3A_1291 {strides = array<i32>} : memref<80x128xf32, #tpu.memory_space<vmem>>, vector<1x16xf32>,
            %get3A_1292 = arith.index_cast %add3A_1236 : i32 to index
            %get3A_1293 = arith.constant 80 : index
            %get3A_1294 = tpu.vector_load %run_scoped3A_12[%get3A_1292, %get3A_1293] {strides = array<i32>} : memref<80x128xf32, #tpu.memory_space<vmem>>, vector<1x16xf32>,
            %get3A_1295 = vector.shape_cast %get3A_1294 : vector<1x16xf32> to vector<16xf32>
            %mul3A_1296 = vector.broadcast %squeeze3A_1232 : f32 to vector<16xf32>
            %mul3A_1297 = arith.mulf %get3A_1295, %mul3A_1296 : vector<16xf32>
            %swap3A_1298 = arith.index_cast %add3A_1236 : i32 to index
            %swap3A_1299 = arith.constant 80 : index
            %swap3A_1300 = tpu.vector_load %run_scoped3A_12[%swap3A_1298, %swap3A_1299] {strides = array<i32>} : memref<80x128xf32, #tpu.memory_space<vmem>>, vector<1x16xf32>,
            %swap3A_1301 = vector.shape_cast %swap3A_1300 : vector<1x16xf32> to vector<16xf32>
            %swap3A_1302 = vector.shape_cast %mul3A_1297 : vector<16xf32> to vector<1x16xf32>
            tpu.vector_store %run_scoped3A_12[%swap3A_1298, %swap3A_1299], %swap3A_1302 {strides = array<i32>} : memref<80x128xf32, #tpu.memory_space<vmem>>, vector<1x16xf32>,
            %get3A_1303 = arith.index_cast %add3A_1236 : i32 to index
            %get3A_1304 = arith.constant 96 : index
            %get3A_1305 = tpu.vector_load %run_scoped3A_12[%get3A_1303, %get3A_1304] {strides = array<i32>} : memref<80x128xf32, #tpu.memory_space<vmem>>, vector<1x16xf32>,
            %get3A_1306 = vector.shape_cast %get3A_1305 : vector<1x16xf32> to vector<16xf32>
            %mul3A_1307 = vector.broadcast %squeeze3A_1232 : f32 to vector<16xf32>
            %mul3A_1308 = arith.mulf %get3A_1306, %mul3A_1307 : vector<16xf32>
            %swap3A_1309 = arith.index_cast %add3A_1236 : i32 to index
            %swap3A_1310 = arith.constant 96 : index
            %swap3A_1311 = tpu.vector_load %run_scoped3A_12[%swap3A_1309, %swap3A_1310] {strides = array<i32>} : memref<80x128xf32, #tpu.memory_space<vmem>>, vector<1x16xf32>,
            %swap3A_1312 = vector.shape_cast %swap3A_1311 : vector<1x16xf32> to vector<16xf32>
            %swap3A_1313 = vector.shape_cast %mul3A_1308 : vector<16xf32> to vector<1x16xf32>
            tpu.vector_store %run_scoped3A_12[%swap3A_1309, %swap3A_1310], %swap3A_1313 {strides = array<i32>} : memref<80x128xf32, #tpu.memory_space<vmem>>, vector<1x16xf32>,
            %get3A_1314 = arith.index_cast %add3A_1236 : i32 to index
            %get3A_1315 = arith.constant 112 : index
            %get3A_1316 = tpu.vector_load %run_scoped3A_12[%get3A_1314, %get3A_1315] {strides = array<i32>} : memref<80x128xf32, #tpu.memory_space<vmem>>, vector<1x16xf32>,
            %get3A_1317 = vector.shape_cast %get3A_1316 : vector<1x16xf32> to vector<16xf32>
            %mul3A_1318 = vector.broadcast %squeeze3A_1232 : f32 to vector<16xf32>
            %mul3A_1319 = arith.mulf %get3A_1317, %mul3A_1318 : vector<16xf32>
            %swap3A_1320 = arith.index_cast %add3A_1236 : i32 to index
            %swap3A_1321 = arith.constant 112 : index
            %swap3A_1322 = tpu.vector_load %run_scoped3A_12[%swap3A_1320, %swap3A_1321] {strides = array<i32>} : memref<80x128xf32, #tpu.memory_space<vmem>>, vector<1x16xf32>,
            %swap3A_1323 = vector.shape_cast %swap3A_1322 : vector<1x16xf32> to vector<16xf32>
            %swap3A_1324 = vector.shape_cast %mul3A_1319 : vector<16xf32> to vector<1x16xf32>
            tpu.vector_store %run_scoped3A_12[%swap3A_1320, %swap3A_1321], %swap3A_1324 {strides = array<i32>} : memref<80x128xf32, #tpu.memory_space<vmem>>, vector<1x16xf32>,
            %slice3A_1325 = vector.extract_strided_slice %get3A_292 {offsets = [11], sizes = [1], strides = [1]} : vector<16xf32> to vector<1xf32>
            %squeeze3A_1326 = vector.extract %slice3A_1325[0] : f32 from vector<1xf32>
            %mul3A_1327 = arith.constant 16 : i32
            %mul3A_1328 = arith.muli %scan3A_287, %mul3A_1327 : i32
            %add3A_1329 = arith.constant 11 : i32
            %add3A_1330 = arith.addi %mul3A_1328, %add3A_1329 : i32
            %get3A_1331 = arith.index_cast %add3A_1330 : i32 to index
            %get3A_1332 = arith.constant 0 : index
            %get3A_1333 = tpu.vector_load %run_scoped3A_12[%get3A_1331, %get3A_1332] {strides = array<i32>} : memref<80x128xf32, #tpu.memory_space<vmem>>, vector<1x16xf32>,
            %get3A_1334 = vector.shape_cast %get3A_1333 : vector<1x16xf32> to vector<16xf32>
            %mul3A_1335 = vector.broadcast %squeeze3A_1326 : f32 to vector<16xf32>
            %mul3A_1336 = arith.mulf %get3A_1334, %mul3A_1335 : vector<16xf32>
            %swap3A_1337 = arith.index_cast %add3A_1330 : i32 to index
            %swap3A_1338 = arith.constant 0 : index
            %swap3A_1339 = tpu.vector_load %run_scoped3A_12[%swap3A_1337, %swap3A_1338] {strides = array<i32>} : memref<80x128xf32, #tpu.memory_space<vmem>>, vector<1x16xf32>,
            %swap3A_1340 = vector.shape_cast %swap3A_1339 : vector<1x16xf32> to vector<16xf32>
            %swap3A_1341 = vector.shape_cast %mul3A_1336 : vector<16xf32> to vector<1x16xf32>
            tpu.vector_store %run_scoped3A_12[%swap3A_1337, %swap3A_1338], %swap3A_1341 {strides = array<i32>} : memref<80x128xf32, #tpu.memory_space<vmem>>, vector<1x16xf32>,
            %get3A_1342 = arith.index_cast %add3A_1330 : i32 to index
            %get3A_1343 = arith.constant 16 : index
            %get3A_1344 = tpu.vector_load %run_scoped3A_12[%get3A_1342, %get3A_1343] {strides = array<i32>} : memref<80x128xf32, #tpu.memory_space<vmem>>, vector<1x16xf32>,
            %get3A_1345 = vector.shape_cast %get3A_1344 : vector<1x16xf32> to vector<16xf32>
            %mul3A_1346 = vector.broadcast %squeeze3A_1326 : f32 to vector<16xf32>
            %mul3A_1347 = arith.mulf %get3A_1345, %mul3A_1346 : vector<16xf32>
            %swap3A_1348 = arith.index_cast %add3A_1330 : i32 to index
            %swap3A_1349 = arith.constant 16 : index
            %swap3A_1350 = tpu.vector_load %run_scoped3A_12[%swap3A_1348, %swap3A_1349] {strides = array<i32>} : memref<80x128xf32, #tpu.memory_space<vmem>>, vector<1x16xf32>,
            %swap3A_1351 = vector.shape_cast %swap3A_1350 : vector<1x16xf32> to vector<16xf32>
            %swap3A_1352 = vector.shape_cast %mul3A_1347 : vector<16xf32> to vector<1x16xf32>
            tpu.vector_store %run_scoped3A_12[%swap3A_1348, %swap3A_1349], %swap3A_1352 {strides = array<i32>} : memref<80x128xf32, #tpu.memory_space<vmem>>, vector<1x16xf32>,
            %get3A_1353 = arith.index_cast %add3A_1330 : i32 to index
            %get3A_1354 = arith.constant 32 : index
            %get3A_1355 = tpu.vector_load %run_scoped3A_12[%get3A_1353, %get3A_1354] {strides = array<i32>} : memref<80x128xf32, #tpu.memory_space<vmem>>, vector<1x16xf32>,
            %get3A_1356 = vector.shape_cast %get3A_1355 : vector<1x16xf32> to vector<16xf32>
            %mul3A_1357 = vector.broadcast %squeeze3A_1326 : f32 to vector<16xf32>
            %mul3A_1358 = arith.mulf %get3A_1356, %mul3A_1357 : vector<16xf32>
            %swap3A_1359 = arith.index_cast %add3A_1330 : i32 to index
            %swap3A_1360 = arith.constant 32 : index
            %swap3A_1361 = tpu.vector_load %run_scoped3A_12[%swap3A_1359, %swap3A_1360] {strides = array<i32>} : memref<80x128xf32, #tpu.memory_space<vmem>>, vector<1x16xf32>,
            %swap3A_1362 = vector.shape_cast %swap3A_1361 : vector<1x16xf32> to vector<16xf32>
            %swap3A_1363 = vector.shape_cast %mul3A_1358 : vector<16xf32> to vector<1x16xf32>
            tpu.vector_store %run_scoped3A_12[%swap3A_1359, %swap3A_1360], %swap3A_1363 {strides = array<i32>} : memref<80x128xf32, #tpu.memory_space<vmem>>, vector<1x16xf32>,
            %get3A_1364 = arith.index_cast %add3A_1330 : i32 to index
            %get3A_1365 = arith.constant 48 : index
            %get3A_1366 = tpu.vector_load %run_scoped3A_12[%get3A_1364, %get3A_1365] {strides = array<i32>} : memref<80x128xf32, #tpu.memory_space<vmem>>, vector<1x16xf32>,
            %get3A_1367 = vector.shape_cast %get3A_1366 : vector<1x16xf32> to vector<16xf32>
            %mul3A_1368 = vector.broadcast %squeeze3A_1326 : f32 to vector<16xf32>
            %mul3A_1369 = arith.mulf %get3A_1367, %mul3A_1368 : vector<16xf32>
            %swap3A_1370 = arith.index_cast %add3A_1330 : i32 to index
            %swap3A_1371 = arith.constant 48 : index
            %swap3A_1372 = tpu.vector_load %run_scoped3A_12[%swap3A_1370, %swap3A_1371] {strides = array<i32>} : memref<80x128xf32, #tpu.memory_space<vmem>>, vector<1x16xf32>,
            %swap3A_1373 = vector.shape_cast %swap3A_1372 : vector<1x16xf32> to vector<16xf32>
            %swap3A_1374 = vector.shape_cast %mul3A_1369 : vector<16xf32> to vector<1x16xf32>
            tpu.vector_store %run_scoped3A_12[%swap3A_1370, %swap3A_1371], %swap3A_1374 {strides = array<i32>} : memref<80x128xf32, #tpu.memory_space<vmem>>, vector<1x16xf32>,
            %get3A_1375 = arith.index_cast %add3A_1330 : i32 to index
            %get3A_1376 = arith.constant 64 : index
            %get3A_1377 = tpu.vector_load %run_scoped3A_12[%get3A_1375, %get3A_1376] {strides = array<i32>} : memref<80x128xf32, #tpu.memory_space<vmem>>, vector<1x16xf32>,
            %get3A_1378 = vector.shape_cast %get3A_1377 : vector<1x16xf32> to vector<16xf32>
            %mul3A_1379 = vector.broadcast %squeeze3A_1326 : f32 to vector<16xf32>
            %mul3A_1380 = arith.mulf %get3A_1378, %mul3A_1379 : vector<16xf32>
            %swap3A_1381 = arith.index_cast %add3A_1330 : i32 to index
            %swap3A_1382 = arith.constant 64 : index
            %swap3A_1383 = tpu.vector_load %run_scoped3A_12[%swap3A_1381, %swap3A_1382] {strides = array<i32>} : memref<80x128xf32, #tpu.memory_space<vmem>>, vector<1x16xf32>,
            %swap3A_1384 = vector.shape_cast %swap3A_1383 : vector<1x16xf32> to vector<16xf32>
            %swap3A_1385 = vector.shape_cast %mul3A_1380 : vector<16xf32> to vector<1x16xf32>
            tpu.vector_store %run_scoped3A_12[%swap3A_1381, %swap3A_1382], %swap3A_1385 {strides = array<i32>} : memref<80x128xf32, #tpu.memory_space<vmem>>, vector<1x16xf32>,
            %get3A_1386 = arith.index_cast %add3A_1330 : i32 to index
            %get3A_1387 = arith.constant 80 : index
            %get3A_1388 = tpu.vector_load %run_scoped3A_12[%get3A_1386, %get3A_1387] {strides = array<i32>} : memref<80x128xf32, #tpu.memory_space<vmem>>, vector<1x16xf32>,
            %get3A_1389 = vector.shape_cast %get3A_1388 : vector<1x16xf32> to vector<16xf32>
            %mul3A_1390 = vector.broadcast %squeeze3A_1326 : f32 to vector<16xf32>
            %mul3A_1391 = arith.mulf %get3A_1389, %mul3A_1390 : vector<16xf32>
            %swap3A_1392 = arith.index_cast %add3A_1330 : i32 to index
            %swap3A_1393 = arith.constant 80 : index
            %swap3A_1394 = tpu.vector_load %run_scoped3A_12[%swap3A_1392, %swap3A_1393] {strides = array<i32>} : memref<80x128xf32, #tpu.memory_space<vmem>>, vector<1x16xf32>,
            %swap3A_1395 = vector.shape_cast %swap3A_1394 : vector<1x16xf32> to vector<16xf32>
            %swap3A_1396 = vector.shape_cast %mul3A_1391 : vector<16xf32> to vector<1x16xf32>
            tpu.vector_store %run_scoped3A_12[%swap3A_1392, %swap3A_1393], %swap3A_1396 {strides = array<i32>} : memref<80x128xf32, #tpu.memory_space<vmem>>, vector<1x16xf32>,
            %get3A_1397 = arith.index_cast %add3A_1330 : i32 to index
            %get3A_1398 = arith.constant 96 : index
            %get3A_1399 = tpu.vector_load %run_scoped3A_12[%get3A_1397, %get3A_1398] {strides = array<i32>} : memref<80x128xf32, #tpu.memory_space<vmem>>, vector<1x16xf32>,
            %get3A_1400 = vector.shape_cast %get3A_1399 : vector<1x16xf32> to vector<16xf32>
            %mul3A_1401 = vector.broadcast %squeeze3A_1326 : f32 to vector<16xf32>
            %mul3A_1402 = arith.mulf %get3A_1400, %mul3A_1401 : vector<16xf32>
            %swap3A_1403 = arith.index_cast %add3A_1330 : i32 to index
            %swap3A_1404 = arith.constant 96 : index
            %swap3A_1405 = tpu.vector_load %run_scoped3A_12[%swap3A_1403, %swap3A_1404] {strides = array<i32>} : memref<80x128xf32, #tpu.memory_space<vmem>>, vector<1x16xf32>,
            %swap3A_1406 = vector.shape_cast %swap3A_1405 : vector<1x16xf32> to vector<16xf32>
            %swap3A_1407 = vector.shape_cast %mul3A_1402 : vector<16xf32> to vector<1x16xf32>
            tpu.vector_store %run_scoped3A_12[%swap3A_1403, %swap3A_1404], %swap3A_1407 {strides = array<i32>} : memref<80x128xf32, #tpu.memory_space<vmem>>, vector<1x16xf32>,
            %get3A_1408 = arith.index_cast %add3A_1330 : i32 to index
            %get3A_1409 = arith.constant 112 : index
            %get3A_1410 = tpu.vector_load %run_scoped3A_12[%get3A_1408, %get3A_1409] {strides = array<i32>} : memref<80x128xf32, #tpu.memory_space<vmem>>, vector<1x16xf32>,
            %get3A_1411 = vector.shape_cast %get3A_1410 : vector<1x16xf32> to vector<16xf32>
            %mul3A_1412 = vector.broadcast %squeeze3A_1326 : f32 to vector<16xf32>
            %mul3A_1413 = arith.mulf %get3A_1411, %mul3A_1412 : vector<16xf32>
            %swap3A_1414 = arith.index_cast %add3A_1330 : i32 to index
            %swap3A_1415 = arith.constant 112 : index
            %swap3A_1416 = tpu.vector_load %run_scoped3A_12[%swap3A_1414, %swap3A_1415] {strides = array<i32>} : memref<80x128xf32, #tpu.memory_space<vmem>>, vector<1x16xf32>,
            %swap3A_1417 = vector.shape_cast %swap3A_1416 : vector<1x16xf32> to vector<16xf32>
            %swap3A_1418 = vector.shape_cast %mul3A_1413 : vector<16xf32> to vector<1x16xf32>
            tpu.vector_store %run_scoped3A_12[%swap3A_1414, %swap3A_1415], %swap3A_1418 {strides = array<i32>} : memref<80x128xf32, #tpu.memory_space<vmem>>, vector<1x16xf32>,
            %slice3A_1419 = vector.extract_strided_slice %get3A_292 {offsets = [12], sizes = [1], strides = [1]} : vector<16xf32> to vector<1xf32>
            %squeeze3A_1420 = vector.extract %slice3A_1419[0] : f32 from vector<1xf32>
            %mul3A_1421 = arith.constant 16 : i32
            %mul3A_1422 = arith.muli %scan3A_287, %mul3A_1421 : i32
            %add3A_1423 = arith.constant 12 : i32
            %add3A_1424 = arith.addi %mul3A_1422, %add3A_1423 : i32
            %get3A_1425 = arith.index_cast %add3A_1424 : i32 to index
            %get3A_1426 = arith.constant 0 : index
            %get3A_1427 = tpu.vector_load %run_scoped3A_12[%get3A_1425, %get3A_1426] {strides = array<i32>} : memref<80x128xf32, #tpu.memory_space<vmem>>, vector<1x16xf32>,
            %get3A_1428 = vector.shape_cast %get3A_1427 : vector<1x16xf32> to vector<16xf32>
            %mul3A_1429 = vector.broadcast %squeeze3A_1420 : f32 to vector<16xf32>
            %mul3A_1430 = arith.mulf %get3A_1428, %mul3A_1429 : vector<16xf32>
            %swap3A_1431 = arith.index_cast %add3A_1424 : i32 to index
            %swap3A_1432 = arith.constant 0 : index
            %swap3A_1433 = tpu.vector_load %run_scoped3A_12[%swap3A_1431, %swap3A_1432] {strides = array<i32>} : memref<80x128xf32, #tpu.memory_space<vmem>>, vector<1x16xf32>,
            %swap3A_1434 = vector.shape_cast %swap3A_1433 : vector<1x16xf32> to vector<16xf32>
            %swap3A_1435 = vector.shape_cast %mul3A_1430 : vector<16xf32> to vector<1x16xf32>
            tpu.vector_store %run_scoped3A_12[%swap3A_1431, %swap3A_1432], %swap3A_1435 {strides = array<i32>} : memref<80x128xf32, #tpu.memory_space<vmem>>, vector<1x16xf32>,
            %get3A_1436 = arith.index_cast %add3A_1424 : i32 to index
            %get3A_1437 = arith.constant 16 : index
            %get3A_1438 = tpu.vector_load %run_scoped3A_12[%get3A_1436, %get3A_1437] {strides = array<i32>} : memref<80x128xf32, #tpu.memory_space<vmem>>, vector<1x16xf32>,
            %get3A_1439 = vector.shape_cast %get3A_1438 : vector<1x16xf32> to vector<16xf32>
            %mul3A_1440 = vector.broadcast %squeeze3A_1420 : f32 to vector<16xf32>
            %mul3A_1441 = arith.mulf %get3A_1439, %mul3A_1440 : vector<16xf32>
            %swap3A_1442 = arith.index_cast %add3A_1424 : i32 to index
            %swap3A_1443 = arith.constant 16 : index
            %swap3A_1444 = tpu.vector_load %run_scoped3A_12[%swap3A_1442, %swap3A_1443] {strides = array<i32>} : memref<80x128xf32, #tpu.memory_space<vmem>>, vector<1x16xf32>,
            %swap3A_1445 = vector.shape_cast %swap3A_1444 : vector<1x16xf32> to vector<16xf32>
            %swap3A_1446 = vector.shape_cast %mul3A_1441 : vector<16xf32> to vector<1x16xf32>
            tpu.vector_store %run_scoped3A_12[%swap3A_1442, %swap3A_1443], %swap3A_1446 {strides = array<i32>} : memref<80x128xf32, #tpu.memory_space<vmem>>, vector<1x16xf32>,
            %get3A_1447 = arith.index_cast %add3A_1424 : i32 to index
            %get3A_1448 = arith.constant 32 : index
            %get3A_1449 = tpu.vector_load %run_scoped3A_12[%get3A_1447, %get3A_1448] {strides = array<i32>} : memref<80x128xf32, #tpu.memory_space<vmem>>, vector<1x16xf32>,
            %get3A_1450 = vector.shape_cast %get3A_1449 : vector<1x16xf32> to vector<16xf32>
            %mul3A_1451 = vector.broadcast %squeeze3A_1420 : f32 to vector<16xf32>
            %mul3A_1452 = arith.mulf %get3A_1450, %mul3A_1451 : vector<16xf32>
            %swap3A_1453 = arith.index_cast %add3A_1424 : i32 to index
            %swap3A_1454 = arith.constant 32 : index
            %swap3A_1455 = tpu.vector_load %run_scoped3A_12[%swap3A_1453, %swap3A_1454] {strides = array<i32>} : memref<80x128xf32, #tpu.memory_space<vmem>>, vector<1x16xf32>,
            %swap3A_1456 = vector.shape_cast %swap3A_1455 : vector<1x16xf32> to vector<16xf32>
            %swap3A_1457 = vector.shape_cast %mul3A_1452 : vector<16xf32> to vector<1x16xf32>
            tpu.vector_store %run_scoped3A_12[%swap3A_1453, %swap3A_1454], %swap3A_1457 {strides = array<i32>} : memref<80x128xf32, #tpu.memory_space<vmem>>, vector<1x16xf32>,
            %get3A_1458 = arith.index_cast %add3A_1424 : i32 to index
            %get3A_1459 = arith.constant 48 : index
            %get3A_1460 = tpu.vector_load %run_scoped3A_12[%get3A_1458, %get3A_1459] {strides = array<i32>} : memref<80x128xf32, #tpu.memory_space<vmem>>, vector<1x16xf32>,
            %get3A_1461 = vector.shape_cast %get3A_1460 : vector<1x16xf32> to vector<16xf32>
            %mul3A_1462 = vector.broadcast %squeeze3A_1420 : f32 to vector<16xf32>
            %mul3A_1463 = arith.mulf %get3A_1461, %mul3A_1462 : vector<16xf32>
            %swap3A_1464 = arith.index_cast %add3A_1424 : i32 to index
            %swap3A_1465 = arith.constant 48 : index
            %swap3A_1466 = tpu.vector_load %run_scoped3A_12[%swap3A_1464, %swap3A_1465] {strides = array<i32>} : memref<80x128xf32, #tpu.memory_space<vmem>>, vector<1x16xf32>,
            %swap3A_1467 = vector.shape_cast %swap3A_1466 : vector<1x16xf32> to vector<16xf32>
            %swap3A_1468 = vector.shape_cast %mul3A_1463 : vector<16xf32> to vector<1x16xf32>
            tpu.vector_store %run_scoped3A_12[%swap3A_1464, %swap3A_1465], %swap3A_1468 {strides = array<i32>} : memref<80x128xf32, #tpu.memory_space<vmem>>, vector<1x16xf32>,
            %get3A_1469 = arith.index_cast %add3A_1424 : i32 to index
            %get3A_1470 = arith.constant 64 : index
            %get3A_1471 = tpu.vector_load %run_scoped3A_12[%get3A_1469, %get3A_1470] {strides = array<i32>} : memref<80x128xf32, #tpu.memory_space<vmem>>, vector<1x16xf32>,
            %get3A_1472 = vector.shape_cast %get3A_1471 : vector<1x16xf32> to vector<16xf32>
            %mul3A_1473 = vector.broadcast %squeeze3A_1420 : f32 to vector<16xf32>
            %mul3A_1474 = arith.mulf %get3A_1472, %mul3A_1473 : vector<16xf32>
            %swap3A_1475 = arith.index_cast %add3A_1424 : i32 to index
            %swap3A_1476 = arith.constant 64 : index
            %swap3A_1477 = tpu.vector_load %run_scoped3A_12[%swap3A_1475, %swap3A_1476] {strides = array<i32>} : memref<80x128xf32, #tpu.memory_space<vmem>>, vector<1x16xf32>,
            %swap3A_1478 = vector.shape_cast %swap3A_1477 : vector<1x16xf32> to vector<16xf32>
            %swap3A_1479 = vector.shape_cast %mul3A_1474 : vector<16xf32> to vector<1x16xf32>
            tpu.vector_store %run_scoped3A_12[%swap3A_1475, %swap3A_1476], %swap3A_1479 {strides = array<i32>} : memref<80x128xf32, #tpu.memory_space<vmem>>, vector<1x16xf32>,
            %get3A_1480 = arith.index_cast %add3A_1424 : i32 to index
            %get3A_1481 = arith.constant 80 : index
            %get3A_1482 = tpu.vector_load %run_scoped3A_12[%get3A_1480, %get3A_1481] {strides = array<i32>} : memref<80x128xf32, #tpu.memory_space<vmem>>, vector<1x16xf32>,
            %get3A_1483 = vector.shape_cast %get3A_1482 : vector<1x16xf32> to vector<16xf32>
            %mul3A_1484 = vector.broadcast %squeeze3A_1420 : f32 to vector<16xf32>
            %mul3A_1485 = arith.mulf %get3A_1483, %mul3A_1484 : vector<16xf32>
            %swap3A_1486 = arith.index_cast %add3A_1424 : i32 to index
            %swap3A_1487 = arith.constant 80 : index
            %swap3A_1488 = tpu.vector_load %run_scoped3A_12[%swap3A_1486, %swap3A_1487] {strides = array<i32>} : memref<80x128xf32, #tpu.memory_space<vmem>>, vector<1x16xf32>,
            %swap3A_1489 = vector.shape_cast %swap3A_1488 : vector<1x16xf32> to vector<16xf32>
            %swap3A_1490 = vector.shape_cast %mul3A_1485 : vector<16xf32> to vector<1x16xf32>
            tpu.vector_store %run_scoped3A_12[%swap3A_1486, %swap3A_1487], %swap3A_1490 {strides = array<i32>} : memref<80x128xf32, #tpu.memory_space<vmem>>, vector<1x16xf32>,
            %get3A_1491 = arith.index_cast %add3A_1424 : i32 to index
            %get3A_1492 = arith.constant 96 : index
            %get3A_1493 = tpu.vector_load %run_scoped3A_12[%get3A_1491, %get3A_1492] {strides = array<i32>} : memref<80x128xf32, #tpu.memory_space<vmem>>, vector<1x16xf32>,
            %get3A_1494 = vector.shape_cast %get3A_1493 : vector<1x16xf32> to vector<16xf32>
            %mul3A_1495 = vector.broadcast %squeeze3A_1420 : f32 to vector<16xf32>
            %mul3A_1496 = arith.mulf %get3A_1494, %mul3A_1495 : vector<16xf32>
            %swap3A_1497 = arith.index_cast %add3A_1424 : i32 to index
            %swap3A_1498 = arith.constant 96 : index
            %swap3A_1499 = tpu.vector_load %run_scoped3A_12[%swap3A_1497, %swap3A_1498] {strides = array<i32>} : memref<80x128xf32, #tpu.memory_space<vmem>>, vector<1x16xf32>,
            %swap3A_1500 = vector.shape_cast %swap3A_1499 : vector<1x16xf32> to vector<16xf32>
            %swap3A_1501 = vector.shape_cast %mul3A_1496 : vector<16xf32> to vector<1x16xf32>
            tpu.vector_store %run_scoped3A_12[%swap3A_1497, %swap3A_1498], %swap3A_1501 {strides = array<i32>} : memref<80x128xf32, #tpu.memory_space<vmem>>, vector<1x16xf32>,
            %get3A_1502 = arith.index_cast %add3A_1424 : i32 to index
            %get3A_1503 = arith.constant 112 : index
            %get3A_1504 = tpu.vector_load %run_scoped3A_12[%get3A_1502, %get3A_1503] {strides = array<i32>} : memref<80x128xf32, #tpu.memory_space<vmem>>, vector<1x16xf32>,
            %get3A_1505 = vector.shape_cast %get3A_1504 : vector<1x16xf32> to vector<16xf32>
            %mul3A_1506 = vector.broadcast %squeeze3A_1420 : f32 to vector<16xf32>
            %mul3A_1507 = arith.mulf %get3A_1505, %mul3A_1506 : vector<16xf32>
            %swap3A_1508 = arith.index_cast %add3A_1424 : i32 to index
            %swap3A_1509 = arith.constant 112 : index
            %swap3A_1510 = tpu.vector_load %run_scoped3A_12[%swap3A_1508, %swap3A_1509] {strides = array<i32>} : memref<80x128xf32, #tpu.memory_space<vmem>>, vector<1x16xf32>,
            %swap3A_1511 = vector.shape_cast %swap3A_1510 : vector<1x16xf32> to vector<16xf32>
            %swap3A_1512 = vector.shape_cast %mul3A_1507 : vector<16xf32> to vector<1x16xf32>
            tpu.vector_store %run_scoped3A_12[%swap3A_1508, %swap3A_1509], %swap3A_1512 {strides = array<i32>} : memref<80x128xf32, #tpu.memory_space<vmem>>, vector<1x16xf32>,
            %slice3A_1513 = vector.extract_strided_slice %get3A_292 {offsets = [13], sizes = [1], strides = [1]} : vector<16xf32> to vector<1xf32>
            %squeeze3A_1514 = vector.extract %slice3A_1513[0] : f32 from vector<1xf32>
            %mul3A_1515 = arith.constant 16 : i32
            %mul3A_1516 = arith.muli %scan3A_287, %mul3A_1515 : i32
            %add3A_1517 = arith.constant 13 : i32
            %add3A_1518 = arith.addi %mul3A_1516, %add3A_1517 : i32
            %get3A_1519 = arith.index_cast %add3A_1518 : i32 to index
            %get3A_1520 = arith.constant 0 : index
            %get3A_1521 = tpu.vector_load %run_scoped3A_12[%get3A_1519, %get3A_1520] {strides = array<i32>} : memref<80x128xf32, #tpu.memory_space<vmem>>, vector<1x16xf32>,
            %get3A_1522 = vector.shape_cast %get3A_1521 : vector<1x16xf32> to vector<16xf32>
            %mul3A_1523 = vector.broadcast %squeeze3A_1514 : f32 to vector<16xf32>
            %mul3A_1524 = arith.mulf %get3A_1522, %mul3A_1523 : vector<16xf32>
            %swap3A_1525 = arith.index_cast %add3A_1518 : i32 to index
            %swap3A_1526 = arith.constant 0 : index
            %swap3A_1527 = tpu.vector_load %run_scoped3A_12[%swap3A_1525, %swap3A_1526] {strides = array<i32>} : memref<80x128xf32, #tpu.memory_space<vmem>>, vector<1x16xf32>,
            %swap3A_1528 = vector.shape_cast %swap3A_1527 : vector<1x16xf32> to vector<16xf32>
            %swap3A_1529 = vector.shape_cast %mul3A_1524 : vector<16xf32> to vector<1x16xf32>
            tpu.vector_store %run_scoped3A_12[%swap3A_1525, %swap3A_1526], %swap3A_1529 {strides = array<i32>} : memref<80x128xf32, #tpu.memory_space<vmem>>, vector<1x16xf32>,
            %get3A_1530 = arith.index_cast %add3A_1518 : i32 to index
            %get3A_1531 = arith.constant 16 : index
            %get3A_1532 = tpu.vector_load %run_scoped3A_12[%get3A_1530, %get3A_1531] {strides = array<i32>} : memref<80x128xf32, #tpu.memory_space<vmem>>, vector<1x16xf32>,
            %get3A_1533 = vector.shape_cast %get3A_1532 : vector<1x16xf32> to vector<16xf32>
            %mul3A_1534 = vector.broadcast %squeeze3A_1514 : f32 to vector<16xf32>
            %mul3A_1535 = arith.mulf %get3A_1533, %mul3A_1534 : vector<16xf32>
            %swap3A_1536 = arith.index_cast %add3A_1518 : i32 to index
            %swap3A_1537 = arith.constant 16 : index
            %swap3A_1538 = tpu.vector_load %run_scoped3A_12[%swap3A_1536, %swap3A_1537] {strides = array<i32>} : memref<80x128xf32, #tpu.memory_space<vmem>>, vector<1x16xf32>,
            %swap3A_1539 = vector.shape_cast %swap3A_1538 : vector<1x16xf32> to vector<16xf32>
            %swap3A_1540 = vector.shape_cast %mul3A_1535 : vector<16xf32> to vector<1x16xf32>
            tpu.vector_store %run_scoped3A_12[%swap3A_1536, %swap3A_1537], %swap3A_1540 {strides = array<i32>} : memref<80x128xf32, #tpu.memory_space<vmem>>, vector<1x16xf32>,
            %get3A_1541 = arith.index_cast %add3A_1518 : i32 to index
            %get3A_1542 = arith.constant 32 : index
            %get3A_1543 = tpu.vector_load %run_scoped3A_12[%get3A_1541, %get3A_1542] {strides = array<i32>} : memref<80x128xf32, #tpu.memory_space<vmem>>, vector<1x16xf32>,
            %get3A_1544 = vector.shape_cast %get3A_1543 : vector<1x16xf32> to vector<16xf32>
            %mul3A_1545 = vector.broadcast %squeeze3A_1514 : f32 to vector<16xf32>
            %mul3A_1546 = arith.mulf %get3A_1544, %mul3A_1545 : vector<16xf32>
            %swap3A_1547 = arith.index_cast %add3A_1518 : i32 to index
            %swap3A_1548 = arith.constant 32 : index
            %swap3A_1549 = tpu.vector_load %run_scoped3A_12[%swap3A_1547, %swap3A_1548] {strides = array<i32>} : memref<80x128xf32, #tpu.memory_space<vmem>>, vector<1x16xf32>,
            %swap3A_1550 = vector.shape_cast %swap3A_1549 : vector<1x16xf32> to vector<16xf32>
            %swap3A_1551 = vector.shape_cast %mul3A_1546 : vector<16xf32> to vector<1x16xf32>
            tpu.vector_store %run_scoped3A_12[%swap3A_1547, %swap3A_1548], %swap3A_1551 {strides = array<i32>} : memref<80x128xf32, #tpu.memory_space<vmem>>, vector<1x16xf32>,
            %get3A_1552 = arith.index_cast %add3A_1518 : i32 to index
            %get3A_1553 = arith.constant 48 : index
            %get3A_1554 = tpu.vector_load %run_scoped3A_12[%get3A_1552, %get3A_1553] {strides = array<i32>} : memref<80x128xf32, #tpu.memory_space<vmem>>, vector<1x16xf32>,
            %get3A_1555 = vector.shape_cast %get3A_1554 : vector<1x16xf32> to vector<16xf32>
            %mul3A_1556 = vector.broadcast %squeeze3A_1514 : f32 to vector<16xf32>
            %mul3A_1557 = arith.mulf %get3A_1555, %mul3A_1556 : vector<16xf32>
            %swap3A_1558 = arith.index_cast %add3A_1518 : i32 to index
            %swap3A_1559 = arith.constant 48 : index
            %swap3A_1560 = tpu.vector_load %run_scoped3A_12[%swap3A_1558, %swap3A_1559] {strides = array<i32>} : memref<80x128xf32, #tpu.memory_space<vmem>>, vector<1x16xf32>,
            %swap3A_1561 = vector.shape_cast %swap3A_1560 : vector<1x16xf32> to vector<16xf32>
            %swap3A_1562 = vector.shape_cast %mul3A_1557 : vector<16xf32> to vector<1x16xf32>
            tpu.vector_store %run_scoped3A_12[%swap3A_1558, %swap3A_1559], %swap3A_1562 {strides = array<i32>} : memref<80x128xf32, #tpu.memory_space<vmem>>, vector<1x16xf32>,
            %get3A_1563 = arith.index_cast %add3A_1518 : i32 to index
            %get3A_1564 = arith.constant 64 : index
            %get3A_1565 = tpu.vector_load %run_scoped3A_12[%get3A_1563, %get3A_1564] {strides = array<i32>} : memref<80x128xf32, #tpu.memory_space<vmem>>, vector<1x16xf32>,
            %get3A_1566 = vector.shape_cast %get3A_1565 : vector<1x16xf32> to vector<16xf32>
            %mul3A_1567 = vector.broadcast %squeeze3A_1514 : f32 to vector<16xf32>
            %mul3A_1568 = arith.mulf %get3A_1566, %mul3A_1567 : vector<16xf32>
            %swap3A_1569 = arith.index_cast %add3A_1518 : i32 to index
            %swap3A_1570 = arith.constant 64 : index
            %swap3A_1571 = tpu.vector_load %run_scoped3A_12[%swap3A_1569, %swap3A_1570] {strides = array<i32>} : memref<80x128xf32, #tpu.memory_space<vmem>>, vector<1x16xf32>,
            %swap3A_1572 = vector.shape_cast %swap3A_1571 : vector<1x16xf32> to vector<16xf32>
            %swap3A_1573 = vector.shape_cast %mul3A_1568 : vector<16xf32> to vector<1x16xf32>
            tpu.vector_store %run_scoped3A_12[%swap3A_1569, %swap3A_1570], %swap3A_1573 {strides = array<i32>} : memref<80x128xf32, #tpu.memory_space<vmem>>, vector<1x16xf32>,
            %get3A_1574 = arith.index_cast %add3A_1518 : i32 to index
            %get3A_1575 = arith.constant 80 : index
            %get3A_1576 = tpu.vector_load %run_scoped3A_12[%get3A_1574, %get3A_1575] {strides = array<i32>} : memref<80x128xf32, #tpu.memory_space<vmem>>, vector<1x16xf32>,
            %get3A_1577 = vector.shape_cast %get3A_1576 : vector<1x16xf32> to vector<16xf32>
            %mul3A_1578 = vector.broadcast %squeeze3A_1514 : f32 to vector<16xf32>
            %mul3A_1579 = arith.mulf %get3A_1577, %mul3A_1578 : vector<16xf32>
            %swap3A_1580 = arith.index_cast %add3A_1518 : i32 to index
            %swap3A_1581 = arith.constant 80 : index
            %swap3A_1582 = tpu.vector_load %run_scoped3A_12[%swap3A_1580, %swap3A_1581] {strides = array<i32>} : memref<80x128xf32, #tpu.memory_space<vmem>>, vector<1x16xf32>,
            %swap3A_1583 = vector.shape_cast %swap3A_1582 : vector<1x16xf32> to vector<16xf32>
            %swap3A_1584 = vector.shape_cast %mul3A_1579 : vector<16xf32> to vector<1x16xf32>
            tpu.vector_store %run_scoped3A_12[%swap3A_1580, %swap3A_1581], %swap3A_1584 {strides = array<i32>} : memref<80x128xf32, #tpu.memory_space<vmem>>, vector<1x16xf32>,
            %get3A_1585 = arith.index_cast %add3A_1518 : i32 to index
            %get3A_1586 = arith.constant 96 : index
            %get3A_1587 = tpu.vector_load %run_scoped3A_12[%get3A_1585, %get3A_1586] {strides = array<i32>} : memref<80x128xf32, #tpu.memory_space<vmem>>, vector<1x16xf32>,
            %get3A_1588 = vector.shape_cast %get3A_1587 : vector<1x16xf32> to vector<16xf32>
            %mul3A_1589 = vector.broadcast %squeeze3A_1514 : f32 to vector<16xf32>
            %mul3A_1590 = arith.mulf %get3A_1588, %mul3A_1589 : vector<16xf32>
            %swap3A_1591 = arith.index_cast %add3A_1518 : i32 to index
            %swap3A_1592 = arith.constant 96 : index
            %swap3A_1593 = tpu.vector_load %run_scoped3A_12[%swap3A_1591, %swap3A_1592] {strides = array<i32>} : memref<80x128xf32, #tpu.memory_space<vmem>>, vector<1x16xf32>,
            %swap3A_1594 = vector.shape_cast %swap3A_1593 : vector<1x16xf32> to vector<16xf32>
            %swap3A_1595 = vector.shape_cast %mul3A_1590 : vector<16xf32> to vector<1x16xf32>
            tpu.vector_store %run_scoped3A_12[%swap3A_1591, %swap3A_1592], %swap3A_1595 {strides = array<i32>} : memref<80x128xf32, #tpu.memory_space<vmem>>, vector<1x16xf32>,
            %get3A_1596 = arith.index_cast %add3A_1518 : i32 to index
            %get3A_1597 = arith.constant 112 : index
            %get3A_1598 = tpu.vector_load %run_scoped3A_12[%get3A_1596, %get3A_1597] {strides = array<i32>} : memref<80x128xf32, #tpu.memory_space<vmem>>, vector<1x16xf32>,
            %get3A_1599 = vector.shape_cast %get3A_1598 : vector<1x16xf32> to vector<16xf32>
            %mul3A_1600 = vector.broadcast %squeeze3A_1514 : f32 to vector<16xf32>
            %mul3A_1601 = arith.mulf %get3A_1599, %mul3A_1600 : vector<16xf32>
            %swap3A_1602 = arith.index_cast %add3A_1518 : i32 to index
            %swap3A_1603 = arith.constant 112 : index
            %swap3A_1604 = tpu.vector_load %run_scoped3A_12[%swap3A_1602, %swap3A_1603] {strides = array<i32>} : memref<80x128xf32, #tpu.memory_space<vmem>>, vector<1x16xf32>,
            %swap3A_1605 = vector.shape_cast %swap3A_1604 : vector<1x16xf32> to vector<16xf32>
            %swap3A_1606 = vector.shape_cast %mul3A_1601 : vector<16xf32> to vector<1x16xf32>
            tpu.vector_store %run_scoped3A_12[%swap3A_1602, %swap3A_1603], %swap3A_1606 {strides = array<i32>} : memref<80x128xf32, #tpu.memory_space<vmem>>, vector<1x16xf32>,
            %slice3A_1607 = vector.extract_strided_slice %get3A_292 {offsets = [14], sizes = [1], strides = [1]} : vector<16xf32> to vector<1xf32>
            %squeeze3A_1608 = vector.extract %slice3A_1607[0] : f32 from vector<1xf32>
            %mul3A_1609 = arith.constant 16 : i32
            %mul3A_1610 = arith.muli %scan3A_287, %mul3A_1609 : i32
            %add3A_1611 = arith.constant 14 : i32
            %add3A_1612 = arith.addi %mul3A_1610, %add3A_1611 : i32
            %get3A_1613 = arith.index_cast %add3A_1612 : i32 to index
            %get3A_1614 = arith.constant 0 : index
            %get3A_1615 = tpu.vector_load %run_scoped3A_12[%get3A_1613, %get3A_1614] {strides = array<i32>} : memref<80x128xf32, #tpu.memory_space<vmem>>, vector<1x16xf32>,
            %get3A_1616 = vector.shape_cast %get3A_1615 : vector<1x16xf32> to vector<16xf32>
            %mul3A_1617 = vector.broadcast %squeeze3A_1608 : f32 to vector<16xf32>
            %mul3A_1618 = arith.mulf %get3A_1616, %mul3A_1617 : vector<16xf32>
            %swap3A_1619 = arith.index_cast %add3A_1612 : i32 to index
            %swap3A_1620 = arith.constant 0 : index
            %swap3A_1621 = tpu.vector_load %run_scoped3A_12[%swap3A_1619, %swap3A_1620] {strides = array<i32>} : memref<80x128xf32, #tpu.memory_space<vmem>>, vector<1x16xf32>,
            %swap3A_1622 = vector.shape_cast %swap3A_1621 : vector<1x16xf32> to vector<16xf32>
            %swap3A_1623 = vector.shape_cast %mul3A_1618 : vector<16xf32> to vector<1x16xf32>
            tpu.vector_store %run_scoped3A_12[%swap3A_1619, %swap3A_1620], %swap3A_1623 {strides = array<i32>} : memref<80x128xf32, #tpu.memory_space<vmem>>, vector<1x16xf32>,
            %get3A_1624 = arith.index_cast %add3A_1612 : i32 to index
            %get3A_1625 = arith.constant 16 : index
            %get3A_1626 = tpu.vector_load %run_scoped3A_12[%get3A_1624, %get3A_1625] {strides = array<i32>} : memref<80x128xf32, #tpu.memory_space<vmem>>, vector<1x16xf32>,
            %get3A_1627 = vector.shape_cast %get3A_1626 : vector<1x16xf32> to vector<16xf32>
            %mul3A_1628 = vector.broadcast %squeeze3A_1608 : f32 to vector<16xf32>
            %mul3A_1629 = arith.mulf %get3A_1627, %mul3A_1628 : vector<16xf32>
            %swap3A_1630 = arith.index_cast %add3A_1612 : i32 to index
            %swap3A_1631 = arith.constant 16 : index
            %swap3A_1632 = tpu.vector_load %run_scoped3A_12[%swap3A_1630, %swap3A_1631] {strides = array<i32>} : memref<80x128xf32, #tpu.memory_space<vmem>>, vector<1x16xf32>,
            %swap3A_1633 = vector.shape_cast %swap3A_1632 : vector<1x16xf32> to vector<16xf32>
            %swap3A_1634 = vector.shape_cast %mul3A_1629 : vector<16xf32> to vector<1x16xf32>
            tpu.vector_store %run_scoped3A_12[%swap3A_1630, %swap3A_1631], %swap3A_1634 {strides = array<i32>} : memref<80x128xf32, #tpu.memory_space<vmem>>, vector<1x16xf32>,
            %get3A_1635 = arith.index_cast %add3A_1612 : i32 to index
            %get3A_1636 = arith.constant 32 : index
            %get3A_1637 = tpu.vector_load %run_scoped3A_12[%get3A_1635, %get3A_1636] {strides = array<i32>} : memref<80x128xf32, #tpu.memory_space<vmem>>, vector<1x16xf32>,
            %get3A_1638 = vector.shape_cast %get3A_1637 : vector<1x16xf32> to vector<16xf32>
            %mul3A_1639 = vector.broadcast %squeeze3A_1608 : f32 to vector<16xf32>
            %mul3A_1640 = arith.mulf %get3A_1638, %mul3A_1639 : vector<16xf32>
            %swap3A_1641 = arith.index_cast %add3A_1612 : i32 to index
            %swap3A_1642 = arith.constant 32 : index
            %swap3A_1643 = tpu.vector_load %run_scoped3A_12[%swap3A_1641, %swap3A_1642] {strides = array<i32>} : memref<80x128xf32, #tpu.memory_space<vmem>>, vector<1x16xf32>,
            %swap3A_1644 = vector.shape_cast %swap3A_1643 : vector<1x16xf32> to vector<16xf32>
            %swap3A_1645 = vector.shape_cast %mul3A_1640 : vector<16xf32> to vector<1x16xf32>
            tpu.vector_store %run_scoped3A_12[%swap3A_1641, %swap3A_1642], %swap3A_1645 {strides = array<i32>} : memref<80x128xf32, #tpu.memory_space<vmem>>, vector<1x16xf32>,
            %get3A_1646 = arith.index_cast %add3A_1612 : i32 to index
            %get3A_1647 = arith.constant 48 : index
            %get3A_1648 = tpu.vector_load %run_scoped3A_12[%get3A_1646, %get3A_1647] {strides = array<i32>} : memref<80x128xf32, #tpu.memory_space<vmem>>, vector<1x16xf32>,
            %get3A_1649 = vector.shape_cast %get3A_1648 : vector<1x16xf32> to vector<16xf32>
            %mul3A_1650 = vector.broadcast %squeeze3A_1608 : f32 to vector<16xf32>
            %mul3A_1651 = arith.mulf %get3A_1649, %mul3A_1650 : vector<16xf32>
            %swap3A_1652 = arith.index_cast %add3A_1612 : i32 to index
            %swap3A_1653 = arith.constant 48 : index
            %swap3A_1654 = tpu.vector_load %run_scoped3A_12[%swap3A_1652, %swap3A_1653] {strides = array<i32>} : memref<80x128xf32, #tpu.memory_space<vmem>>, vector<1x16xf32>,
            %swap3A_1655 = vector.shape_cast %swap3A_1654 : vector<1x16xf32> to vector<16xf32>
            %swap3A_1656 = vector.shape_cast %mul3A_1651 : vector<16xf32> to vector<1x16xf32>
            tpu.vector_store %run_scoped3A_12[%swap3A_1652, %swap3A_1653], %swap3A_1656 {strides = array<i32>} : memref<80x128xf32, #tpu.memory_space<vmem>>, vector<1x16xf32>,
            %get3A_1657 = arith.index_cast %add3A_1612 : i32 to index
            %get3A_1658 = arith.constant 64 : index
            %get3A_1659 = tpu.vector_load %run_scoped3A_12[%get3A_1657, %get3A_1658] {strides = array<i32>} : memref<80x128xf32, #tpu.memory_space<vmem>>, vector<1x16xf32>,
            %get3A_1660 = vector.shape_cast %get3A_1659 : vector<1x16xf32> to vector<16xf32>
            %mul3A_1661 = vector.broadcast %squeeze3A_1608 : f32 to vector<16xf32>
            %mul3A_1662 = arith.mulf %get3A_1660, %mul3A_1661 : vector<16xf32>
            %swap3A_1663 = arith.index_cast %add3A_1612 : i32 to index
            %swap3A_1664 = arith.constant 64 : index
            %swap3A_1665 = tpu.vector_load %run_scoped3A_12[%swap3A_1663, %swap3A_1664] {strides = array<i32>} : memref<80x128xf32, #tpu.memory_space<vmem>>, vector<1x16xf32>,
            %swap3A_1666 = vector.shape_cast %swap3A_1665 : vector<1x16xf32> to vector<16xf32>
            %swap3A_1667 = vector.shape_cast %mul3A_1662 : vector<16xf32> to vector<1x16xf32>
            tpu.vector_store %run_scoped3A_12[%swap3A_1663, %swap3A_1664], %swap3A_1667 {strides = array<i32>} : memref<80x128xf32, #tpu.memory_space<vmem>>, vector<1x16xf32>,
            %get3A_1668 = arith.index_cast %add3A_1612 : i32 to index
            %get3A_1669 = arith.constant 80 : index
            %get3A_1670 = tpu.vector_load %run_scoped3A_12[%get3A_1668, %get3A_1669] {strides = array<i32>} : memref<80x128xf32, #tpu.memory_space<vmem>>, vector<1x16xf32>,
            %get3A_1671 = vector.shape_cast %get3A_1670 : vector<1x16xf32> to vector<16xf32>
            %mul3A_1672 = vector.broadcast %squeeze3A_1608 : f32 to vector<16xf32>
            %mul3A_1673 = arith.mulf %get3A_1671, %mul3A_1672 : vector<16xf32>
            %swap3A_1674 = arith.index_cast %add3A_1612 : i32 to index
            %swap3A_1675 = arith.constant 80 : index
            %swap3A_1676 = tpu.vector_load %run_scoped3A_12[%swap3A_1674, %swap3A_1675] {strides = array<i32>} : memref<80x128xf32, #tpu.memory_space<vmem>>, vector<1x16xf32>,
            %swap3A_1677 = vector.shape_cast %swap3A_1676 : vector<1x16xf32> to vector<16xf32>
            %swap3A_1678 = vector.shape_cast %mul3A_1673 : vector<16xf32> to vector<1x16xf32>
            tpu.vector_store %run_scoped3A_12[%swap3A_1674, %swap3A_1675], %swap3A_1678 {strides = array<i32>} : memref<80x128xf32, #tpu.memory_space<vmem>>, vector<1x16xf32>,
            %get3A_1679 = arith.index_cast %add3A_1612 : i32 to index
            %get3A_1680 = arith.constant 96 : index
            %get3A_1681 = tpu.vector_load %run_scoped3A_12[%get3A_1679, %get3A_1680] {strides = array<i32>} : memref<80x128xf32, #tpu.memory_space<vmem>>, vector<1x16xf32>,
            %get3A_1682 = vector.shape_cast %get3A_1681 : vector<1x16xf32> to vector<16xf32>
            %mul3A_1683 = vector.broadcast %squeeze3A_1608 : f32 to vector<16xf32>
            %mul3A_1684 = arith.mulf %get3A_1682, %mul3A_1683 : vector<16xf32>
            %swap3A_1685 = arith.index_cast %add3A_1612 : i32 to index
            %swap3A_1686 = arith.constant 96 : index
            %swap3A_1687 = tpu.vector_load %run_scoped3A_12[%swap3A_1685, %swap3A_1686] {strides = array<i32>} : memref<80x128xf32, #tpu.memory_space<vmem>>, vector<1x16xf32>,
            %swap3A_1688 = vector.shape_cast %swap3A_1687 : vector<1x16xf32> to vector<16xf32>
            %swap3A_1689 = vector.shape_cast %mul3A_1684 : vector<16xf32> to vector<1x16xf32>
            tpu.vector_store %run_scoped3A_12[%swap3A_1685, %swap3A_1686], %swap3A_1689 {strides = array<i32>} : memref<80x128xf32, #tpu.memory_space<vmem>>, vector<1x16xf32>,
            %get3A_1690 = arith.index_cast %add3A_1612 : i32 to index
            %get3A_1691 = arith.constant 112 : index
            %get3A_1692 = tpu.vector_load %run_scoped3A_12[%get3A_1690, %get3A_1691] {strides = array<i32>} : memref<80x128xf32, #tpu.memory_space<vmem>>, vector<1x16xf32>,
            %get3A_1693 = vector.shape_cast %get3A_1692 : vector<1x16xf32> to vector<16xf32>
            %mul3A_1694 = vector.broadcast %squeeze3A_1608 : f32 to vector<16xf32>
            %mul3A_1695 = arith.mulf %get3A_1693, %mul3A_1694 : vector<16xf32>
            %swap3A_1696 = arith.index_cast %add3A_1612 : i32 to index
            %swap3A_1697 = arith.constant 112 : index
            %swap3A_1698 = tpu.vector_load %run_scoped3A_12[%swap3A_1696, %swap3A_1697] {strides = array<i32>} : memref<80x128xf32, #tpu.memory_space<vmem>>, vector<1x16xf32>,
            %swap3A_1699 = vector.shape_cast %swap3A_1698 : vector<1x16xf32> to vector<16xf32>
            %swap3A_1700 = vector.shape_cast %mul3A_1695 : vector<16xf32> to vector<1x16xf32>
            tpu.vector_store %run_scoped3A_12[%swap3A_1696, %swap3A_1697], %swap3A_1700 {strides = array<i32>} : memref<80x128xf32, #tpu.memory_space<vmem>>, vector<1x16xf32>,
            %slice3A_1701 = vector.extract_strided_slice %get3A_292 {offsets = [15], sizes = [1], strides = [1]} : vector<16xf32> to vector<1xf32>
            %squeeze3A_1702 = vector.extract %slice3A_1701[0] : f32 from vector<1xf32>
            %mul3A_1703 = arith.constant 16 : i32
            %mul3A_1704 = arith.muli %scan3A_287, %mul3A_1703 : i32
            %add3A_1705 = arith.constant 15 : i32
            %add3A_1706 = arith.addi %mul3A_1704, %add3A_1705 : i32
            %get3A_1707 = arith.index_cast %add3A_1706 : i32 to index
            %get3A_1708 = arith.constant 0 : index
            %get3A_1709 = tpu.vector_load %run_scoped3A_12[%get3A_1707, %get3A_1708] {strides = array<i32>} : memref<80x128xf32, #tpu.memory_space<vmem>>, vector<1x16xf32>,
            %get3A_1710 = vector.shape_cast %get3A_1709 : vector<1x16xf32> to vector<16xf32>
            %mul3A_1711 = vector.broadcast %squeeze3A_1702 : f32 to vector<16xf32>
            %mul3A_1712 = arith.mulf %get3A_1710, %mul3A_1711 : vector<16xf32>
            %swap3A_1713 = arith.index_cast %add3A_1706 : i32 to index
            %swap3A_1714 = arith.constant 0 : index
            %swap3A_1715 = tpu.vector_load %run_scoped3A_12[%swap3A_1713, %swap3A_1714] {strides = array<i32>} : memref<80x128xf32, #tpu.memory_space<vmem>>, vector<1x16xf32>,
            %swap3A_1716 = vector.shape_cast %swap3A_1715 : vector<1x16xf32> to vector<16xf32>
            %swap3A_1717 = vector.shape_cast %mul3A_1712 : vector<16xf32> to vector<1x16xf32>
            tpu.vector_store %run_scoped3A_12[%swap3A_1713, %swap3A_1714], %swap3A_1717 {strides = array<i32>} : memref<80x128xf32, #tpu.memory_space<vmem>>, vector<1x16xf32>,
            %get3A_1718 = arith.index_cast %add3A_1706 : i32 to index
            %get3A_1719 = arith.constant 16 : index
            %get3A_1720 = tpu.vector_load %run_scoped3A_12[%get3A_1718, %get3A_1719] {strides = array<i32>} : memref<80x128xf32, #tpu.memory_space<vmem>>, vector<1x16xf32>,
            %get3A_1721 = vector.shape_cast %get3A_1720 : vector<1x16xf32> to vector<16xf32>
            %mul3A_1722 = vector.broadcast %squeeze3A_1702 : f32 to vector<16xf32>
            %mul3A_1723 = arith.mulf %get3A_1721, %mul3A_1722 : vector<16xf32>
            %swap3A_1724 = arith.index_cast %add3A_1706 : i32 to index
            %swap3A_1725 = arith.constant 16 : index
            %swap3A_1726 = tpu.vector_load %run_scoped3A_12[%swap3A_1724, %swap3A_1725] {strides = array<i32>} : memref<80x128xf32, #tpu.memory_space<vmem>>, vector<1x16xf32>,
            %swap3A_1727 = vector.shape_cast %swap3A_1726 : vector<1x16xf32> to vector<16xf32>
            %swap3A_1728 = vector.shape_cast %mul3A_1723 : vector<16xf32> to vector<1x16xf32>
            tpu.vector_store %run_scoped3A_12[%swap3A_1724, %swap3A_1725], %swap3A_1728 {strides = array<i32>} : memref<80x128xf32, #tpu.memory_space<vmem>>, vector<1x16xf32>,
            %get3A_1729 = arith.index_cast %add3A_1706 : i32 to index
            %get3A_1730 = arith.constant 32 : index
            %get3A_1731 = tpu.vector_load %run_scoped3A_12[%get3A_1729, %get3A_1730] {strides = array<i32>} : memref<80x128xf32, #tpu.memory_space<vmem>>, vector<1x16xf32>,
            %get3A_1732 = vector.shape_cast %get3A_1731 : vector<1x16xf32> to vector<16xf32>
            %mul3A_1733 = vector.broadcast %squeeze3A_1702 : f32 to vector<16xf32>
            %mul3A_1734 = arith.mulf %get3A_1732, %mul3A_1733 : vector<16xf32>
            %swap3A_1735 = arith.index_cast %add3A_1706 : i32 to index
            %swap3A_1736 = arith.constant 32 : index
            %swap3A_1737 = tpu.vector_load %run_scoped3A_12[%swap3A_1735, %swap3A_1736] {strides = array<i32>} : memref<80x128xf32, #tpu.memory_space<vmem>>, vector<1x16xf32>,
            %swap3A_1738 = vector.shape_cast %swap3A_1737 : vector<1x16xf32> to vector<16xf32>
            %swap3A_1739 = vector.shape_cast %mul3A_1734 : vector<16xf32> to vector<1x16xf32>
            tpu.vector_store %run_scoped3A_12[%swap3A_1735, %swap3A_1736], %swap3A_1739 {strides = array<i32>} : memref<80x128xf32, #tpu.memory_space<vmem>>, vector<1x16xf32>,
            %get3A_1740 = arith.index_cast %add3A_1706 : i32 to index
            %get3A_1741 = arith.constant 48 : index
            %get3A_1742 = tpu.vector_load %run_scoped3A_12[%get3A_1740, %get3A_1741] {strides = array<i32>} : memref<80x128xf32, #tpu.memory_space<vmem>>, vector<1x16xf32>,
            %get3A_1743 = vector.shape_cast %get3A_1742 : vector<1x16xf32> to vector<16xf32>
            %mul3A_1744 = vector.broadcast %squeeze3A_1702 : f32 to vector<16xf32>
            %mul3A_1745 = arith.mulf %get3A_1743, %mul3A_1744 : vector<16xf32>
            %swap3A_1746 = arith.index_cast %add3A_1706 : i32 to index
            %swap3A_1747 = arith.constant 48 : index
            %swap3A_1748 = tpu.vector_load %run_scoped3A_12[%swap3A_1746, %swap3A_1747] {strides = array<i32>} : memref<80x128xf32, #tpu.memory_space<vmem>>, vector<1x16xf32>,
            %swap3A_1749 = vector.shape_cast %swap3A_1748 : vector<1x16xf32> to vector<16xf32>
            %swap3A_1750 = vector.shape_cast %mul3A_1745 : vector<16xf32> to vector<1x16xf32>
            tpu.vector_store %run_scoped3A_12[%swap3A_1746, %swap3A_1747], %swap3A_1750 {strides = array<i32>} : memref<80x128xf32, #tpu.memory_space<vmem>>, vector<1x16xf32>,
            %get3A_1751 = arith.index_cast %add3A_1706 : i32 to index
            %get3A_1752 = arith.constant 64 : index
            %get3A_1753 = tpu.vector_load %run_scoped3A_12[%get3A_1751, %get3A_1752] {strides = array<i32>} : memref<80x128xf32, #tpu.memory_space<vmem>>, vector<1x16xf32>,
            %get3A_1754 = vector.shape_cast %get3A_1753 : vector<1x16xf32> to vector<16xf32>
            %mul3A_1755 = vector.broadcast %squeeze3A_1702 : f32 to vector<16xf32>
            %mul3A_1756 = arith.mulf %get3A_1754, %mul3A_1755 : vector<16xf32>
            %swap3A_1757 = arith.index_cast %add3A_1706 : i32 to index
            %swap3A_1758 = arith.constant 64 : index
            %swap3A_1759 = tpu.vector_load %run_scoped3A_12[%swap3A_1757, %swap3A_1758] {strides = array<i32>} : memref<80x128xf32, #tpu.memory_space<vmem>>, vector<1x16xf32>,
            %swap3A_1760 = vector.shape_cast %swap3A_1759 : vector<1x16xf32> to vector<16xf32>
            %swap3A_1761 = vector.shape_cast %mul3A_1756 : vector<16xf32> to vector<1x16xf32>
            tpu.vector_store %run_scoped3A_12[%swap3A_1757, %swap3A_1758], %swap3A_1761 {strides = array<i32>} : memref<80x128xf32, #tpu.memory_space<vmem>>, vector<1x16xf32>,
            %get3A_1762 = arith.index_cast %add3A_1706 : i32 to index
            %get3A_1763 = arith.constant 80 : index
            %get3A_1764 = tpu.vector_load %run_scoped3A_12[%get3A_1762, %get3A_1763] {strides = array<i32>} : memref<80x128xf32, #tpu.memory_space<vmem>>, vector<1x16xf32>,
            %get3A_1765 = vector.shape_cast %get3A_1764 : vector<1x16xf32> to vector<16xf32>
            %mul3A_1766 = vector.broadcast %squeeze3A_1702 : f32 to vector<16xf32>
            %mul3A_1767 = arith.mulf %get3A_1765, %mul3A_1766 : vector<16xf32>
            %swap3A_1768 = arith.index_cast %add3A_1706 : i32 to index
            %swap3A_1769 = arith.constant 80 : index
            %swap3A_1770 = tpu.vector_load %run_scoped3A_12[%swap3A_1768, %swap3A_1769] {strides = array<i32>} : memref<80x128xf32, #tpu.memory_space<vmem>>, vector<1x16xf32>,
            %swap3A_1771 = vector.shape_cast %swap3A_1770 : vector<1x16xf32> to vector<16xf32>
            %swap3A_1772 = vector.shape_cast %mul3A_1767 : vector<16xf32> to vector<1x16xf32>
            tpu.vector_store %run_scoped3A_12[%swap3A_1768, %swap3A_1769], %swap3A_1772 {strides = array<i32>} : memref<80x128xf32, #tpu.memory_space<vmem>>, vector<1x16xf32>,
            %get3A_1773 = arith.index_cast %add3A_1706 : i32 to index
            %get3A_1774 = arith.constant 96 : index
            %get3A_1775 = tpu.vector_load %run_scoped3A_12[%get3A_1773, %get3A_1774] {strides = array<i32>} : memref<80x128xf32, #tpu.memory_space<vmem>>, vector<1x16xf32>,
            %get3A_1776 = vector.shape_cast %get3A_1775 : vector<1x16xf32> to vector<16xf32>
            %mul3A_1777 = vector.broadcast %squeeze3A_1702 : f32 to vector<16xf32>
            %mul3A_1778 = arith.mulf %get3A_1776, %mul3A_1777 : vector<16xf32>
            %swap3A_1779 = arith.index_cast %add3A_1706 : i32 to index
            %swap3A_1780 = arith.constant 96 : index
            %swap3A_1781 = tpu.vector_load %run_scoped3A_12[%swap3A_1779, %swap3A_1780] {strides = array<i32>} : memref<80x128xf32, #tpu.memory_space<vmem>>, vector<1x16xf32>,
            %swap3A_1782 = vector.shape_cast %swap3A_1781 : vector<1x16xf32> to vector<16xf32>
            %swap3A_1783 = vector.shape_cast %mul3A_1778 : vector<16xf32> to vector<1x16xf32>
            tpu.vector_store %run_scoped3A_12[%swap3A_1779, %swap3A_1780], %swap3A_1783 {strides = array<i32>} : memref<80x128xf32, #tpu.memory_space<vmem>>, vector<1x16xf32>,
            %get3A_1784 = arith.index_cast %add3A_1706 : i32 to index
            %get3A_1785 = arith.constant 112 : index
            %get3A_1786 = tpu.vector_load %run_scoped3A_12[%get3A_1784, %get3A_1785] {strides = array<i32>} : memref<80x128xf32, #tpu.memory_space<vmem>>, vector<1x16xf32>,
            %get3A_1787 = vector.shape_cast %get3A_1786 : vector<1x16xf32> to vector<16xf32>
            %mul3A_1788 = vector.broadcast %squeeze3A_1702 : f32 to vector<16xf32>
            %mul3A_1789 = arith.mulf %get3A_1787, %mul3A_1788 : vector<16xf32>
            %swap3A_1790 = arith.index_cast %add3A_1706 : i32 to index
            %swap3A_1791 = arith.constant 112 : index
            %swap3A_1792 = tpu.vector_load %run_scoped3A_12[%swap3A_1790, %swap3A_1791] {strides = array<i32>} : memref<80x128xf32, #tpu.memory_space<vmem>>, vector<1x16xf32>,
            %swap3A_1793 = vector.shape_cast %swap3A_1792 : vector<1x16xf32> to vector<16xf32>
            %swap3A_1794 = vector.shape_cast %mul3A_1789 : vector<16xf32> to vector<1x16xf32>
            tpu.vector_store %run_scoped3A_12[%swap3A_1790, %swap3A_1791], %swap3A_1794 {strides = array<i32>} : memref<80x128xf32, #tpu.memory_space<vmem>>, vector<1x16xf32>,
          }
          %scan3A_281 = arith.constant 5 : i32
          %dma_start3A_282 = arith.constant 0 : i32
          %dma_start3A_283 = tpu.memref_slice %arg12[%dma_start3A_282] : memref<10240xf32, #tpu.memory_space<vmem_shared>> -> memref<10240xf32, #tpu.memory_space<vmem_shared>>
          tpu.enqueue_indirect_dma source(%run_scoped3A_11 : memref<80xf32, #tpu.memory_space<vmem>>) target(%dma_start3A_283 : memref<10240xf32, #tpu.memory_space<vmem_shared>>) offsets(%run_scoped3A_8 : memref<80xi32, #tpu.memory_space<vmem>>) semaphore(%arg17 : memref<!tpu.dma_semaphore, #tpu.memory_space<semaphore_mem>>) {add = true}
          %dma_start3A_284 = arith.constant 0 : i32
          %dma_start3A_285 = arith.constant 0 : i32
          %dma_start3A_286 = tpu.memref_slice %arg11[%dma_start3A_284, %dma_start3A_285] : memref<10240x128xf32, #tpu.memory_space<vmem_shared>> -> memref<10240x128xf32, #tpu.memory_space<vmem_shared>>
          tpu.enqueue_indirect_dma source(%run_scoped3A_12 : memref<80x128xf32, #tpu.memory_space<vmem>>) target(%dma_start3A_286 : memref<10240x128xf32, #tpu.memory_space<vmem_shared>>) offsets(%run_scoped3A_8 : memref<80xi32, #tpu.memory_space<vmem>>) semaphore(%arg17 : memref<!tpu.dma_semaphore, #tpu.memory_space<semaphore_mem>>) {add = true}
        } else {
        }
      }
      %scan3A_116 = arith.constant 63 : i32
      %dma_wait3A_117 = arith.constant 0 : i32
      %dma_wait3A_118 = tpu.memref_slice %arg12[%dma_wait3A_117] : memref<10240xf32, #tpu.memory_space<vmem_shared>> -> memref<10240xf32, #tpu.memory_space<vmem_shared>>
      tpu.wait_indirect_dma semaphore(%arg17 : memref<!tpu.dma_semaphore, #tpu.memory_space<semaphore_mem>>) src(%run_scoped3A_11 : memref<80xf32, #tpu.memory_space<vmem>>) dst(%dma_wait3A_118 : memref<10240xf32, #tpu.memory_space<vmem_shared>>)
      %dma_wait3A_119 = arith.constant 0 : i32
      %dma_wait3A_120 = arith.constant 0 : i32
      %dma_wait3A_121 = tpu.memref_slice %arg11[%dma_wait3A_119, %dma_wait3A_120] : memref<10240x128xf32, #tpu.memory_space<vmem_shared>> -> memref<10240x128xf32, #tpu.memory_space<vmem_shared>>
      tpu.wait_indirect_dma semaphore(%arg17 : memref<!tpu.dma_semaphore, #tpu.memory_space<semaphore_mem>>) src(%run_scoped3A_12 : memref<80x128xf32, #tpu.memory_space<vmem>>) dst(%dma_wait3A_121 : memref<10240x128xf32, #tpu.memory_space<vmem_shared>>)
      %dma_wait3A_122 = arith.constant 0 : i32
      %dma_wait3A_123 = tpu.memref_slice %arg12[%dma_wait3A_122] : memref<10240xf32, #tpu.memory_space<vmem_shared>> -> memref<10240xf32, #tpu.memory_space<vmem_shared>>
      tpu.wait_indirect_dma semaphore(%arg16 : memref<!tpu.dma_semaphore, #tpu.memory_space<semaphore_mem>>) src(%run_scoped3A_5 : memref<80xf32, #tpu.memory_space<vmem>>) dst(%dma_wait3A_123 : memref<10240xf32, #tpu.memory_space<vmem_shared>>)
      %dma_wait3A_124 = arith.constant 0 : i32
      %dma_wait3A_125 = arith.constant 0 : i32
      %dma_wait3A_126 = tpu.memref_slice %arg11[%dma_wait3A_124, %dma_wait3A_125] : memref<10240x128xf32, #tpu.memory_space<vmem_shared>> -> memref<10240x128xf32, #tpu.memory_space<vmem_shared>>
      tpu.wait_indirect_dma semaphore(%arg16 : memref<!tpu.dma_semaphore, #tpu.memory_space<semaphore_mem>>) src(%run_scoped3A_6 : memref<80x128xf32, #tpu.memory_space<vmem>>) dst(%dma_wait3A_126 : memref<10240x128xf32, #tpu.memory_space<vmem_shared>>)
      %barrier3A_127 = arith.constant 0 : index
      tpu.barrier barrier_id(%barrier3A_127)
      "tpu.region"() ({
        %run_scoped3A_128 = tpu.sem_alloc : memref<!tpu.dma_semaphore, #tpu.memory_space<semaphore_mem>>
        %dma_start3A_129 = arith.constant 0 : i32
        %dma_start3A_130 = tpu.memref_slice %arg9[%arg0, %mul3A_20, %dma_start3A_129] : memref<2x10240x128xf32, #tpu.memory_space<hbm>> -> memref<1x640x128xf32, #tpu.memory_space<hbm>>
        %dma_start3A_131 = tpu.memref_squeeze %dma_start3A_130 : memref<1x640x128xf32, #tpu.memory_space<hbm>> -> memref<640x128xf32, #tpu.memory_space<hbm>>
        %dma_start3A_132 = arith.constant 0 : i32
        %dma_start3A_133 = tpu.memref_slice %arg11[%mul3A_20, %dma_start3A_132] : memref<10240x128xf32, #tpu.memory_space<vmem_shared>> -> memref<640x128xf32, #tpu.memory_space<vmem_shared>>
        tpu.enqueue_dma source(%dma_start3A_133 : memref<640x128xf32, #tpu.memory_space<vmem_shared>>) target(%dma_start3A_131 : memref<640x128xf32, #tpu.memory_space<hbm>>) target_semaphore(%run_scoped3A_128 : memref<!tpu.dma_semaphore, #tpu.memory_space<semaphore_mem>>)
        %dma_wait3A_134 = arith.constant 0 : i32
        %dma_wait3A_135 = tpu.memref_slice %arg9[%arg0, %mul3A_20, %dma_wait3A_134] : memref<2x10240x128xf32, #tpu.memory_space<hbm>> -> memref<1x640x128xf32, #tpu.memory_space<hbm>>
        %dma_wait3A_136 = tpu.memref_squeeze %dma_wait3A_135 : memref<1x640x128xf32, #tpu.memory_space<hbm>> -> memref<640x128xf32, #tpu.memory_space<hbm>>
        %dma_wait3A_137 = arith.constant 0 : i32
        %dma_wait3A_138 = tpu.memref_slice %arg11[%mul3A_20, %dma_wait3A_137] : memref<10240x128xf32, #tpu.memory_space<vmem_shared>> -> memref<640x128xf32, #tpu.memory_space<vmem_shared>>
        tpu.wait_dma2 semaphore(%run_scoped3A_128 : memref<!tpu.dma_semaphore, #tpu.memory_space<semaphore_mem>>) src(%dma_wait3A_138 : memref<640x128xf32, #tpu.memory_space<vmem_shared>>) dst(%dma_wait3A_136 : memref<640x128xf32, #tpu.memory_space<hbm>>)
        tpu.yield
      }) : () -> ()
      "tpu.region"() ({
        %run_scoped3A_128 = tpu.sem_alloc : memref<!tpu.dma_semaphore, #tpu.memory_space<semaphore_mem>>
        %dma_start3A_129 = tpu.memref_slice %arg10[%arg0, %mul3A_20] : memref<2x10240xf32, #tpu.memory_space<hbm>> -> memref<1x640xf32, #tpu.memory_space<hbm>>
        %dma_start3A_130 = tpu.memref_squeeze %dma_start3A_129 : memref<1x640xf32, #tpu.memory_space<hbm>> -> memref<640xf32, #tpu.memory_space<hbm>>
        %dma_start3A_131 = tpu.memref_slice %arg12[%mul3A_20] : memref<10240xf32, #tpu.memory_space<vmem_shared>> -> memref<640xf32, #tpu.memory_space<vmem_shared>>
        tpu.enqueue_dma source(%dma_start3A_131 : memref<640xf32, #tpu.memory_space<vmem_shared>>) target(%dma_start3A_130 : memref<640xf32, #tpu.memory_space<hbm>>) target_semaphore(%run_scoped3A_128 : memref<!tpu.dma_semaphore, #tpu.memory_space<semaphore_mem>>)
        %dma_wait3A_132 = tpu.memref_slice %arg10[%arg0, %mul3A_20] : memref<2x10240xf32, #tpu.memory_space<hbm>> -> memref<1x640xf32, #tpu.memory_space<hbm>>
        %dma_wait3A_133 = tpu.memref_squeeze %dma_wait3A_132 : memref<1x640xf32, #tpu.memory_space<hbm>> -> memref<640xf32, #tpu.memory_space<hbm>>
        %dma_wait3A_134 = tpu.memref_slice %arg12[%mul3A_20] : memref<10240xf32, #tpu.memory_space<vmem_shared>> -> memref<640xf32, #tpu.memory_space<vmem_shared>>
        tpu.wait_dma2 semaphore(%run_scoped3A_128 : memref<!tpu.dma_semaphore, #tpu.memory_space<semaphore_mem>>) src(%dma_wait3A_134 : memref<640xf32, #tpu.memory_space<vmem_shared>>) dst(%dma_wait3A_133 : memref<640xf32, #tpu.memory_space<hbm>>)
        tpu.yield
      }) : () -> ()
      tpu.yield
    }) : () -> ()
    return
  }
}

module attributes {stable_mosaic.version = 14 : i64} {
  func.func @_q_body(%arg0: i32, %arg1: memref<1x8000x16xf32, #tpu.memory_space<vmem>>, %arg2: memref<128x144xf32, #tpu.memory_space<vmem>>, %arg3: memref<1x256xf32, #tpu.memory_space<vmem>>, %arg4: memref<1x128xf32, #tpu.memory_space<vmem>>, %arg5: memref<1x1x1x8000xi32, #tpu.memory_space<vmem>>, %arg6: memref<1x1x1x8000xi32, #tpu.memory_space<vmem>>, %arg7: memref<1x8000x1xf32, #tpu.memory_space<vmem>>, %arg8: memref<1x1x8000xi32, #tpu.memory_space<vmem>>) attributes {dimension_semantics = [#tpu.dimension_semantics<arbitrary>], iteration_bounds = array<i64: 40>, scalar_prefetch = 0 : i64, scratch_operands = 0 : i64, tpu.core_type = #tpu.core_type<tc>, window_params = [{transform_indices = @transform_0, window_bounds = array<i64: 1, 8000, 16>}, {pipeline_mode = #tpu.pipeline_mode<synchronous>, transform_indices = @transform_1, window_bounds = array<i64: 128, 144>}, {pipeline_mode = #tpu.pipeline_mode<synchronous>, transform_indices = @transform_2, window_bounds = array<i64: 1, 256>}, {pipeline_mode = #tpu.pipeline_mode<synchronous>, transform_indices = @transform_3, window_bounds = array<i64: 1, 128>}, {transform_indices = @transform_4, window_bounds = array<i64: 1, 1, 1, 8000>}, {transform_indices = @transform_5, window_bounds = array<i64: 1, 1, 1, 8000>}, {transform_indices = @transform_6, window_bounds = array<i64: 1, 8000, 1>}, {transform_indices = @transform_7, window_bounds = array<i64: 1, 1, 8000>}]} {
    %get3A = arith.constant 0 : index
    %get3A_0 = arith.constant 0 : index
    %get3A_1 = vector.load %arg3[%get3A, %get3A_0] : memref<1x256xf32, #tpu.memory_space<vmem>>, vector<1x256xf32>
    %slice3A = vector.extract_strided_slice %get3A_1 {offsets = [0, 128], sizes = [1, 128], strides = [1, 1]} : vector<1x256xf32> to vector<1x128xf32>
    %get3A_2 = arith.constant 0 : index
    %get3A_3 = arith.constant 0 : index
    %get3A_4 = vector.load %arg2[%get3A_2, %get3A_3] : memref<128x144xf32, #tpu.memory_space<vmem>>, vector<128x144xf32>
    %dot_general3A = arith.constant dense<0.000000e+00> : vector<144x1xf32>
    %dot_general3A_5 = tpu.matmul %get3A_4, %slice3A, %dot_general3A {dimension_numbers = #tpu.dot_dimension_numbers<[0], [1], [1], [0], [0, 1, 1, 0], [], []>, precision = #tpu.contract_precision<fp32>, transpose_lhs_hint = false} : vector<128x144xf32>, vector<1x128xf32>, vector<144x1xf32> -> vector<144x1xf32>
    %slice3A_6 = vector.extract_strided_slice %dot_general3A_5 {offsets = [0, 0], sizes = [16, 1], strides = [1, 1]} : vector<144x1xf32> to vector<16x1xf32>
    %broadcast_in_dim3A = arith.constant 0.000000e+00 : f32
    %broadcast_in_dim3A_7 = vector.broadcast %broadcast_in_dim3A : f32 to vector<16x7xf32>
    %concatenate3A = tpu.concatenate %slice3A_6, %broadcast_in_dim3A_7 in 1 : vector<16x1xf32>, vector<16x7xf32> -> vector<16x8xf32>
    %get3A_8 = arith.constant 0 : index
    %get3A_9 = arith.constant 0 : index
    %get3A_10 = vector.load %arg4[%get3A_8, %get3A_9] : memref<1x128xf32, #tpu.memory_space<vmem>>, vector<1x128xf32>
    %dot_general3A_11 = arith.constant dense<0.000000e+00> : vector<1x1xf32>
    %dot_general3A_12 = tpu.matmul %get3A_10, %slice3A, %dot_general3A_11 {dimension_numbers = #tpu.dot_dimension_numbers<[1], [1], [0], [0], [0, 0, 1, 0], [], []>, precision = #tpu.contract_precision<fp32>, transpose_lhs_hint = false} : vector<1x128xf32>, vector<1x128xf32>, vector<1x1xf32> -> vector<1x1xf32>
    %get3A_13 = arith.constant 0 : index
    %get3A_14 = arith.constant 0 : index
    %get3A_15 = arith.constant 0 : index
    %get3A_16 = vector.load %arg1[%get3A_13, %get3A_14, %get3A_15] : memref<1x8000x16xf32, #tpu.memory_space<vmem>>, vector<1x8000x16xf32>
    %get3A_17 = vector.shape_cast %get3A_16 : vector<1x8000x16xf32> to vector<8000x16xf32>
    %dot_general3A_18 = arith.constant dense<0.000000e+00> : vector<8000x8xf32>
    %dot_general3A_19 = tpu.matmul %get3A_17, %concatenate3A, %dot_general3A_18 {dimension_numbers = #tpu.dot_dimension_numbers<[1], [0], [0], [1], [0, 0, 1, 1], [], []>, transpose_lhs_hint = false} : vector<8000x16xf32>, vector<16x8xf32>, vector<8000x8xf32> -> vector<8000x8xf32>
    %slice3A_20 = vector.extract_strided_slice %dot_general3A_19 {offsets = [0, 0], sizes = [8000, 1], strides = [1, 1]} : vector<8000x8xf32> to vector<8000x1xf32>
    %squeeze3A = vector.extract %dot_general3A_12[0, 0] : f32 from vector<1x1xf32>
    %add3A = vector.broadcast %squeeze3A : f32 to vector<8000x1xf32>
    %add3A_21 = arith.addf %slice3A_20, %add3A : vector<8000x1xf32>
    %reshape3A = vector.shape_cast %add3A_21 : vector<8000x1xf32> to vector<1x8000x1xf32>
    %swap3A = arith.constant 0 : index
    %swap3A_22 = arith.constant 0 : index
    %swap3A_23 = arith.constant 0 : index
    %swap3A_24 = vector.load %arg7[%swap3A, %swap3A_22, %swap3A_23] : memref<1x8000x1xf32, #tpu.memory_space<vmem>>, vector<1x8000x1xf32>
    tpu.vector_store %arg7[%swap3A, %swap3A_22, %swap3A_23], %reshape3A {strides = array<i32>} : memref<1x8000x1xf32, #tpu.memory_space<vmem>>, vector<1x8000x1xf32>,
    %get3A_25 = arith.constant 0 : index
    %get3A_26 = arith.constant 0 : index
    %get3A_27 = arith.constant 0 : index
    %get3A_28 = arith.constant 0 : index
    %get3A_29 = vector.load %arg5[%get3A_25, %get3A_26, %get3A_27, %get3A_28] : memref<1x1x1x8000xi32, #tpu.memory_space<vmem>>, vector<1x1x1x8000xi32>
    %get3A_30 = arith.constant 0 : index
    %get3A_31 = arith.constant 0 : index
    %get3A_32 = arith.constant 0 : index
    %get3A_33 = arith.constant 0 : index
    %get3A_34 = vector.load %arg6[%get3A_30, %get3A_31, %get3A_32, %get3A_33] : memref<1x1x1x8000xi32, #tpu.memory_space<vmem>>, vector<1x1x1x8000xi32>
    %mul3A = arith.constant 16384 : i32
    %mul3A_35 = vector.broadcast %mul3A : i32 to vector<1x1x1x8000xi32>
    %mul3A_36 = arith.muli %get3A_34, %mul3A_35 : vector<1x1x1x8000xi32>
    %add3A_37 = arith.addi %get3A_29, %mul3A_36 : vector<1x1x1x8000xi32>
    %reshape3A_38 = vector.shape_cast %add3A_37 : vector<1x1x1x8000xi32> to vector<1x1x8000xi32>
    %swap3A_39 = arith.constant 0 : index
    %swap3A_40 = arith.constant 0 : index
    %swap3A_41 = arith.constant 0 : index
    %swap3A_42 = vector.load %arg8[%swap3A_39, %swap3A_40, %swap3A_41] : memref<1x1x8000xi32, #tpu.memory_space<vmem>>, vector<1x1x8000xi32>
    tpu.vector_store %arg8[%swap3A_39, %swap3A_40, %swap3A_41], %reshape3A_38 {strides = array<i32>} : memref<1x1x8000xi32, #tpu.memory_space<vmem>>, vector<1x1x8000xi32>,
    return
  }
  func.func @transform_0(%arg0: i32) -> (i32, i32, i32) {
    %c0_i32 = arith.constant 0 : i32
    %c0_i32_0 = arith.constant 0 : i32
    %c0_i32_1 = arith.constant 0 : i32
    return %arg0, %c0_i32, %c0_i32_0 : i32, i32, i32
  }
  func.func @transform_1(%arg0: i32) -> (i32, i32) {
    %c0_i32 = arith.constant 0 : i32
    %c0_i32_0 = arith.constant 0 : i32
    %c0_i32_1 = arith.constant 0 : i32
    return %c0_i32, %c0_i32_0 : i32, i32
  }
  func.func @transform_2(%arg0: i32) -> (i32, i32) {
    %c0_i32 = arith.constant 0 : i32
    %c0_i32_0 = arith.constant 0 : i32
    %c0_i32_1 = arith.constant 0 : i32
    return %c0_i32, %c0_i32_0 : i32, i32
  }
  func.func @transform_3(%arg0: i32) -> (i32, i32) {
    %c0_i32 = arith.constant 0 : i32
    %c0_i32_0 = arith.constant 0 : i32
    %c0_i32_1 = arith.constant 0 : i32
    return %c0_i32, %c0_i32_0 : i32, i32
  }
  func.func @transform_4(%arg0: i32) -> (i32, i32, i32, i32) {
    %c0_i32 = arith.constant 0 : i32
    %c0_i32_0 = arith.constant 0 : i32
    %c0_i32_1 = arith.constant 0 : i32
    %c0_i32_2 = arith.constant 0 : i32
    return %c0_i32, %arg0, %c0_i32_0, %c0_i32_1 : i32, i32, i32, i32
  }
  func.func @transform_5(%arg0: i32) -> (i32, i32, i32, i32) {
    %c1_i32 = arith.constant 1 : i32
    %c0_i32 = arith.constant 0 : i32
    %c0_i32_0 = arith.constant 0 : i32
    %c0_i32_1 = arith.constant 0 : i32
    return %c1_i32, %arg0, %c0_i32, %c0_i32_0 : i32, i32, i32, i32
  }
  func.func @transform_6(%arg0: i32) -> (i32, i32, i32) {
    %c0_i32 = arith.constant 0 : i32
    %c0_i32_0 = arith.constant 0 : i32
    %c0_i32_1 = arith.constant 0 : i32
    return %arg0, %c0_i32, %c0_i32_0 : i32, i32, i32
  }
  func.func @transform_7(%arg0: i32) -> (i32, i32, i32) {
    %c0_i32 = arith.constant 0 : i32
    %c0_i32_0 = arith.constant 0 : i32
    %c0_i32_1 = arith.constant 0 : i32
    return %arg0, %c0_i32, %c0_i32_0 : i32, i32, i32
  }
}

module attributes {stable_mosaic.version = 14 : i64} {
  func.func @_prelude_body(%arg0: i32, %arg1: memref<1000x128xf32, #tpu.memory_space<vmem>>, %arg2: memref<128x128xf32, #tpu.memory_space<vmem>>, %arg3: memref<128x144xf32, #tpu.memory_space<vmem>>, %arg4: memref<1x256xf32, #tpu.memory_space<vmem>>, %arg5: memref<1000x128xf32, #tpu.memory_space<vmem>>, %arg6: memref<1000x8xf32, #tpu.memory_space<vmem>>) attributes {dimension_semantics = [#tpu.dimension_semantics<arbitrary>], iteration_bounds = array<i64: 10>, scalar_prefetch = 0 : i64, scratch_operands = 0 : i64, tpu.core_type = #tpu.core_type<tc>, window_params = [{transform_indices = @transform_0, window_bounds = array<i64: 1000, 128>}, {pipeline_mode = #tpu.pipeline_mode<synchronous>, transform_indices = @transform_1, window_bounds = array<i64: 128, 128>}, {pipeline_mode = #tpu.pipeline_mode<synchronous>, transform_indices = @transform_2, window_bounds = array<i64: 128, 144>}, {pipeline_mode = #tpu.pipeline_mode<synchronous>, transform_indices = @transform_3, window_bounds = array<i64: 1, 256>}, {transform_indices = @transform_4, window_bounds = array<i64: 1000, 128>}, {transform_indices = @transform_5, window_bounds = array<i64: 1000, 8>}]} {
    %get3A = arith.constant 0 : index
    %get3A_0 = arith.constant 0 : index
    %get3A_1 = vector.load %arg1[%get3A, %get3A_0] : memref<1000x128xf32, #tpu.memory_space<vmem>>, vector<1000x128xf32>
    %get3A_2 = arith.constant 0 : index
    %get3A_3 = arith.constant 0 : index
    %get3A_4 = vector.load %arg2[%get3A_2, %get3A_3] : memref<128x128xf32, #tpu.memory_space<vmem>>, vector<128x128xf32>
    %dot_general3A = arith.constant dense<0.000000e+00> : vector<1000x128xf32>
    %dot_general3A_5 = tpu.matmul %get3A_1, %get3A_4, %dot_general3A {dimension_numbers = #tpu.dot_dimension_numbers<[1], [1], [0], [0], [0, 0, 1, 0], [], []>, precision = #tpu.contract_precision<fp32>, transpose_lhs_hint = false} : vector<1000x128xf32>, vector<128x128xf32>, vector<1000x128xf32> -> vector<1000x128xf32>
    %swap3A = arith.constant 0 : index
    %swap3A_6 = arith.constant 0 : index
    %swap3A_7 = vector.load %arg5[%swap3A, %swap3A_6] : memref<1000x128xf32, #tpu.memory_space<vmem>>, vector<1000x128xf32>
    tpu.vector_store %arg5[%swap3A, %swap3A_6], %dot_general3A_5 {strides = array<i32>} : memref<1000x128xf32, #tpu.memory_space<vmem>>, vector<1000x128xf32>,
    %get3A_8 = arith.constant 0 : index
    %get3A_9 = arith.constant 0 : index
    %get3A_10 = vector.load %arg4[%get3A_8, %get3A_9] : memref<1x256xf32, #tpu.memory_space<vmem>>, vector<1x256xf32>
    %slice3A = vector.extract_strided_slice %get3A_10 {offsets = [0, 0], sizes = [1, 128], strides = [1, 1]} : vector<1x256xf32> to vector<1x128xf32>
    %slice3A_11 = vector.extract_strided_slice %get3A_10 {offsets = [0, 128], sizes = [1, 128], strides = [1, 1]} : vector<1x256xf32> to vector<1x128xf32>
    %get3A_12 = arith.constant 0 : index
    %get3A_13 = arith.constant 0 : index
    %get3A_14 = vector.load %arg3[%get3A_12, %get3A_13] : memref<128x144xf32, #tpu.memory_space<vmem>>, vector<128x144xf32>
    %dot_general3A_15 = arith.constant dense<0.000000e+00> : vector<1x144xf32>
    %dot_general3A_16 = tpu.matmul %slice3A_11, %get3A_14, %dot_general3A_15 {dimension_numbers = #tpu.dot_dimension_numbers<[1], [0], [0], [1], [0, 0, 1, 1], [], []>, precision = #tpu.contract_precision<fp32>, transpose_lhs_hint = false} : vector<1x128xf32>, vector<128x144xf32>, vector<1x144xf32> -> vector<1x144xf32>
    %slice3A_17 = vector.extract_strided_slice %dot_general3A_16 {offsets = [0, 16], sizes = [1, 128], strides = [1, 1]} : vector<1x144xf32> to vector<1x128xf32>
    %mul3A = vector.broadcast %slice3A : vector<1x128xf32> to vector<1000x128xf32>
    %mul3A_18 = arith.mulf %dot_general3A_5, %mul3A : vector<1000x128xf32>
    %reduce_sum3A = arith.constant dense<0.000000e+00> : vector<1000xf32>
    %reduce_sum3A_19 = vector.multi_reduction <add>, %mul3A_18, %reduce_sum3A [1] : vector<1000x128xf32> to vector<1000xf32>
    %broadcast_in_dim3A = vector.shape_cast %reduce_sum3A_19 : vector<1000xf32> to vector<1000x1xf32>
    %mul3A_20 = vector.broadcast %slice3A_17 : vector<1x128xf32> to vector<1000x128xf32>
    %mul3A_21 = arith.mulf %dot_general3A_5, %mul3A_20 : vector<1000x128xf32>
    %reduce_sum3A_22 = arith.constant dense<0.000000e+00> : vector<1000xf32>
    %reduce_sum3A_23 = vector.multi_reduction <add>, %mul3A_21, %reduce_sum3A_22 [1] : vector<1000x128xf32> to vector<1000xf32>
    %broadcast_in_dim3A_24 = vector.shape_cast %reduce_sum3A_23 : vector<1000xf32> to vector<1000x1xf32>
    %broadcast_in_dim3A_25 = arith.constant 0.000000e+00 : f32
    %broadcast_in_dim3A_26 = vector.broadcast %broadcast_in_dim3A_25 : f32 to vector<1000x6xf32>
    %concatenate3A = tpu.concatenate %broadcast_in_dim3A, %broadcast_in_dim3A_24, %broadcast_in_dim3A_26 in 1 : vector<1000x1xf32>, vector<1000x1xf32>, vector<1000x6xf32> -> vector<1000x8xf32>
    %swap3A_27 = arith.constant 0 : index
    %swap3A_28 = arith.constant 0 : index
    %swap3A_29 = vector.load %arg6[%swap3A_27, %swap3A_28] : memref<1000x8xf32, #tpu.memory_space<vmem>>, vector<1000x8xf32>
    tpu.vector_store %arg6[%swap3A_27, %swap3A_28], %concatenate3A {strides = array<i32>} : memref<1000x8xf32, #tpu.memory_space<vmem>>, vector<1000x8xf32>,
    return
  }
  func.func @transform_0(%arg0: i32) -> (i32, i32) {
    %c0_i32 = arith.constant 0 : i32
    %c0_i32_0 = arith.constant 0 : i32
    return %arg0, %c0_i32 : i32, i32
  }
  func.func @transform_1(%arg0: i32) -> (i32, i32) {
    %c0_i32 = arith.constant 0 : i32
    %c0_i32_0 = arith.constant 0 : i32
    %c0_i32_1 = arith.constant 0 : i32
    return %c0_i32, %c0_i32_0 : i32, i32
  }
  func.func @transform_2(%arg0: i32) -> (i32, i32) {
    %c0_i32 = arith.constant 0 : i32
    %c0_i32_0 = arith.constant 0 : i32
    %c0_i32_1 = arith.constant 0 : i32
    return %c0_i32, %c0_i32_0 : i32, i32
  }
  func.func @transform_3(%arg0: i32) -> (i32, i32) {
    %c0_i32 = arith.constant 0 : i32
    %c0_i32_0 = arith.constant 0 : i32
    %c0_i32_1 = arith.constant 0 : i32
    return %c0_i32, %c0_i32_0 : i32, i32
  }
  func.func @transform_4(%arg0: i32) -> (i32, i32) {
    %c0_i32 = arith.constant 0 : i32
    %c0_i32_0 = arith.constant 0 : i32
    return %arg0, %c0_i32 : i32, i32
  }
  func.func @transform_5(%arg0: i32) -> (i32, i32) {
    %c0_i32 = arith.constant 0 : i32
    %c0_i32_0 = arith.constant 0 : i32
    return %arg0, %c0_i32 : i32, i32
  }
}

module attributes {stable_mosaic.version = 14 : i64} {
  func.func @_comb_body(%arg0: i32, %arg1: memref<2x1024x128xf32, #tpu.memory_space<vmem>>, %arg2: memref<2x10240xf32, #tpu.memory_space<vmem>>, %arg3: memref<1024x128xf32, #tpu.memory_space<vmem>>) attributes {dimension_semantics = [#tpu.dimension_semantics<arbitrary>], iteration_bounds = array<i64: 10>, scalar_prefetch = 0 : i64, scratch_operands = 0 : i64, tpu.core_type = #tpu.core_type<tc>, window_params = [{transform_indices = @transform_0, window_bounds = array<i64: 2, 1024, 128>}, {pipeline_mode = #tpu.pipeline_mode<synchronous>, transform_indices = @transform_1, window_bounds = array<i64: 2, 10240>}, {transform_indices = @transform_2, window_bounds = array<i64: 1024, 128>}]} {
    %mul3A = arith.constant 1024 : i32
    %mul3A_0 = arith.muli %arg0, %mul3A : i32
    %get3A = arith.constant 0 : index
    %get3A_1 = arith.index_cast %mul3A_0 : i32 to index
    %get3A_2 = vector.load %arg2[%get3A, %get3A_1] : memref<2x10240xf32, #tpu.memory_space<vmem>>, vector<1x1024xf32>
    %get3A_3 = vector.shape_cast %get3A_2 : vector<1x1024xf32> to vector<1024xf32>
    %mul3A_4 = arith.constant 1024 : i32
    %mul3A_5 = arith.muli %arg0, %mul3A_4 : i32
    %get3A_6 = arith.constant 1 : index
    %get3A_7 = arith.index_cast %mul3A_5 : i32 to index
    %get3A_8 = vector.load %arg2[%get3A_6, %get3A_7] : memref<2x10240xf32, #tpu.memory_space<vmem>>, vector<1x1024xf32>
    %get3A_9 = vector.shape_cast %get3A_8 : vector<1x1024xf32> to vector<1024xf32>
    %add3A = arith.addf %get3A_3, %get3A_9 : vector<1024xf32>
    %eq3A = arith.constant 0.000000e+00 : f32
    %eq3A_10 = vector.broadcast %eq3A : f32 to vector<1024xf32>
    %eq3A_11 = arith.cmpf oeq, %add3A, %eq3A_10 : vector<1024xf32>
    %jit3A = arith.constant 1.000000e+00 : f32
    %broadcast_in_dim3A = vector.broadcast %jit3A : f32 to vector<1024xf32>
    %select_n3A = arith.select %eq3A_11, %broadcast_in_dim3A, %add3A : vector<1024xi1>, vector<1024xf32>
    %get3A_12 = arith.constant 0 : index
    %get3A_13 = arith.constant 0 : index
    %get3A_14 = arith.constant 0 : index
    %get3A_15 = vector.load %arg1[%get3A_12, %get3A_13, %get3A_14] : memref<2x1024x128xf32, #tpu.memory_space<vmem>>, vector<1x1024x128xf32>
    %get3A_16 = vector.shape_cast %get3A_15 : vector<1x1024x128xf32> to vector<1024x128xf32>
    %get3A_17 = arith.constant 1 : index
    %get3A_18 = arith.constant 0 : index
    %get3A_19 = arith.constant 0 : index
    %get3A_20 = vector.load %arg1[%get3A_17, %get3A_18, %get3A_19] : memref<2x1024x128xf32, #tpu.memory_space<vmem>>, vector<1x1024x128xf32>
    %get3A_21 = vector.shape_cast %get3A_20 : vector<1x1024x128xf32> to vector<1024x128xf32>
    %add3A_22 = arith.addf %get3A_16, %get3A_21 : vector<1024x128xf32>
    %broadcast_in_dim3A_23 = vector.shape_cast %select_n3A : vector<1024xf32> to vector<1024x1xf32>
    %div3A = vector.broadcast %broadcast_in_dim3A_23 : vector<1024x1xf32> to vector<1024x128xf32>
    %div3A_24 = arith.divf %add3A_22, %div3A : vector<1024x128xf32>
    %swap3A = arith.constant 0 : index
    %swap3A_25 = arith.constant 0 : index
    %swap3A_26 = vector.load %arg3[%swap3A, %swap3A_25] : memref<1024x128xf32, #tpu.memory_space<vmem>>, vector<1024x128xf32>
    tpu.vector_store %arg3[%swap3A, %swap3A_25], %div3A_24 {strides = array<i32>} : memref<1024x128xf32, #tpu.memory_space<vmem>>, vector<1024x128xf32>,
    return
  }
  func.func @transform_0(%arg0: i32) -> (i32, i32, i32) {
    %c0_i32 = arith.constant 0 : i32
    %c0_i32_0 = arith.constant 0 : i32
    %c0_i32_1 = arith.constant 0 : i32
    return %c0_i32, %arg0, %c0_i32_0 : i32, i32, i32
  }
  func.func @transform_1(%arg0: i32) -> (i32, i32) {
    %c0_i32 = arith.constant 0 : i32
    %c0_i32_0 = arith.constant 0 : i32
    %c0_i32_1 = arith.constant 0 : i32
    return %c0_i32, %c0_i32_0 : i32, i32
  }
  func.func @transform_2(%arg0: i32) -> (i32, i32) {
    %c0_i32 = arith.constant 0 : i32
    %c0_i32_0 = arith.constant 0 : i32
    return %arg0, %c0_i32 : i32, i32
  }
}

</mosaic_0001>

<sc_bundles>
// kernel: kernel.6.cloned.1.call-start
scs
__scs_entry_jumppad:
0x0: {  	(pc) =	sbr.rel $0x88, $3  }
0x1: {  	(tag) =	ssettag $0x0;
	lr =	simm.s32 $0x1  }
0x2: {  	[smem:$0x3F9A] =	sst lr;
	_ =	strace $0xD0000000  }
0x3: {  	_ = 	snop  }
0x4: {  	_ = 	snop  }
0x5: {  	_ = 	snop  }
0x6: {  	_ = 	snop  }
0x7: {  	_ = 	snop  }
__scs_overlays_trampoline_lowered:
0x8: {  	[smem:$0x3FA9] =	sst s0  }
0x9: {  	[smem:$0x3FAA] =	sst s1  }
0xa: {  	[smem:$0x3FAB] =	sst s2  }
0xb: {  	[smem:$0x3FAC] =	sst s3  }
0xc: {  	[smem:$0x3FAD] =	sst s4  }
0xd: {  	[smem:$0x3FAE] =	sst s5  }
0xe: {  	[smem:$0x3FAF] =	sst s6  }
0xf: {  	[smem:$0x3FB0] =	sst s7  }
0x10: {  	[smem:$0x3FB1] =	sst s8  }
0x11: {  	[smem:$0x3FB2] =	sst s9;
	s0 =	simm.s32 @!p0 $0x0  }
0x12: {  	s1 =	sld [smem:$0x3F98];
	s0 =	simm.s32 @p0 $0x1  }
0x13: {  	[smem:$0x3FB3] =	sst s0;
	s0 =	simm.s32 @!p1 $0x0  }
0x14: {  	s2 =	sld [smem:$0x3F97];
	s0 =	simm.s32 @p1 $0x1  }
0x15: {  	[smem:$0x3FB4] =	sst s0;
	s0 =	simm.s32 @!p2 $0x0  }
0x16: {  	s3 =	sld [smem:$0x3FDB];
	s0 =	simm.s32 @p2 $0x1  }
0x17: {  	s4 =	simm.s32 $0x1BF5;
	[smem:$0x3FB6] =	sst s0  }
0x18: {  	s0 =	sld [smem:$0x3F99];
	_ =	swait.ge [sflag:s4], $0x0  }
0x19: {  	s7 =	sld [smem:$0x3F9A]  }
0x1a: {  	s8 =	sadd.s32 $0xFFFFE003, lr  }
0x1b: {  	s9 =	sadd.s32 $0xFFFFFEF7, lr;
	s5 =	simm.s32 $0xFFFFFFFF;
	p2 =	slt.u32 s8, $0xFFFFF086  }
0x1c: {  	p1 =	slt.u32 s9, $0xF7A;
	s5 =	simm.s32 @!p2 $0x0  }
0x1d: {  	s5 =	simm.s32 @p1 $0x1;
	p0 =	seq.s32 s7, s2  }
0x1e: {  	s7 =	smul.u32 @!p0 $0xF7A, s2;
	p2 =	seq.s32 @!p0 s5, $0x0  }
0x1f: {  	s9 =	smul.u32 $0xF7A, s1;
	s8 =	simm.s32 @!p0 $0x1BF5;
	p2 =	por !p2, p0  }
0x20: {  	[sflag:s8] =	ssyncset.s32 @!p0 $0xFFFFF086;
	s6 =	sadd.s32 @!p0 s3, s7;
	s7 =	simm.s32 @!p0 $0x108  }
0x21: {  	s3 =	sadd.s32 s3, s9;
	s6 =	sadd.s32 @!p0 $0x88, s6;
	s7 =	simm.s32 @p2 $0x1082  }
0x22: {  	[simem:s7], [sflag:s8] =	dma.local @!p0 [hbm:s6], $0xF7A  }
0x23: {  	s9 =	sor.u32 $0xD0000000, s2;
	s6 =	simm.s32 $0x108;
	_ =	swait.ge @!p0 [sflag:s8], $0x0  }
0x24: {  	s3 =	sadd.s32 $0x88, s3;
	s6 =	simm.s32 @!p1 $0x1082;
	[sflag:s4] =	ssyncset.s32 $0xFFFFF086  }
0x25: {  	[simem:s6], [sflag:s4] =	dma.local [hbm:s3], $0xF7A  }
0x26: {  	[smem:$0x3F9A] =	sst s1;
	(tag) =	ssettag s2;
	_ =	strace s9  }
0x27: {  	s1 =	sld [smem:$0x3FAA]  }
0x28: {  	s2 =	sld [smem:$0x3FAB]  }
0x29: {  	s4 =	sld [smem:$0x3FAD]  }
0x2a: {  	p0 =	seq.s32 s5, $0x0;
	s5 =	sld [smem:$0x3FAE]  }
0x2b: {  	s6 =	sld [smem:$0x3FAF]  }
0x2c: {  	s7 =	sld [smem:$0x3FB0]  }
0x2d: {  	s3 =	simm.s32 $0x108;
	s8 =	sld [smem:$0x3FB1]  }
0x2e: {  	s3 =	simm.s32 @!p0 $0x1082;
	s9 =	sld [smem:$0x3FB2]  }
0x2f: {  	lr =	sadd.s32 s0, s3;
	s0 =	sld [smem:$0x3FA9]  }
0x30: {  	s3 =	sld [smem:$0x3FAC]  }
0x31: {  	[smem:$0x3FB5] =	sst s10  }
0x32: {  	s10 =	sld [smem:$0x3FB3];
	_ =	sdelay $0x3  }
0x33: {  	p0 =	seq.s32 s10, $0x1;
	s10 =	sld [smem:$0x3FB5];
	_ =	sdelay $0x3  }
0x34: {  	[smem:$0x3FB5] =	sst s10  }
0x35: {  	s10 =	sld [smem:$0x3FB4];
	_ =	sdelay $0x3  }
0x36: {  	p1 =	seq.s32 s10, $0x1;
	s10 =	sld [smem:$0x3FB5];
	_ =	sdelay $0x3  }
0x37: {  	[smem:$0x3FB5] =	sst s10  }
0x38: {  	s10 =	sld [smem:$0x3FB6]  }
0x39: {  	_ = 	snop;
	(pc) =	sbr.ind lr, $3  }
0x3a: {  	_ = 	snop  }
0x3b: {  	_ = 	snop  }
0x3c: {  	p2 =	seq.s32 s10, $0x1;
	s10 =	sld [smem:$0x3FB5]  }
0x3d: {  	_ =	shalt  }
0x3e: {  	_ =	shalt  }
0x3f: {  	_ =	shalt  }
0x40: {  	_ =	shalt  }
0x41: {  	_ =	shalt  }
0x42: {  	_ =	shalt  }
0x43: {  	_ =	shalt  }
0x44: {  	_ =	shalt  }
0x45: {  	_ =	shalt  }
0x46: {  	_ =	shalt  }
0x47: {  	_ =	shalt  }
0x48: {  	_ =	shalt  }
0x49: {  	_ =	shalt  }
0x4a: {  	_ =	shalt  }
0x4b: {  	_ =	shalt  }
0x4c: {  	_ =	shalt  }
0x4d: {  	_ =	shalt  }
0x4e: {  	_ =	shalt  }
0x4f: {  	_ =	shalt  }
0x50: {  	_ =	shalt  }
0x51: {  	_ =	shalt  }
0x52: {  	_ =	shalt  }
0x53: {  	_ =	shalt  }
0x54: {  	_ =	shalt  }
0x55: {  	_ =	shalt  }
0x56: {  	_ =	shalt  }
0x57: {  	_ =	shalt  }
0x58: {  	_ =	shalt  }
0x59: {  	_ =	shalt  }
0x5a: {  	_ =	shalt  }
0x5b: {  	_ =	shalt  }
0x5c: {  	_ =	shalt  }
0x5d: {  	_ =	shalt  }
0x5e: {  	_ =	shalt  }
0x5f: {  	_ =	shalt  }
0x60: {  	_ =	shalt  }
0x61: {  	_ =	shalt  }
0x62: {  	_ =	shalt  }
0x63: {  	_ =	shalt  }
0x64: {  	_ =	shalt  }
0x65: {  	_ =	shalt  }
0x66: {  	_ =	shalt  }
0x67: {  	_ =	shalt  }
0x68: {  	_ =	shalt  }
0x69: {  	_ =	shalt  }
0x6a: {  	_ =	shalt  }
0x6b: {  	_ =	shalt  }
0x6c: {  	_ =	shalt  }
0x6d: {  	_ =	shalt  }
0x6e: {  	_ =	shalt  }
0x6f: {  	_ =	shalt  }
0x70: {  	_ =	shalt  }
0x71: {  	_ =	shalt  }
0x72: {  	_ =	shalt  }
0x73: {  	_ =	shalt  }
0x74: {  	_ =	shalt  }
0x75: {  	_ =	shalt  }
0x76: {  	_ =	shalt  }
0x77: {  	_ =	shalt  }
0x78: {  	_ =	shalt  }
0x79: {  	_ =	shalt  }
0x7a: {  	_ =	shalt  }
0x7b: {  	_ =	shalt  }
0x7c: {  	_ =	shalt  }
0x7d: {  	_ =	shalt  }
0x7e: {  	_ =	shalt  }
0x7f: {  	_ =	shalt  }
0x80: {  	_ =	shalt  }
0x81: {  	_ =	shalt  }
0x82: {  	_ =	shalt  }
0x83: {  	_ =	shalt  }
0x84: {  	_ =	shalt  }
0x85: {  	_ =	shalt  }
0x86: {  	_ =	shalt  }
0x87: {  	_ =	shalt  }
.Lfunc_end0:
.L_simem_size_0:
called_computation_lowered:
.L_overlay_start_0:
0x88: {  	s2 =	sld [smem:$0x3FD9]  }
0x89: {  	s3 =	sld [smem:$0x3FFE];
	_ =	sdelay $0x1  }
0x8a: {  	s1 =	srdreg.scid  }
0x8b: {  	s0 =	sand.u32 $0x1, s1  }
0x8c: {  	s17 =	sshll.u32 s0, $0xA;
	s2 =	sadd.s32 s3, s2  }
0x8d: {  	s2 =	sadd.s32 s2, s17  }
0x8e: {  	[smem:$0x3FC1] =	sst s2  }
0x8f: {  	_ = 	snop  }
0x90: {  	s2 =	sld [smem:$0x3FD0];
	(tm) =	ssettm $0x1  }
0x91: {  	s18 =	sld [smem:$0x3FFB];
	_ =	sdelay $0x3  }
0x92: {  	_ =	strace s18  }
0x93: {  	s3 =	sld [smem:$0x3FFC];
	_ =	sdelay $0x3  }
0x94: {  	_ =	strace s3  }
0x95: {  	s3 =	sld [smem:$0x3FFD];
	_ =	sdelay $0x3  }
0x96: {  	_ =	strace s3  }
0x97: {  	_ =	strace $0x8FFFFFFF  }
0x98: {  	s19 =	sld [smem:$0x3FDB];
	_ =	sdelay $0x1  }
0x99: {  	s4 =	simm.s32 $_scs_section_size  }
0x9a: {  	s5 =	simm.s32 $_size__tile_overlayer_lowered;
	s6 =	simm.s32 $_tile_overlayer_lowered  }
0x9b: {  	s22 =	simm.s32 $0x1BFF;
	s21 =	sshll.u32 s6, $0x1;
	s3 =	sadd.s32 s4, s19  }
0x9c: {  	s7 =	simm.s32 $0x0;
	s20 =	sshll.u32 s5, $0x1;
	s5 =	sadd.s32 s21, s3  }
0x9d: {  	[timem:s7], [sflag:s22] =	dma.local [hbm:s5], s20  }
0x9e: {  	_ =	swait.ge [sflag:s22], s20  }
0x9f: {  	s4 =	ssub.s32 $0x0, s20;
	[sflag:s22] =	ssyncset.done $0x0  }
0xa0: {  	[sflag:s22] =	ssyncadd.s32 s4;
	_ =	sdelay $0x1  }
0xa1: {  	s23 =	simm.s32 $0x1B8B  }
0xa2: {  	_ =	swait.ge [sflag:s23], $0x1  }
0xa3: {  	[sflag:s23] =	ssyncset.done $0x0  }
0xa4: {  	s25 =	simm.s32 $0x1B8E;
	s24 =	sld [smem:$0x3FFE];
	[sflag:s23] =	ssyncadd.s32 $0xFFFFFFFF  }
0xa5: {  	s26 =	simm.s32 $execute0_lowered;
	[smem:$0x3FD2] =	sst s25  }
0xa6: {  	s5 =	sshll.u32 s26, $0x1;
	_ =	strace $0x80000046;
	[dreg:$0x1] =	wrdreg $0xFFFFFFFF  }
0xa7: {  	s28 =	simm.s32 $_size_execute0_lowered;
	s3 =	sadd.s32 s3, s5;
	[dreg:$0x0] =	wrdreg $0x0  }
0xa8: {  	s5 =	sshll.u32 s28, $0x1;
	[dreg:$0x2] =	wrdreg s3  }
0xa9: {  	[dreg:$0x3] =	wrdreg s5  }
0xaa: {  	[dreg:$0x4] =	wrdreg $0xC0  }
0xab: {  	_ =	task [dreg:s7], $0x5FFFF  }
0xac: {  	[dreg:$0x1] =	wrdreg $0xFFFFFFFF  }
0xad: {  	[dreg:$0x0] =	wrdreg $0x60  }
0xae: {  	[dreg:$0x2] =	wrdreg s24  }
0xaf: {  	[dreg:$0x3] =	wrdreg s2  }
0xb0: {  	[dreg:$0x4] =	wrdreg $0x0  }
0xb1: {  	[dreg:$0x5] =	wrdreg $0x140000  }
0xb2: {  	[dreg:$0x6] =	wrdreg $0x9  }
0xb3: {  	_ =	task.clear_ibuf [dreg:s7], $0x7FFFF;
	_ =	strace $0x90000046  }
0xb4: {  	s29 =	simm.s32 $0x9;
	_ =	strace $0x80000048  }
0xb5: {  	_ =	swait.ge [sflag:s29], $0x1  }
0xb6: {  	[sflag:s29] =	ssyncadd.s32 $0xFFFFFFFF  }
0xb7: {  	_ =	strace $0x90000048  }
0xb8: {  	_ =	sfence  }
0xb9: {  	s30 =	sld [smem:$0x0];
	_ =	sdelay $0x2  }
0xba: {  	s31 =	sshll.u32 s1, $0xD;
	s1 =	sshrl.u32 s1, $0x2  }
0xbb: {  	s3 =	sand.u32 $0x4000, s31;
	s1 =	sadd.s32 s1, s30  }
0xbc: {  	s0 =	sor.u32 s3, s0;
	s1 =	sshll.u32 s1, $0x11  }
0xbd: {  	s0 =	sor.u32 s1, s0  }
0xbe: {  	s0 =	sadd.s32 $0x8F2B, s0  }
0xbf: {  	[sflag:s0] =	ssyncadd.remote.s32 $0x1  }
0xc0: {  	_ =	sfence.sel $0xFFFF  }
0xc1: {  	[dreg:$0x0] =	wrdreg $0xFFFFFFFF;
	(pc) =	sbr.abs _section_cstart, $3  }
0xc2: {  	[dreg:$0x1] =	wrdreg $0xFFFFFFFF  }
0xc3: {  	_ =	task.clear_ibuf [dreg:s7], $0x2FFFF;
	_ =	strace $0x9FFFFFFF  }
0xc4: {  	(tm) =	ssettm $0x7FFFFFFF  }
0xc5: {  	_ =	shalt  }
tec
execute0_lowered:
.L_overlay_start_1:
0x0: {  	(tag) =	ssettag $0x1  }
0x1: {  	s0 =	rddreg [dreg:$0x0]  }
0x2: {  	s2 =	srdreg.scid;
	s1 =	rddreg [dreg:$0x1]  }
0x3: {  	s3 =	rddreg [dreg:$0x2];
	s11 =	stileid.u32  }
0x4: {  	s4 =	rddreg [dreg:$0x3];
	s6 =	simm.s32 $0x0;
	s28 =	simm.s32 $0x19400  }
0x5: {  	s29 =	simm.s32 $0x2;
	s30 =	simm.s32 $0x19380;
	s31 =	simm.s32 $0x4  }
0x6: {  	s16 =	simm.s32 $0x1BE00;
	s17 =	simm.s32 $0x1BE80;
	s9 =	smul.u32 $0x14000, s11  }
0x7: {  	s2 =	sand.u32 $0x1, s2;
	[smem:$0x7FF] =	sst s6;
	s10 =	smul.u32 $0x500, s11  }
0x8: {  	s6 =	sadd.s32 $0xB400, s0;
	s7 =	sadd.s32 $0xAE00, s0;
	s21 =	smul.u32 $0x50000, s11  }
0x9: {  	s12 =	sadd.s32 $0x15800, s0;
	s19 =	sadd.s32 $0x18000, s0;
	s23 =	smul.u32 $0xA00, s11  }
0xa: {  	s25 =	sshll.u32 s11, $0x6;
	s5 =	sshll.u32 s2, $0x4;
	s8 =	smul.u32 $0x140000, s2  }
0xb: {  	_ =	strace $0x80000047;
	[dreg:$0x5] =	wrdreg s12;
	s18 =	sshll.u32 s2, $0x7  }
0xc: {  	[dreg:$0x6] =	wrdreg s19;
	s2 =	ssub.s32 $0x2, s2;
	s12 =	sor.u32 $0x1C06, s25  }
0xd: {  	s19 =	simm.s32 $0x6;
	s25 =	simm.s32 $0x19200;
	s5 =	sor.u32 s11, s5  }
0xe: {  	s20 =	sshrl.u32 s2, $0x1;
	s24 =	sshrl.u32 s21, $0x2;
	s21 =	simm.s32 $0x1  }
0xf: {  	s5 =	smul.u32 $0x4E2, s5;
	s8 =	sadd.s32 s9, s8;
	s9 =	sor.u32 s18, s10  }
0x10: {  	s2 =	ssub.s32 s2, s20;
	s8 =	sshrl.u32 s8, $0x3;
	s9 =	sshrl.u32 s9, $0x3  }
0x11: {  	s26 =	smax.u32 s2, $0x1;
	s2 =	simm.s32 $0x3;
	s5 =	sadd.s32 s5, s0  }
0x12: {  	s8 =	sadd.s32 s8, s0;
	s0 =	sadd.s32 s9, s0;
	s9 =	sshrl.u32 s23, $0x2  }
0x13: {  	[dreg:$0xb] =	wrdreg s26;
	s23 =	simm.s32 $0x19180;
	s22 =	sadd.s32 $0x1000, s5  }
0x14: {  	s26 =	simm.s32 $0x19300;
	s5 =	sadd.s32 $0xBA00, s5;
	[dreg:$0x7] =	wrdreg s22  }
.Ltmp0:
0x15: {  	s8 =	sadd.s32 $0x18200, s8;
	[dreg:$0x8] =	wrdreg s5;
	(pc) =	sbr.rel .LBB2_1-.Ltmp0, $4  }
0x16: {  	s9 =	sadd.s32 s9, s4;
	s0 =	sadd.s32 $0x68200, s0;
	[dreg:$0x9] =	wrdreg s8  }
0x17: {  	s5 =	sadd.s32 s24, s3;
	[dreg:$0xa] =	wrdreg s0;
	s20 =	sshrl.u32 s9, $0x3  }
0x18: {  	s22 =	simm.s32 $0x50;
	s24 =	simm.s32 $0x19280;
	s0 =	simm.s32 $0x1BC80  }
0x19: {  	s8 =	simm.s32 $0x0;
	s18 =	sshrl.u32 s5, $0x3;
	s5 =	simm.s32 $0x5  }
.LBB2_9:
0x1a: {  	_ =	swait.ge [sflag:s5], $0x50  }
0x1b: {  	[sflag:s5] =	ssyncset.done $0x0  }
0x1c: {  	[sflag:s5] =	ssyncadd.s32 $0xFFFFFFB0  }
0x1d: {  	_ =	swait.ge [sflag:s5], $0x2800  }
0x1e: {  	[sflag:s5] =	ssyncset.done $0x0  }
0x1f: {  	[sflag:s5] =	ssyncadd.s32 $0xFFFFD800  }
0x20: {  	_ =	swait.ge [sflag:s31], $0x50  }
0x21: {  	[sflag:s31] =	ssyncset.done $0x0  }
0x22: {  	[sflag:s31] =	ssyncadd.s32 $0xFFFFFFB0  }
0x23: {  	_ =	swait.ge [sflag:s31], $0x2800  }
0x24: {  	[sflag:s31] =	ssyncset.done $0x0  }
0x25: {  	[sflag:s31] =	ssyncadd.s32 $0xFFFFD800  }
0x26: {  	[bflag:$0x0] =	sbarrier.arrive $0xFFFF  }
0x27: {  	s9 =	rddreg [dreg:$0x9]  }
0x28: {  	[hbm:s9], [sflag:s12] =	dma.local [spmem:s18], $0x2800  }
0x29: {  	_ =	swait.ge [sflag:s19], $0x2800  }
0x2a: {  	s10 =	simm.s32 $0x20;
	[sflag:s19] =	ssyncset.done $0x0  }
0x2b: {  	s11 =	simm.s32 $0x10;
	s14 =	rddreg [dreg:$0xa];
	[sflag:s19] =	ssyncadd.s32 $0xFFFFD800  }
0x2c: {  	[hbm:s14@s10], [sflag:s12] =	dma.strided [spmem:s20@s11], $0x50, s21, $0x10   }
0x2d: {  	_ =	swait.ge [sflag:s19], $0x50  }
0x2e: {  	s8 =	sadd.s32 $0x1, s8;
	s15 =	rddreg [dreg:$0xb]  }
0x2f: {  	p0 =	sne.s32 s8, s15  }
.Ltmp1:
0x30: {  	_ = 	snop;
	(pc) =	sbr.rel @!p0 .LBB2_10-.Ltmp1, $3  }
0x31: {  	_ =	sdelay $0x1  }
0x32: {  	[sflag:s19] =	ssyncset.done $0x0  }
0x33: {  	[sflag:s19] =	ssyncadd.s32 $0xFFFFFFB0  }
.LBB2_1:
0x34: {  	s10 =	rddreg [dreg:$0x7]  }
0x35: {  	s9 =	simm.s32 $0x0;
	s11 =	simm.s32 $0x14280;
	s14 =	rddreg [dreg:$0x5]  }
0x36: {  	[tilespmem:s11], [sflag:$0x1] =	stream.linear.gather [hbm4b:s10+s9], $0x2710, $0x38;
	[tilespmem:$0x1E680] =	vst v63  }
0x37: {  	s13 =	simm.s32 $0x16A00;
	s11 =	rddreg [dreg:$0x8]  }
0x38: {  	[tilespmem:s13], [sflag:$0x1] =	stream.linear.gather [hbm4b:s11+s9], $0x2710, $0x38;
	[tilespmem:$0x1E680] =	vst v63  }
0x39: {  	[spmem:s18], [sflag:s12] =	dma.local [hbm:s14], $0x2800  }
0x3a: {  	_ =	swait.ge [sflag:s19], $0x2800  }
0x3b: {  	[sflag:s19] =	ssyncset.done $0x0  }
0x3c: {  	s15 =	rddreg [dreg:$0x6];
	[sflag:s19] =	ssyncadd.s32 $0xFFFFD800  }
0x3d: {  	[spmem:s20], [sflag:s12] =	dma.local [hbm:s15], $0x50  }
0x3e: {  	_ =	swait.ge [sflag:s19], $0x50  }
0x3f: {  	[sflag:s19] =	ssyncset.done $0x0  }
0x40: {  	[sflag:s19] =	ssyncadd.s32 $0xFFFFFFB0  }
0x41: {  	_ =	swait.ge [sflag:s21], $0x2710  }
0x42: {  	[sflag:s21] =	ssyncset.done $0x0  }
0x43: {  	[sflag:s21] =	ssyncadd.s32 $0xFFFFD8F0  }
0x44: {  	_ =	swait.ge [sflag:s21], $0x2710  }
0x45: {  	[sflag:s21] =	ssyncset.done $0x0  }
0x46: {  	[sflag:s21] =	ssyncadd.s32 $0xFFFFD8F0  }
0x47: {  	[bflag:$0x0] =	sbarrier.arrive $0xFFFF  }
0x48: {  	v0 =	vld [tilespmem:$0x14280];
	_ =	sdelay $0x1  }
0x49: {  	v1 =	vld [tilespmem:$0x14290];
	_ =	sdelay $0x1  }
0x4a: {  	v2 =	vld [tilespmem:$0x142A0]  }
0x4b: {  	v3 =	vand.u32 $0x3FFF, v0  }
0x4c: {  	v54 =	vld [tilespmem:$0x142B0];
	v0 =	vshrl.u32 v0, $0xE;
	[tilespmem:$0x19180] =	vst v3  }
0x4d: {  	v55 =	vand.u32 $0x3FFF, v1;
	[tilespmem:$0x19200] =	vst v0  }
0x4e: {  	v57 =	vld [tilespmem:$0x142C0];
	v56 =	vshrl.u32 v1, $0xE;
	[tilespmem:$0x19190] =	vst v55  }
0x4f: {  	v58 =	vand.u32 $0x3FFF, v2;
	[tilespmem:$0x19210] =	vst v56  }
0x50: {  	v59 =	vshrl.u32 v2, $0xE;
	[tilespmem:$0x191A0] =	vst v58  }
0x51: {  	v60 =	vand.u32 $0x3FFF, v54;
	[tilespmem:$0x19220] =	vst v59  }
0x52: {  	v61 =	vshrl.u32 v54, $0xE;
	[tilespmem:$0x191B0] =	vst v60  }
0x53: {  	v62 =	vand.u32 $0x3FFF, v57;
	[tilespmem:$0x19230] =	vst v61  }
0x54: {  	v63 =	vshrl.u32 v57, $0xE;
	[tilespmem:$0x191C0] =	vst v62  }
0x55: {  	[tilespmem:$0x19240] =	vst v63  }
0x56: {  	[tilespmem:s24], [sflag:$0x2] =	stream.indirect.gather [hbm4b:s6+s22], $0x1, s23, s22, $0xb8;
	[tilespmem:$0x1E680] =	vst v63  }
.Ltmp2:
0x57: {  	_ = 	snop;
	(pc) =	sbr.rel .LBB2_2-.Ltmp2, $4  }
0x58: {  	_ = 	snop  }
0x59: {  	[tilespmem:s26], [sflag:$0x2] =	stream.indirect.gather [hbm4b:s7+s22], $0x1, s25, s22, $0xb8;
	[tilespmem:$0x1E680] =	vst v63  }
0x5a: {  	s9 =	simm.s32 $0x0  }
0x5b: {  	[tilespmem:s28], [sflag:$0x2] =	stream.indirect.gather [hbm4b:s1+s22], $0x80, s23, s22, $0xb8;
	[tilespmem:$0x1E680] =	vst v63  }
.LBB2_8:
0x5c: {  	s9 =	sadd.s32 $0x1, s9  }
0x5d: {  	p0 =	sne.s32 s9, $0x3F  }
.Ltmp3:
0x5e: {  	_ = 	snop;
	(pc) =	sbr.rel @!p0 .LBB2_9-.Ltmp3, $1  }
0x5f: {  	_ =	sdelay $0x3  }
.LBB2_2:
0x60: {  	s10 =	sshllo.u32 s9, $0x1  }
0x61: {  	p0 =	sgt.u32 s10, $0x7C  }
0x62: {  	p1 =	seq.s32 @!p0 s9, $0x0  }
0x63: {  	p1 =	por p1, p0  }
0x64: {  	s11 =	simm.s32 @!p1 $0x5  }
0x65: {  	_ =	swait.ge @!p1 [sflag:s11], $0x50  }
0x66: {  	[sflag:s11] =	ssyncset.done @!p1 $0x0  }
0x67: {  	[sflag:s11] =	ssyncadd.s32 @!p1 $0xFFFFFFB0  }
0x68: {  	s13 =	smul.u32 @!p0 $0x140, s10;
	_ =	swait.ge @!p1 [sflag:s11], $0x2800  }
0x69: {  	[sflag:s11] =	ssyncset.done @!p1 $0x0  }
0x6a: {  	[sflag:s11] =	ssyncadd.s32 @!p1 $0xFFFFD800;
	s11 =	sshra.s32 @!p0 s13, $0x2  }
0x6b: {  	v0 =	vld @!p0 [tilespmem:s11+$0x14280];
	_ =	sdelay $0x1  }
0x6c: {  	v1 =	vld @!p0 [tilespmem:s11+$0x14290];
	_ =	sdelay $0x1  }
0x6d: {  	v2 =	vld @!p0 [tilespmem:s11+$0x142A0]  }
0x6e: {  	v3 =	vand.u32 @!p0 $0x3FFF, v0  }
0x6f: {  	v0 =	vshrl.u32 @!p0 v0, $0xE;
	[tilespmem:$0x1BC00] =	vst @!p0 v3;
	v3 =	vld @!p0 [tilespmem:s11+$0x142B0]  }
0x70: {  	[tilespmem:$0x1BC80] =	vst @!p0 v0;
	v0 =	vand.u32 @!p0 $0x3FFF, v1  }
0x71: {  	[tilespmem:$0x1BC10] =	vst @!p0 v0;
	v0 =	vshrl.u32 @!p0 v1, $0xE;
	v1 =	vld @!p0 [tilespmem:s11+$0x142C0]  }
0x72: {  	[tilespmem:$0x1BC90] =	vst @!p0 v0;
	v0 =	vand.u32 @!p0 $0x3FFF, v2  }
0x73: {  	[tilespmem:$0x1BC20] =	vst @!p0 v0;
	v0 =	vshrl.u32 @!p0 v2, $0xE  }
0x74: {  	[tilespmem:$0x1BCA0] =	vst @!p0 v0;
	v0 =	vand.u32 @!p0 $0x3FFF, v3  }
0x75: {  	[tilespmem:$0x1BC30] =	vst @!p0 v0;
	v0 =	vshrl.u32 @!p0 v3, $0xE  }
0x76: {  	[tilespmem:$0x1BCB0] =	vst @!p0 v0;
	v0 =	vand.u32 @!p0 $0x3FFF, v1  }
0x77: {  	[tilespmem:$0x1BC40] =	vst @!p0 v0;
	v0 =	vshrl.u32 @!p0 v1, $0xE  }
0x78: {  	s14 =	simm.s32 @!p0 $0x1BD00;
	s13 =	simm.s32 @!p0 $0x1BC00;
	s11 =	simm.s32 @!p0 $0x50;
	[tilespmem:$0x1BCC0] =	vst @!p0 v0  }
0x79: {  	[tilespmem:s14], [sflag:$0x3] =	stream.indirect.gather @!p0 [hbm4b:s6+s11], $0x1, s13, s11, $0xb8;
	[tilespmem:$0x1E680] =	vst v63  }
0x7a: {  	s15 =	simm.s32 @!p0 $0x1BD80;
	s14 =	simm.s32 @!p0 $0x1BC80  }
0x7b: {  	[tilespmem:s15], [sflag:$0x3] =	stream.indirect.gather @!p0 [hbm4b:s7+s11], $0x1, s14, s11, $0xb8;
	[tilespmem:$0x1E680] =	vst v63  }
0x7c: {  	s14 =	simm.s32 @!p0 $0x1BE80  }
0x7d: {  	[tilespmem:s14], [sflag:$0x3] =	stream.indirect.gather @!p0 [hbm4b:s1+s11], $0x80, s13, s11, $0xb8;
	[tilespmem:$0x1E680] =	vst v63  }
0x7e: {  	_ =	swait.ge [sflag:s29], $0x50  }
0x7f: {  	[sflag:s29] =	ssyncset.done $0x0  }
0x80: {  	[sflag:s29] =	ssyncadd.s32 $0xFFFFFFB0  }
0x81: {  	_ =	swait.ge [sflag:s29], $0x50  }
0x82: {  	[sflag:s29] =	ssyncset.done $0x0  }
0x83: {  	[sflag:s29] =	ssyncadd.s32 $0xFFFFFFB0  }
0x84: {  	_ =	swait.ge [sflag:s29], $0x2800  }
0x85: {  	[sflag:s29] =	ssyncset.done $0x0  }
0x86: {  	[sflag:s29] =	ssyncadd.s32 $0xFFFFD800  }
0x87: {  	s11 =	smul.u32 $0xA0, s9;
	v0 =	vld [tilespmem:$0x19280]  }
0x88: {  	v1 =	vld [tilespmem:$0x19300]  }
0x89: {  	v2 =	vld [tilespmem:s11+$0x16A00]  }
0x8a: {  	v3 =	vld [tilespmem:$0x19290]  }
0x8b: {  	v4 =	vld [tilespmem:$0x19310]  }
0x8c: {  	v5 =	vld [tilespmem:s11+$0x16A10]  }
0x8d: {  	v6 =	vld [tilespmem:$0x192A0]  }
0x8e: {  	v7 =	vld [tilespmem:$0x19320]  }
0x8f: {  	v8 =	vld [tilespmem:s11+$0x16A20]  }
0x90: {  	v9 =	vld [tilespmem:$0x192B0]  }
0x91: {  	v10 =	vld [tilespmem:$0x19330]  }
0x92: {  	v11 =	vld [tilespmem:$0x192C0]  }
0x93: {  	v12 =	vld [tilespmem:$0x19340]  }
0x94: {  	v0 =	vadd.f32 v1, v0;
	v1 =	vld [tilespmem:s11+$0x16A30]  }
0x95: {  	v3 =	vadd.f32 v4, v3;
	v4 =	vld [tilespmem:s11+$0x16A40]  }
0x96: {  	v0 =	vadd.f32 v2, v0;
	v2 =	vadd.f32 v7, v6  }
0x97: {  	v3 =	vadd.f32 v5, v3;
	v5 =	vadd.f32 v10, v9  }
0x98: {  	v7 =	vadd.f32 v12, v11;
	v6 =	vmul.f32 $9.999999770e-03, v0;
	v2 =	vadd.f32 v8, v2  }
0x99: {  	v8 =	vmul.f32 $9.999999770e-03, v3;
	v1 =	vadd.f32 v1, v5  }
0x9a: {  	v4 =	vadd.f32 v4, v7;
	v0 =	vmax.f32 v0, v6;
	v5 =	vmul.f32 $9.999999770e-03, v2  }
0x9b: {  	v3 =	vmax.f32 v3, v8;
	v0 =	vmul.f32 $1.442695020e+00, v0;
	v6 =	vmul.f32 $9.999999770e-03, v1  }
0x9c: {  	v3 =	vmul.f32 $1.442695020e+00, v3;
	v2 =	vmax.f32 v2, v5;
	v5 =	vmul.f32 $9.999999770e-03, v4  }
0x9d: {  	(erf) = vpow2.f32 v0;
	v0 =	vmul.f32 $1.442695020e+00, v2;
	v1 =	vmax.f32 v1, v6  }
0x9e: {  	(erf) = vpow2.f32 v3;
	v1 =	vmul.f32 $1.442695020e+00, v1;
	v2 =	vmax.f32 v4, v5  }
0x9f: {  	(erf) = vpow2.f32 v0;
	v0 =	vmul.f32 $1.442695020e+00, v2  }
0xa0: {  	(erf) = vpow2.f32 v1  }
0xa1: {  	(erf) = vpow2.f32 v0;
	_ =	sdelay $0x4  }
0xa2: {  	v0 =	vpop (erf)  }
0xa3: {  	v1 =	vpop (erf);
	[tilespmem:$0x19380] =	vst v0  }
0xa4: {  	v0 =	vpop (erf);
	[tilespmem:$0x19390] =	vst v1  }
0xa5: {  	v1 =	vpop (erf);
	[tilespmem:$0x193A0] =	vst v0  }
0xa6: {  	s14 =	simm.s32 $0x0;
	[tilespmem:$0x193B0] =	vst v1;
	v0 =	vpop (erf)  }
0xa7: {  	s13 =	sand.u32 $0x3FFFFFF0, s14;
	[tilespmem:$0x193C0] =	vst v0  }
0xa8: {  	s15 =	simm.s32 $0x0;
	v0 =	vld [tilespmem:s13+$0x19380]  }
0xa9: {  	s13 =	sand.u32 $0x3FFFF800, s15  }
0xaa: {  	v1 =	vld [tilespmem:s13+$0x19400]  }
0xab: {  	v2 =	vld [tilespmem:s13+$0x19410]  }
0xac: {  	v3 =	vld [tilespmem:s13+$0x19420]  }
0xad: {  	v5 =	vld [tilespmem:s13+$0x19430];
	v4 =	vbroadcast v0, $0x0  }
0xae: {  	v6 =	vld [tilespmem:s13+$0x19440]  }
0xaf: {  	v7 =	vld [tilespmem:s13+$0x19450];
	v1 =	vmul.f32 v4, v1  }
0xb0: {  	v8 =	vld [tilespmem:s13+$0x19460];
	v2 =	vmul.f32 v2, v4  }
0xb1: {  	v3 =	vmul.f32 v3, v4;
	[tilespmem:s13+$0x19400] =	vst v1;
	v1 =	vld [tilespmem:s13+$0x19470]  }
0xb2: {  	v5 =	vmul.f32 v5, v4;
	[tilespmem:s13+$0x19410] =	vst v2;
	v2 =	vld [tilespmem:s13+$0x19480]  }
0xb3: {  	v6 =	vmul.f32 v6, v4;
	[tilespmem:s13+$0x19420] =	vst v3;
	v3 =	vld [tilespmem:s13+$0x19490]  }
0xb4: {  	v7 =	vmul.f32 v7, v4;
	[tilespmem:s13+$0x19430] =	vst v5;
	v5 =	vld [tilespmem:s13+$0x194A0]  }
0xb5: {  	v9 =	vbroadcast v0, $0x1;
	v8 =	vmul.f32 v8, v4;
	[tilespmem:s13+$0x19440] =	vst v6;
	v6 =	vld [tilespmem:s13+$0x194B0]  }
0xb6: {  	[tilespmem:s13+$0x19450] =	vst v7;
	v7 =	vld [tilespmem:s13+$0x194C0];
	v1 =	vmul.f32 v1, v4  }
0xb7: {  	[tilespmem:s13+$0x19460] =	vst v8;
	v4 =	vld [tilespmem:s13+$0x194D0];
	v2 =	vmul.f32 v2, v9  }
0xb8: {  	v3 =	vmul.f32 v3, v9;
	[tilespmem:s13+$0x19470] =	vst v1;
	v1 =	vld [tilespmem:s13+$0x194E0]  }
0xb9: {  	v5 =	vmul.f32 v5, v9;
	[tilespmem:s13+$0x19480] =	vst v2;
	v2 =	vld [tilespmem:s13+$0x194F0]  }
0xba: {  	v6 =	vmul.f32 v6, v9;
	[tilespmem:s13+$0x19490] =	vst v3;
	v3 =	vld [tilespmem:s13+$0x19500]  }
0xbb: {  	v7 =	vmul.f32 v7, v9;
	[tilespmem:s13+$0x194A0] =	vst v5;
	v5 =	vld [tilespmem:s13+$0x19510]  }
0xbc: {  	[tilespmem:s13+$0x194B0] =	vst v6;
	v6 =	vld [tilespmem:s13+$0x19520];
	v4 =	vmul.f32 v4, v9  }
0xbd: {  	v8 =	vbroadcast v0, $0x2;
	[tilespmem:s13+$0x194C0] =	vst v7;
	v7 =	vld [tilespmem:s13+$0x19530];
	v1 =	vmul.f32 v1, v9  }
0xbe: {  	[tilespmem:s13+$0x194D0] =	vst v4;
	v4 =	vld [tilespmem:s13+$0x19540];
	v2 =	vmul.f32 v2, v9  }
0xbf: {  	v3 =	vmul.f32 v3, v8;
	[tilespmem:s13+$0x194E0] =	vst v1;
	v1 =	vld [tilespmem:s13+$0x19550]  }
0xc0: {  	v5 =	vmul.f32 v5, v8;
	[tilespmem:s13+$0x194F0] =	vst v2;
	v2 =	vld [tilespmem:s13+$0x19560]  }
0xc1: {  	v6 =	vmul.f32 v6, v8;
	[tilespmem:s13+$0x19500] =	vst v3;
	v3 =	vld [tilespmem:s13+$0x19570]  }
0xc2: {  	v7 =	vmul.f32 v7, v8;
	[tilespmem:s13+$0x19510] =	vst v5;
	v5 =	vld [tilespmem:s13+$0x19580]  }
0xc3: {  	[tilespmem:s13+$0x19520] =	vst v6;
	v6 =	vld [tilespmem:s13+$0x19590];
	v4 =	vmul.f32 v4, v8  }
0xc4: {  	[tilespmem:s13+$0x19530] =	vst v7;
	v7 =	vld [tilespmem:s13+$0x195A0];
	v1 =	vmul.f32 v1, v8  }
0xc5: {  	v9 =	vbroadcast v0, $0x3;
	[tilespmem:s13+$0x19540] =	vst v4;
	v4 =	vld [tilespmem:s13+$0x195B0];
	v2 =	vmul.f32 v2, v8  }
0xc6: {  	v3 =	vmul.f32 v3, v8;
	[tilespmem:s13+$0x19550] =	vst v1;
	v1 =	vld [tilespmem:s13+$0x195C0]  }
0xc7: {  	v5 =	vmul.f32 v5, v9;
	[tilespmem:s13+$0x19560] =	vst v2;
	v2 =	vld [tilespmem:s13+$0x195D0]  }
0xc8: {  	v6 =	vmul.f32 v6, v9;
	[tilespmem:s13+$0x19570] =	vst v3;
	v3 =	vld [tilespmem:s13+$0x195E0]  }
0xc9: {  	v7 =	vmul.f32 v7, v9;
	[tilespmem:s13+$0x19580] =	vst v5;
	v5 =	vld [tilespmem:s13+$0x195F0]  }
0xca: {  	[tilespmem:s13+$0x19590] =	vst v6;
	v6 =	vld [tilespmem:s13+$0x19600];
	v4 =	vmul.f32 v4, v9  }
0xcb: {  	[tilespmem:s13+$0x195A0] =	vst v7;
	v7 =	vld [tilespmem:s13+$0x19610];
	v1 =	vmul.f32 v1, v9  }
0xcc: {  	[tilespmem:s13+$0x195B0] =	vst v4;
	v4 =	vld [tilespmem:s13+$0x19620];
	v2 =	vmul.f32 v2, v9  }
0xcd: {  	v8 =	vbroadcast v0, $0x4;
	v3 =	vmul.f32 v3, v9;
	[tilespmem:s13+$0x195C0] =	vst v1;
	v1 =	vld [tilespmem:s13+$0x19630]  }
0xce: {  	v5 =	vmul.f32 v5, v9;
	[tilespmem:s13+$0x195D0] =	vst v2;
	v2 =	vld [tilespmem:s13+$0x19640]  }
0xcf: {  	v6 =	vmul.f32 v6, v8;
	[tilespmem:s13+$0x195E0] =	vst v3;
	v3 =	vld [tilespmem:s13+$0x19650]  }
0xd0: {  	v7 =	vmul.f32 v7, v8;
	[tilespmem:s13+$0x195F0] =	vst v5;
	v5 =	vld [tilespmem:s13+$0x19660]  }
0xd1: {  	[tilespmem:s13+$0x19600] =	vst v6;
	v6 =	vld [tilespmem:s13+$0x19670];
	v4 =	vmul.f32 v4, v8  }
0xd2: {  	[tilespmem:s13+$0x19610] =	vst v7;
	v7 =	vld [tilespmem:s13+$0x19680];
	v1 =	vmul.f32 v1, v8  }
0xd3: {  	[tilespmem:s13+$0x19620] =	vst v4;
	v4 =	vld [tilespmem:s13+$0x19690];
	v2 =	vmul.f32 v2, v8  }
0xd4: {  	v3 =	vmul.f32 v3, v8;
	[tilespmem:s13+$0x19630] =	vst v1;
	v1 =	vld [tilespmem:s13+$0x196A0]  }
0xd5: {  	v9 =	vbroadcast v0, $0x5;
	v5 =	vmul.f32 v5, v8;
	[tilespmem:s13+$0x19640] =	vst v2;
	v2 =	vld [tilespmem:s13+$0x196B0]  }
0xd6: {  	v6 =	vmul.f32 v6, v8;
	[tilespmem:s13+$0x19650] =	vst v3;
	v3 =	vld [tilespmem:s13+$0x196C0]  }
0xd7: {  	v7 =	vmul.f32 v7, v9;
	[tilespmem:s13+$0x19660] =	vst v5;
	v5 =	vld [tilespmem:s13+$0x196D0]  }
0xd8: {  	[tilespmem:s13+$0x19670] =	vst v6;
	v6 =	vld [tilespmem:s13+$0x196E0];
	v4 =	vmul.f32 v4, v9  }
0xd9: {  	[tilespmem:s13+$0x19680] =	vst v7;
	v7 =	vld [tilespmem:s13+$0x196F0];
	v1 =	vmul.f32 v1, v9  }
0xda: {  	[tilespmem:s13+$0x19690] =	vst v4;
	v4 =	vld [tilespmem:s13+$0x19700];
	v2 =	vmul.f32 v2, v9  }
0xdb: {  	v3 =	vmul.f32 v3, v9;
	[tilespmem:s13+$0x196A0] =	vst v1;
	v1 =	vld [tilespmem:s13+$0x19710]  }
0xdc: {  	v5 =	vmul.f32 v5, v9;
	[tilespmem:s13+$0x196B0] =	vst v2;
	v2 =	vld [tilespmem:s13+$0x19720]  }
0xdd: {  	v8 =	vbroadcast v0, $0x6;
	v6 =	vmul.f32 v6, v9;
	[tilespmem:s13+$0x196C0] =	vst v3;
	v3 =	vld [tilespmem:s13+$0x19730]  }
0xde: {  	v7 =	vmul.f32 v7, v9;
	[tilespmem:s13+$0x196D0] =	vst v5;
	v5 =	vld [tilespmem:s13+$0x19740]  }
0xdf: {  	[tilespmem:s13+$0x196E0] =	vst v6;
	v6 =	vld [tilespmem:s13+$0x19750];
	v4 =	vmul.f32 v4, v8  }
0xe0: {  	[tilespmem:s13+$0x196F0] =	vst v7;
	v7 =	vld [tilespmem:s13+$0x19760];
	v1 =	vmul.f32 v1, v8  }
0xe1: {  	[tilespmem:s13+$0x19700] =	vst v4;
	v4 =	vld [tilespmem:s13+$0x19770];
	v2 =	vmul.f32 v2, v8  }
0xe2: {  	v3 =	vmul.f32 v3, v8;
	[tilespmem:s13+$0x19710] =	vst v1;
	v1 =	vld [tilespmem:s13+$0x19780]  }
0xe3: {  	v5 =	vmul.f32 v5, v8;
	[tilespmem:s13+$0x19720] =	vst v2;
	v2 =	vld [tilespmem:s13+$0x19790]  }
0xe4: {  	v6 =	vmul.f32 v6, v8;
	[tilespmem:s13+$0x19730] =	vst v3;
	v3 =	vld [tilespmem:s13+$0x197A0]  }
0xe5: {  	v9 =	vbroadcast v0, $0x7;
	v7 =	vmul.f32 v7, v8;
	[tilespmem:s13+$0x19740] =	vst v5;
	v5 =	vld [tilespmem:s13+$0x197B0]  }
0xe6: {  	[tilespmem:s13+$0x19750] =	vst v6;
	v6 =	vld [tilespmem:s13+$0x197C0];
	v4 =	vmul.f32 v4, v8  }
0xe7: {  	[tilespmem:s13+$0x19760] =	vst v7;
	v7 =	vld [tilespmem:s13+$0x197D0];
	v1 =	vmul.f32 v1, v9  }
0xe8: {  	[tilespmem:s13+$0x19770] =	vst v4;
	v4 =	vld [tilespmem:s13+$0x197E0];
	v2 =	vmul.f32 v2, v9  }
0xe9: {  	v3 =	vmul.f32 v3, v9;
	[tilespmem:s13+$0x19780] =	vst v1;
	v1 =	vld [tilespmem:s13+$0x197F0]  }
0xea: {  	v5 =	vmul.f32 v5, v9;
	[tilespmem:s13+$0x19790] =	vst v2;
	v2 =	vld [tilespmem:s13+$0x19800]  }
0xeb: {  	v6 =	vmul.f32 v6, v9;
	[tilespmem:s13+$0x197A0] =	vst v3;
	v3 =	vld [tilespmem:s13+$0x19810]  }
0xec: {  	v7 =	vmul.f32 v7, v9;
	[tilespmem:s13+$0x197B0] =	vst v5;
	v5 =	vld [tilespmem:s13+$0x19820]  }
0xed: {  	v8 =	vbroadcast v0, $0x8;
	[tilespmem:s13+$0x197C0] =	vst v6;
	v6 =	vld [tilespmem:s13+$0x19830];
	v4 =	vmul.f32 v4, v9  }
0xee: {  	[tilespmem:s13+$0x197D0] =	vst v7;
	v7 =	vld [tilespmem:s13+$0x19840];
	v1 =	vmul.f32 v1, v9  }
0xef: {  	[tilespmem:s13+$0x197E0] =	vst v4;
	v4 =	vld [tilespmem:s13+$0x19850];
	v2 =	vmul.f32 v2, v8  }
0xf0: {  	v3 =	vmul.f32 v3, v8;
	[tilespmem:s13+$0x197F0] =	vst v1;
	v1 =	vld [tilespmem:s13+$0x19860]  }
0xf1: {  	v5 =	vmul.f32 v5, v8;
	[tilespmem:s13+$0x19800] =	vst v2;
	v2 =	vld [tilespmem:s13+$0x19870]  }
0xf2: {  	v6 =	vmul.f32 v6, v8;
	[tilespmem:s13+$0x19810] =	vst v3;
	v3 =	vld [tilespmem:s13+$0x19880]  }
0xf3: {  	v7 =	vmul.f32 v7, v8;
	[tilespmem:s13+$0x19820] =	vst v5;
	v5 =	vld [tilespmem:s13+$0x19890]  }
0xf4: {  	[tilespmem:s13+$0x19830] =	vst v6;
	v6 =	vld [tilespmem:s13+$0x198A0];
	v4 =	vmul.f32 v4, v8  }
0xf5: {  	v9 =	vbroadcast v0, $0x9;
	[tilespmem:s13+$0x19840] =	vst v7;
	v7 =	vld [tilespmem:s13+$0x198B0];
	v1 =	vmul.f32 v1, v8  }
0xf6: {  	[tilespmem:s13+$0x19850] =	vst v4;
	v4 =	vld [tilespmem:s13+$0x198C0];
	v2 =	vmul.f32 v2, v8  }
0xf7: {  	v3 =	vmul.f32 v3, v9;
	[tilespmem:s13+$0x19860] =	vst v1;
	v1 =	vld [tilespmem:s13+$0x198D0]  }
0xf8: {  	v5 =	vmul.f32 v5, v9;
	[tilespmem:s13+$0x19870] =	vst v2;
	v2 =	vld [tilespmem:s13+$0x198E0]  }
0xf9: {  	v6 =	vmul.f32 v6, v9;
	[tilespmem:s13+$0x19880] =	vst v3;
	v3 =	vld [tilespmem:s13+$0x198F0]  }
0xfa: {  	v7 =	vmul.f32 v7, v9;
	[tilespmem:s13+$0x19890] =	vst v5;
	v5 =	vld [tilespmem:s13+$0x19900]  }
0xfb: {  	[tilespmem:s13+$0x198A0] =	vst v6;
	v6 =	vld [tilespmem:s13+$0x19910];
	v4 =	vmul.f32 v4, v9  }
0xfc: {  	[tilespmem:s13+$0x198B0] =	vst v7;
	v7 =	vld [tilespmem:s13+$0x19920];
	v1 =	vmul.f32 v1, v9  }
0xfd: {  	v8 =	vbroadcast v0, $0xA;
	[tilespmem:s13+$0x198C0] =	vst v4;
	v4 =	vld [tilespmem:s13+$0x19930];
	v2 =	vmul.f32 v2, v9  }
0xfe: {  	v3 =	vmul.f32 v3, v9;
	[tilespmem:s13+$0x198D0] =	vst v1;
	v1 =	vld [tilespmem:s13+$0x19940]  }
0xff: {  	v5 =	vmul.f32 v5, v8;
	[tilespmem:s13+$0x198E0] =	vst v2;
	v2 =	vld [tilespmem:s13+$0x19950]  }
0x100: {  	v6 =	vmul.f32 v6, v8;
	[tilespmem:s13+$0x198F0] =	vst v3;
	v3 =	vld [tilespmem:s13+$0x19960]  }
0x101: {  	v7 =	vmul.f32 v7, v8;
	[tilespmem:s13+$0x19900] =	vst v5;
	v5 =	vld [tilespmem:s13+$0x19970]  }
0x102: {  	[tilespmem:s13+$0x19910] =	vst v6;
	v6 =	vld [tilespmem:s13+$0x19980];
	v4 =	vmul.f32 v4, v8  }
0x103: {  	[tilespmem:s13+$0x19920] =	vst v7;
	v7 =	vld [tilespmem:s13+$0x19990];
	v1 =	vmul.f32 v1, v8  }
0x104: {  	[tilespmem:s13+$0x19930] =	vst v4;
	v4 =	vld [tilespmem:s13+$0x199A0];
	v2 =	vmul.f32 v2, v8  }
0x105: {  	v9 =	vbroadcast v0, $0xB;
	v3 =	vmul.f32 v3, v8;
	[tilespmem:s13+$0x19940] =	vst v1;
	v1 =	vld [tilespmem:s13+$0x199B0]  }
0x106: {  	v5 =	vmul.f32 v5, v8;
	[tilespmem:s13+$0x19950] =	vst v2;
	v2 =	vld [tilespmem:s13+$0x199C0]  }
0x107: {  	v6 =	vmul.f32 v6, v9;
	[tilespmem:s13+$0x19960] =	vst v3;
	v3 =	vld [tilespmem:s13+$0x199D0]  }
0x108: {  	v7 =	vmul.f32 v7, v9;
	[tilespmem:s13+$0x19970] =	vst v5;
	v5 =	vld [tilespmem:s13+$0x199E0]  }
0x109: {  	[tilespmem:s13+$0x19980] =	vst v6;
	v6 =	vld [tilespmem:s13+$0x199F0];
	v4 =	vmul.f32 v4, v9  }
0x10a: {  	[tilespmem:s13+$0x19990] =	vst v7;
	v7 =	vld [tilespmem:s13+$0x19A00];
	v1 =	vmul.f32 v1, v9  }
0x10b: {  	[tilespmem:s13+$0x199A0] =	vst v4;
	v4 =	vld [tilespmem:s13+$0x19A10];
	v2 =	vmul.f32 v2, v9  }
0x10c: {  	v3 =	vmul.f32 v3, v9;
	[tilespmem:s13+$0x199B0] =	vst v1;
	v1 =	vld [tilespmem:s13+$0x19A20]  }
0x10d: {  	v8 =	vbroadcast v0, $0xC;
	v5 =	vmul.f32 v5, v9;
	[tilespmem:s13+$0x199C0] =	vst v2;
	v2 =	vld [tilespmem:s13+$0x19A30]  }
0x10e: {  	v6 =	vmul.f32 v6, v9;
	[tilespmem:s13+$0x199D0] =	vst v3;
	v3 =	vld [tilespmem:s13+$0x19A40]  }
0x10f: {  	v7 =	vmul.f32 v7, v8;
	[tilespmem:s13+$0x199E0] =	vst v5;
	v5 =	vld [tilespmem:s13+$0x19A50]  }
0x110: {  	[tilespmem:s13+$0x199F0] =	vst v6;
	v6 =	vld [tilespmem:s13+$0x19A60];
	v4 =	vmul.f32 v4, v8  }
0x111: {  	[tilespmem:s13+$0x19A00] =	vst v7;
	v7 =	vld [tilespmem:s13+$0x19A70];
	v1 =	vmul.f32 v1, v8  }
0x112: {  	[tilespmem:s13+$0x19A10] =	vst v4;
	v4 =	vld [tilespmem:s13+$0x19A80];
	v2 =	vmul.f32 v2, v8  }
0x113: {  	v3 =	vmul.f32 v3, v8;
	[tilespmem:s13+$0x19A20] =	vst v1;
	v1 =	vld [tilespmem:s13+$0x19A90]  }
0x114: {  	v5 =	vmul.f32 v5, v8;
	[tilespmem:s13+$0x19A30] =	vst v2;
	v2 =	vld [tilespmem:s13+$0x19AA0]  }
0x115: {  	v9 =	vbroadcast v0, $0xD;
	v6 =	vmul.f32 v6, v8;
	[tilespmem:s13+$0x19A40] =	vst v3;
	v3 =	vld [tilespmem:s13+$0x19AB0]  }
0x116: {  	v7 =	vmul.f32 v7, v8;
	[tilespmem:s13+$0x19A50] =	vst v5  }
0x117: {  	[tilespmem:s13+$0x19A60] =	vst v6;
	v6 =	vld [tilespmem:s13+$0x19AD0];
	v4 =	vmul.f32 v4, v9  }
0x118: {  	v5 =	vld [tilespmem:s13+$0x19AC0];
	[tilespmem:s13+$0x19A70] =	vst v7;
	v1 =	vmul.f32 v1, v9  }
0x119: {  	v7 =	vld [tilespmem:s13+$0x19AE0];
	[tilespmem:s13+$0x19A80] =	vst v4;
	v2 =	vmul.f32 v2, v9  }
0x11a: {  	v4 =	vld [tilespmem:s13+$0x19AF0];
	[tilespmem:s13+$0x19A90] =	vst v1;
	v1 =	vmul.f32 v3, v9  }
0x11b: {  	v8 =	vld [tilespmem:s13+$0x19B00];
	[tilespmem:s13+$0x19AA0] =	vst v2  }
0x11c: {  	v2 =	vld [tilespmem:s13+$0x19B10];
	[tilespmem:s13+$0x19AB0] =	vst v1;
	v1 =	vmul.f32 v6, v9  }
0x11d: {  	v10 =	vld [tilespmem:s13+$0x19B20];
	v3 =	vmul.f32 v5, v9  }
0x11e: {  	v5 =	vmul.f32 v7, v9;
	v7 =	vld [tilespmem:s13+$0x19B40];
	[tilespmem:s13+$0x19AD0] =	vst v1;
	v1 =	vbroadcast v0, $0xE  }
0x11f: {  	[tilespmem:s13+$0x19AC0] =	vst v3;
	v3 =	vld [tilespmem:s13+$0x19B30];
	v4 =	vmul.f32 v4, v9  }
0x120: {  	[tilespmem:s13+$0x19AE0] =	vst v5;
	v9 =	vld [tilespmem:s13+$0x19B50];
	v5 =	vmul.f32 v8, v1  }
0x121: {  	[tilespmem:s13+$0x19AF0] =	vst v4;
	v8 =	vld [tilespmem:s13+$0x19B60];
	v2 =	vmul.f32 v2, v1  }
0x122: {  	v4 =	vmul.f32 v10, v1;
	[tilespmem:s13+$0x19B00] =	vst v5;
	v5 =	vld [tilespmem:s13+$0x19B70]  }
0x123: {  	v6 =	vld [tilespmem:s13+$0x19B80];
	v7 =	vmul.f32 v7, v1;
	[tilespmem:s13+$0x19B10] =	vst v2  }
0x124: {  	v2 =	vmul.f32 v3, v1;
	[tilespmem:s13+$0x19B20] =	vst v4;
	v3 =	vld [tilespmem:s13+$0x19B90]  }
0x125: {  	v4 =	vld [tilespmem:s13+$0x19BA0];
	v9 =	vmul.f32 v9, v1;
	[tilespmem:s13+$0x19B40] =	vst v7  }
0x126: {  	s14 =	simm.s32 $0x1;
	v7 =	vld [tilespmem:s13+$0x19BB0];
	[tilespmem:s13+$0x19B30] =	vst v2;
	v2 =	vbroadcast v0, $0xF;
	v8 =	vmul.f32 v8, v1  }
.LBB2_3:
0x127: {  	p1 =	sne.s32 s14, $0x4;
	[tilespmem:s13+$0x19B50] =	vst v9;
	v0 =	vmul.f32 v5, v1;
	v1 =	vld [tilespmem:s13+$0x19BC0]  }
0x128: {  	[tilespmem:s13+$0x19B60] =	vst v8;
	v5 =	vmul.f32 v6, v2;
	v6 =	vld [tilespmem:s13+$0x19BD0]  }
0x129: {  	s15 =	sshll.u32 s14, $0x4;
	[tilespmem:s13+$0x19B70] =	vst v0;
	v3 =	vmul.f32 v3, v2;
	v8 =	vld [tilespmem:s13+$0x19BE0]  }
0x12a: {  	s15 =	sand.u32 $0x3FFFFFF0, s15;
	[tilespmem:s13+$0x19B80] =	vst v5;
	v4 =	vmul.f32 v4, v2;
	v5 =	vld [tilespmem:s13+$0x19BF0]  }
0x12b: {  	v0 =	vld [tilespmem:s15+$0x19380];
	s15 =	sshll.u32 s14, $0xB;
	[tilespmem:s13+$0x19B90] =	vst v3;
	v3 =	vmul.f32 v7, v2  }
0x12c: {  	s15 =	sand.u32 $0x3FFFF800, s15;
	[tilespmem:s13+$0x19BA0] =	vst v4;
	v1 =	vmul.f32 v1, v2  }
0x12d: {  	v4 =	vld [tilespmem:s15+$0x19400];
	[tilespmem:s13+$0x19BB0] =	vst v3;
	v3 =	vmul.f32 v6, v2  }
0x12e: {  	v6 =	vld [tilespmem:s15+$0x19410];
	[tilespmem:s13+$0x19BC0] =	vst v1;
	v1 =	vmul.f32 v8, v2  }
0x12f: {  	v7 =	vld [tilespmem:s15+$0x19420];
	[tilespmem:s13+$0x19BD0] =	vst v3;
	v2 =	vmul.f32 v5, v2  }
0x130: {  	v3 =	vbroadcast v0, $0x0;
	v5 =	vld [tilespmem:s15+$0x19430];
	[tilespmem:s13+$0x19BE0] =	vst v1  }
0x131: {  	v1 =	vld [tilespmem:s15+$0x19440];
	[tilespmem:s13+$0x19BF0] =	vst v2;
	s13 =	smov.u32 s15  }
0x132: {  	v2 =	vmul.f32 v3, v4;
	v4 =	vld [tilespmem:s13+$0x19450]  }
0x133: {  	v6 =	vmul.f32 v6, v3;
	v8 =	vld [tilespmem:s13+$0x19460]  }
0x134: {  	[tilespmem:s13+$0x19400] =	vst v2;
	v2 =	vmul.f32 v7, v3;
	v7 =	vld [tilespmem:s13+$0x19470]  }
0x135: {  	[tilespmem:s13+$0x19410] =	vst v6;
	v5 =	vmul.f32 v5, v3;
	v6 =	vld [tilespmem:s13+$0x19480]  }
0x136: {  	[tilespmem:s13+$0x19420] =	vst v2;
	v1 =	vmul.f32 v1, v3;
	v2 =	vld [tilespmem:s13+$0x19490]  }
0x137: {  	[tilespmem:s13+$0x19430] =	vst v5;
	v4 =	vmul.f32 v4, v3;
	v5 =	vld [tilespmem:s13+$0x194A0]  }
0x138: {  	[tilespmem:s13+$0x19440] =	vst v1;
	v1 =	vmul.f32 v8, v3;
	v8 =	vbroadcast v0, $0x1;
	v9 =	vld [tilespmem:s13+$0x194B0]  }
0x139: {  	[tilespmem:s13+$0x19450] =	vst v4;
	v3 =	vmul.f32 v7, v3;
	v4 =	vld [tilespmem:s13+$0x194C0]  }
0x13a: {  	[tilespmem:s13+$0x19460] =	vst v1;
	v1 =	vmul.f32 v6, v8;
	v6 =	vld [tilespmem:s13+$0x194D0]  }
0x13b: {  	[tilespmem:s13+$0x19470] =	vst v3;
	v2 =	vmul.f32 v2, v8;
	v3 =	vld [tilespmem:s13+$0x194E0]  }
0x13c: {  	[tilespmem:s13+$0x19480] =	vst v1;
	v1 =	vmul.f32 v5, v8;
	v5 =	vld [tilespmem:s13+$0x194F0]  }
0x13d: {  	[tilespmem:s13+$0x19490] =	vst v2;
	v2 =	vmul.f32 v9, v8;
	v7 =	vld [tilespmem:s13+$0x19500]  }
0x13e: {  	[tilespmem:s13+$0x194A0] =	vst v1;
	v1 =	vmul.f32 v4, v8;
	v4 =	vld [tilespmem:s13+$0x19510]  }
0x13f: {  	[tilespmem:s13+$0x194B0] =	vst v2;
	v2 =	vmul.f32 v6, v8;
	v6 =	vld [tilespmem:s13+$0x19520]  }
0x140: {  	[tilespmem:s13+$0x194C0] =	vst v1;
	v1 =	vmul.f32 v3, v8;
	v3 =	vbroadcast v0, $0x2;
	v9 =	vld [tilespmem:s13+$0x19530]  }
0x141: {  	[tilespmem:s13+$0x194D0] =	vst v2;
	v2 =	vmul.f32 v5, v8;
	v5 =	vld [tilespmem:s13+$0x19540]  }
0x142: {  	[tilespmem:s13+$0x194E0] =	vst v1;
	v1 =	vmul.f32 v7, v3;
	v7 =	vld [tilespmem:s13+$0x19550]  }
0x143: {  	[tilespmem:s13+$0x194F0] =	vst v2;
	v2 =	vmul.f32 v4, v3;
	v4 =	vld [tilespmem:s13+$0x19560]  }
0x144: {  	[tilespmem:s13+$0x19500] =	vst v1;
	v1 =	vmul.f32 v6, v3;
	v6 =	vld [tilespmem:s13+$0x19570]  }
0x145: {  	[tilespmem:s13+$0x19510] =	vst v2;
	v2 =	vmul.f32 v9, v3;
	v8 =	vld [tilespmem:s13+$0x19580]  }
0x146: {  	[tilespmem:s13+$0x19520] =	vst v1;
	v1 =	vmul.f32 v5, v3;
	v5 =	vld [tilespmem:s13+$0x19590]  }
0x147: {  	[tilespmem:s13+$0x19530] =	vst v2;
	v2 =	vmul.f32 v7, v3;
	v7 =	vld [tilespmem:s13+$0x195A0]  }
0x148: {  	[tilespmem:s13+$0x19540] =	vst v1;
	v1 =	vmul.f32 v4, v3;
	v4 =	vbroadcast v0, $0x3;
	v9 =	vld [tilespmem:s13+$0x195B0]  }
0x149: {  	[tilespmem:s13+$0x19550] =	vst v2;
	v2 =	vmul.f32 v6, v3;
	v3 =	vld [tilespmem:s13+$0x195C0]  }
0x14a: {  	[tilespmem:s13+$0x19560] =	vst v1;
	v1 =	vmul.f32 v8, v4;
	v6 =	vld [tilespmem:s13+$0x195D0]  }
0x14b: {  	[tilespmem:s13+$0x19570] =	vst v2;
	v2 =	vmul.f32 v5, v4;
	v5 =	vld [tilespmem:s13+$0x195E0]  }
0x14c: {  	[tilespmem:s13+$0x19580] =	vst v1;
	v1 =	vmul.f32 v7, v4;
	v7 =	vld [tilespmem:s13+$0x195F0]  }
0x14d: {  	[tilespmem:s13+$0x19590] =	vst v2;
	v2 =	vmul.f32 v9, v4;
	v8 =	vld [tilespmem:s13+$0x19600]  }
0x14e: {  	[tilespmem:s13+$0x195A0] =	vst v1;
	v1 =	vmul.f32 v3, v4;
	v3 =	vld [tilespmem:s13+$0x19610]  }
0x14f: {  	[tilespmem:s13+$0x195B0] =	vst v2;
	v2 =	vmul.f32 v6, v4;
	v6 =	vld [tilespmem:s13+$0x19620]  }
0x150: {  	[tilespmem:s13+$0x195C0] =	vst v1;
	v1 =	vmul.f32 v5, v4;
	v5 =	vbroadcast v0, $0x4;
	v9 =	vld [tilespmem:s13+$0x19630]  }
0x151: {  	[tilespmem:s13+$0x195D0] =	vst v2;
	v2 =	vmul.f32 v7, v4;
	v4 =	vld [tilespmem:s13+$0x19640]  }
0x152: {  	[tilespmem:s13+$0x195E0] =	vst v1;
	v1 =	vmul.f32 v8, v5;
	v7 =	vld [tilespmem:s13+$0x19650]  }
0x153: {  	[tilespmem:s13+$0x195F0] =	vst v2;
	v2 =	vmul.f32 v3, v5;
	v3 =	vld [tilespmem:s13+$0x19660]  }
0x154: {  	[tilespmem:s13+$0x19600] =	vst v1;
	v1 =	vmul.f32 v6, v5;
	v6 =	vld [tilespmem:s13+$0x19670]  }
0x155: {  	[tilespmem:s13+$0x19610] =	vst v2;
	v2 =	vmul.f32 v9, v5;
	v8 =	vld [tilespmem:s13+$0x19680]  }
0x156: {  	[tilespmem:s13+$0x19620] =	vst v1;
	v1 =	vmul.f32 v4, v5;
	v4 =	vld [tilespmem:s13+$0x19690]  }
0x157: {  	[tilespmem:s13+$0x19630] =	vst v2;
	v2 =	vmul.f32 v7, v5;
	v7 =	vld [tilespmem:s13+$0x196A0]  }
0x158: {  	[tilespmem:s13+$0x19640] =	vst v1;
	v1 =	vmul.f32 v3, v5;
	v3 =	vbroadcast v0, $0x5;
	v9 =	vld [tilespmem:s13+$0x196B0]  }
0x159: {  	[tilespmem:s13+$0x19650] =	vst v2;
	v2 =	vmul.f32 v6, v5;
	v5 =	vld [tilespmem:s13+$0x196C0]  }
0x15a: {  	[tilespmem:s13+$0x19660] =	vst v1;
	v1 =	vmul.f32 v8, v3;
	v6 =	vld [tilespmem:s13+$0x196D0]  }
0x15b: {  	[tilespmem:s13+$0x19670] =	vst v2;
	v2 =	vmul.f32 v4, v3;
	v4 =	vld [tilespmem:s13+$0x196E0]  }
0x15c: {  	[tilespmem:s13+$0x19680] =	vst v1;
	v1 =	vmul.f32 v7, v3;
	v7 =	vld [tilespmem:s13+$0x196F0]  }
0x15d: {  	[tilespmem:s13+$0x19690] =	vst v2;
	v2 =	vmul.f32 v9, v3;
	v8 =	vld [tilespmem:s13+$0x19700]  }
0x15e: {  	[tilespmem:s13+$0x196A0] =	vst v1;
	v1 =	vmul.f32 v5, v3;
	v5 =	vld [tilespmem:s13+$0x19710]  }
0x15f: {  	[tilespmem:s13+$0x196B0] =	vst v2;
	v2 =	vmul.f32 v6, v3;
	v6 =	vld [tilespmem:s13+$0x19720]  }
0x160: {  	[tilespmem:s13+$0x196C0] =	vst v1;
	v1 =	vmul.f32 v4, v3;
	v4 =	vbroadcast v0, $0x6;
	v9 =	vld [tilespmem:s13+$0x19730]  }
0x161: {  	[tilespmem:s13+$0x196D0] =	vst v2;
	v2 =	vmul.f32 v7, v3;
	v3 =	vld [tilespmem:s13+$0x19740]  }
0x162: {  	[tilespmem:s13+$0x196E0] =	vst v1;
	v1 =	vmul.f32 v8, v4;
	v7 =	vld [tilespmem:s13+$0x19750]  }
0x163: {  	[tilespmem:s13+$0x196F0] =	vst v2;
	v2 =	vmul.f32 v5, v4;
	v5 =	vld [tilespmem:s13+$0x19760]  }
0x164: {  	[tilespmem:s13+$0x19700] =	vst v1;
	v1 =	vmul.f32 v6, v4;
	v6 =	vld [tilespmem:s13+$0x19770]  }
0x165: {  	[tilespmem:s13+$0x19710] =	vst v2;
	v2 =	vmul.f32 v9, v4;
	v8 =	vld [tilespmem:s13+$0x19780]  }
0x166: {  	[tilespmem:s13+$0x19720] =	vst v1;
	v1 =	vmul.f32 v3, v4;
	v3 =	vld [tilespmem:s13+$0x19790]  }
0x167: {  	[tilespmem:s13+$0x19730] =	vst v2;
	v2 =	vmul.f32 v7, v4;
	v7 =	vld [tilespmem:s13+$0x197A0]  }
0x168: {  	[tilespmem:s13+$0x19740] =	vst v1;
	v1 =	vmul.f32 v5, v4;
	v5 =	vbroadcast v0, $0x7;
	v9 =	vld [tilespmem:s13+$0x197B0]  }
0x169: {  	[tilespmem:s13+$0x19750] =	vst v2;
	v2 =	vmul.f32 v6, v4;
	v4 =	vld [tilespmem:s13+$0x197C0]  }
0x16a: {  	[tilespmem:s13+$0x19760] =	vst v1;
	v1 =	vmul.f32 v8, v5;
	v6 =	vld [tilespmem:s13+$0x197D0]  }
0x16b: {  	[tilespmem:s13+$0x19770] =	vst v2;
	v2 =	vmul.f32 v3, v5;
	v3 =	vld [tilespmem:s13+$0x197E0]  }
0x16c: {  	[tilespmem:s13+$0x19780] =	vst v1;
	v1 =	vmul.f32 v7, v5;
	v7 =	vld [tilespmem:s13+$0x197F0]  }
0x16d: {  	[tilespmem:s13+$0x19790] =	vst v2;
	v2 =	vmul.f32 v9, v5;
	v8 =	vld [tilespmem:s13+$0x19800]  }
0x16e: {  	[tilespmem:s13+$0x197A0] =	vst v1;
	v1 =	vmul.f32 v4, v5;
	v4 =	vld [tilespmem:s13+$0x19810]  }
0x16f: {  	[tilespmem:s13+$0x197B0] =	vst v2;
	v2 =	vmul.f32 v6, v5;
	v6 =	vld [tilespmem:s13+$0x19820]  }
0x170: {  	[tilespmem:s13+$0x197C0] =	vst v1;
	v1 =	vmul.f32 v3, v5;
	v3 =	vbroadcast v0, $0x8;
	v9 =	vld [tilespmem:s13+$0x19830]  }
0x171: {  	[tilespmem:s13+$0x197D0] =	vst v2;
	v2 =	vmul.f32 v7, v5;
	v5 =	vld [tilespmem:s13+$0x19840]  }
0x172: {  	[tilespmem:s13+$0x197E0] =	vst v1;
	v1 =	vmul.f32 v8, v3;
	v7 =	vld [tilespmem:s13+$0x19850]  }
0x173: {  	[tilespmem:s13+$0x197F0] =	vst v2;
	v2 =	vmul.f32 v4, v3;
	v4 =	vld [tilespmem:s13+$0x19860]  }
0x174: {  	[tilespmem:s13+$0x19800] =	vst v1;
	v1 =	vmul.f32 v6, v3;
	v6 =	vld [tilespmem:s13+$0x19870]  }
0x175: {  	[tilespmem:s13+$0x19810] =	vst v2;
	v2 =	vmul.f32 v9, v3;
	v8 =	vld [tilespmem:s13+$0x19880]  }
0x176: {  	[tilespmem:s13+$0x19820] =	vst v1;
	v1 =	vmul.f32 v5, v3;
	v5 =	vld [tilespmem:s13+$0x19890]  }
0x177: {  	[tilespmem:s13+$0x19830] =	vst v2;
	v2 =	vmul.f32 v7, v3;
	v7 =	vld [tilespmem:s13+$0x198A0]  }
0x178: {  	[tilespmem:s13+$0x19840] =	vst v1;
	v1 =	vmul.f32 v4, v3;
	v4 =	vbroadcast v0, $0x9;
	v9 =	vld [tilespmem:s13+$0x198B0]  }
0x179: {  	[tilespmem:s13+$0x19850] =	vst v2;
	v2 =	vmul.f32 v6, v3;
	v3 =	vld [tilespmem:s13+$0x198C0]  }
0x17a: {  	[tilespmem:s13+$0x19860] =	vst v1;
	v1 =	vmul.f32 v8, v4;
	v6 =	vld [tilespmem:s13+$0x198D0]  }
0x17b: {  	[tilespmem:s13+$0x19870] =	vst v2;
	v2 =	vmul.f32 v5, v4;
	v5 =	vld [tilespmem:s13+$0x198E0]  }
0x17c: {  	[tilespmem:s13+$0x19880] =	vst v1;
	v1 =	vmul.f32 v7, v4;
	v7 =	vld [tilespmem:s13+$0x198F0]  }
0x17d: {  	[tilespmem:s13+$0x19890] =	vst v2;
	v2 =	vmul.f32 v9, v4;
	v8 =	vld [tilespmem:s13+$0x19900]  }
0x17e: {  	[tilespmem:s13+$0x198A0] =	vst v1;
	v1 =	vmul.f32 v3, v4;
	v3 =	vld [tilespmem:s13+$0x19910]  }
0x17f: {  	[tilespmem:s13+$0x198B0] =	vst v2;
	v2 =	vmul.f32 v6, v4;
	v6 =	vld [tilespmem:s13+$0x19920]  }
0x180: {  	[tilespmem:s13+$0x198C0] =	vst v1;
	v1 =	vmul.f32 v5, v4;
	v5 =	vbroadcast v0, $0xA;
	v9 =	vld [tilespmem:s13+$0x19930]  }
0x181: {  	[tilespmem:s13+$0x198D0] =	vst v2;
	v2 =	vmul.f32 v7, v4;
	v4 =	vld [tilespmem:s13+$0x19940]  }
0x182: {  	[tilespmem:s13+$0x198E0] =	vst v1;
	v1 =	vmul.f32 v8, v5;
	v7 =	vld [tilespmem:s13+$0x19950]  }
0x183: {  	[tilespmem:s13+$0x198F0] =	vst v2;
	v2 =	vmul.f32 v3, v5;
	v3 =	vld [tilespmem:s13+$0x19960]  }
0x184: {  	[tilespmem:s13+$0x19900] =	vst v1;
	v1 =	vmul.f32 v6, v5;
	v6 =	vld [tilespmem:s13+$0x19970]  }
0x185: {  	[tilespmem:s13+$0x19910] =	vst v2;
	v2 =	vmul.f32 v9, v5;
	v8 =	vld [tilespmem:s13+$0x19980]  }
0x186: {  	[tilespmem:s13+$0x19920] =	vst v1;
	v1 =	vmul.f32 v4, v5;
	v4 =	vld [tilespmem:s13+$0x19990]  }
0x187: {  	[tilespmem:s13+$0x19930] =	vst v2;
	v2 =	vmul.f32 v7, v5;
	v7 =	vld [tilespmem:s13+$0x199A0]  }
0x188: {  	[tilespmem:s13+$0x19940] =	vst v1;
	v1 =	vmul.f32 v3, v5;
	v3 =	vbroadcast v0, $0xB;
	v9 =	vld [tilespmem:s13+$0x199B0]  }
0x189: {  	[tilespmem:s13+$0x19950] =	vst v2;
	v2 =	vmul.f32 v6, v5;
	v5 =	vld [tilespmem:s13+$0x199C0]  }
0x18a: {  	[tilespmem:s13+$0x19960] =	vst v1;
	v1 =	vmul.f32 v8, v3;
	v6 =	vld [tilespmem:s13+$0x199D0]  }
0x18b: {  	[tilespmem:s13+$0x19970] =	vst v2;
	v2 =	vmul.f32 v4, v3;
	v4 =	vld [tilespmem:s13+$0x199E0]  }
0x18c: {  	[tilespmem:s13+$0x19980] =	vst v1;
	v1 =	vmul.f32 v7, v3;
	v7 =	vld [tilespmem:s13+$0x199F0]  }
0x18d: {  	[tilespmem:s13+$0x19990] =	vst v2;
	v2 =	vmul.f32 v9, v3;
	v8 =	vld [tilespmem:s13+$0x19A00]  }
0x18e: {  	[tilespmem:s13+$0x199A0] =	vst v1;
	v1 =	vmul.f32 v5, v3;
	v5 =	vld [tilespmem:s13+$0x19A10]  }
0x18f: {  	[tilespmem:s13+$0x199B0] =	vst v2;
	v2 =	vmul.f32 v6, v3;
	v6 =	vld [tilespmem:s13+$0x19A20]  }
0x190: {  	[tilespmem:s13+$0x199C0] =	vst v1;
	v1 =	vmul.f32 v4, v3;
	v4 =	vbroadcast v0, $0xC;
	v9 =	vld [tilespmem:s13+$0x19A30]  }
0x191: {  	[tilespmem:s13+$0x199D0] =	vst v2;
	v2 =	vmul.f32 v7, v3;
	v3 =	vld [tilespmem:s13+$0x19A40]  }
0x192: {  	[tilespmem:s13+$0x199E0] =	vst v1;
	v1 =	vmul.f32 v8, v4;
	v7 =	vld [tilespmem:s13+$0x19A50]  }
0x193: {  	[tilespmem:s13+$0x199F0] =	vst v2;
	v2 =	vmul.f32 v5, v4;
	v5 =	vld [tilespmem:s13+$0x19A60]  }
0x194: {  	[tilespmem:s13+$0x19A00] =	vst v1;
	v1 =	vmul.f32 v6, v4;
	v6 =	vld [tilespmem:s13+$0x19A70]  }
0x195: {  	[tilespmem:s13+$0x19A10] =	vst v2;
	v2 =	vmul.f32 v9, v4;
	v8 =	vld [tilespmem:s13+$0x19A80]  }
0x196: {  	[tilespmem:s13+$0x19A20] =	vst v1;
	v1 =	vmul.f32 v3, v4;
	v3 =	vld [tilespmem:s13+$0x19A90]  }
0x197: {  	[tilespmem:s13+$0x19A30] =	vst v2;
	v2 =	vmul.f32 v7, v4;
	v7 =	vld [tilespmem:s13+$0x19AA0]  }
0x198: {  	[tilespmem:s13+$0x19A40] =	vst v1;
	v1 =	vmul.f32 v5, v4;
	v5 =	vbroadcast v0, $0xD;
	v9 =	vld [tilespmem:s13+$0x19AB0]  }
0x199: {  	[tilespmem:s13+$0x19A50] =	vst v2;
	v2 =	vmul.f32 v6, v4;
	v4 =	vld [tilespmem:s13+$0x19AC0]  }
0x19a: {  	[tilespmem:s13+$0x19A60] =	vst v1;
	v1 =	vmul.f32 v8, v5;
	v6 =	vld [tilespmem:s13+$0x19AD0]  }
0x19b: {  	[tilespmem:s13+$0x19A70] =	vst v2;
	v2 =	vmul.f32 v3, v5;
	v3 =	vld [tilespmem:s13+$0x19AE0]  }
0x19c: {  	[tilespmem:s13+$0x19A80] =	vst v1;
	v1 =	vmul.f32 v7, v5;
	v7 =	vld [tilespmem:s13+$0x19AF0]  }
0x19d: {  	[tilespmem:s13+$0x19A90] =	vst v2;
	v2 =	vmul.f32 v9, v5;
	v8 =	vld [tilespmem:s13+$0x19B00]  }
0x19e: {  	[tilespmem:s13+$0x19AA0] =	vst v1;
	v1 =	vmul.f32 v4, v5;
	v4 =	vld [tilespmem:s13+$0x19B10]  }
0x19f: {  	[tilespmem:s13+$0x19AB0] =	vst v2;
	v2 =	vmul.f32 v6, v5;
	v6 =	vld [tilespmem:s13+$0x19B20]  }
0x1a0: {  	[tilespmem:s13+$0x19AC0] =	vst v1;
	v3 =	vmul.f32 v3, v5;
	v1 =	vbroadcast v0, $0xE;
	v9 =	vld [tilespmem:s13+$0x19B30]  }
0x1a1: {  	[tilespmem:s13+$0x19AD0] =	vst v2;
	v2 =	vmul.f32 v7, v5;
	v7 =	vld [tilespmem:s13+$0x19B40]  }
0x1a2: {  	[tilespmem:s13+$0x19AE0] =	vst v3;
	v3 =	vmul.f32 v8, v1;
	v8 =	vld [tilespmem:s13+$0x19B50]  }
0x1a3: {  	[tilespmem:s13+$0x19AF0] =	vst v2;
	v2 =	vmul.f32 v4, v1;
	v10 =	vld [tilespmem:s13+$0x19B60]  }
.Ltmp4:
0x1a4: {  	[tilespmem:s13+$0x19B00] =	vst v3;
	v3 =	vmul.f32 v6, v1;
	v5 =	vld [tilespmem:s13+$0x19B70];
	(pc) =	sbr.rel @p1 .LBB2_3-.Ltmp4, $4  }
0x1a5: {  	[tilespmem:s13+$0x19B10] =	vst v2;
	v2 =	vmul.f32 v9, v1;
	v6 =	vld [tilespmem:s13+$0x19B80]  }
0x1a6: {  	[tilespmem:s13+$0x19B20] =	vst v3;
	v7 =	vmul.f32 v7, v1;
	v3 =	vld [tilespmem:s13+$0x19B90]  }
0x1a7: {  	[tilespmem:s13+$0x19B30] =	vst v2;
	v9 =	vmul.f32 v8, v1;
	v4 =	vld [tilespmem:s13+$0x19BA0]  }
0x1a8: {  	s14 =	sadd.s32 $0x1, s14;
	v2 =	vbroadcast v0, $0xF;
	[tilespmem:s13+$0x19B40] =	vst v7;
	v8 =	vmul.f32 v10, v1;
	v7 =	vld [tilespmem:s13+$0x19BB0]  }
0x1a9: {  	[tilespmem:s13+$0x19B50] =	vst v9;
	v0 =	vld [tilespmem:s13+$0x19BC0];
	v1 =	vmul.f32 v5, v1  }
0x1aa: {  	v57 =	vld [tilespmem:s13+$0x19BD0];
	[tilespmem:s13+$0x19B60] =	vst v8;
	v6 =	vmul.f32 v6, v2  }
0x1ab: {  	v58 =	vld [tilespmem:s13+$0x19BE0];
	[tilespmem:s13+$0x19B70] =	vst v1;
	v3 =	vmul.f32 v3, v2  }
0x1ac: {  	v59 =	vld [tilespmem:s13+$0x19BF0];
	[tilespmem:s13+$0x19B80] =	vst v6;
	v4 =	vmul.f32 v4, v2  }
0x1ad: {  	[tilespmem:s13+$0x19B90] =	vst v3;
	v60 =	vmul.f32 v7, v2  }
0x1ae: {  	[tilespmem:s13+$0x19BA0] =	vst v4;
	v0 =	vmul.f32 v0, v2  }
0x1af: {  	v61 =	vmul.f32 v57, v2;
	[tilespmem:s13+$0x19BB0] =	vst v60  }
0x1b0: {  	v62 =	vmul.f32 v58, v2;
	[tilespmem:s13+$0x19BC0] =	vst v0  }
0x1b1: {  	v63 =	vmul.f32 v59, v2;
	[tilespmem:s13+$0x19BD0] =	vst v61  }
.Ltmp5:
0x1b2: {  	[tilespmem:s13+$0x19BE0] =	vst v62;
	(pc) =	sbr.rel @p0 .LBB2_8-.Ltmp5, $4  }
0x1b3: {  	[tilespmem:s13+$0x19BF0] =	vst v63  }
0x1b4: {  	[spmem:s4] =	stream.indirect.scatter.add.f32 [tilespmem:s30], [sflag:$0x4], $0x1, s25, s22, $0xb8;
	[tilespmem:$0x1E680] =	vst v63  }
0x1b5: {  	_ = 	snop  }
0x1b6: {  	[spmem:s3] =	stream.indirect.scatter.add.f32 [tilespmem:s28], [sflag:$0x4], $0x80, s25, s22, $0xb8;
	[tilespmem:$0x1E680] =	vst v63  }
0x1b7: {  	_ =	swait.ge [sflag:s31], $0x50  }
0x1b8: {  	[sflag:s31] =	ssyncset.done $0x0  }
0x1b9: {  	[sflag:s31] =	ssyncadd.s32 $0xFFFFFFB0  }
0x1ba: {  	_ =	swait.ge [sflag:s31], $0x2800  }
0x1bb: {  	[sflag:s31] =	ssyncset.done $0x0  }
0x1bc: {  	[sflag:s31] =	ssyncadd.s32 $0xFFFFD800  }
0x1bd: {  	v0 =	vld [tilespmem:s11+$0x14320];
	_ =	sdelay $0x1  }
0x1be: {  	v1 =	vld [tilespmem:s11+$0x14330];
	_ =	sdelay $0x1  }
0x1bf: {  	v2 =	vld [tilespmem:s11+$0x14340]  }
0x1c0: {  	v3 =	vand.u32 $0x3FFF, v0  }
0x1c1: {  	v0 =	vshrl.u32 v0, $0xE;
	[tilespmem:$0x19180] =	vst v3;
	v3 =	vld [tilespmem:s11+$0x14350]  }
0x1c2: {  	[tilespmem:$0x19200] =	vst v0;
	v0 =	vand.u32 $0x3FFF, v1  }
0x1c3: {  	[tilespmem:$0x19190] =	vst v0;
	v0 =	vshrl.u32 v1, $0xE;
	v1 =	vld [tilespmem:s11+$0x14360]  }
0x1c4: {  	[tilespmem:$0x19210] =	vst v0;
	v0 =	vand.u32 $0x3FFF, v2  }
0x1c5: {  	[tilespmem:$0x191A0] =	vst v0;
	v0 =	vshrl.u32 v2, $0xE  }
0x1c6: {  	[tilespmem:$0x19220] =	vst v0;
	v0 =	vand.u32 $0x3FFF, v3  }
0x1c7: {  	[tilespmem:$0x191B0] =	vst v0;
	v0 =	vshrl.u32 v3, $0xE  }
0x1c8: {  	[tilespmem:$0x19230] =	vst v0;
	v0 =	vand.u32 $0x3FFF, v1  }
0x1c9: {  	[tilespmem:$0x191C0] =	vst v0;
	v0 =	vshrl.u32 v1, $0xE  }
0x1ca: {  	[tilespmem:$0x19240] =	vst v0  }
0x1cb: {  	[tilespmem:s24], [sflag:$0x2] =	stream.indirect.gather [hbm4b:s6+s22], $0x1, s23, s22, $0xb8;
	[tilespmem:$0x1E680] =	vst v63  }
0x1cc: {  	_ = 	snop  }
0x1cd: {  	[tilespmem:s26], [sflag:$0x2] =	stream.indirect.gather [hbm4b:s7+s22], $0x1, s25, s22, $0xb8;
	[tilespmem:$0x1E680] =	vst v63  }
0x1ce: {  	_ = 	snop  }
0x1cf: {  	[tilespmem:s28], [sflag:$0x2] =	stream.indirect.gather [hbm4b:s1+s22], $0x80, s23, s22, $0xb8;
	[tilespmem:$0x1E680] =	vst v63  }
0x1d0: {  	_ =	swait.ge [sflag:s2], $0x50  }
0x1d1: {  	[sflag:s2] =	ssyncset.done $0x0  }
0x1d2: {  	[sflag:s2] =	ssyncadd.s32 $0xFFFFFFB0  }
0x1d3: {  	_ =	swait.ge [sflag:s2], $0x50  }
0x1d4: {  	[sflag:s2] =	ssyncset.done $0x0  }
0x1d5: {  	[sflag:s2] =	ssyncadd.s32 $0xFFFFFFB0  }
0x1d6: {  	_ =	swait.ge [sflag:s2], $0x2800  }
0x1d7: {  	[sflag:s2] =	ssyncset.done $0x0  }
0x1d8: {  	s10 =	smul.u32 $0x140, s10;
	[sflag:s2] =	ssyncadd.s32 $0xFFFFD800  }
0x1d9: {  	v0 =	vld [tilespmem:$0x1BD00]  }
0x1da: {  	s10 =	sshra.s32 s10, $0x2;
	v1 =	vld [tilespmem:$0x1BD80]  }
0x1db: {  	v2 =	vld [tilespmem:s10+$0x16A00]  }
0x1dc: {  	v3 =	vld [tilespmem:$0x1BD10]  }
0x1dd: {  	v4 =	vld [tilespmem:$0x1BD90]  }
0x1de: {  	v5 =	vld [tilespmem:s10+$0x16A10]  }
0x1df: {  	v6 =	vld [tilespmem:$0x1BD20]  }
0x1e0: {  	v7 =	vld [tilespmem:$0x1BDA0]  }
0x1e1: {  	v8 =	vld [tilespmem:s10+$0x16A20]  }
0x1e2: {  	v9 =	vld [tilespmem:$0x1BD30]  }
0x1e3: {  	v10 =	vld [tilespmem:$0x1BDB0]  }
0x1e4: {  	v11 =	vld [tilespmem:$0x1BD40]  }
0x1e5: {  	v12 =	vld [tilespmem:$0x1BDC0]  }
0x1e6: {  	v0 =	vadd.f32 v1, v0;
	v1 =	vld [tilespmem:s10+$0x16A30]  }
0x1e7: {  	v3 =	vadd.f32 v4, v3;
	v4 =	vld [tilespmem:s10+$0x16A40]  }
0x1e8: {  	v0 =	vadd.f32 v2, v0;
	v2 =	vadd.f32 v7, v6  }
0x1e9: {  	v3 =	vadd.f32 v5, v3;
	v5 =	vadd.f32 v10, v9  }
0x1ea: {  	v7 =	vadd.f32 v12, v11;
	v6 =	vmul.f32 $9.999999770e-03, v0;
	v2 =	vadd.f32 v8, v2  }
0x1eb: {  	v8 =	vmul.f32 $9.999999770e-03, v3;
	v1 =	vadd.f32 v1, v5  }
0x1ec: {  	v4 =	vadd.f32 v4, v7;
	v0 =	vmax.f32 v0, v6;
	v5 =	vmul.f32 $9.999999770e-03, v2  }
0x1ed: {  	v3 =	vmax.f32 v3, v8;
	v0 =	vmul.f32 $1.442695020e+00, v0;
	v6 =	vmul.f32 $9.999999770e-03, v1  }
0x1ee: {  	v3 =	vmul.f32 $1.442695020e+00, v3;
	v2 =	vmax.f32 v2, v5;
	v5 =	vmul.f32 $9.999999770e-03, v4  }
0x1ef: {  	(erf) = vpow2.f32 v0;
	v0 =	vmul.f32 $1.442695020e+00, v2;
	v1 =	vmax.f32 v1, v6  }
0x1f0: {  	(erf) = vpow2.f32 v3;
	v1 =	vmul.f32 $1.442695020e+00, v1;
	v2 =	vmax.f32 v4, v5  }
0x1f1: {  	(erf) = vpow2.f32 v0;
	v0 =	vmul.f32 $1.442695020e+00, v2  }
0x1f2: {  	(erf) = vpow2.f32 v1  }
0x1f3: {  	(erf) = vpow2.f32 v0;
	_ =	sdelay $0x4  }
0x1f4: {  	v0 =	vpop (erf)  }
0x1f5: {  	v1 =	vpop (erf);
	[tilespmem:$0x1BE00] =	vst v0  }
0x1f6: {  	v0 =	vpop (erf);
	[tilespmem:$0x1BE10] =	vst v1  }
0x1f7: {  	v1 =	vpop (erf);
	[tilespmem:$0x1BE20] =	vst v0  }
0x1f8: {  	s14 =	simm.s32 $0x0;
	[tilespmem:$0x1BE30] =	vst v1;
	v0 =	vpop (erf)  }
0x1f9: {  	s10 =	sand.u32 $0x3FFFFFF0, s14;
	[tilespmem:$0x1BE40] =	vst v0  }
0x1fa: {  	s15 =	simm.s32 $0x0;
	v0 =	vld [tilespmem:s10+$0x1BE00]  }
0x1fb: {  	s10 =	sand.u32 $0x3FFFF800, s15  }
0x1fc: {  	v1 =	vld [tilespmem:s10+$0x1BE80]  }
0x1fd: {  	v2 =	vld [tilespmem:s10+$0x1BE90]  }
0x1fe: {  	v3 =	vld [tilespmem:s10+$0x1BEA0]  }
0x1ff: {  	v5 =	vld [tilespmem:s10+$0x1BEB0];
	v4 =	vbroadcast v0, $0x0  }
0x200: {  	v6 =	vld [tilespmem:s10+$0x1BEC0]  }
0x201: {  	v7 =	vld [tilespmem:s10+$0x1BED0];
	v1 =	vmul.f32 v4, v1  }
0x202: {  	v8 =	vld [tilespmem:s10+$0x1BEE0];
	v2 =	vmul.f32 v2, v4  }
0x203: {  	v3 =	vmul.f32 v3, v4;
	[tilespmem:s10+$0x1BE80] =	vst v1;
	v1 =	vld [tilespmem:s10+$0x1BEF0]  }
0x204: {  	v5 =	vmul.f32 v5, v4;
	[tilespmem:s10+$0x1BE90] =	vst v2;
	v2 =	vld [tilespmem:s10+$0x1BF00]  }
0x205: {  	v6 =	vmul.f32 v6, v4;
	[tilespmem:s10+$0x1BEA0] =	vst v3;
	v3 =	vld [tilespmem:s10+$0x1BF10]  }
0x206: {  	v7 =	vmul.f32 v7, v4;
	[tilespmem:s10+$0x1BEB0] =	vst v5;
	v5 =	vld [tilespmem:s10+$0x1BF20]  }
0x207: {  	v9 =	vbroadcast v0, $0x1;
	v8 =	vmul.f32 v8, v4;
	[tilespmem:s10+$0x1BEC0] =	vst v6;
	v6 =	vld [tilespmem:s10+$0x1BF30]  }
0x208: {  	[tilespmem:s10+$0x1BED0] =	vst v7;
	v7 =	vld [tilespmem:s10+$0x1BF40];
	v1 =	vmul.f32 v1, v4  }
0x209: {  	[tilespmem:s10+$0x1BEE0] =	vst v8;
	v4 =	vld [tilespmem:s10+$0x1BF50];
	v2 =	vmul.f32 v2, v9  }
0x20a: {  	v3 =	vmul.f32 v3, v9;
	[tilespmem:s10+$0x1BEF0] =	vst v1;
	v1 =	vld [tilespmem:s10+$0x1BF60]  }
0x20b: {  	v5 =	vmul.f32 v5, v9;
	[tilespmem:s10+$0x1BF00] =	vst v2;
	v2 =	vld [tilespmem:s10+$0x1BF70]  }
0x20c: {  	v6 =	vmul.f32 v6, v9;
	[tilespmem:s10+$0x1BF10] =	vst v3;
	v3 =	vld [tilespmem:s10+$0x1BF80]  }
0x20d: {  	v7 =	vmul.f32 v7, v9;
	[tilespmem:s10+$0x1BF20] =	vst v5;
	v5 =	vld [tilespmem:s10+$0x1BF90]  }
0x20e: {  	[tilespmem:s10+$0x1BF30] =	vst v6;
	v6 =	vld [tilespmem:s10+$0x1BFA0];
	v4 =	vmul.f32 v4, v9  }
0x20f: {  	v8 =	vbroadcast v0, $0x2;
	[tilespmem:s10+$0x1BF40] =	vst v7;
	v7 =	vld [tilespmem:s10+$0x1BFB0];
	v1 =	vmul.f32 v1, v9  }
0x210: {  	[tilespmem:s10+$0x1BF50] =	vst v4;
	v4 =	vld [tilespmem:s10+$0x1BFC0];
	v2 =	vmul.f32 v2, v9  }
0x211: {  	v3 =	vmul.f32 v3, v8;
	[tilespmem:s10+$0x1BF60] =	vst v1;
	v1 =	vld [tilespmem:s10+$0x1BFD0]  }
0x212: {  	v5 =	vmul.f32 v5, v8;
	[tilespmem:s10+$0x1BF70] =	vst v2;
	v2 =	vld [tilespmem:s10+$0x1BFE0]  }
0x213: {  	v6 =	vmul.f32 v6, v8;
	[tilespmem:s10+$0x1BF80] =	vst v3;
	v3 =	vld [tilespmem:s10+$0x1BFF0]  }
0x214: {  	v7 =	vmul.f32 v7, v8;
	[tilespmem:s10+$0x1BF90] =	vst v5;
	v5 =	vld [tilespmem:s10+$0x1C000]  }
0x215: {  	[tilespmem:s10+$0x1BFA0] =	vst v6;
	v6 =	vld [tilespmem:s10+$0x1C010];
	v4 =	vmul.f32 v4, v8  }
0x216: {  	[tilespmem:s10+$0x1BFB0] =	vst v7;
	v7 =	vld [tilespmem:s10+$0x1C020];
	v1 =	vmul.f32 v1, v8  }
0x217: {  	v9 =	vbroadcast v0, $0x3;
	[tilespmem:s10+$0x1BFC0] =	vst v4;
	v4 =	vld [tilespmem:s10+$0x1C030];
	v2 =	vmul.f32 v2, v8  }
0x218: {  	v3 =	vmul.f32 v3, v8;
	[tilespmem:s10+$0x1BFD0] =	vst v1;
	v1 =	vld [tilespmem:s10+$0x1C040]  }
0x219: {  	v5 =	vmul.f32 v5, v9;
	[tilespmem:s10+$0x1BFE0] =	vst v2;
	v2 =	vld [tilespmem:s10+$0x1C050]  }
0x21a: {  	v6 =	vmul.f32 v6, v9;
	[tilespmem:s10+$0x1BFF0] =	vst v3;
	v3 =	vld [tilespmem:s10+$0x1C060]  }
0x21b: {  	v7 =	vmul.f32 v7, v9;
	[tilespmem:s10+$0x1C000] =	vst v5;
	v5 =	vld [tilespmem:s10+$0x1C070]  }
0x21c: {  	[tilespmem:s10+$0x1C010] =	vst v6;
	v6 =	vld [tilespmem:s10+$0x1C080];
	v4 =	vmul.f32 v4, v9  }
0x21d: {  	[tilespmem:s10+$0x1C020] =	vst v7;
	v7 =	vld [tilespmem:s10+$0x1C090];
	v1 =	vmul.f32 v1, v9  }
0x21e: {  	[tilespmem:s10+$0x1C030] =	vst v4;
	v4 =	vld [tilespmem:s10+$0x1C0A0];
	v2 =	vmul.f32 v2, v9  }
0x21f: {  	v8 =	vbroadcast v0, $0x4;
	v3 =	vmul.f32 v3, v9;
	[tilespmem:s10+$0x1C040] =	vst v1;
	v1 =	vld [tilespmem:s10+$0x1C0B0]  }
0x220: {  	v5 =	vmul.f32 v5, v9;
	[tilespmem:s10+$0x1C050] =	vst v2;
	v2 =	vld [tilespmem:s10+$0x1C0C0]  }
0x221: {  	v6 =	vmul.f32 v6, v8;
	[tilespmem:s10+$0x1C060] =	vst v3;
	v3 =	vld [tilespmem:s10+$0x1C0D0]  }
0x222: {  	v7 =	vmul.f32 v7, v8;
	[tilespmem:s10+$0x1C070] =	vst v5;
	v5 =	vld [tilespmem:s10+$0x1C0E0]  }
0x223: {  	[tilespmem:s10+$0x1C080] =	vst v6;
	v6 =	vld [tilespmem:s10+$0x1C0F0];
	v4 =	vmul.f32 v4, v8  }
0x224: {  	[tilespmem:s10+$0x1C090] =	vst v7;
	v7 =	vld [tilespmem:s10+$0x1C100];
	v1 =	vmul.f32 v1, v8  }
0x225: {  	[tilespmem:s10+$0x1C0A0] =	vst v4;
	v4 =	vld [tilespmem:s10+$0x1C110];
	v2 =	vmul.f32 v2, v8  }
0x226: {  	v3 =	vmul.f32 v3, v8;
	[tilespmem:s10+$0x1C0B0] =	vst v1;
	v1 =	vld [tilespmem:s10+$0x1C120]  }
0x227: {  	v9 =	vbroadcast v0, $0x5;
	v5 =	vmul.f32 v5, v8;
	[tilespmem:s10+$0x1C0C0] =	vst v2;
	v2 =	vld [tilespmem:s10+$0x1C130]  }
0x228: {  	v6 =	vmul.f32 v6, v8;
	[tilespmem:s10+$0x1C0D0] =	vst v3;
	v3 =	vld [tilespmem:s10+$0x1C140]  }
0x229: {  	v7 =	vmul.f32 v7, v9;
	[tilespmem:s10+$0x1C0E0] =	vst v5;
	v5 =	vld [tilespmem:s10+$0x1C150]  }
0x22a: {  	[tilespmem:s10+$0x1C0F0] =	vst v6;
	v6 =	vld [tilespmem:s10+$0x1C160];
	v4 =	vmul.f32 v4, v9  }
0x22b: {  	[tilespmem:s10+$0x1C100] =	vst v7;
	v7 =	vld [tilespmem:s10+$0x1C170];
	v1 =	vmul.f32 v1, v9  }
0x22c: {  	[tilespmem:s10+$0x1C110] =	vst v4;
	v4 =	vld [tilespmem:s10+$0x1C180];
	v2 =	vmul.f32 v2, v9  }
0x22d: {  	v3 =	vmul.f32 v3, v9;
	[tilespmem:s10+$0x1C120] =	vst v1;
	v1 =	vld [tilespmem:s10+$0x1C190]  }
0x22e: {  	v5 =	vmul.f32 v5, v9;
	[tilespmem:s10+$0x1C130] =	vst v2;
	v2 =	vld [tilespmem:s10+$0x1C1A0]  }
0x22f: {  	v8 =	vbroadcast v0, $0x6;
	v6 =	vmul.f32 v6, v9;
	[tilespmem:s10+$0x1C140] =	vst v3;
	v3 =	vld [tilespmem:s10+$0x1C1B0]  }
0x230: {  	v7 =	vmul.f32 v7, v9;
	[tilespmem:s10+$0x1C150] =	vst v5;
	v5 =	vld [tilespmem:s10+$0x1C1C0]  }
0x231: {  	[tilespmem:s10+$0x1C160] =	vst v6;
	v6 =	vld [tilespmem:s10+$0x1C1D0];
	v4 =	vmul.f32 v4, v8  }
0x232: {  	[tilespmem:s10+$0x1C170] =	vst v7;
	v7 =	vld [tilespmem:s10+$0x1C1E0];
	v1 =	vmul.f32 v1, v8  }
0x233: {  	[tilespmem:s10+$0x1C180] =	vst v4;
	v4 =	vld [tilespmem:s10+$0x1C1F0];
	v2 =	vmul.f32 v2, v8  }
0x234: {  	v3 =	vmul.f32 v3, v8;
	[tilespmem:s10+$0x1C190] =	vst v1;
	v1 =	vld [tilespmem:s10+$0x1C200]  }
0x235: {  	v5 =	vmul.f32 v5, v8;
	[tilespmem:s10+$0x1C1A0] =	vst v2;
	v2 =	vld [tilespmem:s10+$0x1C210]  }
0x236: {  	v6 =	vmul.f32 v6, v8;
	[tilespmem:s10+$0x1C1B0] =	vst v3;
	v3 =	vld [tilespmem:s10+$0x1C220]  }
0x237: {  	v9 =	vbroadcast v0, $0x7;
	v7 =	vmul.f32 v7, v8;
	[tilespmem:s10+$0x1C1C0] =	vst v5;
	v5 =	vld [tilespmem:s10+$0x1C230]  }
0x238: {  	[tilespmem:s10+$0x1C1D0] =	vst v6;
	v6 =	vld [tilespmem:s10+$0x1C240];
	v4 =	vmul.f32 v4, v8  }
0x239: {  	[tilespmem:s10+$0x1C1E0] =	vst v7;
	v7 =	vld [tilespmem:s10+$0x1C250];
	v1 =	vmul.f32 v1, v9  }
0x23a: {  	[tilespmem:s10+$0x1C1F0] =	vst v4;
	v4 =	vld [tilespmem:s10+$0x1C260];
	v2 =	vmul.f32 v2, v9  }
0x23b: {  	v3 =	vmul.f32 v3, v9;
	[tilespmem:s10+$0x1C200] =	vst v1;
	v1 =	vld [tilespmem:s10+$0x1C270]  }
0x23c: {  	v5 =	vmul.f32 v5, v9;
	[tilespmem:s10+$0x1C210] =	vst v2;
	v2 =	vld [tilespmem:s10+$0x1C280]  }
0x23d: {  	v6 =	vmul.f32 v6, v9;
	[tilespmem:s10+$0x1C220] =	vst v3;
	v3 =	vld [tilespmem:s10+$0x1C290]  }
0x23e: {  	v7 =	vmul.f32 v7, v9;
	[tilespmem:s10+$0x1C230] =	vst v5;
	v5 =	vld [tilespmem:s10+$0x1C2A0]  }
0x23f: {  	v8 =	vbroadcast v0, $0x8;
	[tilespmem:s10+$0x1C240] =	vst v6;
	v6 =	vld [tilespmem:s10+$0x1C2B0];
	v4 =	vmul.f32 v4, v9  }
0x240: {  	[tilespmem:s10+$0x1C250] =	vst v7;
	v7 =	vld [tilespmem:s10+$0x1C2C0];
	v1 =	vmul.f32 v1, v9  }
0x241: {  	[tilespmem:s10+$0x1C260] =	vst v4;
	v4 =	vld [tilespmem:s10+$0x1C2D0];
	v2 =	vmul.f32 v2, v8  }
0x242: {  	v3 =	vmul.f32 v3, v8;
	[tilespmem:s10+$0x1C270] =	vst v1;
	v1 =	vld [tilespmem:s10+$0x1C2E0]  }
0x243: {  	v5 =	vmul.f32 v5, v8;
	[tilespmem:s10+$0x1C280] =	vst v2;
	v2 =	vld [tilespmem:s10+$0x1C2F0]  }
0x244: {  	v6 =	vmul.f32 v6, v8;
	[tilespmem:s10+$0x1C290] =	vst v3;
	v3 =	vld [tilespmem:s10+$0x1C300]  }
0x245: {  	v7 =	vmul.f32 v7, v8;
	[tilespmem:s10+$0x1C2A0] =	vst v5;
	v5 =	vld [tilespmem:s10+$0x1C310]  }
0x246: {  	[tilespmem:s10+$0x1C2B0] =	vst v6;
	v6 =	vld [tilespmem:s10+$0x1C320];
	v4 =	vmul.f32 v4, v8  }
0x247: {  	v9 =	vbroadcast v0, $0x9;
	[tilespmem:s10+$0x1C2C0] =	vst v7;
	v7 =	vld [tilespmem:s10+$0x1C330];
	v1 =	vmul.f32 v1, v8  }
0x248: {  	[tilespmem:s10+$0x1C2D0] =	vst v4;
	v4 =	vld [tilespmem:s10+$0x1C340];
	v2 =	vmul.f32 v2, v8  }
0x249: {  	v3 =	vmul.f32 v3, v9;
	[tilespmem:s10+$0x1C2E0] =	vst v1;
	v1 =	vld [tilespmem:s10+$0x1C350]  }
0x24a: {  	v5 =	vmul.f32 v5, v9;
	[tilespmem:s10+$0x1C2F0] =	vst v2;
	v2 =	vld [tilespmem:s10+$0x1C360]  }
0x24b: {  	v6 =	vmul.f32 v6, v9;
	[tilespmem:s10+$0x1C300] =	vst v3;
	v3 =	vld [tilespmem:s10+$0x1C370]  }
0x24c: {  	v7 =	vmul.f32 v7, v9;
	[tilespmem:s10+$0x1C310] =	vst v5;
	v5 =	vld [tilespmem:s10+$0x1C380]  }
0x24d: {  	[tilespmem:s10+$0x1C320] =	vst v6;
	v6 =	vld [tilespmem:s10+$0x1C390];
	v4 =	vmul.f32 v4, v9  }
0x24e: {  	[tilespmem:s10+$0x1C330] =	vst v7;
	v7 =	vld [tilespmem:s10+$0x1C3A0];
	v1 =	vmul.f32 v1, v9  }
0x24f: {  	v8 =	vbroadcast v0, $0xA;
	[tilespmem:s10+$0x1C340] =	vst v4;
	v4 =	vld [tilespmem:s10+$0x1C3B0];
	v2 =	vmul.f32 v2, v9  }
0x250: {  	v3 =	vmul.f32 v3, v9;
	[tilespmem:s10+$0x1C350] =	vst v1;
	v1 =	vld [tilespmem:s10+$0x1C3C0]  }
0x251: {  	v5 =	vmul.f32 v5, v8;
	[tilespmem:s10+$0x1C360] =	vst v2;
	v2 =	vld [tilespmem:s10+$0x1C3D0]  }
0x252: {  	v6 =	vmul.f32 v6, v8;
	[tilespmem:s10+$0x1C370] =	vst v3;
	v3 =	vld [tilespmem:s10+$0x1C3E0]  }
0x253: {  	v7 =	vmul.f32 v7, v8;
	[tilespmem:s10+$0x1C380] =	vst v5;
	v5 =	vld [tilespmem:s10+$0x1C3F0]  }
0x254: {  	[tilespmem:s10+$0x1C390] =	vst v6;
	v6 =	vld [tilespmem:s10+$0x1C400];
	v4 =	vmul.f32 v4, v8  }
0x255: {  	[tilespmem:s10+$0x1C3A0] =	vst v7;
	v7 =	vld [tilespmem:s10+$0x1C410];
	v1 =	vmul.f32 v1, v8  }
0x256: {  	[tilespmem:s10+$0x1C3B0] =	vst v4;
	v4 =	vld [tilespmem:s10+$0x1C420];
	v2 =	vmul.f32 v2, v8  }
0x257: {  	v9 =	vbroadcast v0, $0xB;
	v3 =	vmul.f32 v3, v8;
	[tilespmem:s10+$0x1C3C0] =	vst v1;
	v1 =	vld [tilespmem:s10+$0x1C430]  }
0x258: {  	v5 =	vmul.f32 v5, v8;
	[tilespmem:s10+$0x1C3D0] =	vst v2;
	v2 =	vld [tilespmem:s10+$0x1C440]  }
0x259: {  	v6 =	vmul.f32 v6, v9;
	[tilespmem:s10+$0x1C3E0] =	vst v3;
	v3 =	vld [tilespmem:s10+$0x1C450]  }
0x25a: {  	v7 =	vmul.f32 v7, v9;
	[tilespmem:s10+$0x1C3F0] =	vst v5;
	v5 =	vld [tilespmem:s10+$0x1C460]  }
0x25b: {  	[tilespmem:s10+$0x1C400] =	vst v6;
	v6 =	vld [tilespmem:s10+$0x1C470];
	v4 =	vmul.f32 v4, v9  }
0x25c: {  	[tilespmem:s10+$0x1C410] =	vst v7;
	v7 =	vld [tilespmem:s10+$0x1C480];
	v1 =	vmul.f32 v1, v9  }
0x25d: {  	[tilespmem:s10+$0x1C420] =	vst v4;
	v4 =	vld [tilespmem:s10+$0x1C490];
	v2 =	vmul.f32 v2, v9  }
0x25e: {  	v3 =	vmul.f32 v3, v9;
	[tilespmem:s10+$0x1C430] =	vst v1;
	v1 =	vld [tilespmem:s10+$0x1C4A0]  }
0x25f: {  	v8 =	vbroadcast v0, $0xC;
	v5 =	vmul.f32 v5, v9;
	[tilespmem:s10+$0x1C440] =	vst v2;
	v2 =	vld [tilespmem:s10+$0x1C4B0]  }
0x260: {  	v6 =	vmul.f32 v6, v9;
	[tilespmem:s10+$0x1C450] =	vst v3;
	v3 =	vld [tilespmem:s10+$0x1C4C0]  }
0x261: {  	v7 =	vmul.f32 v7, v8;
	[tilespmem:s10+$0x1C460] =	vst v5;
	v5 =	vld [tilespmem:s10+$0x1C4D0]  }
0x262: {  	[tilespmem:s10+$0x1C470] =	vst v6;
	v6 =	vld [tilespmem:s10+$0x1C4E0];
	v4 =	vmul.f32 v4, v8  }
0x263: {  	[tilespmem:s10+$0x1C480] =	vst v7;
	v7 =	vld [tilespmem:s10+$0x1C4F0];
	v1 =	vmul.f32 v1, v8  }
0x264: {  	[tilespmem:s10+$0x1C490] =	vst v4;
	v4 =	vld [tilespmem:s10+$0x1C500];
	v2 =	vmul.f32 v2, v8  }
0x265: {  	v3 =	vmul.f32 v3, v8;
	[tilespmem:s10+$0x1C4A0] =	vst v1;
	v1 =	vld [tilespmem:s10+$0x1C510]  }
0x266: {  	v5 =	vmul.f32 v5, v8;
	[tilespmem:s10+$0x1C4B0] =	vst v2;
	v2 =	vld [tilespmem:s10+$0x1C520]  }
0x267: {  	v9 =	vbroadcast v0, $0xD;
	v6 =	vmul.f32 v6, v8;
	[tilespmem:s10+$0x1C4C0] =	vst v3;
	v3 =	vld [tilespmem:s10+$0x1C530]  }
0x268: {  	v7 =	vmul.f32 v7, v8;
	[tilespmem:s10+$0x1C4D0] =	vst v5  }
0x269: {  	[tilespmem:s10+$0x1C4E0] =	vst v6;
	v6 =	vld [tilespmem:s10+$0x1C550];
	v4 =	vmul.f32 v4, v9  }
0x26a: {  	v5 =	vld [tilespmem:s10+$0x1C540];
	[tilespmem:s10+$0x1C4F0] =	vst v7;
	v1 =	vmul.f32 v1, v9  }
0x26b: {  	v7 =	vld [tilespmem:s10+$0x1C560];
	[tilespmem:s10+$0x1C500] =	vst v4;
	v2 =	vmul.f32 v2, v9  }
0x26c: {  	v4 =	vld [tilespmem:s10+$0x1C570];
	[tilespmem:s10+$0x1C510] =	vst v1;
	v1 =	vmul.f32 v3, v9  }
0x26d: {  	v8 =	vld [tilespmem:s10+$0x1C580];
	[tilespmem:s10+$0x1C520] =	vst v2  }
0x26e: {  	v2 =	vld [tilespmem:s10+$0x1C590];
	[tilespmem:s10+$0x1C530] =	vst v1;
	v1 =	vmul.f32 v6, v9  }
0x26f: {  	v10 =	vld [tilespmem:s10+$0x1C5A0];
	v3 =	vmul.f32 v5, v9  }
0x270: {  	v5 =	vmul.f32 v7, v9;
	v7 =	vld [tilespmem:s10+$0x1C5C0];
	[tilespmem:s10+$0x1C550] =	vst v1;
	v1 =	vbroadcast v0, $0xE  }
0x271: {  	[tilespmem:s10+$0x1C540] =	vst v3;
	v3 =	vld [tilespmem:s10+$0x1C5B0];
	v4 =	vmul.f32 v4, v9  }
0x272: {  	[tilespmem:s10+$0x1C560] =	vst v5;
	v9 =	vld [tilespmem:s10+$0x1C5D0];
	v5 =	vmul.f32 v8, v1  }
0x273: {  	[tilespmem:s10+$0x1C570] =	vst v4;
	v8 =	vld [tilespmem:s10+$0x1C5E0];
	v2 =	vmul.f32 v2, v1  }
0x274: {  	v4 =	vmul.f32 v10, v1;
	[tilespmem:s10+$0x1C580] =	vst v5;
	v5 =	vld [tilespmem:s10+$0x1C5F0]  }
0x275: {  	v6 =	vld [tilespmem:s10+$0x1C600];
	v7 =	vmul.f32 v7, v1;
	[tilespmem:s10+$0x1C590] =	vst v2  }
0x276: {  	v2 =	vmul.f32 v3, v1;
	[tilespmem:s10+$0x1C5A0] =	vst v4;
	v3 =	vld [tilespmem:s10+$0x1C610]  }
0x277: {  	v4 =	vld [tilespmem:s10+$0x1C620];
	v9 =	vmul.f32 v9, v1;
	[tilespmem:s10+$0x1C5C0] =	vst v7  }
0x278: {  	s11 =	simm.s32 $0x1;
	v7 =	vld [tilespmem:s10+$0x1C630];
	[tilespmem:s10+$0x1C5B0] =	vst v2;
	v2 =	vbroadcast v0, $0xF;
	v8 =	vmul.f32 v8, v1  }
.LBB2_6:
0x279: {  	p0 =	sne.s32 s11, $0x4;
	[tilespmem:s10+$0x1C5D0] =	vst v9;
	v0 =	vmul.f32 v5, v1;
	v1 =	vld [tilespmem:s10+$0x1C640]  }
0x27a: {  	[tilespmem:s10+$0x1C5E0] =	vst v8;
	v5 =	vmul.f32 v6, v2;
	v6 =	vld [tilespmem:s10+$0x1C650]  }
0x27b: {  	s13 =	sshll.u32 s11, $0x4;
	[tilespmem:s10+$0x1C5F0] =	vst v0;
	v3 =	vmul.f32 v3, v2;
	v8 =	vld [tilespmem:s10+$0x1C660]  }
0x27c: {  	s13 =	sand.u32 $0x3FFFFFF0, s13;
	[tilespmem:s10+$0x1C600] =	vst v5;
	v4 =	vmul.f32 v4, v2;
	v5 =	vld [tilespmem:s10+$0x1C670]  }
0x27d: {  	v0 =	vld [tilespmem:s13+$0x1BE00];
	s13 =	sshll.u32 s11, $0xB;
	[tilespmem:s10+$0x1C610] =	vst v3;
	v3 =	vmul.f32 v7, v2  }
0x27e: {  	s13 =	sand.u32 $0x3FFFF800, s13;
	[tilespmem:s10+$0x1C620] =	vst v4;
	v1 =	vmul.f32 v1, v2  }
0x27f: {  	v4 =	vld [tilespmem:s13+$0x1BE80];
	[tilespmem:s10+$0x1C630] =	vst v3;
	v3 =	vmul.f32 v6, v2  }
0x280: {  	v6 =	vld [tilespmem:s13+$0x1BE90];
	[tilespmem:s10+$0x1C640] =	vst v1;
	v1 =	vmul.f32 v8, v2  }
0x281: {  	v7 =	vld [tilespmem:s13+$0x1BEA0];
	[tilespmem:s10+$0x1C650] =	vst v3;
	v2 =	vmul.f32 v5, v2  }
0x282: {  	v3 =	vbroadcast v0, $0x0;
	v5 =	vld [tilespmem:s13+$0x1BEB0];
	[tilespmem:s10+$0x1C660] =	vst v1  }
0x283: {  	v1 =	vld [tilespmem:s13+$0x1BEC0];
	[tilespmem:s10+$0x1C670] =	vst v2;
	s10 =	smov.u32 s13  }
0x284: {  	v2 =	vmul.f32 v3, v4;
	v4 =	vld [tilespmem:s10+$0x1BED0]  }
0x285: {  	v6 =	vmul.f32 v6, v3;
	v8 =	vld [tilespmem:s10+$0x1BEE0]  }
0x286: {  	[tilespmem:s10+$0x1BE80] =	vst v2;
	v2 =	vmul.f32 v7, v3;
	v7 =	vld [tilespmem:s10+$0x1BEF0]  }
0x287: {  	[tilespmem:s10+$0x1BE90] =	vst v6;
	v5 =	vmul.f32 v5, v3;
	v6 =	vld [tilespmem:s10+$0x1BF00]  }
0x288: {  	[tilespmem:s10+$0x1BEA0] =	vst v2;
	v1 =	vmul.f32 v1, v3;
	v2 =	vld [tilespmem:s10+$0x1BF10]  }
0x289: {  	[tilespmem:s10+$0x1BEB0] =	vst v5;
	v4 =	vmul.f32 v4, v3;
	v5 =	vld [tilespmem:s10+$0x1BF20]  }
0x28a: {  	[tilespmem:s10+$0x1BEC0] =	vst v1;
	v1 =	vmul.f32 v8, v3;
	v8 =	vbroadcast v0, $0x1;
	v9 =	vld [tilespmem:s10+$0x1BF30]  }
0x28b: {  	[tilespmem:s10+$0x1BED0] =	vst v4;
	v3 =	vmul.f32 v7, v3;
	v4 =	vld [tilespmem:s10+$0x1BF40]  }
0x28c: {  	[tilespmem:s10+$0x1BEE0] =	vst v1;
	v1 =	vmul.f32 v6, v8;
	v6 =	vld [tilespmem:s10+$0x1BF50]  }
0x28d: {  	[tilespmem:s10+$0x1BEF0] =	vst v3;
	v2 =	vmul.f32 v2, v8;
	v3 =	vld [tilespmem:s10+$0x1BF60]  }
0x28e: {  	[tilespmem:s10+$0x1BF00] =	vst v1;
	v1 =	vmul.f32 v5, v8;
	v5 =	vld [tilespmem:s10+$0x1BF70]  }
0x28f: {  	[tilespmem:s10+$0x1BF10] =	vst v2;
	v2 =	vmul.f32 v9, v8;
	v7 =	vld [tilespmem:s10+$0x1BF80]  }
0x290: {  	[tilespmem:s10+$0x1BF20] =	vst v1;
	v1 =	vmul.f32 v4, v8;
	v4 =	vld [tilespmem:s10+$0x1BF90]  }
0x291: {  	[tilespmem:s10+$0x1BF30] =	vst v2;
	v2 =	vmul.f32 v6, v8;
	v6 =	vld [tilespmem:s10+$0x1BFA0]  }
0x292: {  	[tilespmem:s10+$0x1BF40] =	vst v1;
	v1 =	vmul.f32 v3, v8;
	v3 =	vbroadcast v0, $0x2;
	v9 =	vld [tilespmem:s10+$0x1BFB0]  }
0x293: {  	[tilespmem:s10+$0x1BF50] =	vst v2;
	v2 =	vmul.f32 v5, v8;
	v5 =	vld [tilespmem:s10+$0x1BFC0]  }
0x294: {  	[tilespmem:s10+$0x1BF60] =	vst v1;
	v1 =	vmul.f32 v7, v3;
	v7 =	vld [tilespmem:s10+$0x1BFD0]  }
0x295: {  	[tilespmem:s10+$0x1BF70] =	vst v2;
	v2 =	vmul.f32 v4, v3;
	v4 =	vld [tilespmem:s10+$0x1BFE0]  }
0x296: {  	[tilespmem:s10+$0x1BF80] =	vst v1;
	v1 =	vmul.f32 v6, v3;
	v6 =	vld [tilespmem:s10+$0x1BFF0]  }
0x297: {  	[tilespmem:s10+$0x1BF90] =	vst v2;
	v2 =	vmul.f32 v9, v3;
	v8 =	vld [tilespmem:s10+$0x1C000]  }
0x298: {  	[tilespmem:s10+$0x1BFA0] =	vst v1;
	v1 =	vmul.f32 v5, v3;
	v5 =	vld [tilespmem:s10+$0x1C010]  }
0x299: {  	[tilespmem:s10+$0x1BFB0] =	vst v2;
	v2 =	vmul.f32 v7, v3;
	v7 =	vld [tilespmem:s10+$0x1C020]  }
0x29a: {  	[tilespmem:s10+$0x1BFC0] =	vst v1;
	v1 =	vmul.f32 v4, v3;
	v4 =	vbroadcast v0, $0x3;
	v9 =	vld [tilespmem:s10+$0x1C030]  }
0x29b: {  	[tilespmem:s10+$0x1BFD0] =	vst v2;
	v2 =	vmul.f32 v6, v3;
	v3 =	vld [tilespmem:s10+$0x1C040]  }
0x29c: {  	[tilespmem:s10+$0x1BFE0] =	vst v1;
	v1 =	vmul.f32 v8, v4;
	v6 =	vld [tilespmem:s10+$0x1C050]  }
0x29d: {  	[tilespmem:s10+$0x1BFF0] =	vst v2;
	v2 =	vmul.f32 v5, v4;
	v5 =	vld [tilespmem:s10+$0x1C060]  }
0x29e: {  	[tilespmem:s10+$0x1C000] =	vst v1;
	v1 =	vmul.f32 v7, v4;
	v7 =	vld [tilespmem:s10+$0x1C070]  }
0x29f: {  	[tilespmem:s10+$0x1C010] =	vst v2;
	v2 =	vmul.f32 v9, v4;
	v8 =	vld [tilespmem:s10+$0x1C080]  }
0x2a0: {  	[tilespmem:s10+$0x1C020] =	vst v1;
	v1 =	vmul.f32 v3, v4;
	v3 =	vld [tilespmem:s10+$0x1C090]  }
0x2a1: {  	[tilespmem:s10+$0x1C030] =	vst v2;
	v2 =	vmul.f32 v6, v4;
	v6 =	vld [tilespmem:s10+$0x1C0A0]  }
0x2a2: {  	[tilespmem:s10+$0x1C040] =	vst v1;
	v1 =	vmul.f32 v5, v4;
	v5 =	vbroadcast v0, $0x4;
	v9 =	vld [tilespmem:s10+$0x1C0B0]  }
0x2a3: {  	[tilespmem:s10+$0x1C050] =	vst v2;
	v2 =	vmul.f32 v7, v4;
	v4 =	vld [tilespmem:s10+$0x1C0C0]  }
0x2a4: {  	[tilespmem:s10+$0x1C060] =	vst v1;
	v1 =	vmul.f32 v8, v5;
	v7 =	vld [tilespmem:s10+$0x1C0D0]  }
0x2a5: {  	[tilespmem:s10+$0x1C070] =	vst v2;
	v2 =	vmul.f32 v3, v5;
	v3 =	vld [tilespmem:s10+$0x1C0E0]  }
0x2a6: {  	[tilespmem:s10+$0x1C080] =	vst v1;
	v1 =	vmul.f32 v6, v5;
	v6 =	vld [tilespmem:s10+$0x1C0F0]  }
0x2a7: {  	[tilespmem:s10+$0x1C090] =	vst v2;
	v2 =	vmul.f32 v9, v5;
	v8 =	vld [tilespmem:s10+$0x1C100]  }
0x2a8: {  	[tilespmem:s10+$0x1C0A0] =	vst v1;
	v1 =	vmul.f32 v4, v5;
	v4 =	vld [tilespmem:s10+$0x1C110]  }
0x2a9: {  	[tilespmem:s10+$0x1C0B0] =	vst v2;
	v2 =	vmul.f32 v7, v5;
	v7 =	vld [tilespmem:s10+$0x1C120]  }
0x2aa: {  	[tilespmem:s10+$0x1C0C0] =	vst v1;
	v1 =	vmul.f32 v3, v5;
	v3 =	vbroadcast v0, $0x5;
	v9 =	vld [tilespmem:s10+$0x1C130]  }
0x2ab: {  	[tilespmem:s10+$0x1C0D0] =	vst v2;
	v2 =	vmul.f32 v6, v5;
	v5 =	vld [tilespmem:s10+$0x1C140]  }
0x2ac: {  	[tilespmem:s10+$0x1C0E0] =	vst v1;
	v1 =	vmul.f32 v8, v3;
	v6 =	vld [tilespmem:s10+$0x1C150]  }
0x2ad: {  	[tilespmem:s10+$0x1C0F0] =	vst v2;
	v2 =	vmul.f32 v4, v3;
	v4 =	vld [tilespmem:s10+$0x1C160]  }
0x2ae: {  	[tilespmem:s10+$0x1C100] =	vst v1;
	v1 =	vmul.f32 v7, v3;
	v7 =	vld [tilespmem:s10+$0x1C170]  }
0x2af: {  	[tilespmem:s10+$0x1C110] =	vst v2;
	v2 =	vmul.f32 v9, v3;
	v8 =	vld [tilespmem:s10+$0x1C180]  }
0x2b0: {  	[tilespmem:s10+$0x1C120] =	vst v1;
	v1 =	vmul.f32 v5, v3;
	v5 =	vld [tilespmem:s10+$0x1C190]  }
0x2b1: {  	[tilespmem:s10+$0x1C130] =	vst v2;
	v2 =	vmul.f32 v6, v3;
	v6 =	vld [tilespmem:s10+$0x1C1A0]  }
0x2b2: {  	[tilespmem:s10+$0x1C140] =	vst v1;
	v1 =	vmul.f32 v4, v3;
	v4 =	vbroadcast v0, $0x6;
	v9 =	vld [tilespmem:s10+$0x1C1B0]  }
0x2b3: {  	[tilespmem:s10+$0x1C150] =	vst v2;
	v2 =	vmul.f32 v7, v3;
	v3 =	vld [tilespmem:s10+$0x1C1C0]  }
0x2b4: {  	[tilespmem:s10+$0x1C160] =	vst v1;
	v1 =	vmul.f32 v8, v4;
	v7 =	vld [tilespmem:s10+$0x1C1D0]  }
0x2b5: {  	[tilespmem:s10+$0x1C170] =	vst v2;
	v2 =	vmul.f32 v5, v4;
	v5 =	vld [tilespmem:s10+$0x1C1E0]  }
0x2b6: {  	[tilespmem:s10+$0x1C180] =	vst v1;
	v1 =	vmul.f32 v6, v4;
	v6 =	vld [tilespmem:s10+$0x1C1F0]  }
0x2b7: {  	[tilespmem:s10+$0x1C190] =	vst v2;
	v2 =	vmul.f32 v9, v4;
	v8 =	vld [tilespmem:s10+$0x1C200]  }
0x2b8: {  	[tilespmem:s10+$0x1C1A0] =	vst v1;
	v1 =	vmul.f32 v3, v4;
	v3 =	vld [tilespmem:s10+$0x1C210]  }
0x2b9: {  	[tilespmem:s10+$0x1C1B0] =	vst v2;
	v2 =	vmul.f32 v7, v4;
	v7 =	vld [tilespmem:s10+$0x1C220]  }
0x2ba: {  	[tilespmem:s10+$0x1C1C0] =	vst v1;
	v1 =	vmul.f32 v5, v4;
	v5 =	vbroadcast v0, $0x7;
	v9 =	vld [tilespmem:s10+$0x1C230]  }
0x2bb: {  	[tilespmem:s10+$0x1C1D0] =	vst v2;
	v2 =	vmul.f32 v6, v4;
	v4 =	vld [tilespmem:s10+$0x1C240]  }
0x2bc: {  	[tilespmem:s10+$0x1C1E0] =	vst v1;
	v1 =	vmul.f32 v8, v5;
	v6 =	vld [tilespmem:s10+$0x1C250]  }
0x2bd: {  	[tilespmem:s10+$0x1C1F0] =	vst v2;
	v2 =	vmul.f32 v3, v5;
	v3 =	vld [tilespmem:s10+$0x1C260]  }
0x2be: {  	[tilespmem:s10+$0x1C200] =	vst v1;
	v1 =	vmul.f32 v7, v5;
	v7 =	vld [tilespmem:s10+$0x1C270]  }
0x2bf: {  	[tilespmem:s10+$0x1C210] =	vst v2;
	v2 =	vmul.f32 v9, v5;
	v8 =	vld [tilespmem:s10+$0x1C280]  }
0x2c0: {  	[tilespmem:s10+$0x1C220] =	vst v1;
	v1 =	vmul.f32 v4, v5;
	v4 =	vld [tilespmem:s10+$0x1C290]  }
0x2c1: {  	[tilespmem:s10+$0x1C230] =	vst v2;
	v2 =	vmul.f32 v6, v5;
	v6 =	vld [tilespmem:s10+$0x1C2A0]  }
0x2c2: {  	[tilespmem:s10+$0x1C240] =	vst v1;
	v1 =	vmul.f32 v3, v5;
	v3 =	vbroadcast v0, $0x8;
	v9 =	vld [tilespmem:s10+$0x1C2B0]  }
0x2c3: {  	[tilespmem:s10+$0x1C250] =	vst v2;
	v2 =	vmul.f32 v7, v5;
	v5 =	vld [tilespmem:s10+$0x1C2C0]  }
0x2c4: {  	[tilespmem:s10+$0x1C260] =	vst v1;
	v1 =	vmul.f32 v8, v3;
	v7 =	vld [tilespmem:s10+$0x1C2D0]  }
0x2c5: {  	[tilespmem:s10+$0x1C270] =	vst v2;
	v2 =	vmul.f32 v4, v3;
	v4 =	vld [tilespmem:s10+$0x1C2E0]  }
0x2c6: {  	[tilespmem:s10+$0x1C280] =	vst v1;
	v1 =	vmul.f32 v6, v3;
	v6 =	vld [tilespmem:s10+$0x1C2F0]  }
0x2c7: {  	[tilespmem:s10+$0x1C290] =	vst v2;
	v2 =	vmul.f32 v9, v3;
	v8 =	vld [tilespmem:s10+$0x1C300]  }
0x2c8: {  	[tilespmem:s10+$0x1C2A0] =	vst v1;
	v1 =	vmul.f32 v5, v3;
	v5 =	vld [tilespmem:s10+$0x1C310]  }
0x2c9: {  	[tilespmem:s10+$0x1C2B0] =	vst v2;
	v2 =	vmul.f32 v7, v3;
	v7 =	vld [tilespmem:s10+$0x1C320]  }
0x2ca: {  	[tilespmem:s10+$0x1C2C0] =	vst v1;
	v1 =	vmul.f32 v4, v3;
	v4 =	vbroadcast v0, $0x9;
	v9 =	vld [tilespmem:s10+$0x1C330]  }
0x2cb: {  	[tilespmem:s10+$0x1C2D0] =	vst v2;
	v2 =	vmul.f32 v6, v3;
	v3 =	vld [tilespmem:s10+$0x1C340]  }
0x2cc: {  	[tilespmem:s10+$0x1C2E0] =	vst v1;
	v1 =	vmul.f32 v8, v4;
	v6 =	vld [tilespmem:s10+$0x1C350]  }
0x2cd: {  	[tilespmem:s10+$0x1C2F0] =	vst v2;
	v2 =	vmul.f32 v5, v4;
	v5 =	vld [tilespmem:s10+$0x1C360]  }
0x2ce: {  	[tilespmem:s10+$0x1C300] =	vst v1;
	v1 =	vmul.f32 v7, v4;
	v7 =	vld [tilespmem:s10+$0x1C370]  }
0x2cf: {  	[tilespmem:s10+$0x1C310] =	vst v2;
	v2 =	vmul.f32 v9, v4;
	v8 =	vld [tilespmem:s10+$0x1C380]  }
0x2d0: {  	[tilespmem:s10+$0x1C320] =	vst v1;
	v1 =	vmul.f32 v3, v4;
	v3 =	vld [tilespmem:s10+$0x1C390]  }
0x2d1: {  	[tilespmem:s10+$0x1C330] =	vst v2;
	v2 =	vmul.f32 v6, v4;
	v6 =	vld [tilespmem:s10+$0x1C3A0]  }
0x2d2: {  	[tilespmem:s10+$0x1C340] =	vst v1;
	v1 =	vmul.f32 v5, v4;
	v5 =	vbroadcast v0, $0xA;
	v9 =	vld [tilespmem:s10+$0x1C3B0]  }
0x2d3: {  	[tilespmem:s10+$0x1C350] =	vst v2;
	v2 =	vmul.f32 v7, v4;
	v4 =	vld [tilespmem:s10+$0x1C3C0]  }
0x2d4: {  	[tilespmem:s10+$0x1C360] =	vst v1;
	v1 =	vmul.f32 v8, v5;
	v7 =	vld [tilespmem:s10+$0x1C3D0]  }
0x2d5: {  	[tilespmem:s10+$0x1C370] =	vst v2;
	v2 =	vmul.f32 v3, v5;
	v3 =	vld [tilespmem:s10+$0x1C3E0]  }
0x2d6: {  	[tilespmem:s10+$0x1C380] =	vst v1;
	v1 =	vmul.f32 v6, v5;
	v6 =	vld [tilespmem:s10+$0x1C3F0]  }
0x2d7: {  	[tilespmem:s10+$0x1C390] =	vst v2;
	v2 =	vmul.f32 v9, v5;
	v8 =	vld [tilespmem:s10+$0x1C400]  }
0x2d8: {  	[tilespmem:s10+$0x1C3A0] =	vst v1;
	v1 =	vmul.f32 v4, v5;
	v4 =	vld [tilespmem:s10+$0x1C410]  }
0x2d9: {  	[tilespmem:s10+$0x1C3B0] =	vst v2;
	v2 =	vmul.f32 v7, v5;
	v7 =	vld [tilespmem:s10+$0x1C420]  }
0x2da: {  	[tilespmem:s10+$0x1C3C0] =	vst v1;
	v1 =	vmul.f32 v3, v5;
	v3 =	vbroadcast v0, $0xB;
	v9 =	vld [tilespmem:s10+$0x1C430]  }
0x2db: {  	[tilespmem:s10+$0x1C3D0] =	vst v2;
	v2 =	vmul.f32 v6, v5;
	v5 =	vld [tilespmem:s10+$0x1C440]  }
0x2dc: {  	[tilespmem:s10+$0x1C3E0] =	vst v1;
	v1 =	vmul.f32 v8, v3;
	v6 =	vld [tilespmem:s10+$0x1C450]  }
0x2dd: {  	[tilespmem:s10+$0x1C3F0] =	vst v2;
	v2 =	vmul.f32 v4, v3;
	v4 =	vld [tilespmem:s10+$0x1C460]  }
0x2de: {  	[tilespmem:s10+$0x1C400] =	vst v1;
	v1 =	vmul.f32 v7, v3;
	v7 =	vld [tilespmem:s10+$0x1C470]  }
0x2df: {  	[tilespmem:s10+$0x1C410] =	vst v2;
	v2 =	vmul.f32 v9, v3;
	v8 =	vld [tilespmem:s10+$0x1C480]  }
0x2e0: {  	[tilespmem:s10+$0x1C420] =	vst v1;
	v1 =	vmul.f32 v5, v3;
	v5 =	vld [tilespmem:s10+$0x1C490]  }
0x2e1: {  	[tilespmem:s10+$0x1C430] =	vst v2;
	v2 =	vmul.f32 v6, v3;
	v6 =	vld [tilespmem:s10+$0x1C4A0]  }
0x2e2: {  	[tilespmem:s10+$0x1C440] =	vst v1;
	v1 =	vmul.f32 v4, v3;
	v4 =	vbroadcast v0, $0xC;
	v9 =	vld [tilespmem:s10+$0x1C4B0]  }
0x2e3: {  	[tilespmem:s10+$0x1C450] =	vst v2;
	v2 =	vmul.f32 v7, v3;
	v3 =	vld [tilespmem:s10+$0x1C4C0]  }
0x2e4: {  	[tilespmem:s10+$0x1C460] =	vst v1;
	v1 =	vmul.f32 v8, v4;
	v7 =	vld [tilespmem:s10+$0x1C4D0]  }
0x2e5: {  	[tilespmem:s10+$0x1C470] =	vst v2;
	v2 =	vmul.f32 v5, v4;
	v5 =	vld [tilespmem:s10+$0x1C4E0]  }
0x2e6: {  	[tilespmem:s10+$0x1C480] =	vst v1;
	v1 =	vmul.f32 v6, v4;
	v6 =	vld [tilespmem:s10+$0x1C4F0]  }
0x2e7: {  	[tilespmem:s10+$0x1C490] =	vst v2;
	v2 =	vmul.f32 v9, v4;
	v8 =	vld [tilespmem:s10+$0x1C500]  }
0x2e8: {  	[tilespmem:s10+$0x1C4A0] =	vst v1;
	v1 =	vmul.f32 v3, v4;
	v3 =	vld [tilespmem:s10+$0x1C510]  }
0x2e9: {  	[tilespmem:s10+$0x1C4B0] =	vst v2;
	v2 =	vmul.f32 v7, v4;
	v7 =	vld [tilespmem:s10+$0x1C520]  }
0x2ea: {  	[tilespmem:s10+$0x1C4C0] =	vst v1;
	v1 =	vmul.f32 v5, v4;
	v5 =	vbroadcast v0, $0xD;
	v9 =	vld [tilespmem:s10+$0x1C530]  }
0x2eb: {  	[tilespmem:s10+$0x1C4D0] =	vst v2;
	v2 =	vmul.f32 v6, v4;
	v4 =	vld [tilespmem:s10+$0x1C540]  }
0x2ec: {  	[tilespmem:s10+$0x1C4E0] =	vst v1;
	v1 =	vmul.f32 v8, v5;
	v6 =	vld [tilespmem:s10+$0x1C550]  }
0x2ed: {  	[tilespmem:s10+$0x1C4F0] =	vst v2;
	v2 =	vmul.f32 v3, v5;
	v3 =	vld [tilespmem:s10+$0x1C560]  }
0x2ee: {  	[tilespmem:s10+$0x1C500] =	vst v1;
	v1 =	vmul.f32 v7, v5;
	v7 =	vld [tilespmem:s10+$0x1C570]  }
0x2ef: {  	[tilespmem:s10+$0x1C510] =	vst v2;
	v2 =	vmul.f32 v9, v5;
	v8 =	vld [tilespmem:s10+$0x1C580]  }
0x2f0: {  	[tilespmem:s10+$0x1C520] =	vst v1;
	v1 =	vmul.f32 v4, v5;
	v4 =	vld [tilespmem:s10+$0x1C590]  }
0x2f1: {  	[tilespmem:s10+$0x1C530] =	vst v2;
	v2 =	vmul.f32 v6, v5;
	v6 =	vld [tilespmem:s10+$0x1C5A0]  }
0x2f2: {  	[tilespmem:s10+$0x1C540] =	vst v1;
	v3 =	vmul.f32 v3, v5;
	v1 =	vbroadcast v0, $0xE;
	v9 =	vld [tilespmem:s10+$0x1C5B0]  }
0x2f3: {  	[tilespmem:s10+$0x1C550] =	vst v2;
	v2 =	vmul.f32 v7, v5;
	v7 =	vld [tilespmem:s10+$0x1C5C0]  }
0x2f4: {  	[tilespmem:s10+$0x1C560] =	vst v3;
	v3 =	vmul.f32 v8, v1;
	v8 =	vld [tilespmem:s10+$0x1C5D0]  }
0x2f5: {  	[tilespmem:s10+$0x1C570] =	vst v2;
	v2 =	vmul.f32 v4, v1;
	v10 =	vld [tilespmem:s10+$0x1C5E0]  }
.Ltmp6:
0x2f6: {  	[tilespmem:s10+$0x1C580] =	vst v3;
	v3 =	vmul.f32 v6, v1;
	v5 =	vld [tilespmem:s10+$0x1C5F0];
	(pc) =	sbr.rel @p0 .LBB2_6-.Ltmp6, $4  }
0x2f7: {  	[tilespmem:s10+$0x1C590] =	vst v2;
	v2 =	vmul.f32 v9, v1;
	v6 =	vld [tilespmem:s10+$0x1C600]  }
0x2f8: {  	[tilespmem:s10+$0x1C5A0] =	vst v3;
	v7 =	vmul.f32 v7, v1;
	v3 =	vld [tilespmem:s10+$0x1C610]  }
0x2f9: {  	[tilespmem:s10+$0x1C5B0] =	vst v2;
	v9 =	vmul.f32 v8, v1;
	v4 =	vld [tilespmem:s10+$0x1C620]  }
0x2fa: {  	s11 =	sadd.s32 $0x1, s11;
	v2 =	vbroadcast v0, $0xF;
	[tilespmem:s10+$0x1C5C0] =	vst v7;
	v8 =	vmul.f32 v10, v1;
	v7 =	vld [tilespmem:s10+$0x1C630]  }
0x2fb: {  	[tilespmem:s10+$0x1C5D0] =	vst v9;
	v0 =	vld [tilespmem:s10+$0x1C640];
	v1 =	vmul.f32 v5, v1  }
0x2fc: {  	v57 =	vld [tilespmem:s10+$0x1C650];
	[tilespmem:s10+$0x1C5E0] =	vst v8;
	v6 =	vmul.f32 v6, v2  }
0x2fd: {  	v58 =	vld [tilespmem:s10+$0x1C660];
	[tilespmem:s10+$0x1C5F0] =	vst v1;
	v3 =	vmul.f32 v3, v2  }
0x2fe: {  	v59 =	vld [tilespmem:s10+$0x1C670];
	[tilespmem:s10+$0x1C600] =	vst v6;
	v4 =	vmul.f32 v4, v2  }
0x2ff: {  	[tilespmem:s10+$0x1C610] =	vst v3;
	v60 =	vmul.f32 v7, v2  }
0x300: {  	[tilespmem:s10+$0x1C620] =	vst v4;
	v0 =	vmul.f32 v0, v2  }
0x301: {  	v61 =	vmul.f32 v57, v2;
	[tilespmem:s10+$0x1C630] =	vst v60  }
0x302: {  	v62 =	vmul.f32 v58, v2;
	[tilespmem:s10+$0x1C640] =	vst v0  }
0x303: {  	v63 =	vmul.f32 v59, v2;
	[tilespmem:s10+$0x1C650] =	vst v61  }
.Ltmp7:
0x304: {  	[tilespmem:s10+$0x1C660] =	vst v62;
	(pc) =	sbr.rel .LBB2_8-.Ltmp7, $4  }
0x305: {  	[tilespmem:s10+$0x1C670] =	vst v63  }
0x306: {  	[spmem:s4] =	stream.indirect.scatter.add.f32 [tilespmem:s16], [sflag:$0x5], $0x1, s0, s22, $0xb8;
	[tilespmem:$0x1E680] =	vst v63  }
0x307: {  	_ = 	snop  }
0x308: {  	[spmem:s3] =	stream.indirect.scatter.add.f32 [tilespmem:s17], [sflag:$0x5], $0x80, s0, s22, $0xb8;
	[tilespmem:$0x1E680] =	vst v63  }
.LBB2_10:
0x309: {  	_ =	sfence.sel $0x180000  }
0x30a: {  	[bflag:$0x0] =	sbarrier.arrive $0xFFFF  }
0x30b: {  	_ =	strace $0x90000047  }
0x30c: {  	s0 =	stileid.u32;
	[bflag:$0x2] =	sbarrier.arrive $0xFFFF  }
0x30d: {  	p0 =	sne.s32 s0, $0x0;
	s0 =	rddreg [dreg:$0x4]  }
0x30e: {  	s0 =	sadd.s32 @!p0 $0x100000, s0  }
0x30f: {  	[sflag:s0] =	ssyncadd.tile.s32 @!p0 $0x1;
	_ =	shalt  }
.Lfunc_end2:
_tile_overlayer_lowered:
.L_overlay_start_2:
0x310: {  	(tag) =	ssettag $0x2  }
0x311: {  	s0 =	rddreg [dreg:$0x0];
	s2 =	stileid.u32  }
0x312: {  	s1 =	rddreg [dreg:$0x1];
	p0 =	sne.s32 s2, $0x0  }
0x313: {  	s3 =	rddreg [dreg:$0x2];
	[bflag:$0x3] =	sbarrier.arrive $0xFFFF;
	s2 =	simm.s32 @!p0 $0x1C06  }
0x314: {  	[timem:s3], [sflag:s2] =	dma.local @!p0 [hbm:s0], s1  }
0x315: {  	s0 =	simm.s32 @!p0 $0x6  }
0x316: {  	_ =	swait.ge @!p0 [sflag:s0], s1  }
0x317: {  	s1 =	ssub.s32 @!p0 $0x0, s1;
	[sflag:s0] =	ssyncset.done @!p0 $0x0  }
0x318: {  	[sflag:s0] =	ssyncadd.s32 @!p0 s1  }
0x319: {  	[bflag:$0x3] =	sbarrier.arrive $0xFFFF  }
0x31a: {  	_ =	shalt  }

</sc_bundles>
